<compile_context>
chip_gen: v7x
topology: tpu7x:2x2x1
jax: 0.10.2.dev20260603
libtpu: 0.0.44.dev20260713+nightly
codegen_flags: <defaults>
</compile_context>

<pallas_src>
import functools
import jax
import jax.numpy as jnp
from jax import lax
from jax.experimental import pallas as pl
from jax.experimental.pallas import tpu as pltpu
from jax.experimental.pallas import tpu_sc as plsc

N = 100000
E = 1600000
G = 128
D_IN = 5
D_H = 32
HALF = 16

N2 = 100352
BLK = 2048
NBLK = N2 // BLK
NSC = 2
NTEC = 16
CHUNK = 512
EPT = 100352
NCHUNK = EPT // CHUNK
EPAD = EPT * NTEC
IDXROWS = EPAD // CHUNK
ROWS_PT = N2 // NTEC
NODE_CH = 128
NODE_IT = ROWS_PT // NODE_CH



def _dense1_body(x_ref, w_ref, a_ref, hab_ref, ast_ref, bm_ref):
  xb = x_ref[...]
  h = lax.dot_general(xb, w_ref[...], (((1,), (0,)), ((), ())),
                      preferred_element_type=jnp.float32)
  asadT = lax.dot_general(a_ref[...], h, (((0,), (1,)), ((), ())),
                          preferred_element_type=jnp.float32)
  hab_ref[0] = h[:, :HALF]
  hab_ref[1] = h[:, HALF:]
  ast_ref[...] = asadT
  bm_ref[...] = jnp.max(asadT, axis=1).reshape(1, 1, 2)


def _dense23_body(in_ref, b_ref, w_ref, a_ref, hab_ref, ast_ref, bm_ref):
  hin = jnp.concatenate([in_ref[0], in_ref[1]], axis=1) + b_ref[...]
  h = lax.dot_general(hin, w_ref[...], (((1,), (0,)), ((), ())),
                      preferred_element_type=jnp.float32)
  asadT = lax.dot_general(a_ref[...], h, (((0,), (1,)), ((), ())),
                          preferred_element_type=jnp.float32)
  hab_ref[0] = h[:, :HALF]
  hab_ref[1] = h[:, HALF:]
  ast_ref[...] = asadT
  bm_ref[...] = jnp.max(asadT, axis=1).reshape(1, 1, 2)


_DENSE_OUT = [
    jax.ShapeDtypeStruct((2, N2, HALF), jnp.float32),
    jax.ShapeDtypeStruct((2, N2), jnp.float32),
    jax.ShapeDtypeStruct((NBLK, 1, 2), jnp.float32),
]
_DENSE_OUT_SPECS = [
    pl.BlockSpec((2, BLK, HALF), lambda i: (0, i, 0)),
    pl.BlockSpec((2, BLK), lambda i: (0, i)),
    pl.BlockSpec((1, 1, 2), lambda i: (i, 0, 0)),
]


def _dense1(x_p, w, a2):
  return pl.pallas_call(
      _dense1_body,
      grid=(NBLK,),
      in_specs=[
          pl.BlockSpec((BLK, D_IN), lambda i: (i, 0)),
          pl.BlockSpec((D_IN, D_H), lambda i: (0, 0)),
          pl.BlockSpec((D_H, 2), lambda i: (0, 0)),
      ],
      out_specs=_DENSE_OUT_SPECS,
      out_shape=_DENSE_OUT,
  )(x_p, w, a2)


def _dense23(prev, b, w, a2):
  return pl.pallas_call(
      _dense23_body,
      grid=(NBLK,),
      in_specs=[
          pl.BlockSpec((2, BLK, HALF), lambda i: (0, i, 0)),
          pl.BlockSpec((1, D_H), lambda i: (0, 0)),
          pl.BlockSpec((D_H, D_H), lambda i: (0, 0)),
          pl.BlockSpec((D_H, 2), lambda i: (0, 0)),
      ],
      out_specs=_DENSE_OUT_SPECS,
      out_shape=_DENSE_OUT,
  )(prev, b, w, a2)


def _pool_body(outa_ref, outb_ref, batch_ref, b_ref, o_ref, acc, cnt):
  i = pl.program_id(0)

  @pl.when(i == 0)
  def _():
    acc[...] = jnp.zeros_like(acc)
    cnt[...] = jnp.zeros_like(cnt)

  h = jnp.concatenate([outa_ref[0], outb_ref[0]], axis=1) + b_ref[...]
  grp = lax.broadcasted_iota(jnp.int32, (BLK, G), 1)
  onehot = (batch_ref[...] == grp).astype(jnp.float32)
  acc[...] += lax.dot_general(onehot, h, (((0,), (0,)), ((), ())),
                              preferred_element_type=jnp.float32)
  cnt[...] += lax.dot_general(onehot, jnp.ones((BLK, 1), jnp.float32),
                              (((0,), (0,)), ((), ())),
                              preferred_element_type=jnp.float32)

  @pl.when(i == NBLK - 1)
  def _():
    o_ref[...] = acc[...] / jnp.maximum(cnt[...], 1.0)


def _pool(out3, batch_p, b3):
  return pl.pallas_call(
      _pool_body,
      grid=(NBLK,),
      in_specs=[
          pl.BlockSpec((1, BLK, HALF), lambda i: (0, i, 0)),
          pl.BlockSpec((1, BLK, HALF), lambda i: (1, i, 0)),
          pl.BlockSpec((BLK, 1), lambda i: (i, 0)),
          pl.BlockSpec((1, D_H), lambda i: (0, 0)),
      ],
      out_specs=pl.BlockSpec((G, D_H), lambda i: (0, 0)),
      out_shape=jax.ShapeDtypeStruct((G, D_H), jnp.float32),
      scratch_shapes=[
          pltpu.VMEM((G, D_H), jnp.float32),
          pltpu.VMEM((G, 1), jnp.float32),
      ],
  )(out3, out3, batch_p, b3)



def _bcast_lane(vec, k):
  idx = jnp.full((HALF, 1), k, jnp.int32)
  dn = lax.GatherDimensionNumbers(offset_dims=(), collapsed_slice_dims=(0,),
                                  start_index_map=(0,))
  return lax.gather(vec, idx, dn, (1,),
                    mode=lax.GatherScatterMode.PROMISE_IN_BOUNDS)


def _sc_edge_body(as_hbm, ad_hbm, hab_hbm, src_hbm, dst_hbm, sv_hbm,
                  out_hbm, acc_sh, den_sh,
                  srcb, dstb, srchb, asg, adg, hg,
                  asv, adv, dstage, hstage, svv,
                  sem_i, sem_g, sem_s0, sem_s1):
  sems = [sem_s0, sem_s1]
  c = lax.axis_index("c")
  s = lax.axis_index("s")
  coff = c * N2

  pltpu.sync_copy(sv_hbm, svv)
  sv = svv[...]

  nbase0 = s * ROWS_PT

  def init_it(it, carry):
    base = nbase0 + it * NODE_CH
    cps = [pltpu.async_copy(as_hbm.at[pl.ds(base, NODE_CH)], asv, sem_i),
           pltpu.async_copy(ad_hbm.at[pl.ds(base, NODE_CH)], adv, sem_i),
           pltpu.async_copy(hab_hbm.at[pl.ds(coff + base, NODE_CH)], hstage,
                            sem_i)]
    for cp in cps:
      cp.wait()

    def grp(g, carry2):
      e = asv[pl.ds(g * HALF, HALF)] + adv[pl.ds(g * HALF, HALF)]
      e = jnp.maximum(e, e * 0.2)
      ee = jnp.exp(e - sv)
      dstage[pl.ds(g * HALF, HALF)] = ee
      for k in range(HALF):
        r = g * HALF + k
        eek = _bcast_lane(ee, k)
        hstage[r] = hstage[r] * eek
      return carry2

    lax.fori_loop(0, NODE_CH // HALF, grp, 0)
    cps = [pltpu.async_copy(dstage, den_sh.at[pl.ds(base, NODE_CH)], sem_i),
           pltpu.async_copy(hstage, acc_sh.at[pl.ds(base, NODE_CH)], sem_i)]
    for cp in cps:
      cp.wait()
    return carry

  lax.fori_loop(0, NODE_IT, init_it, 0)
  plsc.subcore_barrier()

  rb0 = s * NCHUNK

  def x_issue(ci, bn):
    rb = rb0 + ci
    return [
        pltpu.async_copy(src_hbm.at[rb], srcb.at[bn], sem_i),
        pltpu.async_copy(dst_hbm.at[rb], dstb.at[bn], sem_i),
    ]

  def srch_compute(bn):
    def hoff(g2, cr):
      sl = pl.ds(g2 * HALF, HALF)
      srchb[bn, sl] = srcb[bn, sl] + coff
      return cr
    lax.fori_loop(0, CHUNK // HALF, hoff, 0)

  def g_issue(bn):
    pltpu.async_copy(as_hbm.at[srcb.at[bn]], asg.at[bn], sem_g)
    pltpu.async_copy(ad_hbm.at[dstb.at[bn]], adg.at[bn], sem_g)
    pltpu.async_copy(hab_hbm.at[srchb.at[bn]], hg.at[bn], sem_g)

  def g_wait(bn):
    pltpu.make_async_copy(as_hbm.at[srcb.at[bn]], asg.at[bn], sem_g).wait()
    pltpu.make_async_copy(ad_hbm.at[dstb.at[bn]], adg.at[bn], sem_g).wait()
    pltpu.make_async_copy(hab_hbm.at[srchb.at[bn]], hg.at[bn], sem_g).wait()

  def s_wait(bn):
    pltpu.make_async_copy(asg.at[bn], den_sh.at[dstb.at[bn]],
                          sems[bn]).wait()
    pltpu.make_async_copy(hg.at[bn], acc_sh.at[dstb.at[bn]],
                          sems[bn]).wait()

  def compute_scatter(bn):
    def grp(g, cr):
      base = pl.ds(g * HALF, HALF)
      e = asg[bn, base] + adg[bn, base]
      e = jnp.maximum(e, e * 0.2)
      ee = jnp.exp(e - sv)
      asg[bn, base] = ee
      for k in range(HALF):
        r = g * HALF + k
        hg[bn, r] = hg[bn, r] * ee[k]
      return cr
    lax.fori_loop(0, CHUNK // HALF, grp, 0)
    pltpu.async_copy(asg.at[bn], den_sh.at[dstb.at[bn]], sems[bn], add=True)
    pltpu.async_copy(hg.at[bn], acc_sh.at[dstb.at[bn]], sems[bn], add=True)

  def step(k, b_cur, with_next, first=False):
    g_wait(b_cur)
    if with_next:
      bn = (b_cur + 1) % 2
      if not first:
        s_wait(bn)
      for d in x_issue(k + 1, bn):
        d.wait()
      srch_compute(bn)
      g_issue(bn)
    compute_scatter(b_cur)

  for d in x_issue(0, 0):
    d.wait()
  srch_compute(0)
  g_issue(0)
  step(0, 0, True, first=True)

  def pair(t, cr):
    k = 2 * t + 1
    step(k, 1, True)
    step(k + 1, 0, True)
    return cr

  lax.fori_loop(0, (NCHUNK - 2) // 2, pair, 0)

  step(NCHUNK - 1, 1, False)
  s_wait(0)
  s_wait(1)
  plsc.subcore_barrier()

  def wb_it(it, carry):
    base = nbase0 + it * NODE_CH
    cps = [pltpu.async_copy(den_sh.at[pl.ds(base, NODE_CH)], dstage, sem_i),
           pltpu.async_copy(acc_sh.at[pl.ds(base, NODE_CH)], hstage, sem_i)]
    for cp in cps:
      cp.wait()

    def grp(g, carry2):
      dv = dstage[pl.ds(g * HALF, HALF)]
      valid = jnp.where(base + g * HALF < N, 1.0, 0.0)
      iv = valid / (dv + 1e-16)
      for k in range(HALF):
        r = g * HALF + k
        ivk = _bcast_lane(iv, k)
        hstage[r] = hstage[r] * ivk
      return carry2

    lax.fori_loop(0, NODE_CH // HALF, grp, 0)
    pltpu.async_copy(hstage, out_hbm.at[pl.ds(coff + base, NODE_CH)],
                     sem_i).wait()
    return carry

  lax.fori_loop(0, NODE_IT, wb_it, 0)


@functools.partial(jax.jit, static_argnums=())
def _sc_edge(as_t, ad_t, hab2, srcp, dstp, sv):
  mesh = plsc.VectorSubcoreMesh(core_axis_name="c", subcore_axis_name="s")
  f = pl.kernel(
      _sc_edge_body,
      out_type=jax.ShapeDtypeStruct((2 * N2, HALF), jnp.float32),
      mesh=mesh,
      compiler_params=pltpu.CompilerParams(use_tc_tiling_on_sc=False),
      scratch_types=[
          pltpu.MemorySpace.VMEM_SHARED((N2, HALF), jnp.float32),
          pltpu.MemorySpace.VMEM_SHARED((N2,), jnp.float32),
          pltpu.VMEM((2, CHUNK), jnp.int32),
          pltpu.VMEM((2, CHUNK), jnp.int32),
          pltpu.VMEM((2, CHUNK), jnp.int32),
          pltpu.VMEM((2, CHUNK), jnp.float32),
          pltpu.VMEM((2, CHUNK), jnp.float32),
          pltpu.VMEM((2, CHUNK, HALF), jnp.float32),
          pltpu.VMEM((NODE_CH,), jnp.float32),
          pltpu.VMEM((NODE_CH,), jnp.float32),
          pltpu.VMEM((NODE_CH,), jnp.float32),
          pltpu.VMEM((NODE_CH, HALF), jnp.float32),
          pltpu.VMEM((HALF,), jnp.float32),
          pltpu.SemaphoreType.DMA,
          pltpu.SemaphoreType.DMA,
          pltpu.SemaphoreType.DMA,
          pltpu.SemaphoreType.DMA,
      ],
  )
  return f(as_t, ad_t, hab2, srcp, dstp, sv)


def _stab(bm):
  m = jnp.max(bm.reshape(-1, 2), axis=0)
  sc = m[0] + m[1]
  sc = jnp.maximum(sc, 0.2 * sc)
  return jnp.full((HALF,), sc, jnp.float32)


def kernel(x, edge_index, batch, W1, a_s1, a_d1, b1, W2, a_s2, a_d2, b2,
           W3, a_s3, a_d3, b3):
  x_p = jnp.zeros((N2, D_IN), jnp.float32).at[:N].set(x)
  npad = EPAD - E
  pad_src = (jnp.arange(npad, dtype=jnp.int32) % 256)
  pad_dst = N + (jnp.arange(npad, dtype=jnp.int32) % 256)
  srcp = jnp.concatenate([edge_index[0], pad_src]).reshape(IDXROWS, CHUNK)
  dstp = jnp.concatenate([edge_index[1], pad_dst]).reshape(IDXROWS, CHUNK)
  batch_p = jnp.concatenate(
      [batch, jnp.full((N2 - N,), G, jnp.int32)]).reshape(N2, 1)

  a21 = jnp.stack([a_s1, a_d1], axis=1)
  a22 = jnp.stack([a_s2, a_d2], axis=1)
  a23 = jnp.stack([a_s3, a_d3], axis=1)

  hab, ast, bm = _dense1(x_p, W1, a21)
  out = _sc_edge(ast[0], ast[1], hab.reshape(2 * N2, HALF), srcp, dstp,
                 _stab(bm))

  hab, ast, bm = _dense23(out.reshape(2, N2, HALF),
                          b1.reshape(1, D_H), W2, a22)
  out = _sc_edge(ast[0], ast[1], hab.reshape(2 * N2, HALF), srcp, dstp,
                 _stab(bm))

  hab, ast, bm = _dense23(out.reshape(2, N2, HALF),
                          b2.reshape(1, D_H), W3, a23)
  out = _sc_edge(ast[0], ast[1], hab.reshape(2 * N2, HALF), srcp, dstp,
                 _stab(bm))

  return _pool(out.reshape(2, N2, HALF), batch_p, b3.reshape(1, D_H))

# --- scband reference (transcript-rebuilt; emitter-appended) ---
"""Pipeline reference for scband-net-83975200571570 (READ-ONLY COPY).

The authoritative reference and input builder live on the scoring server;
editing this copy changes nothing except your own understanding.
"""

import jax, jax.numpy as jnp
import numpy as np

N = 100000
E = 1600000
G = 128
D_IN = 5
D_H = 32


def setup_inputs(seed: int = 0) -> dict:
    key = jax.random.key(seed)
    ks = jax.random.split(key, 16)
    x = jax.random.normal(ks[0], (N, D_IN), dtype=jnp.float32)
    edge_index = jax.random.randint(ks[1], (2, E), 0, N, dtype=jnp.int32)
    batch = jnp.sort(jax.random.randint(ks[2], (N,), 0, G, dtype=jnp.int32))
    def glorot(k, shape):
        fan = sum(shape)
        return jax.random.uniform(k, shape, dtype=jnp.float32, minval=-1.0, maxval=1.0) * jnp.sqrt(6.0 / fan)
    inp = {
        'x': x, 'edge_index': edge_index, 'batch': batch,
        'W1': glorot(ks[3], (D_IN, D_H)), 'a_s1': glorot(ks[4], (D_H,)), 'a_d1': glorot(ks[5], (D_H,)), 'b1': jnp.zeros((D_H,), jnp.float32),
        'W2': glorot(ks[6], (D_H, D_H)), 'a_s2': glorot(ks[7], (D_H,)), 'a_d2': glorot(ks[8], (D_H,)), 'b2': jnp.zeros((D_H,), jnp.float32),
        'W3': glorot(ks[9], (D_H, D_H)), 'a_s3': glorot(ks[10], (D_H,)), 'a_d3': glorot(ks[11], (D_H,)), 'b3': jnp.zeros((D_H,), jnp.float32),
    }
    return inp


def _gat_layer(x, src, dst, W, a_src, a_dst, b):
    Nn = x.shape[0]
    h = x @ W                      # [N, D_H] linear transform
    alpha_src = h @ a_src          # [N]
    alpha_dst = h @ a_dst          # [N]
    e = jax.nn.leaky_relu(alpha_src[src] + alpha_dst[dst], 0.2)   # [E+N]
    # softmax over incoming edges per destination node
    m = jax.ops.segment_max(e, dst, num_segments=Nn)
    ee = jnp.exp(e - m[dst])
    den = jax.ops.segment_sum(ee, dst, num_segments=Nn)
    alpha = ee / (den[dst] + 1e-16)
    out = jax.ops.segment_sum(h[src] * alpha[:, None], dst, num_segments=Nn)
    return out + b


def reference(x, edge_index, batch, W1, a_s1, a_d1, b1, W2, a_s2, a_d2, b2, W3, a_s3, a_d3, b3):
    Nn = x.shape[0]
    loops = jnp.arange(Nn, dtype=edge_index.dtype)
    src = jnp.concatenate([edge_index[0], loops])   # PyG GATConv add_self_loops=True
    dst = jnp.concatenate([edge_index[1], loops])
    h = _gat_layer(x, src, dst, W1, a_s1, a_d1, b1)
    h = _gat_layer(h, src, dst, W2, a_s2, a_d2, b2)
    h = _gat_layer(h, src, dst, W3, a_s3, a_d3, b3)
    # global_mean_pool over batch assignment
    ones = jnp.ones((Nn,), dtype=h.dtype)
    counts = jnp.maximum(jax.ops.segment_sum(ones, batch, num_segments=G), 1.0)
    pooled = jax.ops.segment_sum(h, batch, num_segments=G) / counts[:, None]
    return pooled

if __name__ == "__main__":
    import jax
    _d = setup_inputs()
    print(jax.jit(kernel)(*tuple(_d.values())))

</pallas_src>

<mosaic_0001>
#map = affine_map<(d0, d1) -> (0)>
#map1 = affine_map<(d0, d1) -> (0, 0)>
module attributes {stable_mosaic.version = 14 : i64} {
  func.func @_sc_edge_body(%arg0: i32, %arg1: i32, %arg2: memref<100352xf32, #tpu.memory_space<hbm>>, %arg3: memref<100352xf32, #tpu.memory_space<hbm>>, %arg4: memref<200704x16xf32, #tpu.memory_space<hbm>>, %arg5: memref<3136x512xi32, #tpu.memory_space<hbm>>, %arg6: memref<3136x512xi32, #tpu.memory_space<hbm>>, %arg7: memref<16xf32, #tpu.memory_space<hbm>>, %arg8: memref<200704x16xf32, #tpu.memory_space<hbm>>, %arg9: memref<100352x16xf32, #tpu.memory_space<vmem_shared>>, %arg10: memref<100352xf32, #tpu.memory_space<vmem_shared>>, %arg11: memref<2x512xi32, #tpu.memory_space<vmem>>, %arg12: memref<2x512xi32, #tpu.memory_space<vmem>>, %arg13: memref<2x512xi32, #tpu.memory_space<vmem>>, %arg14: memref<2x512xf32, #tpu.memory_space<vmem>>, %arg15: memref<2x512xf32, #tpu.memory_space<vmem>>, %arg16: memref<2x512x16xf32, #tpu.memory_space<vmem>>, %arg17: memref<128xf32, #tpu.memory_space<vmem>>, %arg18: memref<128xf32, #tpu.memory_space<vmem>>, %arg19: memref<128xf32, #tpu.memory_space<vmem>>, %arg20: memref<128x16xf32, #tpu.memory_space<vmem>>, %arg21: memref<16xf32, #tpu.memory_space<vmem>>, %arg22: memref<!tpu.dma_semaphore, #tpu.memory_space<semaphore_mem>>, %arg23: memref<!tpu.dma_semaphore, #tpu.memory_space<semaphore_mem>>, %arg24: memref<!tpu.dma_semaphore, #tpu.memory_space<semaphore_mem>>, %arg25: memref<!tpu.dma_semaphore, #tpu.memory_space<semaphore_mem>>) attributes {dimension_semantics = [#tpu.dimension_semantics<core_parallel>, #tpu.dimension_semantics<subcore_parallel>], iteration_bounds = array<i64: 2, 16>, scalar_prefetch = 0 : i64, scratch_operands = 17 : i64, tpu.core_type = #tpu.core_type<sc_vector_subcore>, window_params = [{transform_indices = #map}, {transform_indices = #map}, {transform_indices = #map1}, {transform_indices = #map1}, {transform_indices = #map1}, {transform_indices = #map}, {transform_indices = #map1}]} {
    %mul3A = arith.constant 100352 : i32
    %mul3A_0 = arith.muli %arg0, %mul3A : i32
    "tpu.region"() ({
      %run_scoped3A = tpu.sem_alloc : memref<!tpu.dma_semaphore, #tpu.memory_space<semaphore_mem>>
      tpu.enqueue_dma source(%arg7 : memref<16xf32, #tpu.memory_space<hbm>>) target(%arg21 : memref<16xf32, #tpu.memory_space<vmem>>) target_semaphore(%run_scoped3A : memref<!tpu.dma_semaphore, #tpu.memory_space<semaphore_mem>>)
      tpu.wait_dma2 semaphore(%run_scoped3A : memref<!tpu.dma_semaphore, #tpu.memory_space<semaphore_mem>>) src(%arg7 : memref<16xf32, #tpu.memory_space<hbm>>) dst(%arg21 : memref<16xf32, #tpu.memory_space<vmem>>)
      tpu.yield
    }) : () -> ()
    %get3A = arith.constant 0 : index
    %get3A_1 = tpu.vector_load %arg21[%get3A] {strides = array<i32>} : memref<16xf32, #tpu.memory_space<vmem>>, vector<16xf32>,
    %get3A_2 = vector.shape_cast %get3A_1 : vector<16xf32> to vector<16xf32>
    %mul3A_3 = arith.constant 6272 : i32
    %mul3A_4 = arith.muli %arg1, %mul3A_3 : i32
    %scan3A = arith.constant 0 : i32
    %scan3A_5 = arith.constant 0 : i32
    %scan3A_6 = arith.constant 49 : i32
    %scan3A_7 = arith.addi %scan3A_5, %scan3A_6 : i32
    %scan3A_8 = arith.constant 1 : i32
    scf.for %scan3A_370 = %scan3A_5 to %scan3A_7 step %scan3A_8  : i32 {
      %mul3A_371 = arith.constant 128 : i32
      %mul3A_372 = arith.muli %scan3A_370, %mul3A_371 : i32
      %add3A_373 = arith.addi %mul3A_4, %mul3A_372 : i32
      %dma_start3A_374 = tpu.memref_slice %arg2[%add3A_373] : memref<100352xf32, #tpu.memory_space<hbm>> -> memref<128xf32, #tpu.memory_space<hbm>>
      %dma_start3A_375 = tpu.memref_slice %arg2[%add3A_373] : memref<100352xf32, #tpu.memory_space<hbm>> -> memref<128xf32, #tpu.memory_space<hbm>>
      tpu.enqueue_dma source(%dma_start3A_375 : memref<128xf32, #tpu.memory_space<hbm>>) target(%arg17 : memref<128xf32, #tpu.memory_space<vmem>>) target_semaphore(%arg22 : memref<!tpu.dma_semaphore, #tpu.memory_space<semaphore_mem>>)
      %dma_start3A_376 = tpu.memref_slice %arg3[%add3A_373] : memref<100352xf32, #tpu.memory_space<hbm>> -> memref<128xf32, #tpu.memory_space<hbm>>
      %dma_start3A_377 = tpu.memref_slice %arg3[%add3A_373] : memref<100352xf32, #tpu.memory_space<hbm>> -> memref<128xf32, #tpu.memory_space<hbm>>
      tpu.enqueue_dma source(%dma_start3A_377 : memref<128xf32, #tpu.memory_space<hbm>>) target(%arg18 : memref<128xf32, #tpu.memory_space<vmem>>) target_semaphore(%arg22 : memref<!tpu.dma_semaphore, #tpu.memory_space<semaphore_mem>>)
      %add3A_378 = arith.addi %mul3A_0, %add3A_373 : i32
      %dma_start3A_379 = arith.constant 0 : i32
      %dma_start3A_380 = tpu.memref_slice %arg4[%add3A_378, %dma_start3A_379] : memref<200704x16xf32, #tpu.memory_space<hbm>> -> memref<128x16xf32, #tpu.memory_space<hbm>>
      %dma_start3A_381 = arith.constant 0 : i32
      %dma_start3A_382 = tpu.memref_slice %arg4[%add3A_378, %dma_start3A_381] : memref<200704x16xf32, #tpu.memory_space<hbm>> -> memref<128x16xf32, #tpu.memory_space<hbm>>
      tpu.enqueue_dma source(%dma_start3A_382 : memref<128x16xf32, #tpu.memory_space<hbm>>) target(%arg20 : memref<128x16xf32, #tpu.memory_space<vmem>>) target_semaphore(%arg22 : memref<!tpu.dma_semaphore, #tpu.memory_space<semaphore_mem>>)
      %dma_wait3A_383 = tpu.memref_slice %arg2[%add3A_373] : memref<100352xf32, #tpu.memory_space<hbm>> -> memref<128xf32, #tpu.memory_space<hbm>>
      %dma_wait3A_384 = tpu.memref_slice %arg2[%add3A_373] : memref<100352xf32, #tpu.memory_space<hbm>> -> memref<128xf32, #tpu.memory_space<hbm>>
      tpu.wait_dma2 semaphore(%arg22 : memref<!tpu.dma_semaphore, #tpu.memory_space<semaphore_mem>>) src(%dma_wait3A_384 : memref<128xf32, #tpu.memory_space<hbm>>) dst(%arg17 : memref<128xf32, #tpu.memory_space<vmem>>)
      %dma_wait3A_385 = tpu.memref_slice %arg3[%add3A_373] : memref<100352xf32, #tpu.memory_space<hbm>> -> memref<128xf32, #tpu.memory_space<hbm>>
      %dma_wait3A_386 = tpu.memref_slice %arg3[%add3A_373] : memref<100352xf32, #tpu.memory_space<hbm>> -> memref<128xf32, #tpu.memory_space<hbm>>
      tpu.wait_dma2 semaphore(%arg22 : memref<!tpu.dma_semaphore, #tpu.memory_space<semaphore_mem>>) src(%dma_wait3A_386 : memref<128xf32, #tpu.memory_space<hbm>>) dst(%arg18 : memref<128xf32, #tpu.memory_space<vmem>>)
      %dma_wait3A_387 = arith.constant 0 : i32
      %dma_wait3A_388 = tpu.memref_slice %arg4[%add3A_378, %dma_wait3A_387] : memref<200704x16xf32, #tpu.memory_space<hbm>> -> memref<128x16xf32, #tpu.memory_space<hbm>>
      %dma_wait3A_389 = arith.constant 0 : i32
      %dma_wait3A_390 = tpu.memref_slice %arg4[%add3A_378, %dma_wait3A_389] : memref<200704x16xf32, #tpu.memory_space<hbm>> -> memref<128x16xf32, #tpu.memory_space<hbm>>
      tpu.wait_dma2 semaphore(%arg22 : memref<!tpu.dma_semaphore, #tpu.memory_space<semaphore_mem>>) src(%dma_wait3A_390 : memref<128x16xf32, #tpu.memory_space<hbm>>) dst(%arg20 : memref<128x16xf32, #tpu.memory_space<vmem>>)
      %scan3A_391 = arith.constant 0 : i32
      %scan3A_392 = arith.constant 0 : i32
      %scan3A_393 = arith.constant 8 : i32
      %scan3A_394 = arith.addi %scan3A_392, %scan3A_393 : i32
      %scan3A_395 = arith.constant 1 : i32
      scf.for %scan3A_409 = %scan3A_392 to %scan3A_394 step %scan3A_395  : i32 {
        %mul3A_410 = arith.constant 16 : i32
        %mul3A_411 = arith.muli %scan3A_409, %mul3A_410 : i32
        %get3A_412 = arith.index_cast %mul3A_411 : i32 to index
        %get3A_413 = tpu.vector_load %arg17[%get3A_412] {strides = array<i32>} : memref<128xf32, #tpu.memory_space<vmem>>, vector<16xf32>,
        %get3A_414 = vector.shape_cast %get3A_413 : vector<16xf32> to vector<16xf32>
        %mul3A_415 = arith.constant 16 : i32
        %mul3A_416 = arith.muli %scan3A_409, %mul3A_415 : i32
        %get3A_417 = arith.index_cast %mul3A_416 : i32 to index
        %get3A_418 = tpu.vector_load %arg18[%get3A_417] {strides = array<i32>} : memref<128xf32, #tpu.memory_space<vmem>>, vector<16xf32>,
        %get3A_419 = vector.shape_cast %get3A_418 : vector<16xf32> to vector<16xf32>
        %add3A_420 = arith.addf %get3A_414, %get3A_419 : vector<16xf32>
        %mul3A_421 = arith.constant 2.000000e-01 : f32
        %mul3A_422 = vector.broadcast %mul3A_421 : f32 to vector<16xf32>
        %mul3A_423 = arith.mulf %add3A_420, %mul3A_422 : vector<16xf32>
        %max3A = arith.maximumf %add3A_420, %mul3A_423 : vector<16xf32>
        %sub3A = arith.subf %max3A, %get3A_2 : vector<16xf32>
        %exp3A = math.exp %sub3A : vector<16xf32>
        %mul3A_424 = arith.constant 16 : i32
        %mul3A_425 = arith.muli %scan3A_409, %mul3A_424 : i32
        %swap3A = arith.index_cast %mul3A_425 : i32 to index
        %swap3A_426 = tpu.vector_load %arg19[%swap3A] {strides = array<i32>} : memref<128xf32, #tpu.memory_space<vmem>>, vector<16xf32>,
        %swap3A_427 = vector.shape_cast %swap3A_426 : vector<16xf32> to vector<16xf32>
        %swap3A_428 = vector.shape_cast %exp3A : vector<16xf32> to vector<16xf32>
        tpu.vector_store %arg19[%swap3A], %swap3A_428 {strides = array<i32>} : memref<128xf32, #tpu.memory_space<vmem>>, vector<16xf32>,
        %mul3A_429 = arith.constant 16 : i32
        %mul3A_430 = arith.muli %scan3A_409, %mul3A_429 : i32
        %add3A_431 = arith.constant 0 : i32
        %add3A_432 = arith.addi %mul3A_430, %add3A_431 : i32
        %broadcast_in_dim3A = arith.constant 0 : i32
        %broadcast_in_dim3A_433 = vector.broadcast %broadcast_in_dim3A : i32 to vector<16x1xi32>
        %gather3A = vector.shape_cast %broadcast_in_dim3A_433 : vector<16x1xi32> to vector<16xi32>
        %gather3A_434 = tpu.dynamic_gather %exp3A[%gather3A] in [0] : vector<16xf32>, vector<16xi32> -> vector<16xf32>
        %get3A_435 = arith.index_cast %add3A_432 : i32 to index
        %get3A_436 = arith.constant 0 : index
        %get3A_437 = tpu.vector_load %arg20[%get3A_435, %get3A_436] {strides = array<i32>} : memref<128x16xf32, #tpu.memory_space<vmem>>, vector<1x16xf32>,
        %get3A_438 = vector.shape_cast %get3A_437 : vector<1x16xf32> to vector<16xf32>
        %mul3A_439 = arith.mulf %get3A_438, %gather3A_434 : vector<16xf32>
        %swap3A_440 = arith.index_cast %add3A_432 : i32 to index
        %swap3A_441 = arith.constant 0 : index
        %swap3A_442 = tpu.vector_load %arg20[%swap3A_440, %swap3A_441] {strides = array<i32>} : memref<128x16xf32, #tpu.memory_space<vmem>>, vector<1x16xf32>,
        %swap3A_443 = vector.shape_cast %swap3A_442 : vector<1x16xf32> to vector<16xf32>
        %swap3A_444 = vector.shape_cast %mul3A_439 : vector<16xf32> to vector<1x16xf32>
        tpu.vector_store %arg20[%swap3A_440, %swap3A_441], %swap3A_444 {strides = array<i32>} : memref<128x16xf32, #tpu.memory_space<vmem>>, vector<1x16xf32>,
        %mul3A_445 = arith.constant 16 : i32
        %mul3A_446 = arith.muli %scan3A_409, %mul3A_445 : i32
        %add3A_447 = arith.constant 1 : i32
        %add3A_448 = arith.addi %mul3A_446, %add3A_447 : i32
        %broadcast_in_dim3A_449 = arith.constant 1 : i32
        %broadcast_in_dim3A_450 = vector.broadcast %broadcast_in_dim3A_449 : i32 to vector<16x1xi32>
        %gather3A_451 = vector.shape_cast %broadcast_in_dim3A_450 : vector<16x1xi32> to vector<16xi32>
        %gather3A_452 = tpu.dynamic_gather %exp3A[%gather3A_451] in [0] : vector<16xf32>, vector<16xi32> -> vector<16xf32>
        %get3A_453 = arith.index_cast %add3A_448 : i32 to index
        %get3A_454 = arith.constant 0 : index
        %get3A_455 = tpu.vector_load %arg20[%get3A_453, %get3A_454] {strides = array<i32>} : memref<128x16xf32, #tpu.memory_space<vmem>>, vector<1x16xf32>,
        %get3A_456 = vector.shape_cast %get3A_455 : vector<1x16xf32> to vector<16xf32>
        %mul3A_457 = arith.mulf %get3A_456, %gather3A_452 : vector<16xf32>
        %swap3A_458 = arith.index_cast %add3A_448 : i32 to index
        %swap3A_459 = arith.constant 0 : index
        %swap3A_460 = tpu.vector_load %arg20[%swap3A_458, %swap3A_459] {strides = array<i32>} : memref<128x16xf32, #tpu.memory_space<vmem>>, vector<1x16xf32>,
        %swap3A_461 = vector.shape_cast %swap3A_460 : vector<1x16xf32> to vector<16xf32>
        %swap3A_462 = vector.shape_cast %mul3A_457 : vector<16xf32> to vector<1x16xf32>
        tpu.vector_store %arg20[%swap3A_458, %swap3A_459], %swap3A_462 {strides = array<i32>} : memref<128x16xf32, #tpu.memory_space<vmem>>, vector<1x16xf32>,
        %mul3A_463 = arith.constant 16 : i32
        %mul3A_464 = arith.muli %scan3A_409, %mul3A_463 : i32
        %add3A_465 = arith.constant 2 : i32
        %add3A_466 = arith.addi %mul3A_464, %add3A_465 : i32
        %broadcast_in_dim3A_467 = arith.constant 2 : i32
        %broadcast_in_dim3A_468 = vector.broadcast %broadcast_in_dim3A_467 : i32 to vector<16x1xi32>
        %gather3A_469 = vector.shape_cast %broadcast_in_dim3A_468 : vector<16x1xi32> to vector<16xi32>
        %gather3A_470 = tpu.dynamic_gather %exp3A[%gather3A_469] in [0] : vector<16xf32>, vector<16xi32> -> vector<16xf32>
        %get3A_471 = arith.index_cast %add3A_466 : i32 to index
        %get3A_472 = arith.constant 0 : index
        %get3A_473 = tpu.vector_load %arg20[%get3A_471, %get3A_472] {strides = array<i32>} : memref<128x16xf32, #tpu.memory_space<vmem>>, vector<1x16xf32>,
        %get3A_474 = vector.shape_cast %get3A_473 : vector<1x16xf32> to vector<16xf32>
        %mul3A_475 = arith.mulf %get3A_474, %gather3A_470 : vector<16xf32>
        %swap3A_476 = arith.index_cast %add3A_466 : i32 to index
        %swap3A_477 = arith.constant 0 : index
        %swap3A_478 = tpu.vector_load %arg20[%swap3A_476, %swap3A_477] {strides = array<i32>} : memref<128x16xf32, #tpu.memory_space<vmem>>, vector<1x16xf32>,
        %swap3A_479 = vector.shape_cast %swap3A_478 : vector<1x16xf32> to vector<16xf32>
        %swap3A_480 = vector.shape_cast %mul3A_475 : vector<16xf32> to vector<1x16xf32>
        tpu.vector_store %arg20[%swap3A_476, %swap3A_477], %swap3A_480 {strides = array<i32>} : memref<128x16xf32, #tpu.memory_space<vmem>>, vector<1x16xf32>,
        %mul3A_481 = arith.constant 16 : i32
        %mul3A_482 = arith.muli %scan3A_409, %mul3A_481 : i32
        %add3A_483 = arith.constant 3 : i32
        %add3A_484 = arith.addi %mul3A_482, %add3A_483 : i32
        %broadcast_in_dim3A_485 = arith.constant 3 : i32
        %broadcast_in_dim3A_486 = vector.broadcast %broadcast_in_dim3A_485 : i32 to vector<16x1xi32>
        %gather3A_487 = vector.shape_cast %broadcast_in_dim3A_486 : vector<16x1xi32> to vector<16xi32>
        %gather3A_488 = tpu.dynamic_gather %exp3A[%gather3A_487] in [0] : vector<16xf32>, vector<16xi32> -> vector<16xf32>
        %get3A_489 = arith.index_cast %add3A_484 : i32 to index
        %get3A_490 = arith.constant 0 : index
        %get3A_491 = tpu.vector_load %arg20[%get3A_489, %get3A_490] {strides = array<i32>} : memref<128x16xf32, #tpu.memory_space<vmem>>, vector<1x16xf32>,
        %get3A_492 = vector.shape_cast %get3A_491 : vector<1x16xf32> to vector<16xf32>
        %mul3A_493 = arith.mulf %get3A_492, %gather3A_488 : vector<16xf32>
        %swap3A_494 = arith.index_cast %add3A_484 : i32 to index
        %swap3A_495 = arith.constant 0 : index
        %swap3A_496 = tpu.vector_load %arg20[%swap3A_494, %swap3A_495] {strides = array<i32>} : memref<128x16xf32, #tpu.memory_space<vmem>>, vector<1x16xf32>,
        %swap3A_497 = vector.shape_cast %swap3A_496 : vector<1x16xf32> to vector<16xf32>
        %swap3A_498 = vector.shape_cast %mul3A_493 : vector<16xf32> to vector<1x16xf32>
        tpu.vector_store %arg20[%swap3A_494, %swap3A_495], %swap3A_498 {strides = array<i32>} : memref<128x16xf32, #tpu.memory_space<vmem>>, vector<1x16xf32>,
        %mul3A_499 = arith.constant 16 : i32
        %mul3A_500 = arith.muli %scan3A_409, %mul3A_499 : i32
        %add3A_501 = arith.constant 4 : i32
        %add3A_502 = arith.addi %mul3A_500, %add3A_501 : i32
        %broadcast_in_dim3A_503 = arith.constant 4 : i32
        %broadcast_in_dim3A_504 = vector.broadcast %broadcast_in_dim3A_503 : i32 to vector<16x1xi32>
        %gather3A_505 = vector.shape_cast %broadcast_in_dim3A_504 : vector<16x1xi32> to vector<16xi32>
        %gather3A_506 = tpu.dynamic_gather %exp3A[%gather3A_505] in [0] : vector<16xf32>, vector<16xi32> -> vector<16xf32>
        %get3A_507 = arith.index_cast %add3A_502 : i32 to index
        %get3A_508 = arith.constant 0 : index
        %get3A_509 = tpu.vector_load %arg20[%get3A_507, %get3A_508] {strides = array<i32>} : memref<128x16xf32, #tpu.memory_space<vmem>>, vector<1x16xf32>,
        %get3A_510 = vector.shape_cast %get3A_509 : vector<1x16xf32> to vector<16xf32>
        %mul3A_511 = arith.mulf %get3A_510, %gather3A_506 : vector<16xf32>
        %swap3A_512 = arith.index_cast %add3A_502 : i32 to index
        %swap3A_513 = arith.constant 0 : index
        %swap3A_514 = tpu.vector_load %arg20[%swap3A_512, %swap3A_513] {strides = array<i32>} : memref<128x16xf32, #tpu.memory_space<vmem>>, vector<1x16xf32>,
        %swap3A_515 = vector.shape_cast %swap3A_514 : vector<1x16xf32> to vector<16xf32>
        %swap3A_516 = vector.shape_cast %mul3A_511 : vector<16xf32> to vector<1x16xf32>
        tpu.vector_store %arg20[%swap3A_512, %swap3A_513], %swap3A_516 {strides = array<i32>} : memref<128x16xf32, #tpu.memory_space<vmem>>, vector<1x16xf32>,
        %mul3A_517 = arith.constant 16 : i32
        %mul3A_518 = arith.muli %scan3A_409, %mul3A_517 : i32
        %add3A_519 = arith.constant 5 : i32
        %add3A_520 = arith.addi %mul3A_518, %add3A_519 : i32
        %broadcast_in_dim3A_521 = arith.constant 5 : i32
        %broadcast_in_dim3A_522 = vector.broadcast %broadcast_in_dim3A_521 : i32 to vector<16x1xi32>
        %gather3A_523 = vector.shape_cast %broadcast_in_dim3A_522 : vector<16x1xi32> to vector<16xi32>
        %gather3A_524 = tpu.dynamic_gather %exp3A[%gather3A_523] in [0] : vector<16xf32>, vector<16xi32> -> vector<16xf32>
        %get3A_525 = arith.index_cast %add3A_520 : i32 to index
        %get3A_526 = arith.constant 0 : index
        %get3A_527 = tpu.vector_load %arg20[%get3A_525, %get3A_526] {strides = array<i32>} : memref<128x16xf32, #tpu.memory_space<vmem>>, vector<1x16xf32>,
        %get3A_528 = vector.shape_cast %get3A_527 : vector<1x16xf32> to vector<16xf32>
        %mul3A_529 = arith.mulf %get3A_528, %gather3A_524 : vector<16xf32>
        %swap3A_530 = arith.index_cast %add3A_520 : i32 to index
        %swap3A_531 = arith.constant 0 : index
        %swap3A_532 = tpu.vector_load %arg20[%swap3A_530, %swap3A_531] {strides = array<i32>} : memref<128x16xf32, #tpu.memory_space<vmem>>, vector<1x16xf32>,
        %swap3A_533 = vector.shape_cast %swap3A_532 : vector<1x16xf32> to vector<16xf32>
        %swap3A_534 = vector.shape_cast %mul3A_529 : vector<16xf32> to vector<1x16xf32>
        tpu.vector_store %arg20[%swap3A_530, %swap3A_531], %swap3A_534 {strides = array<i32>} : memref<128x16xf32, #tpu.memory_space<vmem>>, vector<1x16xf32>,
        %mul3A_535 = arith.constant 16 : i32
        %mul3A_536 = arith.muli %scan3A_409, %mul3A_535 : i32
        %add3A_537 = arith.constant 6 : i32
        %add3A_538 = arith.addi %mul3A_536, %add3A_537 : i32
        %broadcast_in_dim3A_539 = arith.constant 6 : i32
        %broadcast_in_dim3A_540 = vector.broadcast %broadcast_in_dim3A_539 : i32 to vector<16x1xi32>
        %gather3A_541 = vector.shape_cast %broadcast_in_dim3A_540 : vector<16x1xi32> to vector<16xi32>
        %gather3A_542 = tpu.dynamic_gather %exp3A[%gather3A_541] in [0] : vector<16xf32>, vector<16xi32> -> vector<16xf32>
        %get3A_543 = arith.index_cast %add3A_538 : i32 to index
        %get3A_544 = arith.constant 0 : index
        %get3A_545 = tpu.vector_load %arg20[%get3A_543, %get3A_544] {strides = array<i32>} : memref<128x16xf32, #tpu.memory_space<vmem>>, vector<1x16xf32>,
        %get3A_546 = vector.shape_cast %get3A_545 : vector<1x16xf32> to vector<16xf32>
        %mul3A_547 = arith.mulf %get3A_546, %gather3A_542 : vector<16xf32>
        %swap3A_548 = arith.index_cast %add3A_538 : i32 to index
        %swap3A_549 = arith.constant 0 : index
        %swap3A_550 = tpu.vector_load %arg20[%swap3A_548, %swap3A_549] {strides = array<i32>} : memref<128x16xf32, #tpu.memory_space<vmem>>, vector<1x16xf32>,
        %swap3A_551 = vector.shape_cast %swap3A_550 : vector<1x16xf32> to vector<16xf32>
        %swap3A_552 = vector.shape_cast %mul3A_547 : vector<16xf32> to vector<1x16xf32>
        tpu.vector_store %arg20[%swap3A_548, %swap3A_549], %swap3A_552 {strides = array<i32>} : memref<128x16xf32, #tpu.memory_space<vmem>>, vector<1x16xf32>,
        %mul3A_553 = arith.constant 16 : i32
        %mul3A_554 = arith.muli %scan3A_409, %mul3A_553 : i32
        %add3A_555 = arith.constant 7 : i32
        %add3A_556 = arith.addi %mul3A_554, %add3A_555 : i32
        %broadcast_in_dim3A_557 = arith.constant 7 : i32
        %broadcast_in_dim3A_558 = vector.broadcast %broadcast_in_dim3A_557 : i32 to vector<16x1xi32>
        %gather3A_559 = vector.shape_cast %broadcast_in_dim3A_558 : vector<16x1xi32> to vector<16xi32>
        %gather3A_560 = tpu.dynamic_gather %exp3A[%gather3A_559] in [0] : vector<16xf32>, vector<16xi32> -> vector<16xf32>
        %get3A_561 = arith.index_cast %add3A_556 : i32 to index
        %get3A_562 = arith.constant 0 : index
        %get3A_563 = tpu.vector_load %arg20[%get3A_561, %get3A_562] {strides = array<i32>} : memref<128x16xf32, #tpu.memory_space<vmem>>, vector<1x16xf32>,
        %get3A_564 = vector.shape_cast %get3A_563 : vector<1x16xf32> to vector<16xf32>
        %mul3A_565 = arith.mulf %get3A_564, %gather3A_560 : vector<16xf32>
        %swap3A_566 = arith.index_cast %add3A_556 : i32 to index
        %swap3A_567 = arith.constant 0 : index
        %swap3A_568 = tpu.vector_load %arg20[%swap3A_566, %swap3A_567] {strides = array<i32>} : memref<128x16xf32, #tpu.memory_space<vmem>>, vector<1x16xf32>,
        %swap3A_569 = vector.shape_cast %swap3A_568 : vector<1x16xf32> to vector<16xf32>
        %swap3A_570 = vector.shape_cast %mul3A_565 : vector<16xf32> to vector<1x16xf32>
        tpu.vector_store %arg20[%swap3A_566, %swap3A_567], %swap3A_570 {strides = array<i32>} : memref<128x16xf32, #tpu.memory_space<vmem>>, vector<1x16xf32>,
        %mul3A_571 = arith.constant 16 : i32
        %mul3A_572 = arith.muli %scan3A_409, %mul3A_571 : i32
        %add3A_573 = arith.constant 8 : i32
        %add3A_574 = arith.addi %mul3A_572, %add3A_573 : i32
        %broadcast_in_dim3A_575 = arith.constant 8 : i32
        %broadcast_in_dim3A_576 = vector.broadcast %broadcast_in_dim3A_575 : i32 to vector<16x1xi32>
        %gather3A_577 = vector.shape_cast %broadcast_in_dim3A_576 : vector<16x1xi32> to vector<16xi32>
        %gather3A_578 = tpu.dynamic_gather %exp3A[%gather3A_577] in [0] : vector<16xf32>, vector<16xi32> -> vector<16xf32>
        %get3A_579 = arith.index_cast %add3A_574 : i32 to index
        %get3A_580 = arith.constant 0 : index
        %get3A_581 = tpu.vector_load %arg20[%get3A_579, %get3A_580] {strides = array<i32>} : memref<128x16xf32, #tpu.memory_space<vmem>>, vector<1x16xf32>,
        %get3A_582 = vector.shape_cast %get3A_581 : vector<1x16xf32> to vector<16xf32>
        %mul3A_583 = arith.mulf %get3A_582, %gather3A_578 : vector<16xf32>
        %swap3A_584 = arith.index_cast %add3A_574 : i32 to index
        %swap3A_585 = arith.constant 0 : index
        %swap3A_586 = tpu.vector_load %arg20[%swap3A_584, %swap3A_585] {strides = array<i32>} : memref<128x16xf32, #tpu.memory_space<vmem>>, vector<1x16xf32>,
        %swap3A_587 = vector.shape_cast %swap3A_586 : vector<1x16xf32> to vector<16xf32>
        %swap3A_588 = vector.shape_cast %mul3A_583 : vector<16xf32> to vector<1x16xf32>
        tpu.vector_store %arg20[%swap3A_584, %swap3A_585], %swap3A_588 {strides = array<i32>} : memref<128x16xf32, #tpu.memory_space<vmem>>, vector<1x16xf32>,
        %mul3A_589 = arith.constant 16 : i32
        %mul3A_590 = arith.muli %scan3A_409, %mul3A_589 : i32
        %add3A_591 = arith.constant 9 : i32
        %add3A_592 = arith.addi %mul3A_590, %add3A_591 : i32
        %broadcast_in_dim3A_593 = arith.constant 9 : i32
        %broadcast_in_dim3A_594 = vector.broadcast %broadcast_in_dim3A_593 : i32 to vector<16x1xi32>
        %gather3A_595 = vector.shape_cast %broadcast_in_dim3A_594 : vector<16x1xi32> to vector<16xi32>
        %gather3A_596 = tpu.dynamic_gather %exp3A[%gather3A_595] in [0] : vector<16xf32>, vector<16xi32> -> vector<16xf32>
        %get3A_597 = arith.index_cast %add3A_592 : i32 to index
        %get3A_598 = arith.constant 0 : index
        %get3A_599 = tpu.vector_load %arg20[%get3A_597, %get3A_598] {strides = array<i32>} : memref<128x16xf32, #tpu.memory_space<vmem>>, vector<1x16xf32>,
        %get3A_600 = vector.shape_cast %get3A_599 : vector<1x16xf32> to vector<16xf32>
        %mul3A_601 = arith.mulf %get3A_600, %gather3A_596 : vector<16xf32>
        %swap3A_602 = arith.index_cast %add3A_592 : i32 to index
        %swap3A_603 = arith.constant 0 : index
        %swap3A_604 = tpu.vector_load %arg20[%swap3A_602, %swap3A_603] {strides = array<i32>} : memref<128x16xf32, #tpu.memory_space<vmem>>, vector<1x16xf32>,
        %swap3A_605 = vector.shape_cast %swap3A_604 : vector<1x16xf32> to vector<16xf32>
        %swap3A_606 = vector.shape_cast %mul3A_601 : vector<16xf32> to vector<1x16xf32>
        tpu.vector_store %arg20[%swap3A_602, %swap3A_603], %swap3A_606 {strides = array<i32>} : memref<128x16xf32, #tpu.memory_space<vmem>>, vector<1x16xf32>,
        %mul3A_607 = arith.constant 16 : i32
        %mul3A_608 = arith.muli %scan3A_409, %mul3A_607 : i32
        %add3A_609 = arith.constant 10 : i32
        %add3A_610 = arith.addi %mul3A_608, %add3A_609 : i32
        %broadcast_in_dim3A_611 = arith.constant 10 : i32
        %broadcast_in_dim3A_612 = vector.broadcast %broadcast_in_dim3A_611 : i32 to vector<16x1xi32>
        %gather3A_613 = vector.shape_cast %broadcast_in_dim3A_612 : vector<16x1xi32> to vector<16xi32>
        %gather3A_614 = tpu.dynamic_gather %exp3A[%gather3A_613] in [0] : vector<16xf32>, vector<16xi32> -> vector<16xf32>
        %get3A_615 = arith.index_cast %add3A_610 : i32 to index
        %get3A_616 = arith.constant 0 : index
        %get3A_617 = tpu.vector_load %arg20[%get3A_615, %get3A_616] {strides = array<i32>} : memref<128x16xf32, #tpu.memory_space<vmem>>, vector<1x16xf32>,
        %get3A_618 = vector.shape_cast %get3A_617 : vector<1x16xf32> to vector<16xf32>
        %mul3A_619 = arith.mulf %get3A_618, %gather3A_614 : vector<16xf32>
        %swap3A_620 = arith.index_cast %add3A_610 : i32 to index
        %swap3A_621 = arith.constant 0 : index
        %swap3A_622 = tpu.vector_load %arg20[%swap3A_620, %swap3A_621] {strides = array<i32>} : memref<128x16xf32, #tpu.memory_space<vmem>>, vector<1x16xf32>,
        %swap3A_623 = vector.shape_cast %swap3A_622 : vector<1x16xf32> to vector<16xf32>
        %swap3A_624 = vector.shape_cast %mul3A_619 : vector<16xf32> to vector<1x16xf32>
        tpu.vector_store %arg20[%swap3A_620, %swap3A_621], %swap3A_624 {strides = array<i32>} : memref<128x16xf32, #tpu.memory_space<vmem>>, vector<1x16xf32>,
        %mul3A_625 = arith.constant 16 : i32
        %mul3A_626 = arith.muli %scan3A_409, %mul3A_625 : i32
        %add3A_627 = arith.constant 11 : i32
        %add3A_628 = arith.addi %mul3A_626, %add3A_627 : i32
        %broadcast_in_dim3A_629 = arith.constant 11 : i32
        %broadcast_in_dim3A_630 = vector.broadcast %broadcast_in_dim3A_629 : i32 to vector<16x1xi32>
        %gather3A_631 = vector.shape_cast %broadcast_in_dim3A_630 : vector<16x1xi32> to vector<16xi32>
        %gather3A_632 = tpu.dynamic_gather %exp3A[%gather3A_631] in [0] : vector<16xf32>, vector<16xi32> -> vector<16xf32>
        %get3A_633 = arith.index_cast %add3A_628 : i32 to index
        %get3A_634 = arith.constant 0 : index
        %get3A_635 = tpu.vector_load %arg20[%get3A_633, %get3A_634] {strides = array<i32>} : memref<128x16xf32, #tpu.memory_space<vmem>>, vector<1x16xf32>,
        %get3A_636 = vector.shape_cast %get3A_635 : vector<1x16xf32> to vector<16xf32>
        %mul3A_637 = arith.mulf %get3A_636, %gather3A_632 : vector<16xf32>
        %swap3A_638 = arith.index_cast %add3A_628 : i32 to index
        %swap3A_639 = arith.constant 0 : index
        %swap3A_640 = tpu.vector_load %arg20[%swap3A_638, %swap3A_639] {strides = array<i32>} : memref<128x16xf32, #tpu.memory_space<vmem>>, vector<1x16xf32>,
        %swap3A_641 = vector.shape_cast %swap3A_640 : vector<1x16xf32> to vector<16xf32>
        %swap3A_642 = vector.shape_cast %mul3A_637 : vector<16xf32> to vector<1x16xf32>
        tpu.vector_store %arg20[%swap3A_638, %swap3A_639], %swap3A_642 {strides = array<i32>} : memref<128x16xf32, #tpu.memory_space<vmem>>, vector<1x16xf32>,
        %mul3A_643 = arith.constant 16 : i32
        %mul3A_644 = arith.muli %scan3A_409, %mul3A_643 : i32
        %add3A_645 = arith.constant 12 : i32
        %add3A_646 = arith.addi %mul3A_644, %add3A_645 : i32
        %broadcast_in_dim3A_647 = arith.constant 12 : i32
        %broadcast_in_dim3A_648 = vector.broadcast %broadcast_in_dim3A_647 : i32 to vector<16x1xi32>
        %gather3A_649 = vector.shape_cast %broadcast_in_dim3A_648 : vector<16x1xi32> to vector<16xi32>
        %gather3A_650 = tpu.dynamic_gather %exp3A[%gather3A_649] in [0] : vector<16xf32>, vector<16xi32> -> vector<16xf32>
        %get3A_651 = arith.index_cast %add3A_646 : i32 to index
        %get3A_652 = arith.constant 0 : index
        %get3A_653 = tpu.vector_load %arg20[%get3A_651, %get3A_652] {strides = array<i32>} : memref<128x16xf32, #tpu.memory_space<vmem>>, vector<1x16xf32>,
        %get3A_654 = vector.shape_cast %get3A_653 : vector<1x16xf32> to vector<16xf32>
        %mul3A_655 = arith.mulf %get3A_654, %gather3A_650 : vector<16xf32>
        %swap3A_656 = arith.index_cast %add3A_646 : i32 to index
        %swap3A_657 = arith.constant 0 : index
        %swap3A_658 = tpu.vector_load %arg20[%swap3A_656, %swap3A_657] {strides = array<i32>} : memref<128x16xf32, #tpu.memory_space<vmem>>, vector<1x16xf32>,
        %swap3A_659 = vector.shape_cast %swap3A_658 : vector<1x16xf32> to vector<16xf32>
        %swap3A_660 = vector.shape_cast %mul3A_655 : vector<16xf32> to vector<1x16xf32>
        tpu.vector_store %arg20[%swap3A_656, %swap3A_657], %swap3A_660 {strides = array<i32>} : memref<128x16xf32, #tpu.memory_space<vmem>>, vector<1x16xf32>,
        %mul3A_661 = arith.constant 16 : i32
        %mul3A_662 = arith.muli %scan3A_409, %mul3A_661 : i32
        %add3A_663 = arith.constant 13 : i32
        %add3A_664 = arith.addi %mul3A_662, %add3A_663 : i32
        %broadcast_in_dim3A_665 = arith.constant 13 : i32
        %broadcast_in_dim3A_666 = vector.broadcast %broadcast_in_dim3A_665 : i32 to vector<16x1xi32>
        %gather3A_667 = vector.shape_cast %broadcast_in_dim3A_666 : vector<16x1xi32> to vector<16xi32>
        %gather3A_668 = tpu.dynamic_gather %exp3A[%gather3A_667] in [0] : vector<16xf32>, vector<16xi32> -> vector<16xf32>
        %get3A_669 = arith.index_cast %add3A_664 : i32 to index
        %get3A_670 = arith.constant 0 : index
        %get3A_671 = tpu.vector_load %arg20[%get3A_669, %get3A_670] {strides = array<i32>} : memref<128x16xf32, #tpu.memory_space<vmem>>, vector<1x16xf32>,
        %get3A_672 = vector.shape_cast %get3A_671 : vector<1x16xf32> to vector<16xf32>
        %mul3A_673 = arith.mulf %get3A_672, %gather3A_668 : vector<16xf32>
        %swap3A_674 = arith.index_cast %add3A_664 : i32 to index
        %swap3A_675 = arith.constant 0 : index
        %swap3A_676 = tpu.vector_load %arg20[%swap3A_674, %swap3A_675] {strides = array<i32>} : memref<128x16xf32, #tpu.memory_space<vmem>>, vector<1x16xf32>,
        %swap3A_677 = vector.shape_cast %swap3A_676 : vector<1x16xf32> to vector<16xf32>
        %swap3A_678 = vector.shape_cast %mul3A_673 : vector<16xf32> to vector<1x16xf32>
        tpu.vector_store %arg20[%swap3A_674, %swap3A_675], %swap3A_678 {strides = array<i32>} : memref<128x16xf32, #tpu.memory_space<vmem>>, vector<1x16xf32>,
        %mul3A_679 = arith.constant 16 : i32
        %mul3A_680 = arith.muli %scan3A_409, %mul3A_679 : i32
        %add3A_681 = arith.constant 14 : i32
        %add3A_682 = arith.addi %mul3A_680, %add3A_681 : i32
        %broadcast_in_dim3A_683 = arith.constant 14 : i32
        %broadcast_in_dim3A_684 = vector.broadcast %broadcast_in_dim3A_683 : i32 to vector<16x1xi32>
        %gather3A_685 = vector.shape_cast %broadcast_in_dim3A_684 : vector<16x1xi32> to vector<16xi32>
        %gather3A_686 = tpu.dynamic_gather %exp3A[%gather3A_685] in [0] : vector<16xf32>, vector<16xi32> -> vector<16xf32>
        %get3A_687 = arith.index_cast %add3A_682 : i32 to index
        %get3A_688 = arith.constant 0 : index
        %get3A_689 = tpu.vector_load %arg20[%get3A_687, %get3A_688] {strides = array<i32>} : memref<128x16xf32, #tpu.memory_space<vmem>>, vector<1x16xf32>,
        %get3A_690 = vector.shape_cast %get3A_689 : vector<1x16xf32> to vector<16xf32>
        %mul3A_691 = arith.mulf %get3A_690, %gather3A_686 : vector<16xf32>
        %swap3A_692 = arith.index_cast %add3A_682 : i32 to index
        %swap3A_693 = arith.constant 0 : index
        %swap3A_694 = tpu.vector_load %arg20[%swap3A_692, %swap3A_693] {strides = array<i32>} : memref<128x16xf32, #tpu.memory_space<vmem>>, vector<1x16xf32>,
        %swap3A_695 = vector.shape_cast %swap3A_694 : vector<1x16xf32> to vector<16xf32>
        %swap3A_696 = vector.shape_cast %mul3A_691 : vector<16xf32> to vector<1x16xf32>
        tpu.vector_store %arg20[%swap3A_692, %swap3A_693], %swap3A_696 {strides = array<i32>} : memref<128x16xf32, #tpu.memory_space<vmem>>, vector<1x16xf32>,
        %mul3A_697 = arith.constant 16 : i32
        %mul3A_698 = arith.muli %scan3A_409, %mul3A_697 : i32
        %add3A_699 = arith.constant 15 : i32
        %add3A_700 = arith.addi %mul3A_698, %add3A_699 : i32
        %broadcast_in_dim3A_701 = arith.constant 15 : i32
        %broadcast_in_dim3A_702 = vector.broadcast %broadcast_in_dim3A_701 : i32 to vector<16x1xi32>
        %gather3A_703 = vector.shape_cast %broadcast_in_dim3A_702 : vector<16x1xi32> to vector<16xi32>
        %gather3A_704 = tpu.dynamic_gather %exp3A[%gather3A_703] in [0] : vector<16xf32>, vector<16xi32> -> vector<16xf32>
        %get3A_705 = arith.index_cast %add3A_700 : i32 to index
        %get3A_706 = arith.constant 0 : index
        %get3A_707 = tpu.vector_load %arg20[%get3A_705, %get3A_706] {strides = array<i32>} : memref<128x16xf32, #tpu.memory_space<vmem>>, vector<1x16xf32>,
        %get3A_708 = vector.shape_cast %get3A_707 : vector<1x16xf32> to vector<16xf32>
        %mul3A_709 = arith.mulf %get3A_708, %gather3A_704 : vector<16xf32>
        %swap3A_710 = arith.index_cast %add3A_700 : i32 to index
        %swap3A_711 = arith.constant 0 : index
        %swap3A_712 = tpu.vector_load %arg20[%swap3A_710, %swap3A_711] {strides = array<i32>} : memref<128x16xf32, #tpu.memory_space<vmem>>, vector<1x16xf32>,
        %swap3A_713 = vector.shape_cast %swap3A_712 : vector<1x16xf32> to vector<16xf32>
        %swap3A_714 = vector.shape_cast %mul3A_709 : vector<16xf32> to vector<1x16xf32>
        tpu.vector_store %arg20[%swap3A_710, %swap3A_711], %swap3A_714 {strides = array<i32>} : memref<128x16xf32, #tpu.memory_space<vmem>>, vector<1x16xf32>,
      }
      %scan3A_396 = arith.constant 8 : i32
      %dma_start3A_397 = tpu.memref_slice %arg10[%add3A_373] : memref<100352xf32, #tpu.memory_space<vmem_shared>> -> memref<128xf32, #tpu.memory_space<vmem_shared>>
      %dma_start3A_398 = tpu.memref_slice %arg10[%add3A_373] : memref<100352xf32, #tpu.memory_space<vmem_shared>> -> memref<128xf32, #tpu.memory_space<vmem_shared>>
      tpu.enqueue_dma source(%arg19 : memref<128xf32, #tpu.memory_space<vmem>>) target(%dma_start3A_398 : memref<128xf32, #tpu.memory_space<vmem_shared>>) target_semaphore(%arg22 : memref<!tpu.dma_semaphore, #tpu.memory_space<semaphore_mem>>)
      %dma_start3A_399 = arith.constant 0 : i32
      %dma_start3A_400 = tpu.memref_slice %arg9[%add3A_373, %dma_start3A_399] : memref<100352x16xf32, #tpu.memory_space<vmem_shared>> -> memref<128x16xf32, #tpu.memory_space<vmem_shared>>
      %dma_start3A_401 = arith.constant 0 : i32
      %dma_start3A_402 = tpu.memref_slice %arg9[%add3A_373, %dma_start3A_401] : memref<100352x16xf32, #tpu.memory_space<vmem_shared>> -> memref<128x16xf32, #tpu.memory_space<vmem_shared>>
      tpu.enqueue_dma source(%arg20 : memref<128x16xf32, #tpu.memory_space<vmem>>) target(%dma_start3A_402 : memref<128x16xf32, #tpu.memory_space<vmem_shared>>) target_semaphore(%arg22 : memref<!tpu.dma_semaphore, #tpu.memory_space<semaphore_mem>>)
      %dma_wait3A_403 = tpu.memref_slice %arg10[%add3A_373] : memref<100352xf32, #tpu.memory_space<vmem_shared>> -> memref<128xf32, #tpu.memory_space<vmem_shared>>
      %dma_wait3A_404 = tpu.memref_slice %arg10[%add3A_373] : memref<100352xf32, #tpu.memory_space<vmem_shared>> -> memref<128xf32, #tpu.memory_space<vmem_shared>>
      tpu.wait_dma2 semaphore(%arg22 : memref<!tpu.dma_semaphore, #tpu.memory_space<semaphore_mem>>) src(%arg19 : memref<128xf32, #tpu.memory_space<vmem>>) dst(%dma_wait3A_404 : memref<128xf32, #tpu.memory_space<vmem_shared>>)
      %dma_wait3A_405 = arith.constant 0 : i32
      %dma_wait3A_406 = tpu.memref_slice %arg9[%add3A_373, %dma_wait3A_405] : memref<100352x16xf32, #tpu.memory_space<vmem_shared>> -> memref<128x16xf32, #tpu.memory_space<vmem_shared>>
      %dma_wait3A_407 = arith.constant 0 : i32
      %dma_wait3A_408 = tpu.memref_slice %arg9[%add3A_373, %dma_wait3A_407] : memref<100352x16xf32, #tpu.memory_space<vmem_shared>> -> memref<128x16xf32, #tpu.memory_space<vmem_shared>>
      tpu.wait_dma2 semaphore(%arg22 : memref<!tpu.dma_semaphore, #tpu.memory_space<semaphore_mem>>) src(%arg20 : memref<128x16xf32, #tpu.memory_space<vmem>>) dst(%dma_wait3A_408 : memref<128x16xf32, #tpu.memory_space<vmem_shared>>)
    }
    %scan3A_9 = arith.constant 49 : i32
    %barrier3A = arith.constant 0 : index
    tpu.barrier barrier_id(%barrier3A)
    %mul3A_10 = arith.constant 196 : i32
    %mul3A_11 = arith.muli %arg1, %mul3A_10 : i32
    %add3A = arith.constant 0 : i32
    %add3A_12 = arith.addi %mul3A_11, %add3A : i32
    %dma_start3A = arith.constant 0 : i32
    %dma_start3A_13 = arith.constant 0 : i32
    %dma_start3A_14 = tpu.memref_slice %arg11[%dma_start3A, %dma_start3A_13] : memref<2x512xi32, #tpu.memory_space<vmem>> -> memref<1x512xi32, #tpu.memory_space<vmem>>
    %dma_start3A_15 = tpu.memref_squeeze %dma_start3A_14 : memref<1x512xi32, #tpu.memory_space<vmem>> -> memref<512xi32, #tpu.memory_space<vmem>>
    %dma_start3A_16 = arith.constant 0 : i32
    %dma_start3A_17 = tpu.memref_slice %arg5[%add3A_12, %dma_start3A_16] : memref<3136x512xi32, #tpu.memory_space<hbm>> -> memref<1x512xi32, #tpu.memory_space<hbm>>
    %dma_start3A_18 = tpu.memref_squeeze %dma_start3A_17 : memref<1x512xi32, #tpu.memory_space<hbm>> -> memref<512xi32, #tpu.memory_space<hbm>>
    %dma_start3A_19 = arith.constant 0 : i32
    %dma_start3A_20 = tpu.memref_slice %arg11[%dma_start3A, %dma_start3A_19] : memref<2x512xi32, #tpu.memory_space<vmem>> -> memref<1x512xi32, #tpu.memory_space<vmem>>
    %dma_start3A_21 = tpu.memref_squeeze %dma_start3A_20 : memref<1x512xi32, #tpu.memory_space<vmem>> -> memref<512xi32, #tpu.memory_space<vmem>>
    %dma_start3A_22 = arith.constant 0 : i32
    %dma_start3A_23 = tpu.memref_slice %arg5[%add3A_12, %dma_start3A_22] : memref<3136x512xi32, #tpu.memory_space<hbm>> -> memref<1x512xi32, #tpu.memory_space<hbm>>
    %dma_start3A_24 = tpu.memref_squeeze %dma_start3A_23 : memref<1x512xi32, #tpu.memory_space<hbm>> -> memref<512xi32, #tpu.memory_space<hbm>>
    tpu.enqueue_dma source(%dma_start3A_24 : memref<512xi32, #tpu.memory_space<hbm>>) target(%dma_start3A_21 : memref<512xi32, #tpu.memory_space<vmem>>) target_semaphore(%arg22 : memref<!tpu.dma_semaphore, #tpu.memory_space<semaphore_mem>>)
    %dma_start3A_25 = arith.constant 0 : i32
    %dma_start3A_26 = arith.constant 0 : i32
    %dma_start3A_27 = tpu.memref_slice %arg12[%dma_start3A_25, %dma_start3A_26] : memref<2x512xi32, #tpu.memory_space<vmem>> -> memref<1x512xi32, #tpu.memory_space<vmem>>
    %dma_start3A_28 = tpu.memref_squeeze %dma_start3A_27 : memref<1x512xi32, #tpu.memory_space<vmem>> -> memref<512xi32, #tpu.memory_space<vmem>>
    %dma_start3A_29 = arith.constant 0 : i32
    %dma_start3A_30 = tpu.memref_slice %arg6[%add3A_12, %dma_start3A_29] : memref<3136x512xi32, #tpu.memory_space<hbm>> -> memref<1x512xi32, #tpu.memory_space<hbm>>
    %dma_start3A_31 = tpu.memref_squeeze %dma_start3A_30 : memref<1x512xi32, #tpu.memory_space<hbm>> -> memref<512xi32, #tpu.memory_space<hbm>>
    %dma_start3A_32 = arith.constant 0 : i32
    %dma_start3A_33 = tpu.memref_slice %arg12[%dma_start3A_25, %dma_start3A_32] : memref<2x512xi32, #tpu.memory_space<vmem>> -> memref<1x512xi32, #tpu.memory_space<vmem>>
    %dma_start3A_34 = tpu.memref_squeeze %dma_start3A_33 : memref<1x512xi32, #tpu.memory_space<vmem>> -> memref<512xi32, #tpu.memory_space<vmem>>
    %dma_start3A_35 = arith.constant 0 : i32
    %dma_start3A_36 = tpu.memref_slice %arg6[%add3A_12, %dma_start3A_35] : memref<3136x512xi32, #tpu.memory_space<hbm>> -> memref<1x512xi32, #tpu.memory_space<hbm>>
    %dma_start3A_37 = tpu.memref_squeeze %dma_start3A_36 : memref<1x512xi32, #tpu.memory_space<hbm>> -> memref<512xi32, #tpu.memory_space<hbm>>
    tpu.enqueue_dma source(%dma_start3A_37 : memref<512xi32, #tpu.memory_space<hbm>>) target(%dma_start3A_34 : memref<512xi32, #tpu.memory_space<vmem>>) target_semaphore(%arg22 : memref<!tpu.dma_semaphore, #tpu.memory_space<semaphore_mem>>)
    %dma_wait3A = arith.constant 0 : i32
    %dma_wait3A_38 = arith.constant 0 : i32
    %dma_wait3A_39 = tpu.memref_slice %arg11[%dma_wait3A, %dma_wait3A_38] : memref<2x512xi32, #tpu.memory_space<vmem>> -> memref<1x512xi32, #tpu.memory_space<vmem>>
    %dma_wait3A_40 = tpu.memref_squeeze %dma_wait3A_39 : memref<1x512xi32, #tpu.memory_space<vmem>> -> memref<512xi32, #tpu.memory_space<vmem>>
    %dma_wait3A_41 = arith.constant 0 : i32
    %dma_wait3A_42 = tpu.memref_slice %arg5[%add3A_12, %dma_wait3A_41] : memref<3136x512xi32, #tpu.memory_space<hbm>> -> memref<1x512xi32, #tpu.memory_space<hbm>>
    %dma_wait3A_43 = tpu.memref_squeeze %dma_wait3A_42 : memref<1x512xi32, #tpu.memory_space<hbm>> -> memref<512xi32, #tpu.memory_space<hbm>>
    %dma_wait3A_44 = arith.constant 0 : i32
    %dma_wait3A_45 = tpu.memref_slice %arg11[%dma_wait3A, %dma_wait3A_44] : memref<2x512xi32, #tpu.memory_space<vmem>> -> memref<1x512xi32, #tpu.memory_space<vmem>>
    %dma_wait3A_46 = tpu.memref_squeeze %dma_wait3A_45 : memref<1x512xi32, #tpu.memory_space<vmem>> -> memref<512xi32, #tpu.memory_space<vmem>>
    %dma_wait3A_47 = arith.constant 0 : i32
    %dma_wait3A_48 = tpu.memref_slice %arg5[%add3A_12, %dma_wait3A_47] : memref<3136x512xi32, #tpu.memory_space<hbm>> -> memref<1x512xi32, #tpu.memory_space<hbm>>
    %dma_wait3A_49 = tpu.memref_squeeze %dma_wait3A_48 : memref<1x512xi32, #tpu.memory_space<hbm>> -> memref<512xi32, #tpu.memory_space<hbm>>
    tpu.wait_dma2 semaphore(%arg22 : memref<!tpu.dma_semaphore, #tpu.memory_space<semaphore_mem>>) src(%dma_wait3A_49 : memref<512xi32, #tpu.memory_space<hbm>>) dst(%dma_wait3A_46 : memref<512xi32, #tpu.memory_space<vmem>>)
    %dma_wait3A_50 = arith.constant 0 : i32
    %dma_wait3A_51 = arith.constant 0 : i32
    %dma_wait3A_52 = tpu.memref_slice %arg12[%dma_wait3A_50, %dma_wait3A_51] : memref<2x512xi32, #tpu.memory_space<vmem>> -> memref<1x512xi32, #tpu.memory_space<vmem>>
    %dma_wait3A_53 = tpu.memref_squeeze %dma_wait3A_52 : memref<1x512xi32, #tpu.memory_space<vmem>> -> memref<512xi32, #tpu.memory_space<vmem>>
    %dma_wait3A_54 = arith.constant 0 : i32
    %dma_wait3A_55 = tpu.memref_slice %arg6[%add3A_12, %dma_wait3A_54] : memref<3136x512xi32, #tpu.memory_space<hbm>> -> memref<1x512xi32, #tpu.memory_space<hbm>>
    %dma_wait3A_56 = tpu.memref_squeeze %dma_wait3A_55 : memref<1x512xi32, #tpu.memory_space<hbm>> -> memref<512xi32, #tpu.memory_space<hbm>>
    %dma_wait3A_57 = arith.constant 0 : i32
    %dma_wait3A_58 = tpu.memref_slice %arg12[%dma_wait3A_50, %dma_wait3A_57] : memref<2x512xi32, #tpu.memory_space<vmem>> -> memref<1x512xi32, #tpu.memory_space<vmem>>
    %dma_wait3A_59 = tpu.memref_squeeze %dma_wait3A_58 : memref<1x512xi32, #tpu.memory_space<vmem>> -> memref<512xi32, #tpu.memory_space<vmem>>
    %dma_wait3A_60 = arith.constant 0 : i32
    %dma_wait3A_61 = tpu.memref_slice %arg6[%add3A_12, %dma_wait3A_60] : memref<3136x512xi32, #tpu.memory_space<hbm>> -> memref<1x512xi32, #tpu.memory_space<hbm>>
    %dma_wait3A_62 = tpu.memref_squeeze %dma_wait3A_61 : memref<1x512xi32, #tpu.memory_space<hbm>> -> memref<512xi32, #tpu.memory_space<hbm>>
    tpu.wait_dma2 semaphore(%arg22 : memref<!tpu.dma_semaphore, #tpu.memory_space<semaphore_mem>>) src(%dma_wait3A_62 : memref<512xi32, #tpu.memory_space<hbm>>) dst(%dma_wait3A_59 : memref<512xi32, #tpu.memory_space<vmem>>)
    %scan3A_63 = arith.constant 0 : i32
    %scan3A_64 = arith.constant 0 : i32
    %scan3A_65 = arith.constant 32 : i32
    %scan3A_66 = arith.addi %scan3A_64, %scan3A_65 : i32
    %scan3A_67 = arith.constant 1 : i32
    scf.for %scan3A_370 = %scan3A_64 to %scan3A_66 step %scan3A_67  : i32 {
      %mul3A_371 = arith.constant 16 : i32
      %mul3A_372 = arith.muli %scan3A_370, %mul3A_371 : i32
      %get3A_373 = arith.constant 0 : i32
      %get3A_374 = arith.index_cast %get3A_373 : i32 to index
      %get3A_375 = arith.index_cast %mul3A_372 : i32 to index
      %get3A_376 = tpu.vector_load %arg11[%get3A_374, %get3A_375] {strides = array<i32>} : memref<2x512xi32, #tpu.memory_space<vmem>>, vector<1x16xi32>,
      %get3A_377 = vector.shape_cast %get3A_376 : vector<1x16xi32> to vector<16xi32>
      %add3A_378 = vector.broadcast %mul3A_0 : i32 to vector<16xi32>
      %add3A_379 = arith.addi %get3A_377, %add3A_378 : vector<16xi32>
      %swap3A = arith.constant 0 : i32
      %swap3A_380 = arith.index_cast %swap3A : i32 to index
      %swap3A_381 = arith.index_cast %mul3A_372 : i32 to index
      %swap3A_382 = tpu.vector_load %arg13[%swap3A_380, %swap3A_381] {strides = array<i32>} : memref<2x512xi32, #tpu.memory_space<vmem>>, vector<1x16xi32>,
      %swap3A_383 = vector.shape_cast %swap3A_382 : vector<1x16xi32> to vector<16xi32>
      %swap3A_384 = vector.shape_cast %add3A_379 : vector<16xi32> to vector<1x16xi32>
      tpu.vector_store %arg13[%swap3A_380, %swap3A_381], %swap3A_384 {strides = array<i32>} : memref<2x512xi32, #tpu.memory_space<vmem>>, vector<1x16xi32>,
    }
    %scan3A_68 = arith.constant 32 : i32
    %dma_start3A_69 = arith.constant 0 : i32
    %dma_start3A_70 = arith.constant 0 : i32
    %dma_start3A_71 = arith.constant 0 : i32
    %dma_start3A_72 = tpu.memref_slice %arg14[%dma_start3A_70, %dma_start3A_71] : memref<2x512xf32, #tpu.memory_space<vmem>> -> memref<1x512xf32, #tpu.memory_space<vmem>>
    %dma_start3A_73 = tpu.memref_squeeze %dma_start3A_72 : memref<1x512xf32, #tpu.memory_space<vmem>> -> memref<512xf32, #tpu.memory_space<vmem>>
    %dma_start3A_74 = arith.constant 0 : i32
    %dma_start3A_75 = tpu.memref_slice %arg11[%dma_start3A_69, %dma_start3A_74] : memref<2x512xi32, #tpu.memory_space<vmem>> -> memref<1x512xi32, #tpu.memory_space<vmem>>
    %dma_start3A_76 = tpu.memref_squeeze %dma_start3A_75 : memref<1x512xi32, #tpu.memory_space<vmem>> -> memref<512xi32, #tpu.memory_space<vmem>>
    %dma_start3A_77 = arith.constant 0 : i32
    %dma_start3A_78 = tpu.memref_slice %arg2[%dma_start3A_77] : memref<100352xf32, #tpu.memory_space<hbm>> -> memref<100352xf32, #tpu.memory_space<hbm>>
    tpu.enqueue_indirect_dma source(%dma_start3A_78 : memref<100352xf32, #tpu.memory_space<hbm>>) target(%dma_start3A_73 : memref<512xf32, #tpu.memory_space<vmem>>) offsets(%dma_start3A_76 : memref<512xi32, #tpu.memory_space<vmem>>) semaphore(%arg23 : memref<!tpu.dma_semaphore, #tpu.memory_space<semaphore_mem>>)
    %dma_start3A_79 = arith.constant 0 : i32
    %dma_start3A_80 = arith.constant 0 : i32
    %dma_start3A_81 = arith.constant 0 : i32
    %dma_start3A_82 = tpu.memref_slice %arg15[%dma_start3A_80, %dma_start3A_81] : memref<2x512xf32, #tpu.memory_space<vmem>> -> memref<1x512xf32, #tpu.memory_space<vmem>>
    %dma_start3A_83 = tpu.memref_squeeze %dma_start3A_82 : memref<1x512xf32, #tpu.memory_space<vmem>> -> memref<512xf32, #tpu.memory_space<vmem>>
    %dma_start3A_84 = arith.constant 0 : i32
    %dma_start3A_85 = tpu.memref_slice %arg12[%dma_start3A_79, %dma_start3A_84] : memref<2x512xi32, #tpu.memory_space<vmem>> -> memref<1x512xi32, #tpu.memory_space<vmem>>
    %dma_start3A_86 = tpu.memref_squeeze %dma_start3A_85 : memref<1x512xi32, #tpu.memory_space<vmem>> -> memref<512xi32, #tpu.memory_space<vmem>>
    %dma_start3A_87 = arith.constant 0 : i32
    %dma_start3A_88 = tpu.memref_slice %arg3[%dma_start3A_87] : memref<100352xf32, #tpu.memory_space<hbm>> -> memref<100352xf32, #tpu.memory_space<hbm>>
    tpu.enqueue_indirect_dma source(%dma_start3A_88 : memref<100352xf32, #tpu.memory_space<hbm>>) target(%dma_start3A_83 : memref<512xf32, #tpu.memory_space<vmem>>) offsets(%dma_start3A_86 : memref<512xi32, #tpu.memory_space<vmem>>) semaphore(%arg23 : memref<!tpu.dma_semaphore, #tpu.memory_space<semaphore_mem>>)
    %dma_start3A_89 = arith.constant 0 : i32
    %dma_start3A_90 = arith.constant 0 : i32
    %dma_start3A_91 = arith.constant 0 : i32
    %dma_start3A_92 = arith.constant 0 : i32
    %dma_start3A_93 = tpu.memref_slice %arg16[%dma_start3A_90, %dma_start3A_91, %dma_start3A_92] : memref<2x512x16xf32, #tpu.memory_space<vmem>> -> memref<1x512x16xf32, #tpu.memory_space<vmem>>
    %dma_start3A_94 = tpu.memref_squeeze %dma_start3A_93 : memref<1x512x16xf32, #tpu.memory_space<vmem>> -> memref<512x16xf32, #tpu.memory_space<vmem>>
    %dma_start3A_95 = arith.constant 0 : i32
    %dma_start3A_96 = tpu.memref_slice %arg13[%dma_start3A_89, %dma_start3A_95] : memref<2x512xi32, #tpu.memory_space<vmem>> -> memref<1x512xi32, #tpu.memory_space<vmem>>
    %dma_start3A_97 = tpu.memref_squeeze %dma_start3A_96 : memref<1x512xi32, #tpu.memory_space<vmem>> -> memref<512xi32, #tpu.memory_space<vmem>>
    %dma_start3A_98 = arith.constant 0 : i32
    %dma_start3A_99 = arith.constant 0 : i32
    %dma_start3A_100 = tpu.memref_slice %arg4[%dma_start3A_98, %dma_start3A_99] : memref<200704x16xf32, #tpu.memory_space<hbm>> -> memref<200704x16xf32, #tpu.memory_space<hbm>>
    tpu.enqueue_indirect_dma source(%dma_start3A_100 : memref<200704x16xf32, #tpu.memory_space<hbm>>) target(%dma_start3A_94 : memref<512x16xf32, #tpu.memory_space<vmem>>) offsets(%dma_start3A_97 : memref<512xi32, #tpu.memory_space<vmem>>) semaphore(%arg23 : memref<!tpu.dma_semaphore, #tpu.memory_space<semaphore_mem>>)
    %dma_wait3A_101 = arith.constant 0 : i32
    %dma_wait3A_102 = arith.constant 0 : i32
    %dma_wait3A_103 = arith.constant 0 : i32
    %dma_wait3A_104 = tpu.memref_slice %arg14[%dma_wait3A_102, %dma_wait3A_103] : memref<2x512xf32, #tpu.memory_space<vmem>> -> memref<1x512xf32, #tpu.memory_space<vmem>>
    %dma_wait3A_105 = tpu.memref_squeeze %dma_wait3A_104 : memref<1x512xf32, #tpu.memory_space<vmem>> -> memref<512xf32, #tpu.memory_space<vmem>>
    %dma_wait3A_106 = arith.constant 0 : i32
    %dma_wait3A_107 = tpu.memref_slice %arg11[%dma_wait3A_101, %dma_wait3A_106] : memref<2x512xi32, #tpu.memory_space<vmem>> -> memref<1x512xi32, #tpu.memory_space<vmem>>
    %dma_wait3A_108 = tpu.memref_squeeze %dma_wait3A_107 : memref<1x512xi32, #tpu.memory_space<vmem>> -> memref<512xi32, #tpu.memory_space<vmem>>
    %dma_wait3A_109 = arith.constant 0 : i32
    %dma_wait3A_110 = tpu.memref_slice %arg2[%dma_wait3A_109] : memref<100352xf32, #tpu.memory_space<hbm>> -> memref<100352xf32, #tpu.memory_space<hbm>>
    tpu.wait_indirect_dma semaphore(%arg23 : memref<!tpu.dma_semaphore, #tpu.memory_space<semaphore_mem>>) src(%dma_wait3A_110 : memref<100352xf32, #tpu.memory_space<hbm>>) dst(%dma_wait3A_105 : memref<512xf32, #tpu.memory_space<vmem>>)
    %dma_wait3A_111 = arith.constant 0 : i32
    %dma_wait3A_112 = arith.constant 0 : i32
    %dma_wait3A_113 = arith.constant 0 : i32
    %dma_wait3A_114 = tpu.memref_slice %arg15[%dma_wait3A_112, %dma_wait3A_113] : memref<2x512xf32, #tpu.memory_space<vmem>> -> memref<1x512xf32, #tpu.memory_space<vmem>>
    %dma_wait3A_115 = tpu.memref_squeeze %dma_wait3A_114 : memref<1x512xf32, #tpu.memory_space<vmem>> -> memref<512xf32, #tpu.memory_space<vmem>>
    %dma_wait3A_116 = arith.constant 0 : i32
    %dma_wait3A_117 = tpu.memref_slice %arg12[%dma_wait3A_111, %dma_wait3A_116] : memref<2x512xi32, #tpu.memory_space<vmem>> -> memref<1x512xi32, #tpu.memory_space<vmem>>
    %dma_wait3A_118 = tpu.memref_squeeze %dma_wait3A_117 : memref<1x512xi32, #tpu.memory_space<vmem>> -> memref<512xi32, #tpu.memory_space<vmem>>
    %dma_wait3A_119 = arith.constant 0 : i32
    %dma_wait3A_120 = tpu.memref_slice %arg3[%dma_wait3A_119] : memref<100352xf32, #tpu.memory_space<hbm>> -> memref<100352xf32, #tpu.memory_space<hbm>>
    tpu.wait_indirect_dma semaphore(%arg23 : memref<!tpu.dma_semaphore, #tpu.memory_space<semaphore_mem>>) src(%dma_wait3A_120 : memref<100352xf32, #tpu.memory_space<hbm>>) dst(%dma_wait3A_115 : memref<512xf32, #tpu.memory_space<vmem>>)
    %dma_wait3A_121 = arith.constant 0 : i32
    %dma_wait3A_122 = arith.constant 0 : i32
    %dma_wait3A_123 = arith.constant 0 : i32
    %dma_wait3A_124 = arith.constant 0 : i32
    %dma_wait3A_125 = tpu.memref_slice %arg16[%dma_wait3A_122, %dma_wait3A_123, %dma_wait3A_124] : memref<2x512x16xf32, #tpu.memory_space<vmem>> -> memref<1x512x16xf32, #tpu.memory_space<vmem>>
    %dma_wait3A_126 = tpu.memref_squeeze %dma_wait3A_125 : memref<1x512x16xf32, #tpu.memory_space<vmem>> -> memref<512x16xf32, #tpu.memory_space<vmem>>
    %dma_wait3A_127 = arith.constant 0 : i32
    %dma_wait3A_128 = tpu.memref_slice %arg13[%dma_wait3A_121, %dma_wait3A_127] : memref<2x512xi32, #tpu.memory_space<vmem>> -> memref<1x512xi32, #tpu.memory_space<vmem>>
    %dma_wait3A_129 = tpu.memref_squeeze %dma_wait3A_128 : memref<1x512xi32, #tpu.memory_space<vmem>> -> memref<512xi32, #tpu.memory_space<vmem>>
    %dma_wait3A_130 = arith.constant 0 : i32
    %dma_wait3A_131 = arith.constant 0 : i32
    %dma_wait3A_132 = tpu.memref_slice %arg4[%dma_wait3A_130, %dma_wait3A_131] : memref<200704x16xf32, #tpu.memory_space<hbm>> -> memref<200704x16xf32, #tpu.memory_space<hbm>>
    tpu.wait_indirect_dma semaphore(%arg23 : memref<!tpu.dma_semaphore, #tpu.memory_space<semaphore_mem>>) src(%dma_wait3A_132 : memref<200704x16xf32, #tpu.memory_space<hbm>>) dst(%dma_wait3A_126 : memref<512x16xf32, #tpu.memory_space<vmem>>)
    %add3A_133 = arith.constant 1 : i32
    %add3A_134 = arith.addi %mul3A_11, %add3A_133 : i32
    %dma_start3A_135 = arith.constant 1 : i32
    %dma_start3A_136 = arith.constant 0 : i32
    %dma_start3A_137 = tpu.memref_slice %arg11[%dma_start3A_135, %dma_start3A_136] : memref<2x512xi32, #tpu.memory_space<vmem>> -> memref<1x512xi32, #tpu.memory_space<vmem>>
    %dma_start3A_138 = tpu.memref_squeeze %dma_start3A_137 : memref<1x512xi32, #tpu.memory_space<vmem>> -> memref<512xi32, #tpu.memory_space<vmem>>
    %dma_start3A_139 = arith.constant 0 : i32
    %dma_start3A_140 = tpu.memref_slice %arg5[%add3A_134, %dma_start3A_139] : memref<3136x512xi32, #tpu.memory_space<hbm>> -> memref<1x512xi32, #tpu.memory_space<hbm>>
    %dma_start3A_141 = tpu.memref_squeeze %dma_start3A_140 : memref<1x512xi32, #tpu.memory_space<hbm>> -> memref<512xi32, #tpu.memory_space<hbm>>
    %dma_start3A_142 = arith.constant 0 : i32
    %dma_start3A_143 = tpu.memref_slice %arg11[%dma_start3A_135, %dma_start3A_142] : memref<2x512xi32, #tpu.memory_space<vmem>> -> memref<1x512xi32, #tpu.memory_space<vmem>>
    %dma_start3A_144 = tpu.memref_squeeze %dma_start3A_143 : memref<1x512xi32, #tpu.memory_space<vmem>> -> memref<512xi32, #tpu.memory_space<vmem>>
    %dma_start3A_145 = arith.constant 0 : i32
    %dma_start3A_146 = tpu.memref_slice %arg5[%add3A_134, %dma_start3A_145] : memref<3136x512xi32, #tpu.memory_space<hbm>> -> memref<1x512xi32, #tpu.memory_space<hbm>>
    %dma_start3A_147 = tpu.memref_squeeze %dma_start3A_146 : memref<1x512xi32, #tpu.memory_space<hbm>> -> memref<512xi32, #tpu.memory_space<hbm>>
    tpu.enqueue_dma source(%dma_start3A_147 : memref<512xi32, #tpu.memory_space<hbm>>) target(%dma_start3A_144 : memref<512xi32, #tpu.memory_space<vmem>>) target_semaphore(%arg22 : memref<!tpu.dma_semaphore, #tpu.memory_space<semaphore_mem>>)
    %dma_start3A_148 = arith.constant 1 : i32
    %dma_start3A_149 = arith.constant 0 : i32
    %dma_start3A_150 = tpu.memref_slice %arg12[%dma_start3A_148, %dma_start3A_149] : memref<2x512xi32, #tpu.memory_space<vmem>> -> memref<1x512xi32, #tpu.memory_space<vmem>>
    %dma_start3A_151 = tpu.memref_squeeze %dma_start3A_150 : memref<1x512xi32, #tpu.memory_space<vmem>> -> memref<512xi32, #tpu.memory_space<vmem>>
    %dma_start3A_152 = arith.constant 0 : i32
    %dma_start3A_153 = tpu.memref_slice %arg6[%add3A_134, %dma_start3A_152] : memref<3136x512xi32, #tpu.memory_space<hbm>> -> memref<1x512xi32, #tpu.memory_space<hbm>>
    %dma_start3A_154 = tpu.memref_squeeze %dma_start3A_153 : memref<1x512xi32, #tpu.memory_space<hbm>> -> memref<512xi32, #tpu.memory_space<hbm>>
    %dma_start3A_155 = arith.constant 0 : i32
    %dma_start3A_156 = tpu.memref_slice %arg12[%dma_start3A_148, %dma_start3A_155] : memref<2x512xi32, #tpu.memory_space<vmem>> -> memref<1x512xi32, #tpu.memory_space<vmem>>
    %dma_start3A_157 = tpu.memref_squeeze %dma_start3A_156 : memref<1x512xi32, #tpu.memory_space<vmem>> -> memref<512xi32, #tpu.memory_space<vmem>>
    %dma_start3A_158 = arith.constant 0 : i32
    %dma_start3A_159 = tpu.memref_slice %arg6[%add3A_134, %dma_start3A_158] : memref<3136x512xi32, #tpu.memory_space<hbm>> -> memref<1x512xi32, #tpu.memory_space<hbm>>
    %dma_start3A_160 = tpu.memref_squeeze %dma_start3A_159 : memref<1x512xi32, #tpu.memory_space<hbm>> -> memref<512xi32, #tpu.memory_space<hbm>>
    tpu.enqueue_dma source(%dma_start3A_160 : memref<512xi32, #tpu.memory_space<hbm>>) target(%dma_start3A_157 : memref<512xi32, #tpu.memory_space<vmem>>) target_semaphore(%arg22 : memref<!tpu.dma_semaphore, #tpu.memory_space<semaphore_mem>>)
    %dma_wait3A_161 = arith.constant 1 : i32
    %dma_wait3A_162 = arith.constant 0 : i32
    %dma_wait3A_163 = tpu.memref_slice %arg11[%dma_wait3A_161, %dma_wait3A_162] : memref<2x512xi32, #tpu.memory_space<vmem>> -> memref<1x512xi32, #tpu.memory_space<vmem>>
    %dma_wait3A_164 = tpu.memref_squeeze %dma_wait3A_163 : memref<1x512xi32, #tpu.memory_space<vmem>> -> memref<512xi32, #tpu.memory_space<vmem>>
    %dma_wait3A_165 = arith.constant 0 : i32
    %dma_wait3A_166 = tpu.memref_slice %arg5[%add3A_134, %dma_wait3A_165] : memref<3136x512xi32, #tpu.memory_space<hbm>> -> memref<1x512xi32, #tpu.memory_space<hbm>>
    %dma_wait3A_167 = tpu.memref_squeeze %dma_wait3A_166 : memref<1x512xi32, #tpu.memory_space<hbm>> -> memref<512xi32, #tpu.memory_space<hbm>>
    %dma_wait3A_168 = arith.constant 0 : i32
    %dma_wait3A_169 = tpu.memref_slice %arg11[%dma_wait3A_161, %dma_wait3A_168] : memref<2x512xi32, #tpu.memory_space<vmem>> -> memref<1x512xi32, #tpu.memory_space<vmem>>
    %dma_wait3A_170 = tpu.memref_squeeze %dma_wait3A_169 : memref<1x512xi32, #tpu.memory_space<vmem>> -> memref<512xi32, #tpu.memory_space<vmem>>
    %dma_wait3A_171 = arith.constant 0 : i32
    %dma_wait3A_172 = tpu.memref_slice %arg5[%add3A_134, %dma_wait3A_171] : memref<3136x512xi32, #tpu.memory_space<hbm>> -> memref<1x512xi32, #tpu.memory_space<hbm>>
    %dma_wait3A_173 = tpu.memref_squeeze %dma_wait3A_172 : memref<1x512xi32, #tpu.memory_space<hbm>> -> memref<512xi32, #tpu.memory_space<hbm>>
    tpu.wait_dma2 semaphore(%arg22 : memref<!tpu.dma_semaphore, #tpu.memory_space<semaphore_mem>>) src(%dma_wait3A_173 : memref<512xi32, #tpu.memory_space<hbm>>) dst(%dma_wait3A_170 : memref<512xi32, #tpu.memory_space<vmem>>)
    %dma_wait3A_174 = arith.constant 1 : i32
    %dma_wait3A_175 = arith.constant 0 : i32
    %dma_wait3A_176 = tpu.memref_slice %arg12[%dma_wait3A_174, %dma_wait3A_175] : memref<2x512xi32, #tpu.memory_space<vmem>> -> memref<1x512xi32, #tpu.memory_space<vmem>>
    %dma_wait3A_177 = tpu.memref_squeeze %dma_wait3A_176 : memref<1x512xi32, #tpu.memory_space<vmem>> -> memref<512xi32, #tpu.memory_space<vmem>>
    %dma_wait3A_178 = arith.constant 0 : i32
    %dma_wait3A_179 = tpu.memref_slice %arg6[%add3A_134, %dma_wait3A_178] : memref<3136x512xi32, #tpu.memory_space<hbm>> -> memref<1x512xi32, #tpu.memory_space<hbm>>
    %dma_wait3A_180 = tpu.memref_squeeze %dma_wait3A_179 : memref<1x512xi32, #tpu.memory_space<hbm>> -> memref<512xi32, #tpu.memory_space<hbm>>
    %dma_wait3A_181 = arith.constant 0 : i32
    %dma_wait3A_182 = tpu.memref_slice %arg12[%dma_wait3A_174, %dma_wait3A_181] : memref<2x512xi32, #tpu.memory_space<vmem>> -> memref<1x512xi32, #tpu.memory_space<vmem>>
    %dma_wait3A_183 = tpu.memref_squeeze %dma_wait3A_182 : memref<1x512xi32, #tpu.memory_space<vmem>> -> memref<512xi32, #tpu.memory_space<vmem>>
    %dma_wait3A_184 = arith.constant 0 : i32
    %dma_wait3A_185 = tpu.memref_slice %arg6[%add3A_134, %dma_wait3A_184] : memref<3136x512xi32, #tpu.memory_space<hbm>> -> memref<1x512xi32, #tpu.memory_space<hbm>>
    %dma_wait3A_186 = tpu.memref_squeeze %dma_wait3A_185 : memref<1x512xi32, #tpu.memory_space<hbm>> -> memref<512xi32, #tpu.memory_space<hbm>>
    tpu.wait_dma2 semaphore(%arg22 : memref<!tpu.dma_semaphore, #tpu.memory_space<semaphore_mem>>) src(%dma_wait3A_186 : memref<512xi32, #tpu.memory_space<hbm>>) dst(%dma_wait3A_183 : memref<512xi32, #tpu.memory_space<vmem>>)
    %scan3A_187 = arith.constant 0 : i32
    %scan3A_188 = arith.constant 0 : i32
    %scan3A_189 = arith.constant 32 : i32
    %scan3A_190 = arith.addi %scan3A_188, %scan3A_189 : i32
    %scan3A_191 = arith.constant 1 : i32
    scf.for %scan3A_370 = %scan3A_188 to %scan3A_190 step %scan3A_191  : i32 {
      %mul3A_371 = arith.constant 16 : i32
      %mul3A_372 = arith.muli %scan3A_370, %mul3A_371 : i32
      %get3A_373 = arith.constant 1 : i32
      %get3A_374 = arith.index_cast %get3A_373 : i32 to index
      %get3A_375 = arith.index_cast %mul3A_372 : i32 to index
      %get3A_376 = tpu.vector_load %arg11[%get3A_374, %get3A_375] {strides = array<i32>} : memref<2x512xi32, #tpu.memory_space<vmem>>, vector<1x16xi32>,
      %get3A_377 = vector.shape_cast %get3A_376 : vector<1x16xi32> to vector<16xi32>
      %add3A_378 = vector.broadcast %mul3A_0 : i32 to vector<16xi32>
      %add3A_379 = arith.addi %get3A_377, %add3A_378 : vector<16xi32>
      %swap3A = arith.constant 1 : i32
      %swap3A_380 = arith.index_cast %swap3A : i32 to index
      %swap3A_381 = arith.index_cast %mul3A_372 : i32 to index
      %swap3A_382 = tpu.vector_load %arg13[%swap3A_380, %swap3A_381] {strides = array<i32>} : memref<2x512xi32, #tpu.memory_space<vmem>>, vector<1x16xi32>,
      %swap3A_383 = vector.shape_cast %swap3A_382 : vector<1x16xi32> to vector<16xi32>
      %swap3A_384 = vector.shape_cast %add3A_379 : vector<16xi32> to vector<1x16xi32>
      tpu.vector_store %arg13[%swap3A_380, %swap3A_381], %swap3A_384 {strides = array<i32>} : memref<2x512xi32, #tpu.memory_space<vmem>>, vector<1x16xi32>,
    }
    %scan3A_192 = arith.constant 32 : i32
    %dma_start3A_193 = arith.constant 1 : i32
    %dma_start3A_194 = arith.constant 1 : i32
    %dma_start3A_195 = arith.constant 0 : i32
    %dma_start3A_196 = tpu.memref_slice %arg14[%dma_start3A_194, %dma_start3A_195] : memref<2x512xf32, #tpu.memory_space<vmem>> -> memref<1x512xf32, #tpu.memory_space<vmem>>
    %dma_start3A_197 = tpu.memref_squeeze %dma_start3A_196 : memref<1x512xf32, #tpu.memory_space<vmem>> -> memref<512xf32, #tpu.memory_space<vmem>>
    %dma_start3A_198 = arith.constant 0 : i32
    %dma_start3A_199 = tpu.memref_slice %arg11[%dma_start3A_193, %dma_start3A_198] : memref<2x512xi32, #tpu.memory_space<vmem>> -> memref<1x512xi32, #tpu.memory_space<vmem>>
    %dma_start3A_200 = tpu.memref_squeeze %dma_start3A_199 : memref<1x512xi32, #tpu.memory_space<vmem>> -> memref<512xi32, #tpu.memory_space<vmem>>
    %dma_start3A_201 = arith.constant 0 : i32
    %dma_start3A_202 = tpu.memref_slice %arg2[%dma_start3A_201] : memref<100352xf32, #tpu.memory_space<hbm>> -> memref<100352xf32, #tpu.memory_space<hbm>>
    tpu.enqueue_indirect_dma source(%dma_start3A_202 : memref<100352xf32, #tpu.memory_space<hbm>>) target(%dma_start3A_197 : memref<512xf32, #tpu.memory_space<vmem>>) offsets(%dma_start3A_200 : memref<512xi32, #tpu.memory_space<vmem>>) semaphore(%arg23 : memref<!tpu.dma_semaphore, #tpu.memory_space<semaphore_mem>>)
    %dma_start3A_203 = arith.constant 1 : i32
    %dma_start3A_204 = arith.constant 1 : i32
    %dma_start3A_205 = arith.constant 0 : i32
    %dma_start3A_206 = tpu.memref_slice %arg15[%dma_start3A_204, %dma_start3A_205] : memref<2x512xf32, #tpu.memory_space<vmem>> -> memref<1x512xf32, #tpu.memory_space<vmem>>
    %dma_start3A_207 = tpu.memref_squeeze %dma_start3A_206 : memref<1x512xf32, #tpu.memory_space<vmem>> -> memref<512xf32, #tpu.memory_space<vmem>>
    %dma_start3A_208 = arith.constant 0 : i32
    %dma_start3A_209 = tpu.memref_slice %arg12[%dma_start3A_203, %dma_start3A_208] : memref<2x512xi32, #tpu.memory_space<vmem>> -> memref<1x512xi32, #tpu.memory_space<vmem>>
    %dma_start3A_210 = tpu.memref_squeeze %dma_start3A_209 : memref<1x512xi32, #tpu.memory_space<vmem>> -> memref<512xi32, #tpu.memory_space<vmem>>
    %dma_start3A_211 = arith.constant 0 : i32
    %dma_start3A_212 = tpu.memref_slice %arg3[%dma_start3A_211] : memref<100352xf32, #tpu.memory_space<hbm>> -> memref<100352xf32, #tpu.memory_space<hbm>>
    tpu.enqueue_indirect_dma source(%dma_start3A_212 : memref<100352xf32, #tpu.memory_space<hbm>>) target(%dma_start3A_207 : memref<512xf32, #tpu.memory_space<vmem>>) offsets(%dma_start3A_210 : memref<512xi32, #tpu.memory_space<vmem>>) semaphore(%arg23 : memref<!tpu.dma_semaphore, #tpu.memory_space<semaphore_mem>>)
    %dma_start3A_213 = arith.constant 1 : i32
    %dma_start3A_214 = arith.constant 1 : i32
    %dma_start3A_215 = arith.constant 0 : i32
    %dma_start3A_216 = arith.constant 0 : i32
    %dma_start3A_217 = tpu.memref_slice %arg16[%dma_start3A_214, %dma_start3A_215, %dma_start3A_216] : memref<2x512x16xf32, #tpu.memory_space<vmem>> -> memref<1x512x16xf32, #tpu.memory_space<vmem>>
    %dma_start3A_218 = tpu.memref_squeeze %dma_start3A_217 : memref<1x512x16xf32, #tpu.memory_space<vmem>> -> memref<512x16xf32, #tpu.memory_space<vmem>>
    %dma_start3A_219 = arith.constant 0 : i32
    %dma_start3A_220 = tpu.memref_slice %arg13[%dma_start3A_213, %dma_start3A_219] : memref<2x512xi32, #tpu.memory_space<vmem>> -> memref<1x512xi32, #tpu.memory_space<vmem>>
    %dma_start3A_221 = tpu.memref_squeeze %dma_start3A_220 : memref<1x512xi32, #tpu.memory_space<vmem>> -> memref<512xi32, #tpu.memory_space<vmem>>
    %dma_start3A_222 = arith.constant 0 : i32
    %dma_start3A_223 = arith.constant 0 : i32
    %dma_start3A_224 = tpu.memref_slice %arg4[%dma_start3A_222, %dma_start3A_223] : memref<200704x16xf32, #tpu.memory_space<hbm>> -> memref<200704x16xf32, #tpu.memory_space<hbm>>
    tpu.enqueue_indirect_dma source(%dma_start3A_224 : memref<200704x16xf32, #tpu.memory_space<hbm>>) target(%dma_start3A_218 : memref<512x16xf32, #tpu.memory_space<vmem>>) offsets(%dma_start3A_221 : memref<512xi32, #tpu.memory_space<vmem>>) semaphore(%arg23 : memref<!tpu.dma_semaphore, #tpu.memory_space<semaphore_mem>>)
    %scan3A_225 = arith.constant 0 : i32
    %scan3A_226 = arith.constant 0 : i32
    %scan3A_227 = arith.constant 32 : i32
    %scan3A_228 = arith.addi %scan3A_226, %scan3A_227 : i32
    %scan3A_229 = arith.constant 1 : i32
    scf.for %scan3A_370 = %scan3A_226 to %scan3A_228 step %scan3A_229  : i32 {
      %mul3A_371 = arith.constant 16 : i32
      %mul3A_372 = arith.muli %scan3A_370, %mul3A_371 : i32
      %get3A_373 = arith.constant 0 : i32
      %get3A_374 = arith.index_cast %get3A_373 : i32 to index
      %get3A_375 = arith.index_cast %mul3A_372 : i32 to index
      %get3A_376 = tpu.vector_load %arg14[%get3A_374, %get3A_375] {strides = array<i32>} : memref<2x512xf32, #tpu.memory_space<vmem>>, vector<1x16xf32>,
      %get3A_377 = vector.shape_cast %get3A_376 : vector<1x16xf32> to vector<16xf32>
      %get3A_378 = arith.constant 0 : i32
      %get3A_379 = arith.index_cast %get3A_378 : i32 to index
      %get3A_380 = arith.index_cast %mul3A_372 : i32 to index
      %get3A_381 = tpu.vector_load %arg15[%get3A_379, %get3A_380] {strides = array<i32>} : memref<2x512xf32, #tpu.memory_space<vmem>>, vector<1x16xf32>,
      %get3A_382 = vector.shape_cast %get3A_381 : vector<1x16xf32> to vector<16xf32>
      %add3A_383 = arith.addf %get3A_377, %get3A_382 : vector<16xf32>
      %mul3A_384 = arith.constant 2.000000e-01 : f32
      %mul3A_385 = vector.broadcast %mul3A_384 : f32 to vector<16xf32>
      %mul3A_386 = arith.mulf %add3A_383, %mul3A_385 : vector<16xf32>
      %max3A = arith.maximumf %add3A_383, %mul3A_386 : vector<16xf32>
      %sub3A = arith.subf %max3A, %get3A_2 : vector<16xf32>
      %exp3A = math.exp %sub3A : vector<16xf32>
      %swap3A = arith.constant 0 : i32
      %swap3A_387 = arith.index_cast %swap3A : i32 to index
      %swap3A_388 = arith.index_cast %mul3A_372 : i32 to index
      %swap3A_389 = tpu.vector_load %arg14[%swap3A_387, %swap3A_388] {strides = array<i32>} : memref<2x512xf32, #tpu.memory_space<vmem>>, vector<1x16xf32>,
      %swap3A_390 = vector.shape_cast %swap3A_389 : vector<1x16xf32> to vector<16xf32>
      %swap3A_391 = vector.shape_cast %exp3A : vector<16xf32> to vector<1x16xf32>
      tpu.vector_store %arg14[%swap3A_387, %swap3A_388], %swap3A_391 {strides = array<i32>} : memref<2x512xf32, #tpu.memory_space<vmem>>, vector<1x16xf32>,
      %mul3A_392 = arith.constant 16 : i32
      %mul3A_393 = arith.muli %scan3A_370, %mul3A_392 : i32
      %add3A_394 = arith.constant 0 : i32
      %add3A_395 = arith.addi %mul3A_393, %add3A_394 : i32
      %get3A_396 = arith.constant 0 : i32
      %get3A_397 = arith.index_cast %get3A_396 : i32 to index
      %get3A_398 = arith.index_cast %add3A_395 : i32 to index
      %get3A_399 = arith.constant 0 : index
      %get3A_400 = tpu.vector_load %arg16[%get3A_397, %get3A_398, %get3A_399] {strides = array<i32>} : memref<2x512x16xf32, #tpu.memory_space<vmem>>, vector<1x1x16xf32>,
      %get3A_401 = vector.shape_cast %get3A_400 : vector<1x1x16xf32> to vector<16xf32>
      %slice3A = vector.extract_strided_slice %exp3A {offsets = [0], sizes = [1], strides = [1]} : vector<16xf32> to vector<1xf32>
      %squeeze3A = vector.extract %slice3A[0] : f32 from vector<1xf32>
      %mul3A_402 = vector.broadcast %squeeze3A : f32 to vector<16xf32>
      %mul3A_403 = arith.mulf %get3A_401, %mul3A_402 : vector<16xf32>
      %swap3A_404 = arith.constant 0 : i32
      %swap3A_405 = arith.index_cast %swap3A_404 : i32 to index
      %swap3A_406 = arith.index_cast %add3A_395 : i32 to index
      %swap3A_407 = arith.constant 0 : index
      %swap3A_408 = tpu.vector_load %arg16[%swap3A_405, %swap3A_406, %swap3A_407] {strides = array<i32>} : memref<2x512x16xf32, #tpu.memory_space<vmem>>, vector<1x1x16xf32>,
      %swap3A_409 = vector.shape_cast %swap3A_408 : vector<1x1x16xf32> to vector<16xf32>
      %swap3A_410 = vector.shape_cast %mul3A_403 : vector<16xf32> to vector<1x1x16xf32>
      tpu.vector_store %arg16[%swap3A_405, %swap3A_406, %swap3A_407], %swap3A_410 {strides = array<i32>} : memref<2x512x16xf32, #tpu.memory_space<vmem>>, vector<1x1x16xf32>,
      %mul3A_411 = arith.constant 16 : i32
      %mul3A_412 = arith.muli %scan3A_370, %mul3A_411 : i32
      %add3A_413 = arith.constant 1 : i32
      %add3A_414 = arith.addi %mul3A_412, %add3A_413 : i32
      %get3A_415 = arith.constant 0 : i32
      %get3A_416 = arith.index_cast %get3A_415 : i32 to index
      %get3A_417 = arith.index_cast %add3A_414 : i32 to index
      %get3A_418 = arith.constant 0 : index
      %get3A_419 = tpu.vector_load %arg16[%get3A_416, %get3A_417, %get3A_418] {strides = array<i32>} : memref<2x512x16xf32, #tpu.memory_space<vmem>>, vector<1x1x16xf32>,
      %get3A_420 = vector.shape_cast %get3A_419 : vector<1x1x16xf32> to vector<16xf32>
      %slice3A_421 = vector.extract_strided_slice %exp3A {offsets = [1], sizes = [1], strides = [1]} : vector<16xf32> to vector<1xf32>
      %squeeze3A_422 = vector.extract %slice3A_421[0] : f32 from vector<1xf32>
      %mul3A_423 = vector.broadcast %squeeze3A_422 : f32 to vector<16xf32>
      %mul3A_424 = arith.mulf %get3A_420, %mul3A_423 : vector<16xf32>
      %swap3A_425 = arith.constant 0 : i32
      %swap3A_426 = arith.index_cast %swap3A_425 : i32 to index
      %swap3A_427 = arith.index_cast %add3A_414 : i32 to index
      %swap3A_428 = arith.constant 0 : index
      %swap3A_429 = tpu.vector_load %arg16[%swap3A_426, %swap3A_427, %swap3A_428] {strides = array<i32>} : memref<2x512x16xf32, #tpu.memory_space<vmem>>, vector<1x1x16xf32>,
      %swap3A_430 = vector.shape_cast %swap3A_429 : vector<1x1x16xf32> to vector<16xf32>
      %swap3A_431 = vector.shape_cast %mul3A_424 : vector<16xf32> to vector<1x1x16xf32>
      tpu.vector_store %arg16[%swap3A_426, %swap3A_427, %swap3A_428], %swap3A_431 {strides = array<i32>} : memref<2x512x16xf32, #tpu.memory_space<vmem>>, vector<1x1x16xf32>,
      %mul3A_432 = arith.constant 16 : i32
      %mul3A_433 = arith.muli %scan3A_370, %mul3A_432 : i32
      %add3A_434 = arith.constant 2 : i32
      %add3A_435 = arith.addi %mul3A_433, %add3A_434 : i32
      %get3A_436 = arith.constant 0 : i32
      %get3A_437 = arith.index_cast %get3A_436 : i32 to index
      %get3A_438 = arith.index_cast %add3A_435 : i32 to index
      %get3A_439 = arith.constant 0 : index
      %get3A_440 = tpu.vector_load %arg16[%get3A_437, %get3A_438, %get3A_439] {strides = array<i32>} : memref<2x512x16xf32, #tpu.memory_space<vmem>>, vector<1x1x16xf32>,
      %get3A_441 = vector.shape_cast %get3A_440 : vector<1x1x16xf32> to vector<16xf32>
      %slice3A_442 = vector.extract_strided_slice %exp3A {offsets = [2], sizes = [1], strides = [1]} : vector<16xf32> to vector<1xf32>
      %squeeze3A_443 = vector.extract %slice3A_442[0] : f32 from vector<1xf32>
      %mul3A_444 = vector.broadcast %squeeze3A_443 : f32 to vector<16xf32>
      %mul3A_445 = arith.mulf %get3A_441, %mul3A_444 : vector<16xf32>
      %swap3A_446 = arith.constant 0 : i32
      %swap3A_447 = arith.index_cast %swap3A_446 : i32 to index
      %swap3A_448 = arith.index_cast %add3A_435 : i32 to index
      %swap3A_449 = arith.constant 0 : index
      %swap3A_450 = tpu.vector_load %arg16[%swap3A_447, %swap3A_448, %swap3A_449] {strides = array<i32>} : memref<2x512x16xf32, #tpu.memory_space<vmem>>, vector<1x1x16xf32>,
      %swap3A_451 = vector.shape_cast %swap3A_450 : vector<1x1x16xf32> to vector<16xf32>
      %swap3A_452 = vector.shape_cast %mul3A_445 : vector<16xf32> to vector<1x1x16xf32>
      tpu.vector_store %arg16[%swap3A_447, %swap3A_448, %swap3A_449], %swap3A_452 {strides = array<i32>} : memref<2x512x16xf32, #tpu.memory_space<vmem>>, vector<1x1x16xf32>,
      %mul3A_453 = arith.constant 16 : i32
      %mul3A_454 = arith.muli %scan3A_370, %mul3A_453 : i32
      %add3A_455 = arith.constant 3 : i32
      %add3A_456 = arith.addi %mul3A_454, %add3A_455 : i32
      %get3A_457 = arith.constant 0 : i32
      %get3A_458 = arith.index_cast %get3A_457 : i32 to index
      %get3A_459 = arith.index_cast %add3A_456 : i32 to index
      %get3A_460 = arith.constant 0 : index
      %get3A_461 = tpu.vector_load %arg16[%get3A_458, %get3A_459, %get3A_460] {strides = array<i32>} : memref<2x512x16xf32, #tpu.memory_space<vmem>>, vector<1x1x16xf32>,
      %get3A_462 = vector.shape_cast %get3A_461 : vector<1x1x16xf32> to vector<16xf32>
      %slice3A_463 = vector.extract_strided_slice %exp3A {offsets = [3], sizes = [1], strides = [1]} : vector<16xf32> to vector<1xf32>
      %squeeze3A_464 = vector.extract %slice3A_463[0] : f32 from vector<1xf32>
      %mul3A_465 = vector.broadcast %squeeze3A_464 : f32 to vector<16xf32>
      %mul3A_466 = arith.mulf %get3A_462, %mul3A_465 : vector<16xf32>
      %swap3A_467 = arith.constant 0 : i32
      %swap3A_468 = arith.index_cast %swap3A_467 : i32 to index
      %swap3A_469 = arith.index_cast %add3A_456 : i32 to index
      %swap3A_470 = arith.constant 0 : index
      %swap3A_471 = tpu.vector_load %arg16[%swap3A_468, %swap3A_469, %swap3A_470] {strides = array<i32>} : memref<2x512x16xf32, #tpu.memory_space<vmem>>, vector<1x1x16xf32>,
      %swap3A_472 = vector.shape_cast %swap3A_471 : vector<1x1x16xf32> to vector<16xf32>
      %swap3A_473 = vector.shape_cast %mul3A_466 : vector<16xf32> to vector<1x1x16xf32>
      tpu.vector_store %arg16[%swap3A_468, %swap3A_469, %swap3A_470], %swap3A_473 {strides = array<i32>} : memref<2x512x16xf32, #tpu.memory_space<vmem>>, vector<1x1x16xf32>,
      %mul3A_474 = arith.constant 16 : i32
      %mul3A_475 = arith.muli %scan3A_370, %mul3A_474 : i32
      %add3A_476 = arith.constant 4 : i32
      %add3A_477 = arith.addi %mul3A_475, %add3A_476 : i32
      %get3A_478 = arith.constant 0 : i32
      %get3A_479 = arith.index_cast %get3A_478 : i32 to index
      %get3A_480 = arith.index_cast %add3A_477 : i32 to index
      %get3A_481 = arith.constant 0 : index
      %get3A_482 = tpu.vector_load %arg16[%get3A_479, %get3A_480, %get3A_481] {strides = array<i32>} : memref<2x512x16xf32, #tpu.memory_space<vmem>>, vector<1x1x16xf32>,
      %get3A_483 = vector.shape_cast %get3A_482 : vector<1x1x16xf32> to vector<16xf32>
      %slice3A_484 = vector.extract_strided_slice %exp3A {offsets = [4], sizes = [1], strides = [1]} : vector<16xf32> to vector<1xf32>
      %squeeze3A_485 = vector.extract %slice3A_484[0] : f32 from vector<1xf32>
      %mul3A_486 = vector.broadcast %squeeze3A_485 : f32 to vector<16xf32>
      %mul3A_487 = arith.mulf %get3A_483, %mul3A_486 : vector<16xf32>
      %swap3A_488 = arith.constant 0 : i32
      %swap3A_489 = arith.index_cast %swap3A_488 : i32 to index
      %swap3A_490 = arith.index_cast %add3A_477 : i32 to index
      %swap3A_491 = arith.constant 0 : index
      %swap3A_492 = tpu.vector_load %arg16[%swap3A_489, %swap3A_490, %swap3A_491] {strides = array<i32>} : memref<2x512x16xf32, #tpu.memory_space<vmem>>, vector<1x1x16xf32>,
      %swap3A_493 = vector.shape_cast %swap3A_492 : vector<1x1x16xf32> to vector<16xf32>
      %swap3A_494 = vector.shape_cast %mul3A_487 : vector<16xf32> to vector<1x1x16xf32>
      tpu.vector_store %arg16[%swap3A_489, %swap3A_490, %swap3A_491], %swap3A_494 {strides = array<i32>} : memref<2x512x16xf32, #tpu.memory_space<vmem>>, vector<1x1x16xf32>,
      %mul3A_495 = arith.constant 16 : i32
      %mul3A_496 = arith.muli %scan3A_370, %mul3A_495 : i32
      %add3A_497 = arith.constant 5 : i32
      %add3A_498 = arith.addi %mul3A_496, %add3A_497 : i32
      %get3A_499 = arith.constant 0 : i32
      %get3A_500 = arith.index_cast %get3A_499 : i32 to index
      %get3A_501 = arith.index_cast %add3A_498 : i32 to index
      %get3A_502 = arith.constant 0 : index
      %get3A_503 = tpu.vector_load %arg16[%get3A_500, %get3A_501, %get3A_502] {strides = array<i32>} : memref<2x512x16xf32, #tpu.memory_space<vmem>>, vector<1x1x16xf32>,
      %get3A_504 = vector.shape_cast %get3A_503 : vector<1x1x16xf32> to vector<16xf32>
      %slice3A_505 = vector.extract_strided_slice %exp3A {offsets = [5], sizes = [1], strides = [1]} : vector<16xf32> to vector<1xf32>
      %squeeze3A_506 = vector.extract %slice3A_505[0] : f32 from vector<1xf32>
      %mul3A_507 = vector.broadcast %squeeze3A_506 : f32 to vector<16xf32>
      %mul3A_508 = arith.mulf %get3A_504, %mul3A_507 : vector<16xf32>
      %swap3A_509 = arith.constant 0 : i32
      %swap3A_510 = arith.index_cast %swap3A_509 : i32 to index
      %swap3A_511 = arith.index_cast %add3A_498 : i32 to index
      %swap3A_512 = arith.constant 0 : index
      %swap3A_513 = tpu.vector_load %arg16[%swap3A_510, %swap3A_511, %swap3A_512] {strides = array<i32>} : memref<2x512x16xf32, #tpu.memory_space<vmem>>, vector<1x1x16xf32>,
      %swap3A_514 = vector.shape_cast %swap3A_513 : vector<1x1x16xf32> to vector<16xf32>
      %swap3A_515 = vector.shape_cast %mul3A_508 : vector<16xf32> to vector<1x1x16xf32>
      tpu.vector_store %arg16[%swap3A_510, %swap3A_511, %swap3A_512], %swap3A_515 {strides = array<i32>} : memref<2x512x16xf32, #tpu.memory_space<vmem>>, vector<1x1x16xf32>,
      %mul3A_516 = arith.constant 16 : i32
      %mul3A_517 = arith.muli %scan3A_370, %mul3A_516 : i32
      %add3A_518 = arith.constant 6 : i32
      %add3A_519 = arith.addi %mul3A_517, %add3A_518 : i32
      %get3A_520 = arith.constant 0 : i32
      %get3A_521 = arith.index_cast %get3A_520 : i32 to index
      %get3A_522 = arith.index_cast %add3A_519 : i32 to index
      %get3A_523 = arith.constant 0 : index
      %get3A_524 = tpu.vector_load %arg16[%get3A_521, %get3A_522, %get3A_523] {strides = array<i32>} : memref<2x512x16xf32, #tpu.memory_space<vmem>>, vector<1x1x16xf32>,
      %get3A_525 = vector.shape_cast %get3A_524 : vector<1x1x16xf32> to vector<16xf32>
      %slice3A_526 = vector.extract_strided_slice %exp3A {offsets = [6], sizes = [1], strides = [1]} : vector<16xf32> to vector<1xf32>
      %squeeze3A_527 = vector.extract %slice3A_526[0] : f32 from vector<1xf32>
      %mul3A_528 = vector.broadcast %squeeze3A_527 : f32 to vector<16xf32>
      %mul3A_529 = arith.mulf %get3A_525, %mul3A_528 : vector<16xf32>
      %swap3A_530 = arith.constant 0 : i32
      %swap3A_531 = arith.index_cast %swap3A_530 : i32 to index
      %swap3A_532 = arith.index_cast %add3A_519 : i32 to index
      %swap3A_533 = arith.constant 0 : index
      %swap3A_534 = tpu.vector_load %arg16[%swap3A_531, %swap3A_532, %swap3A_533] {strides = array<i32>} : memref<2x512x16xf32, #tpu.memory_space<vmem>>, vector<1x1x16xf32>,
      %swap3A_535 = vector.shape_cast %swap3A_534 : vector<1x1x16xf32> to vector<16xf32>
      %swap3A_536 = vector.shape_cast %mul3A_529 : vector<16xf32> to vector<1x1x16xf32>
      tpu.vector_store %arg16[%swap3A_531, %swap3A_532, %swap3A_533], %swap3A_536 {strides = array<i32>} : memref<2x512x16xf32, #tpu.memory_space<vmem>>, vector<1x1x16xf32>,
      %mul3A_537 = arith.constant 16 : i32
      %mul3A_538 = arith.muli %scan3A_370, %mul3A_537 : i32
      %add3A_539 = arith.constant 7 : i32
      %add3A_540 = arith.addi %mul3A_538, %add3A_539 : i32
      %get3A_541 = arith.constant 0 : i32
      %get3A_542 = arith.index_cast %get3A_541 : i32 to index
      %get3A_543 = arith.index_cast %add3A_540 : i32 to index
      %get3A_544 = arith.constant 0 : index
      %get3A_545 = tpu.vector_load %arg16[%get3A_542, %get3A_543, %get3A_544] {strides = array<i32>} : memref<2x512x16xf32, #tpu.memory_space<vmem>>, vector<1x1x16xf32>,
      %get3A_546 = vector.shape_cast %get3A_545 : vector<1x1x16xf32> to vector<16xf32>
      %slice3A_547 = vector.extract_strided_slice %exp3A {offsets = [7], sizes = [1], strides = [1]} : vector<16xf32> to vector<1xf32>
      %squeeze3A_548 = vector.extract %slice3A_547[0] : f32 from vector<1xf32>
      %mul3A_549 = vector.broadcast %squeeze3A_548 : f32 to vector<16xf32>
      %mul3A_550 = arith.mulf %get3A_546, %mul3A_549 : vector<16xf32>
      %swap3A_551 = arith.constant 0 : i32
      %swap3A_552 = arith.index_cast %swap3A_551 : i32 to index
      %swap3A_553 = arith.index_cast %add3A_540 : i32 to index
      %swap3A_554 = arith.constant 0 : index
      %swap3A_555 = tpu.vector_load %arg16[%swap3A_552, %swap3A_553, %swap3A_554] {strides = array<i32>} : memref<2x512x16xf32, #tpu.memory_space<vmem>>, vector<1x1x16xf32>,
      %swap3A_556 = vector.shape_cast %swap3A_555 : vector<1x1x16xf32> to vector<16xf32>
      %swap3A_557 = vector.shape_cast %mul3A_550 : vector<16xf32> to vector<1x1x16xf32>
      tpu.vector_store %arg16[%swap3A_552, %swap3A_553, %swap3A_554], %swap3A_557 {strides = array<i32>} : memref<2x512x16xf32, #tpu.memory_space<vmem>>, vector<1x1x16xf32>,
      %mul3A_558 = arith.constant 16 : i32
      %mul3A_559 = arith.muli %scan3A_370, %mul3A_558 : i32
      %add3A_560 = arith.constant 8 : i32
      %add3A_561 = arith.addi %mul3A_559, %add3A_560 : i32
      %get3A_562 = arith.constant 0 : i32
      %get3A_563 = arith.index_cast %get3A_562 : i32 to index
      %get3A_564 = arith.index_cast %add3A_561 : i32 to index
      %get3A_565 = arith.constant 0 : index
      %get3A_566 = tpu.vector_load %arg16[%get3A_563, %get3A_564, %get3A_565] {strides = array<i32>} : memref<2x512x16xf32, #tpu.memory_space<vmem>>, vector<1x1x16xf32>,
      %get3A_567 = vector.shape_cast %get3A_566 : vector<1x1x16xf32> to vector<16xf32>
      %slice3A_568 = vector.extract_strided_slice %exp3A {offsets = [8], sizes = [1], strides = [1]} : vector<16xf32> to vector<1xf32>
      %squeeze3A_569 = vector.extract %slice3A_568[0] : f32 from vector<1xf32>
      %mul3A_570 = vector.broadcast %squeeze3A_569 : f32 to vector<16xf32>
      %mul3A_571 = arith.mulf %get3A_567, %mul3A_570 : vector<16xf32>
      %swap3A_572 = arith.constant 0 : i32
      %swap3A_573 = arith.index_cast %swap3A_572 : i32 to index
      %swap3A_574 = arith.index_cast %add3A_561 : i32 to index
      %swap3A_575 = arith.constant 0 : index
      %swap3A_576 = tpu.vector_load %arg16[%swap3A_573, %swap3A_574, %swap3A_575] {strides = array<i32>} : memref<2x512x16xf32, #tpu.memory_space<vmem>>, vector<1x1x16xf32>,
      %swap3A_577 = vector.shape_cast %swap3A_576 : vector<1x1x16xf32> to vector<16xf32>
      %swap3A_578 = vector.shape_cast %mul3A_571 : vector<16xf32> to vector<1x1x16xf32>
      tpu.vector_store %arg16[%swap3A_573, %swap3A_574, %swap3A_575], %swap3A_578 {strides = array<i32>} : memref<2x512x16xf32, #tpu.memory_space<vmem>>, vector<1x1x16xf32>,
      %mul3A_579 = arith.constant 16 : i32
      %mul3A_580 = arith.muli %scan3A_370, %mul3A_579 : i32
      %add3A_581 = arith.constant 9 : i32
      %add3A_582 = arith.addi %mul3A_580, %add3A_581 : i32
      %get3A_583 = arith.constant 0 : i32
      %get3A_584 = arith.index_cast %get3A_583 : i32 to index
      %get3A_585 = arith.index_cast %add3A_582 : i32 to index
      %get3A_586 = arith.constant 0 : index
      %get3A_587 = tpu.vector_load %arg16[%get3A_584, %get3A_585, %get3A_586] {strides = array<i32>} : memref<2x512x16xf32, #tpu.memory_space<vmem>>, vector<1x1x16xf32>,
      %get3A_588 = vector.shape_cast %get3A_587 : vector<1x1x16xf32> to vector<16xf32>
      %slice3A_589 = vector.extract_strided_slice %exp3A {offsets = [9], sizes = [1], strides = [1]} : vector<16xf32> to vector<1xf32>
      %squeeze3A_590 = vector.extract %slice3A_589[0] : f32 from vector<1xf32>
      %mul3A_591 = vector.broadcast %squeeze3A_590 : f32 to vector<16xf32>
      %mul3A_592 = arith.mulf %get3A_588, %mul3A_591 : vector<16xf32>
      %swap3A_593 = arith.constant 0 : i32
      %swap3A_594 = arith.index_cast %swap3A_593 : i32 to index
      %swap3A_595 = arith.index_cast %add3A_582 : i32 to index
      %swap3A_596 = arith.constant 0 : index
      %swap3A_597 = tpu.vector_load %arg16[%swap3A_594, %swap3A_595, %swap3A_596] {strides = array<i32>} : memref<2x512x16xf32, #tpu.memory_space<vmem>>, vector<1x1x16xf32>,
      %swap3A_598 = vector.shape_cast %swap3A_597 : vector<1x1x16xf32> to vector<16xf32>
      %swap3A_599 = vector.shape_cast %mul3A_592 : vector<16xf32> to vector<1x1x16xf32>
      tpu.vector_store %arg16[%swap3A_594, %swap3A_595, %swap3A_596], %swap3A_599 {strides = array<i32>} : memref<2x512x16xf32, #tpu.memory_space<vmem>>, vector<1x1x16xf32>,
      %mul3A_600 = arith.constant 16 : i32
      %mul3A_601 = arith.muli %scan3A_370, %mul3A_600 : i32
      %add3A_602 = arith.constant 10 : i32
      %add3A_603 = arith.addi %mul3A_601, %add3A_602 : i32
      %get3A_604 = arith.constant 0 : i32
      %get3A_605 = arith.index_cast %get3A_604 : i32 to index
      %get3A_606 = arith.index_cast %add3A_603 : i32 to index
      %get3A_607 = arith.constant 0 : index
      %get3A_608 = tpu.vector_load %arg16[%get3A_605, %get3A_606, %get3A_607] {strides = array<i32>} : memref<2x512x16xf32, #tpu.memory_space<vmem>>, vector<1x1x16xf32>,
      %get3A_609 = vector.shape_cast %get3A_608 : vector<1x1x16xf32> to vector<16xf32>
      %slice3A_610 = vector.extract_strided_slice %exp3A {offsets = [10], sizes = [1], strides = [1]} : vector<16xf32> to vector<1xf32>
      %squeeze3A_611 = vector.extract %slice3A_610[0] : f32 from vector<1xf32>
      %mul3A_612 = vector.broadcast %squeeze3A_611 : f32 to vector<16xf32>
      %mul3A_613 = arith.mulf %get3A_609, %mul3A_612 : vector<16xf32>
      %swap3A_614 = arith.constant 0 : i32
      %swap3A_615 = arith.index_cast %swap3A_614 : i32 to index
      %swap3A_616 = arith.index_cast %add3A_603 : i32 to index
      %swap3A_617 = arith.constant 0 : index
      %swap3A_618 = tpu.vector_load %arg16[%swap3A_615, %swap3A_616, %swap3A_617] {strides = array<i32>} : memref<2x512x16xf32, #tpu.memory_space<vmem>>, vector<1x1x16xf32>,
      %swap3A_619 = vector.shape_cast %swap3A_618 : vector<1x1x16xf32> to vector<16xf32>
      %swap3A_620 = vector.shape_cast %mul3A_613 : vector<16xf32> to vector<1x1x16xf32>
      tpu.vector_store %arg16[%swap3A_615, %swap3A_616, %swap3A_617], %swap3A_620 {strides = array<i32>} : memref<2x512x16xf32, #tpu.memory_space<vmem>>, vector<1x1x16xf32>,
      %mul3A_621 = arith.constant 16 : i32
      %mul3A_622 = arith.muli %scan3A_370, %mul3A_621 : i32
      %add3A_623 = arith.constant 11 : i32
      %add3A_624 = arith.addi %mul3A_622, %add3A_623 : i32
      %get3A_625 = arith.constant 0 : i32
      %get3A_626 = arith.index_cast %get3A_625 : i32 to index
      %get3A_627 = arith.index_cast %add3A_624 : i32 to index
      %get3A_628 = arith.constant 0 : index
      %get3A_629 = tpu.vector_load %arg16[%get3A_626, %get3A_627, %get3A_628] {strides = array<i32>} : memref<2x512x16xf32, #tpu.memory_space<vmem>>, vector<1x1x16xf32>,
      %get3A_630 = vector.shape_cast %get3A_629 : vector<1x1x16xf32> to vector<16xf32>
      %slice3A_631 = vector.extract_strided_slice %exp3A {offsets = [11], sizes = [1], strides = [1]} : vector<16xf32> to vector<1xf32>
      %squeeze3A_632 = vector.extract %slice3A_631[0] : f32 from vector<1xf32>
      %mul3A_633 = vector.broadcast %squeeze3A_632 : f32 to vector<16xf32>
      %mul3A_634 = arith.mulf %get3A_630, %mul3A_633 : vector<16xf32>
      %swap3A_635 = arith.constant 0 : i32
      %swap3A_636 = arith.index_cast %swap3A_635 : i32 to index
      %swap3A_637 = arith.index_cast %add3A_624 : i32 to index
      %swap3A_638 = arith.constant 0 : index
      %swap3A_639 = tpu.vector_load %arg16[%swap3A_636, %swap3A_637, %swap3A_638] {strides = array<i32>} : memref<2x512x16xf32, #tpu.memory_space<vmem>>, vector<1x1x16xf32>,
      %swap3A_640 = vector.shape_cast %swap3A_639 : vector<1x1x16xf32> to vector<16xf32>
      %swap3A_641 = vector.shape_cast %mul3A_634 : vector<16xf32> to vector<1x1x16xf32>
      tpu.vector_store %arg16[%swap3A_636, %swap3A_637, %swap3A_638], %swap3A_641 {strides = array<i32>} : memref<2x512x16xf32, #tpu.memory_space<vmem>>, vector<1x1x16xf32>,
      %mul3A_642 = arith.constant 16 : i32
      %mul3A_643 = arith.muli %scan3A_370, %mul3A_642 : i32
      %add3A_644 = arith.constant 12 : i32
      %add3A_645 = arith.addi %mul3A_643, %add3A_644 : i32
      %get3A_646 = arith.constant 0 : i32
      %get3A_647 = arith.index_cast %get3A_646 : i32 to index
      %get3A_648 = arith.index_cast %add3A_645 : i32 to index
      %get3A_649 = arith.constant 0 : index
      %get3A_650 = tpu.vector_load %arg16[%get3A_647, %get3A_648, %get3A_649] {strides = array<i32>} : memref<2x512x16xf32, #tpu.memory_space<vmem>>, vector<1x1x16xf32>,
      %get3A_651 = vector.shape_cast %get3A_650 : vector<1x1x16xf32> to vector<16xf32>
      %slice3A_652 = vector.extract_strided_slice %exp3A {offsets = [12], sizes = [1], strides = [1]} : vector<16xf32> to vector<1xf32>
      %squeeze3A_653 = vector.extract %slice3A_652[0] : f32 from vector<1xf32>
      %mul3A_654 = vector.broadcast %squeeze3A_653 : f32 to vector<16xf32>
      %mul3A_655 = arith.mulf %get3A_651, %mul3A_654 : vector<16xf32>
      %swap3A_656 = arith.constant 0 : i32
      %swap3A_657 = arith.index_cast %swap3A_656 : i32 to index
      %swap3A_658 = arith.index_cast %add3A_645 : i32 to index
      %swap3A_659 = arith.constant 0 : index
      %swap3A_660 = tpu.vector_load %arg16[%swap3A_657, %swap3A_658, %swap3A_659] {strides = array<i32>} : memref<2x512x16xf32, #tpu.memory_space<vmem>>, vector<1x1x16xf32>,
      %swap3A_661 = vector.shape_cast %swap3A_660 : vector<1x1x16xf32> to vector<16xf32>
      %swap3A_662 = vector.shape_cast %mul3A_655 : vector<16xf32> to vector<1x1x16xf32>
      tpu.vector_store %arg16[%swap3A_657, %swap3A_658, %swap3A_659], %swap3A_662 {strides = array<i32>} : memref<2x512x16xf32, #tpu.memory_space<vmem>>, vector<1x1x16xf32>,
      %mul3A_663 = arith.constant 16 : i32
      %mul3A_664 = arith.muli %scan3A_370, %mul3A_663 : i32
      %add3A_665 = arith.constant 13 : i32
      %add3A_666 = arith.addi %mul3A_664, %add3A_665 : i32
      %get3A_667 = arith.constant 0 : i32
      %get3A_668 = arith.index_cast %get3A_667 : i32 to index
      %get3A_669 = arith.index_cast %add3A_666 : i32 to index
      %get3A_670 = arith.constant 0 : index
      %get3A_671 = tpu.vector_load %arg16[%get3A_668, %get3A_669, %get3A_670] {strides = array<i32>} : memref<2x512x16xf32, #tpu.memory_space<vmem>>, vector<1x1x16xf32>,
      %get3A_672 = vector.shape_cast %get3A_671 : vector<1x1x16xf32> to vector<16xf32>
      %slice3A_673 = vector.extract_strided_slice %exp3A {offsets = [13], sizes = [1], strides = [1]} : vector<16xf32> to vector<1xf32>
      %squeeze3A_674 = vector.extract %slice3A_673[0] : f32 from vector<1xf32>
      %mul3A_675 = vector.broadcast %squeeze3A_674 : f32 to vector<16xf32>
      %mul3A_676 = arith.mulf %get3A_672, %mul3A_675 : vector<16xf32>
      %swap3A_677 = arith.constant 0 : i32
      %swap3A_678 = arith.index_cast %swap3A_677 : i32 to index
      %swap3A_679 = arith.index_cast %add3A_666 : i32 to index
      %swap3A_680 = arith.constant 0 : index
      %swap3A_681 = tpu.vector_load %arg16[%swap3A_678, %swap3A_679, %swap3A_680] {strides = array<i32>} : memref<2x512x16xf32, #tpu.memory_space<vmem>>, vector<1x1x16xf32>,
      %swap3A_682 = vector.shape_cast %swap3A_681 : vector<1x1x16xf32> to vector<16xf32>
      %swap3A_683 = vector.shape_cast %mul3A_676 : vector<16xf32> to vector<1x1x16xf32>
      tpu.vector_store %arg16[%swap3A_678, %swap3A_679, %swap3A_680], %swap3A_683 {strides = array<i32>} : memref<2x512x16xf32, #tpu.memory_space<vmem>>, vector<1x1x16xf32>,
      %mul3A_684 = arith.constant 16 : i32
      %mul3A_685 = arith.muli %scan3A_370, %mul3A_684 : i32
      %add3A_686 = arith.constant 14 : i32
      %add3A_687 = arith.addi %mul3A_685, %add3A_686 : i32
      %get3A_688 = arith.constant 0 : i32
      %get3A_689 = arith.index_cast %get3A_688 : i32 to index
      %get3A_690 = arith.index_cast %add3A_687 : i32 to index
      %get3A_691 = arith.constant 0 : index
      %get3A_692 = tpu.vector_load %arg16[%get3A_689, %get3A_690, %get3A_691] {strides = array<i32>} : memref<2x512x16xf32, #tpu.memory_space<vmem>>, vector<1x1x16xf32>,
      %get3A_693 = vector.shape_cast %get3A_692 : vector<1x1x16xf32> to vector<16xf32>
      %slice3A_694 = vector.extract_strided_slice %exp3A {offsets = [14], sizes = [1], strides = [1]} : vector<16xf32> to vector<1xf32>
      %squeeze3A_695 = vector.extract %slice3A_694[0] : f32 from vector<1xf32>
      %mul3A_696 = vector.broadcast %squeeze3A_695 : f32 to vector<16xf32>
      %mul3A_697 = arith.mulf %get3A_693, %mul3A_696 : vector<16xf32>
      %swap3A_698 = arith.constant 0 : i32
      %swap3A_699 = arith.index_cast %swap3A_698 : i32 to index
      %swap3A_700 = arith.index_cast %add3A_687 : i32 to index
      %swap3A_701 = arith.constant 0 : index
      %swap3A_702 = tpu.vector_load %arg16[%swap3A_699, %swap3A_700, %swap3A_701] {strides = array<i32>} : memref<2x512x16xf32, #tpu.memory_space<vmem>>, vector<1x1x16xf32>,
      %swap3A_703 = vector.shape_cast %swap3A_702 : vector<1x1x16xf32> to vector<16xf32>
      %swap3A_704 = vector.shape_cast %mul3A_697 : vector<16xf32> to vector<1x1x16xf32>
      tpu.vector_store %arg16[%swap3A_699, %swap3A_700, %swap3A_701], %swap3A_704 {strides = array<i32>} : memref<2x512x16xf32, #tpu.memory_space<vmem>>, vector<1x1x16xf32>,
      %mul3A_705 = arith.constant 16 : i32
      %mul3A_706 = arith.muli %scan3A_370, %mul3A_705 : i32
      %add3A_707 = arith.constant 15 : i32
      %add3A_708 = arith.addi %mul3A_706, %add3A_707 : i32
      %get3A_709 = arith.constant 0 : i32
      %get3A_710 = arith.index_cast %get3A_709 : i32 to index
      %get3A_711 = arith.index_cast %add3A_708 : i32 to index
      %get3A_712 = arith.constant 0 : index
      %get3A_713 = tpu.vector_load %arg16[%get3A_710, %get3A_711, %get3A_712] {strides = array<i32>} : memref<2x512x16xf32, #tpu.memory_space<vmem>>, vector<1x1x16xf32>,
      %get3A_714 = vector.shape_cast %get3A_713 : vector<1x1x16xf32> to vector<16xf32>
      %slice3A_715 = vector.extract_strided_slice %exp3A {offsets = [15], sizes = [1], strides = [1]} : vector<16xf32> to vector<1xf32>
      %squeeze3A_716 = vector.extract %slice3A_715[0] : f32 from vector<1xf32>
      %mul3A_717 = vector.broadcast %squeeze3A_716 : f32 to vector<16xf32>
      %mul3A_718 = arith.mulf %get3A_714, %mul3A_717 : vector<16xf32>
      %swap3A_719 = arith.constant 0 : i32
      %swap3A_720 = arith.index_cast %swap3A_719 : i32 to index
      %swap3A_721 = arith.index_cast %add3A_708 : i32 to index
      %swap3A_722 = arith.constant 0 : index
      %swap3A_723 = tpu.vector_load %arg16[%swap3A_720, %swap3A_721, %swap3A_722] {strides = array<i32>} : memref<2x512x16xf32, #tpu.memory_space<vmem>>, vector<1x1x16xf32>,
      %swap3A_724 = vector.shape_cast %swap3A_723 : vector<1x1x16xf32> to vector<16xf32>
      %swap3A_725 = vector.shape_cast %mul3A_718 : vector<16xf32> to vector<1x1x16xf32>
      tpu.vector_store %arg16[%swap3A_720, %swap3A_721, %swap3A_722], %swap3A_725 {strides = array<i32>} : memref<2x512x16xf32, #tpu.memory_space<vmem>>, vector<1x1x16xf32>,
    }
    %scan3A_230 = arith.constant 32 : i32
    %dma_start3A_231 = arith.constant 0 : i32
    %dma_start3A_232 = arith.constant 0 : i32
    %dma_start3A_233 = arith.constant 0 : i32
    %dma_start3A_234 = tpu.memref_slice %arg14[%dma_start3A_231, %dma_start3A_233] : memref<2x512xf32, #tpu.memory_space<vmem>> -> memref<1x512xf32, #tpu.memory_space<vmem>>
    %dma_start3A_235 = tpu.memref_squeeze %dma_start3A_234 : memref<1x512xf32, #tpu.memory_space<vmem>> -> memref<512xf32, #tpu.memory_space<vmem>>
    %dma_start3A_236 = arith.constant 0 : i32
    %dma_start3A_237 = tpu.memref_slice %arg12[%dma_start3A_232, %dma_start3A_236] : memref<2x512xi32, #tpu.memory_space<vmem>> -> memref<1x512xi32, #tpu.memory_space<vmem>>
    %dma_start3A_238 = tpu.memref_squeeze %dma_start3A_237 : memref<1x512xi32, #tpu.memory_space<vmem>> -> memref<512xi32, #tpu.memory_space<vmem>>
    %dma_start3A_239 = arith.constant 0 : i32
    %dma_start3A_240 = tpu.memref_slice %arg10[%dma_start3A_239] : memref<100352xf32, #tpu.memory_space<vmem_shared>> -> memref<100352xf32, #tpu.memory_space<vmem_shared>>
    tpu.enqueue_indirect_dma source(%dma_start3A_235 : memref<512xf32, #tpu.memory_space<vmem>>) target(%dma_start3A_240 : memref<100352xf32, #tpu.memory_space<vmem_shared>>) offsets(%dma_start3A_238 : memref<512xi32, #tpu.memory_space<vmem>>) semaphore(%arg24 : memref<!tpu.dma_semaphore, #tpu.memory_space<semaphore_mem>>) {add = true}
    %dma_start3A_241 = arith.constant 0 : i32
    %dma_start3A_242 = arith.constant 0 : i32
    %dma_start3A_243 = arith.constant 0 : i32
    %dma_start3A_244 = arith.constant 0 : i32
    %dma_start3A_245 = tpu.memref_slice %arg16[%dma_start3A_241, %dma_start3A_243, %dma_start3A_244] : memref<2x512x16xf32, #tpu.memory_space<vmem>> -> memref<1x512x16xf32, #tpu.memory_space<vmem>>
    %dma_start3A_246 = tpu.memref_squeeze %dma_start3A_245 : memref<1x512x16xf32, #tpu.memory_space<vmem>> -> memref<512x16xf32, #tpu.memory_space<vmem>>
    %dma_start3A_247 = arith.constant 0 : i32
    %dma_start3A_248 = tpu.memref_slice %arg12[%dma_start3A_242, %dma_start3A_247] : memref<2x512xi32, #tpu.memory_space<vmem>> -> memref<1x512xi32, #tpu.memory_space<vmem>>
    %dma_start3A_249 = tpu.memref_squeeze %dma_start3A_248 : memref<1x512xi32, #tpu.memory_space<vmem>> -> memref<512xi32, #tpu.memory_space<vmem>>
    %dma_start3A_250 = arith.constant 0 : i32
    %dma_start3A_251 = arith.constant 0 : i32
    %dma_start3A_252 = tpu.memref_slice %arg9[%dma_start3A_250, %dma_start3A_251] : memref<100352x16xf32, #tpu.memory_space<vmem_shared>> -> memref<100352x16xf32, #tpu.memory_space<vmem_shared>>
    tpu.enqueue_indirect_dma source(%dma_start3A_246 : memref<512x16xf32, #tpu.memory_space<vmem>>) target(%dma_start3A_252 : memref<100352x16xf32, #tpu.memory_space<vmem_shared>>) offsets(%dma_start3A_249 : memref<512xi32, #tpu.memory_space<vmem>>) semaphore(%arg24 : memref<!tpu.dma_semaphore, #tpu.memory_space<semaphore_mem>>) {add = true}
    %scan3A_253 = arith.constant 0 : i32
    %scan3A_254 = arith.constant 0 : i32
    %scan3A_255 = arith.constant 97 : i32
    %scan3A_256 = arith.addi %scan3A_254, %scan3A_255 : i32
    %scan3A_257 = arith.constant 1 : i32
    scf.for %scan3A_370 = %scan3A_254 to %scan3A_256 step %scan3A_257  : i32 {
      %mul3A_371 = arith.constant 2 : i32
      %mul3A_372 = arith.muli %mul3A_371, %scan3A_370 : i32
      %add3A_373 = arith.constant 1 : i32
      %add3A_374 = arith.addi %mul3A_372, %add3A_373 : i32
      %dma_wait3A_375 = arith.constant 1 : i32
      %dma_wait3A_376 = arith.constant 1 : i32
      %dma_wait3A_377 = arith.constant 0 : i32
      %dma_wait3A_378 = tpu.memref_slice %arg14[%dma_wait3A_376, %dma_wait3A_377] : memref<2x512xf32, #tpu.memory_space<vmem>> -> memref<1x512xf32, #tpu.memory_space<vmem>>
      %dma_wait3A_379 = tpu.memref_squeeze %dma_wait3A_378 : memref<1x512xf32, #tpu.memory_space<vmem>> -> memref<512xf32, #tpu.memory_space<vmem>>
      %dma_wait3A_380 = arith.constant 0 : i32
      %dma_wait3A_381 = tpu.memref_slice %arg11[%dma_wait3A_375, %dma_wait3A_380] : memref<2x512xi32, #tpu.memory_space<vmem>> -> memref<1x512xi32, #tpu.memory_space<vmem>>
      %dma_wait3A_382 = tpu.memref_squeeze %dma_wait3A_381 : memref<1x512xi32, #tpu.memory_space<vmem>> -> memref<512xi32, #tpu.memory_space<vmem>>
      %dma_wait3A_383 = arith.constant 0 : i32
      %dma_wait3A_384 = tpu.memref_slice %arg2[%dma_wait3A_383] : memref<100352xf32, #tpu.memory_space<hbm>> -> memref<100352xf32, #tpu.memory_space<hbm>>
      tpu.wait_indirect_dma semaphore(%arg23 : memref<!tpu.dma_semaphore, #tpu.memory_space<semaphore_mem>>) src(%dma_wait3A_384 : memref<100352xf32, #tpu.memory_space<hbm>>) dst(%dma_wait3A_379 : memref<512xf32, #tpu.memory_space<vmem>>)
      %dma_wait3A_385 = arith.constant 1 : i32
      %dma_wait3A_386 = arith.constant 1 : i32
      %dma_wait3A_387 = arith.constant 0 : i32
      %dma_wait3A_388 = tpu.memref_slice %arg15[%dma_wait3A_386, %dma_wait3A_387] : memref<2x512xf32, #tpu.memory_space<vmem>> -> memref<1x512xf32, #tpu.memory_space<vmem>>
      %dma_wait3A_389 = tpu.memref_squeeze %dma_wait3A_388 : memref<1x512xf32, #tpu.memory_space<vmem>> -> memref<512xf32, #tpu.memory_space<vmem>>
      %dma_wait3A_390 = arith.constant 0 : i32
      %dma_wait3A_391 = tpu.memref_slice %arg12[%dma_wait3A_385, %dma_wait3A_390] : memref<2x512xi32, #tpu.memory_space<vmem>> -> memref<1x512xi32, #tpu.memory_space<vmem>>
      %dma_wait3A_392 = tpu.memref_squeeze %dma_wait3A_391 : memref<1x512xi32, #tpu.memory_space<vmem>> -> memref<512xi32, #tpu.memory_space<vmem>>
      %dma_wait3A_393 = arith.constant 0 : i32
      %dma_wait3A_394 = tpu.memref_slice %arg3[%dma_wait3A_393] : memref<100352xf32, #tpu.memory_space<hbm>> -> memref<100352xf32, #tpu.memory_space<hbm>>
      tpu.wait_indirect_dma semaphore(%arg23 : memref<!tpu.dma_semaphore, #tpu.memory_space<semaphore_mem>>) src(%dma_wait3A_394 : memref<100352xf32, #tpu.memory_space<hbm>>) dst(%dma_wait3A_389 : memref<512xf32, #tpu.memory_space<vmem>>)
      %dma_wait3A_395 = arith.constant 1 : i32
      %dma_wait3A_396 = arith.constant 1 : i32
      %dma_wait3A_397 = arith.constant 0 : i32
      %dma_wait3A_398 = arith.constant 0 : i32
      %dma_wait3A_399 = tpu.memref_slice %arg16[%dma_wait3A_396, %dma_wait3A_397, %dma_wait3A_398] : memref<2x512x16xf32, #tpu.memory_space<vmem>> -> memref<1x512x16xf32, #tpu.memory_space<vmem>>
      %dma_wait3A_400 = tpu.memref_squeeze %dma_wait3A_399 : memref<1x512x16xf32, #tpu.memory_space<vmem>> -> memref<512x16xf32, #tpu.memory_space<vmem>>
      %dma_wait3A_401 = arith.constant 0 : i32
      %dma_wait3A_402 = tpu.memref_slice %arg13[%dma_wait3A_395, %dma_wait3A_401] : memref<2x512xi32, #tpu.memory_space<vmem>> -> memref<1x512xi32, #tpu.memory_space<vmem>>
      %dma_wait3A_403 = tpu.memref_squeeze %dma_wait3A_402 : memref<1x512xi32, #tpu.memory_space<vmem>> -> memref<512xi32, #tpu.memory_space<vmem>>
      %dma_wait3A_404 = arith.constant 0 : i32
      %dma_wait3A_405 = arith.constant 0 : i32
      %dma_wait3A_406 = tpu.memref_slice %arg4[%dma_wait3A_404, %dma_wait3A_405] : memref<200704x16xf32, #tpu.memory_space<hbm>> -> memref<200704x16xf32, #tpu.memory_space<hbm>>
      tpu.wait_indirect_dma semaphore(%arg23 : memref<!tpu.dma_semaphore, #tpu.memory_space<semaphore_mem>>) src(%dma_wait3A_406 : memref<200704x16xf32, #tpu.memory_space<hbm>>) dst(%dma_wait3A_400 : memref<512x16xf32, #tpu.memory_space<vmem>>)
      %dma_wait3A_407 = arith.constant 0 : i32
      %dma_wait3A_408 = arith.constant 0 : i32
      %dma_wait3A_409 = arith.constant 0 : i32
      %dma_wait3A_410 = tpu.memref_slice %arg14[%dma_wait3A_407, %dma_wait3A_409] : memref<2x512xf32, #tpu.memory_space<vmem>> -> memref<1x512xf32, #tpu.memory_space<vmem>>
      %dma_wait3A_411 = tpu.memref_squeeze %dma_wait3A_410 : memref<1x512xf32, #tpu.memory_space<vmem>> -> memref<512xf32, #tpu.memory_space<vmem>>
      %dma_wait3A_412 = arith.constant 0 : i32
      %dma_wait3A_413 = tpu.memref_slice %arg12[%dma_wait3A_408, %dma_wait3A_412] : memref<2x512xi32, #tpu.memory_space<vmem>> -> memref<1x512xi32, #tpu.memory_space<vmem>>
      %dma_wait3A_414 = tpu.memref_squeeze %dma_wait3A_413 : memref<1x512xi32, #tpu.memory_space<vmem>> -> memref<512xi32, #tpu.memory_space<vmem>>
      %dma_wait3A_415 = arith.constant 0 : i32
      %dma_wait3A_416 = tpu.memref_slice %arg10[%dma_wait3A_415] : memref<100352xf32, #tpu.memory_space<vmem_shared>> -> memref<100352xf32, #tpu.memory_space<vmem_shared>>
      tpu.wait_indirect_dma semaphore(%arg24 : memref<!tpu.dma_semaphore, #tpu.memory_space<semaphore_mem>>) src(%dma_wait3A_411 : memref<512xf32, #tpu.memory_space<vmem>>) dst(%dma_wait3A_416 : memref<100352xf32, #tpu.memory_space<vmem_shared>>)
      %dma_wait3A_417 = arith.constant 0 : i32
      %dma_wait3A_418 = arith.constant 0 : i32
      %dma_wait3A_419 = arith.constant 0 : i32
      %dma_wait3A_420 = arith.constant 0 : i32
      %dma_wait3A_421 = tpu.memref_slice %arg16[%dma_wait3A_417, %dma_wait3A_419, %dma_wait3A_420] : memref<2x512x16xf32, #tpu.memory_space<vmem>> -> memref<1x512x16xf32, #tpu.memory_space<vmem>>
      %dma_wait3A_422 = tpu.memref_squeeze %dma_wait3A_421 : memref<1x512x16xf32, #tpu.memory_space<vmem>> -> memref<512x16xf32, #tpu.memory_space<vmem>>
      %dma_wait3A_423 = arith.constant 0 : i32
      %dma_wait3A_424 = tpu.memref_slice %arg12[%dma_wait3A_418, %dma_wait3A_423] : memref<2x512xi32, #tpu.memory_space<vmem>> -> memref<1x512xi32, #tpu.memory_space<vmem>>
      %dma_wait3A_425 = tpu.memref_squeeze %dma_wait3A_424 : memref<1x512xi32, #tpu.memory_space<vmem>> -> memref<512xi32, #tpu.memory_space<vmem>>
      %dma_wait3A_426 = arith.constant 0 : i32
      %dma_wait3A_427 = arith.constant 0 : i32
      %dma_wait3A_428 = tpu.memref_slice %arg9[%dma_wait3A_426, %dma_wait3A_427] : memref<100352x16xf32, #tpu.memory_space<vmem_shared>> -> memref<100352x16xf32, #tpu.memory_space<vmem_shared>>
      tpu.wait_indirect_dma semaphore(%arg24 : memref<!tpu.dma_semaphore, #tpu.memory_space<semaphore_mem>>) src(%dma_wait3A_422 : memref<512x16xf32, #tpu.memory_space<vmem>>) dst(%dma_wait3A_428 : memref<100352x16xf32, #tpu.memory_space<vmem_shared>>)
      %add3A_429 = arith.constant 1 : i32
      %add3A_430 = arith.addi %add3A_374, %add3A_429 : i32
      %add3A_431 = arith.addi %mul3A_11, %add3A_430 : i32
      %dma_start3A_432 = arith.constant 0 : i32
      %dma_start3A_433 = arith.constant 0 : i32
      %dma_start3A_434 = tpu.memref_slice %arg11[%dma_start3A_432, %dma_start3A_433] : memref<2x512xi32, #tpu.memory_space<vmem>> -> memref<1x512xi32, #tpu.memory_space<vmem>>
      %dma_start3A_435 = tpu.memref_squeeze %dma_start3A_434 : memref<1x512xi32, #tpu.memory_space<vmem>> -> memref<512xi32, #tpu.memory_space<vmem>>
      %dma_start3A_436 = arith.constant 0 : i32
      %dma_start3A_437 = tpu.memref_slice %arg5[%add3A_431, %dma_start3A_436] : memref<3136x512xi32, #tpu.memory_space<hbm>> -> memref<1x512xi32, #tpu.memory_space<hbm>>
      %dma_start3A_438 = tpu.memref_squeeze %dma_start3A_437 : memref<1x512xi32, #tpu.memory_space<hbm>> -> memref<512xi32, #tpu.memory_space<hbm>>
      %dma_start3A_439 = arith.constant 0 : i32
      %dma_start3A_440 = tpu.memref_slice %arg11[%dma_start3A_432, %dma_start3A_439] : memref<2x512xi32, #tpu.memory_space<vmem>> -> memref<1x512xi32, #tpu.memory_space<vmem>>
      %dma_start3A_441 = tpu.memref_squeeze %dma_start3A_440 : memref<1x512xi32, #tpu.memory_space<vmem>> -> memref<512xi32, #tpu.memory_space<vmem>>
      %dma_start3A_442 = arith.constant 0 : i32
      %dma_start3A_443 = tpu.memref_slice %arg5[%add3A_431, %dma_start3A_442] : memref<3136x512xi32, #tpu.memory_space<hbm>> -> memref<1x512xi32, #tpu.memory_space<hbm>>
      %dma_start3A_444 = tpu.memref_squeeze %dma_start3A_443 : memref<1x512xi32, #tpu.memory_space<hbm>> -> memref<512xi32, #tpu.memory_space<hbm>>
      tpu.enqueue_dma source(%dma_start3A_444 : memref<512xi32, #tpu.memory_space<hbm>>) target(%dma_start3A_441 : memref<512xi32, #tpu.memory_space<vmem>>) target_semaphore(%arg22 : memref<!tpu.dma_semaphore, #tpu.memory_space<semaphore_mem>>)
      %dma_start3A_445 = arith.constant 0 : i32
      %dma_start3A_446 = arith.constant 0 : i32
      %dma_start3A_447 = tpu.memref_slice %arg12[%dma_start3A_445, %dma_start3A_446] : memref<2x512xi32, #tpu.memory_space<vmem>> -> memref<1x512xi32, #tpu.memory_space<vmem>>
      %dma_start3A_448 = tpu.memref_squeeze %dma_start3A_447 : memref<1x512xi32, #tpu.memory_space<vmem>> -> memref<512xi32, #tpu.memory_space<vmem>>
      %dma_start3A_449 = arith.constant 0 : i32
      %dma_start3A_450 = tpu.memref_slice %arg6[%add3A_431, %dma_start3A_449] : memref<3136x512xi32, #tpu.memory_space<hbm>> -> memref<1x512xi32, #tpu.memory_space<hbm>>
      %dma_start3A_451 = tpu.memref_squeeze %dma_start3A_450 : memref<1x512xi32, #tpu.memory_space<hbm>> -> memref<512xi32, #tpu.memory_space<hbm>>
      %dma_start3A_452 = arith.constant 0 : i32
      %dma_start3A_453 = tpu.memref_slice %arg12[%dma_start3A_445, %dma_start3A_452] : memref<2x512xi32, #tpu.memory_space<vmem>> -> memref<1x512xi32, #tpu.memory_space<vmem>>
      %dma_start3A_454 = tpu.memref_squeeze %dma_start3A_453 : memref<1x512xi32, #tpu.memory_space<vmem>> -> memref<512xi32, #tpu.memory_space<vmem>>
      %dma_start3A_455 = arith.constant 0 : i32
      %dma_start3A_456 = tpu.memref_slice %arg6[%add3A_431, %dma_start3A_455] : memref<3136x512xi32, #tpu.memory_space<hbm>> -> memref<1x512xi32, #tpu.memory_space<hbm>>
      %dma_start3A_457 = tpu.memref_squeeze %dma_start3A_456 : memref<1x512xi32, #tpu.memory_space<hbm>> -> memref<512xi32, #tpu.memory_space<hbm>>
      tpu.enqueue_dma source(%dma_start3A_457 : memref<512xi32, #tpu.memory_space<hbm>>) target(%dma_start3A_454 : memref<512xi32, #tpu.memory_space<vmem>>) target_semaphore(%arg22 : memref<!tpu.dma_semaphore, #tpu.memory_space<semaphore_mem>>)
      %dma_wait3A_458 = arith.constant 0 : i32
      %dma_wait3A_459 = arith.constant 0 : i32
      %dma_wait3A_460 = tpu.memref_slice %arg11[%dma_wait3A_458, %dma_wait3A_459] : memref<2x512xi32, #tpu.memory_space<vmem>> -> memref<1x512xi32, #tpu.memory_space<vmem>>
      %dma_wait3A_461 = tpu.memref_squeeze %dma_wait3A_460 : memref<1x512xi32, #tpu.memory_space<vmem>> -> memref<512xi32, #tpu.memory_space<vmem>>
      %dma_wait3A_462 = arith.constant 0 : i32
      %dma_wait3A_463 = tpu.memref_slice %arg5[%add3A_431, %dma_wait3A_462] : memref<3136x512xi32, #tpu.memory_space<hbm>> -> memref<1x512xi32, #tpu.memory_space<hbm>>
      %dma_wait3A_464 = tpu.memref_squeeze %dma_wait3A_463 : memref<1x512xi32, #tpu.memory_space<hbm>> -> memref<512xi32, #tpu.memory_space<hbm>>
      %dma_wait3A_465 = arith.constant 0 : i32
      %dma_wait3A_466 = tpu.memref_slice %arg11[%dma_wait3A_458, %dma_wait3A_465] : memref<2x512xi32, #tpu.memory_space<vmem>> -> memref<1x512xi32, #tpu.memory_space<vmem>>
      %dma_wait3A_467 = tpu.memref_squeeze %dma_wait3A_466 : memref<1x512xi32, #tpu.memory_space<vmem>> -> memref<512xi32, #tpu.memory_space<vmem>>
      %dma_wait3A_468 = arith.constant 0 : i32
      %dma_wait3A_469 = tpu.memref_slice %arg5[%add3A_431, %dma_wait3A_468] : memref<3136x512xi32, #tpu.memory_space<hbm>> -> memref<1x512xi32, #tpu.memory_space<hbm>>
      %dma_wait3A_470 = tpu.memref_squeeze %dma_wait3A_469 : memref<1x512xi32, #tpu.memory_space<hbm>> -> memref<512xi32, #tpu.memory_space<hbm>>
      tpu.wait_dma2 semaphore(%arg22 : memref<!tpu.dma_semaphore, #tpu.memory_space<semaphore_mem>>) src(%dma_wait3A_470 : memref<512xi32, #tpu.memory_space<hbm>>) dst(%dma_wait3A_467 : memref<512xi32, #tpu.memory_space<vmem>>)
      %dma_wait3A_471 = arith.constant 0 : i32
      %dma_wait3A_472 = arith.constant 0 : i32
      %dma_wait3A_473 = tpu.memref_slice %arg12[%dma_wait3A_471, %dma_wait3A_472] : memref<2x512xi32, #tpu.memory_space<vmem>> -> memref<1x512xi32, #tpu.memory_space<vmem>>
      %dma_wait3A_474 = tpu.memref_squeeze %dma_wait3A_473 : memref<1x512xi32, #tpu.memory_space<vmem>> -> memref<512xi32, #tpu.memory_space<vmem>>
      %dma_wait3A_475 = arith.constant 0 : i32
      %dma_wait3A_476 = tpu.memref_slice %arg6[%add3A_431, %dma_wait3A_475] : memref<3136x512xi32, #tpu.memory_space<hbm>> -> memref<1x512xi32, #tpu.memory_space<hbm>>
      %dma_wait3A_477 = tpu.memref_squeeze %dma_wait3A_476 : memref<1x512xi32, #tpu.memory_space<hbm>> -> memref<512xi32, #tpu.memory_space<hbm>>
      %dma_wait3A_478 = arith.constant 0 : i32
      %dma_wait3A_479 = tpu.memref_slice %arg12[%dma_wait3A_471, %dma_wait3A_478] : memref<2x512xi32, #tpu.memory_space<vmem>> -> memref<1x512xi32, #tpu.memory_space<vmem>>
      %dma_wait3A_480 = tpu.memref_squeeze %dma_wait3A_479 : memref<1x512xi32, #tpu.memory_space<vmem>> -> memref<512xi32, #tpu.memory_space<vmem>>
      %dma_wait3A_481 = arith.constant 0 : i32
      %dma_wait3A_482 = tpu.memref_slice %arg6[%add3A_431, %dma_wait3A_481] : memref<3136x512xi32, #tpu.memory_space<hbm>> -> memref<1x512xi32, #tpu.memory_space<hbm>>
      %dma_wait3A_483 = tpu.memref_squeeze %dma_wait3A_482 : memref<1x512xi32, #tpu.memory_space<hbm>> -> memref<512xi32, #tpu.memory_space<hbm>>
      tpu.wait_dma2 semaphore(%arg22 : memref<!tpu.dma_semaphore, #tpu.memory_space<semaphore_mem>>) src(%dma_wait3A_483 : memref<512xi32, #tpu.memory_space<hbm>>) dst(%dma_wait3A_480 : memref<512xi32, #tpu.memory_space<vmem>>)
      %scan3A_484 = arith.constant 0 : i32
      %scan3A_485 = arith.constant 0 : i32
      %scan3A_486 = arith.constant 32 : i32
      %scan3A_487 = arith.addi %scan3A_485, %scan3A_486 : i32
      %scan3A_488 = arith.constant 1 : i32
      scf.for %scan3A_727 = %scan3A_485 to %scan3A_487 step %scan3A_488  : i32 {
        %mul3A_728 = arith.constant 16 : i32
        %mul3A_729 = arith.muli %scan3A_727, %mul3A_728 : i32
        %get3A_730 = arith.constant 0 : i32
        %get3A_731 = arith.index_cast %get3A_730 : i32 to index
        %get3A_732 = arith.index_cast %mul3A_729 : i32 to index
        %get3A_733 = tpu.vector_load %arg11[%get3A_731, %get3A_732] {strides = array<i32>} : memref<2x512xi32, #tpu.memory_space<vmem>>, vector<1x16xi32>,
        %get3A_734 = vector.shape_cast %get3A_733 : vector<1x16xi32> to vector<16xi32>
        %add3A_735 = vector.broadcast %mul3A_0 : i32 to vector<16xi32>
        %add3A_736 = arith.addi %get3A_734, %add3A_735 : vector<16xi32>
        %swap3A = arith.constant 0 : i32
        %swap3A_737 = arith.index_cast %swap3A : i32 to index
        %swap3A_738 = arith.index_cast %mul3A_729 : i32 to index
        %swap3A_739 = tpu.vector_load %arg13[%swap3A_737, %swap3A_738] {strides = array<i32>} : memref<2x512xi32, #tpu.memory_space<vmem>>, vector<1x16xi32>,
        %swap3A_740 = vector.shape_cast %swap3A_739 : vector<1x16xi32> to vector<16xi32>
        %swap3A_741 = vector.shape_cast %add3A_736 : vector<16xi32> to vector<1x16xi32>
        tpu.vector_store %arg13[%swap3A_737, %swap3A_738], %swap3A_741 {strides = array<i32>} : memref<2x512xi32, #tpu.memory_space<vmem>>, vector<1x16xi32>,
      }
      %scan3A_489 = arith.constant 32 : i32
      %dma_start3A_490 = arith.constant 0 : i32
      %dma_start3A_491 = arith.constant 0 : i32
      %dma_start3A_492 = arith.constant 0 : i32
      %dma_start3A_493 = tpu.memref_slice %arg14[%dma_start3A_491, %dma_start3A_492] : memref<2x512xf32, #tpu.memory_space<vmem>> -> memref<1x512xf32, #tpu.memory_space<vmem>>
      %dma_start3A_494 = tpu.memref_squeeze %dma_start3A_493 : memref<1x512xf32, #tpu.memory_space<vmem>> -> memref<512xf32, #tpu.memory_space<vmem>>
      %dma_start3A_495 = arith.constant 0 : i32
      %dma_start3A_496 = tpu.memref_slice %arg11[%dma_start3A_490, %dma_start3A_495] : memref<2x512xi32, #tpu.memory_space<vmem>> -> memref<1x512xi32, #tpu.memory_space<vmem>>
      %dma_start3A_497 = tpu.memref_squeeze %dma_start3A_496 : memref<1x512xi32, #tpu.memory_space<vmem>> -> memref<512xi32, #tpu.memory_space<vmem>>
      %dma_start3A_498 = arith.constant 0 : i32
      %dma_start3A_499 = tpu.memref_slice %arg2[%dma_start3A_498] : memref<100352xf32, #tpu.memory_space<hbm>> -> memref<100352xf32, #tpu.memory_space<hbm>>
      tpu.enqueue_indirect_dma source(%dma_start3A_499 : memref<100352xf32, #tpu.memory_space<hbm>>) target(%dma_start3A_494 : memref<512xf32, #tpu.memory_space<vmem>>) offsets(%dma_start3A_497 : memref<512xi32, #tpu.memory_space<vmem>>) semaphore(%arg23 : memref<!tpu.dma_semaphore, #tpu.memory_space<semaphore_mem>>)
      %dma_start3A_500 = arith.constant 0 : i32
      %dma_start3A_501 = arith.constant 0 : i32
      %dma_start3A_502 = arith.constant 0 : i32
      %dma_start3A_503 = tpu.memref_slice %arg15[%dma_start3A_501, %dma_start3A_502] : memref<2x512xf32, #tpu.memory_space<vmem>> -> memref<1x512xf32, #tpu.memory_space<vmem>>
      %dma_start3A_504 = tpu.memref_squeeze %dma_start3A_503 : memref<1x512xf32, #tpu.memory_space<vmem>> -> memref<512xf32, #tpu.memory_space<vmem>>
      %dma_start3A_505 = arith.constant 0 : i32
      %dma_start3A_506 = tpu.memref_slice %arg12[%dma_start3A_500, %dma_start3A_505] : memref<2x512xi32, #tpu.memory_space<vmem>> -> memref<1x512xi32, #tpu.memory_space<vmem>>
      %dma_start3A_507 = tpu.memref_squeeze %dma_start3A_506 : memref<1x512xi32, #tpu.memory_space<vmem>> -> memref<512xi32, #tpu.memory_space<vmem>>
      %dma_start3A_508 = arith.constant 0 : i32
      %dma_start3A_509 = tpu.memref_slice %arg3[%dma_start3A_508] : memref<100352xf32, #tpu.memory_space<hbm>> -> memref<100352xf32, #tpu.memory_space<hbm>>
      tpu.enqueue_indirect_dma source(%dma_start3A_509 : memref<100352xf32, #tpu.memory_space<hbm>>) target(%dma_start3A_504 : memref<512xf32, #tpu.memory_space<vmem>>) offsets(%dma_start3A_507 : memref<512xi32, #tpu.memory_space<vmem>>) semaphore(%arg23 : memref<!tpu.dma_semaphore, #tpu.memory_space<semaphore_mem>>)
      %dma_start3A_510 = arith.constant 0 : i32
      %dma_start3A_511 = arith.constant 0 : i32
      %dma_start3A_512 = arith.constant 0 : i32
      %dma_start3A_513 = arith.constant 0 : i32
      %dma_start3A_514 = tpu.memref_slice %arg16[%dma_start3A_511, %dma_start3A_512, %dma_start3A_513] : memref<2x512x16xf32, #tpu.memory_space<vmem>> -> memref<1x512x16xf32, #tpu.memory_space<vmem>>
      %dma_start3A_515 = tpu.memref_squeeze %dma_start3A_514 : memref<1x512x16xf32, #tpu.memory_space<vmem>> -> memref<512x16xf32, #tpu.memory_space<vmem>>
      %dma_start3A_516 = arith.constant 0 : i32
      %dma_start3A_517 = tpu.memref_slice %arg13[%dma_start3A_510, %dma_start3A_516] : memref<2x512xi32, #tpu.memory_space<vmem>> -> memref<1x512xi32, #tpu.memory_space<vmem>>
      %dma_start3A_518 = tpu.memref_squeeze %dma_start3A_517 : memref<1x512xi32, #tpu.memory_space<vmem>> -> memref<512xi32, #tpu.memory_space<vmem>>
      %dma_start3A_519 = arith.constant 0 : i32
      %dma_start3A_520 = arith.constant 0 : i32
      %dma_start3A_521 = tpu.memref_slice %arg4[%dma_start3A_519, %dma_start3A_520] : memref<200704x16xf32, #tpu.memory_space<hbm>> -> memref<200704x16xf32, #tpu.memory_space<hbm>>
      tpu.enqueue_indirect_dma source(%dma_start3A_521 : memref<200704x16xf32, #tpu.memory_space<hbm>>) target(%dma_start3A_515 : memref<512x16xf32, #tpu.memory_space<vmem>>) offsets(%dma_start3A_518 : memref<512xi32, #tpu.memory_space<vmem>>) semaphore(%arg23 : memref<!tpu.dma_semaphore, #tpu.memory_space<semaphore_mem>>)
      %scan3A_522 = arith.constant 0 : i32
      %scan3A_523 = arith.constant 0 : i32
      %scan3A_524 = arith.constant 32 : i32
      %scan3A_525 = arith.addi %scan3A_523, %scan3A_524 : i32
      %scan3A_526 = arith.constant 1 : i32
      scf.for %scan3A_727 = %scan3A_523 to %scan3A_525 step %scan3A_526  : i32 {
        %mul3A_728 = arith.constant 16 : i32
        %mul3A_729 = arith.muli %scan3A_727, %mul3A_728 : i32
        %get3A_730 = arith.constant 1 : i32
        %get3A_731 = arith.index_cast %get3A_730 : i32 to index
        %get3A_732 = arith.index_cast %mul3A_729 : i32 to index
        %get3A_733 = tpu.vector_load %arg14[%get3A_731, %get3A_732] {strides = array<i32>} : memref<2x512xf32, #tpu.memory_space<vmem>>, vector<1x16xf32>,
        %get3A_734 = vector.shape_cast %get3A_733 : vector<1x16xf32> to vector<16xf32>
        %get3A_735 = arith.constant 1 : i32
        %get3A_736 = arith.index_cast %get3A_735 : i32 to index
        %get3A_737 = arith.index_cast %mul3A_729 : i32 to index
        %get3A_738 = tpu.vector_load %arg15[%get3A_736, %get3A_737] {strides = array<i32>} : memref<2x512xf32, #tpu.memory_space<vmem>>, vector<1x16xf32>,
        %get3A_739 = vector.shape_cast %get3A_738 : vector<1x16xf32> to vector<16xf32>
        %add3A_740 = arith.addf %get3A_734, %get3A_739 : vector<16xf32>
        %mul3A_741 = arith.constant 2.000000e-01 : f32
        %mul3A_742 = vector.broadcast %mul3A_741 : f32 to vector<16xf32>
        %mul3A_743 = arith.mulf %add3A_740, %mul3A_742 : vector<16xf32>
        %max3A = arith.maximumf %add3A_740, %mul3A_743 : vector<16xf32>
        %sub3A = arith.subf %max3A, %get3A_2 : vector<16xf32>
        %exp3A = math.exp %sub3A : vector<16xf32>
        %swap3A = arith.constant 1 : i32
        %swap3A_744 = arith.index_cast %swap3A : i32 to index
        %swap3A_745 = arith.index_cast %mul3A_729 : i32 to index
        %swap3A_746 = tpu.vector_load %arg14[%swap3A_744, %swap3A_745] {strides = array<i32>} : memref<2x512xf32, #tpu.memory_space<vmem>>, vector<1x16xf32>,
        %swap3A_747 = vector.shape_cast %swap3A_746 : vector<1x16xf32> to vector<16xf32>
        %swap3A_748 = vector.shape_cast %exp3A : vector<16xf32> to vector<1x16xf32>
        tpu.vector_store %arg14[%swap3A_744, %swap3A_745], %swap3A_748 {strides = array<i32>} : memref<2x512xf32, #tpu.memory_space<vmem>>, vector<1x16xf32>,
        %mul3A_749 = arith.constant 16 : i32
        %mul3A_750 = arith.muli %scan3A_727, %mul3A_749 : i32
        %add3A_751 = arith.constant 0 : i32
        %add3A_752 = arith.addi %mul3A_750, %add3A_751 : i32
        %get3A_753 = arith.constant 1 : i32
        %get3A_754 = arith.index_cast %get3A_753 : i32 to index
        %get3A_755 = arith.index_cast %add3A_752 : i32 to index
        %get3A_756 = arith.constant 0 : index
        %get3A_757 = tpu.vector_load %arg16[%get3A_754, %get3A_755, %get3A_756] {strides = array<i32>} : memref<2x512x16xf32, #tpu.memory_space<vmem>>, vector<1x1x16xf32>,
        %get3A_758 = vector.shape_cast %get3A_757 : vector<1x1x16xf32> to vector<16xf32>
        %slice3A = vector.extract_strided_slice %exp3A {offsets = [0], sizes = [1], strides = [1]} : vector<16xf32> to vector<1xf32>
        %squeeze3A = vector.extract %slice3A[0] : f32 from vector<1xf32>
        %mul3A_759 = vector.broadcast %squeeze3A : f32 to vector<16xf32>
        %mul3A_760 = arith.mulf %get3A_758, %mul3A_759 : vector<16xf32>
        %swap3A_761 = arith.constant 1 : i32
        %swap3A_762 = arith.index_cast %swap3A_761 : i32 to index
        %swap3A_763 = arith.index_cast %add3A_752 : i32 to index
        %swap3A_764 = arith.constant 0 : index
        %swap3A_765 = tpu.vector_load %arg16[%swap3A_762, %swap3A_763, %swap3A_764] {strides = array<i32>} : memref<2x512x16xf32, #tpu.memory_space<vmem>>, vector<1x1x16xf32>,
        %swap3A_766 = vector.shape_cast %swap3A_765 : vector<1x1x16xf32> to vector<16xf32>
        %swap3A_767 = vector.shape_cast %mul3A_760 : vector<16xf32> to vector<1x1x16xf32>
        tpu.vector_store %arg16[%swap3A_762, %swap3A_763, %swap3A_764], %swap3A_767 {strides = array<i32>} : memref<2x512x16xf32, #tpu.memory_space<vmem>>, vector<1x1x16xf32>,
        %mul3A_768 = arith.constant 16 : i32
        %mul3A_769 = arith.muli %scan3A_727, %mul3A_768 : i32
        %add3A_770 = arith.constant 1 : i32
        %add3A_771 = arith.addi %mul3A_769, %add3A_770 : i32
        %get3A_772 = arith.constant 1 : i32
        %get3A_773 = arith.index_cast %get3A_772 : i32 to index
        %get3A_774 = arith.index_cast %add3A_771 : i32 to index
        %get3A_775 = arith.constant 0 : index
        %get3A_776 = tpu.vector_load %arg16[%get3A_773, %get3A_774, %get3A_775] {strides = array<i32>} : memref<2x512x16xf32, #tpu.memory_space<vmem>>, vector<1x1x16xf32>,
        %get3A_777 = vector.shape_cast %get3A_776 : vector<1x1x16xf32> to vector<16xf32>
        %slice3A_778 = vector.extract_strided_slice %exp3A {offsets = [1], sizes = [1], strides = [1]} : vector<16xf32> to vector<1xf32>
        %squeeze3A_779 = vector.extract %slice3A_778[0] : f32 from vector<1xf32>
        %mul3A_780 = vector.broadcast %squeeze3A_779 : f32 to vector<16xf32>
        %mul3A_781 = arith.mulf %get3A_777, %mul3A_780 : vector<16xf32>
        %swap3A_782 = arith.constant 1 : i32
        %swap3A_783 = arith.index_cast %swap3A_782 : i32 to index
        %swap3A_784 = arith.index_cast %add3A_771 : i32 to index
        %swap3A_785 = arith.constant 0 : index
        %swap3A_786 = tpu.vector_load %arg16[%swap3A_783, %swap3A_784, %swap3A_785] {strides = array<i32>} : memref<2x512x16xf32, #tpu.memory_space<vmem>>, vector<1x1x16xf32>,
        %swap3A_787 = vector.shape_cast %swap3A_786 : vector<1x1x16xf32> to vector<16xf32>
        %swap3A_788 = vector.shape_cast %mul3A_781 : vector<16xf32> to vector<1x1x16xf32>
        tpu.vector_store %arg16[%swap3A_783, %swap3A_784, %swap3A_785], %swap3A_788 {strides = array<i32>} : memref<2x512x16xf32, #tpu.memory_space<vmem>>, vector<1x1x16xf32>,
        %mul3A_789 = arith.constant 16 : i32
        %mul3A_790 = arith.muli %scan3A_727, %mul3A_789 : i32
        %add3A_791 = arith.constant 2 : i32
        %add3A_792 = arith.addi %mul3A_790, %add3A_791 : i32
        %get3A_793 = arith.constant 1 : i32
        %get3A_794 = arith.index_cast %get3A_793 : i32 to index
        %get3A_795 = arith.index_cast %add3A_792 : i32 to index
        %get3A_796 = arith.constant 0 : index
        %get3A_797 = tpu.vector_load %arg16[%get3A_794, %get3A_795, %get3A_796] {strides = array<i32>} : memref<2x512x16xf32, #tpu.memory_space<vmem>>, vector<1x1x16xf32>,
        %get3A_798 = vector.shape_cast %get3A_797 : vector<1x1x16xf32> to vector<16xf32>
        %slice3A_799 = vector.extract_strided_slice %exp3A {offsets = [2], sizes = [1], strides = [1]} : vector<16xf32> to vector<1xf32>
        %squeeze3A_800 = vector.extract %slice3A_799[0] : f32 from vector<1xf32>
        %mul3A_801 = vector.broadcast %squeeze3A_800 : f32 to vector<16xf32>
        %mul3A_802 = arith.mulf %get3A_798, %mul3A_801 : vector<16xf32>
        %swap3A_803 = arith.constant 1 : i32
        %swap3A_804 = arith.index_cast %swap3A_803 : i32 to index
        %swap3A_805 = arith.index_cast %add3A_792 : i32 to index
        %swap3A_806 = arith.constant 0 : index
        %swap3A_807 = tpu.vector_load %arg16[%swap3A_804, %swap3A_805, %swap3A_806] {strides = array<i32>} : memref<2x512x16xf32, #tpu.memory_space<vmem>>, vector<1x1x16xf32>,
        %swap3A_808 = vector.shape_cast %swap3A_807 : vector<1x1x16xf32> to vector<16xf32>
        %swap3A_809 = vector.shape_cast %mul3A_802 : vector<16xf32> to vector<1x1x16xf32>
        tpu.vector_store %arg16[%swap3A_804, %swap3A_805, %swap3A_806], %swap3A_809 {strides = array<i32>} : memref<2x512x16xf32, #tpu.memory_space<vmem>>, vector<1x1x16xf32>,
        %mul3A_810 = arith.constant 16 : i32
        %mul3A_811 = arith.muli %scan3A_727, %mul3A_810 : i32
        %add3A_812 = arith.constant 3 : i32
        %add3A_813 = arith.addi %mul3A_811, %add3A_812 : i32
        %get3A_814 = arith.constant 1 : i32
        %get3A_815 = arith.index_cast %get3A_814 : i32 to index
        %get3A_816 = arith.index_cast %add3A_813 : i32 to index
        %get3A_817 = arith.constant 0 : index
        %get3A_818 = tpu.vector_load %arg16[%get3A_815, %get3A_816, %get3A_817] {strides = array<i32>} : memref<2x512x16xf32, #tpu.memory_space<vmem>>, vector<1x1x16xf32>,
        %get3A_819 = vector.shape_cast %get3A_818 : vector<1x1x16xf32> to vector<16xf32>
        %slice3A_820 = vector.extract_strided_slice %exp3A {offsets = [3], sizes = [1], strides = [1]} : vector<16xf32> to vector<1xf32>
        %squeeze3A_821 = vector.extract %slice3A_820[0] : f32 from vector<1xf32>
        %mul3A_822 = vector.broadcast %squeeze3A_821 : f32 to vector<16xf32>
        %mul3A_823 = arith.mulf %get3A_819, %mul3A_822 : vector<16xf32>
        %swap3A_824 = arith.constant 1 : i32
        %swap3A_825 = arith.index_cast %swap3A_824 : i32 to index
        %swap3A_826 = arith.index_cast %add3A_813 : i32 to index
        %swap3A_827 = arith.constant 0 : index
        %swap3A_828 = tpu.vector_load %arg16[%swap3A_825, %swap3A_826, %swap3A_827] {strides = array<i32>} : memref<2x512x16xf32, #tpu.memory_space<vmem>>, vector<1x1x16xf32>,
        %swap3A_829 = vector.shape_cast %swap3A_828 : vector<1x1x16xf32> to vector<16xf32>
        %swap3A_830 = vector.shape_cast %mul3A_823 : vector<16xf32> to vector<1x1x16xf32>
        tpu.vector_store %arg16[%swap3A_825, %swap3A_826, %swap3A_827], %swap3A_830 {strides = array<i32>} : memref<2x512x16xf32, #tpu.memory_space<vmem>>, vector<1x1x16xf32>,
        %mul3A_831 = arith.constant 16 : i32
        %mul3A_832 = arith.muli %scan3A_727, %mul3A_831 : i32
        %add3A_833 = arith.constant 4 : i32
        %add3A_834 = arith.addi %mul3A_832, %add3A_833 : i32
        %get3A_835 = arith.constant 1 : i32
        %get3A_836 = arith.index_cast %get3A_835 : i32 to index
        %get3A_837 = arith.index_cast %add3A_834 : i32 to index
        %get3A_838 = arith.constant 0 : index
        %get3A_839 = tpu.vector_load %arg16[%get3A_836, %get3A_837, %get3A_838] {strides = array<i32>} : memref<2x512x16xf32, #tpu.memory_space<vmem>>, vector<1x1x16xf32>,
        %get3A_840 = vector.shape_cast %get3A_839 : vector<1x1x16xf32> to vector<16xf32>
        %slice3A_841 = vector.extract_strided_slice %exp3A {offsets = [4], sizes = [1], strides = [1]} : vector<16xf32> to vector<1xf32>
        %squeeze3A_842 = vector.extract %slice3A_841[0] : f32 from vector<1xf32>
        %mul3A_843 = vector.broadcast %squeeze3A_842 : f32 to vector<16xf32>
        %mul3A_844 = arith.mulf %get3A_840, %mul3A_843 : vector<16xf32>
        %swap3A_845 = arith.constant 1 : i32
        %swap3A_846 = arith.index_cast %swap3A_845 : i32 to index
        %swap3A_847 = arith.index_cast %add3A_834 : i32 to index
        %swap3A_848 = arith.constant 0 : index
        %swap3A_849 = tpu.vector_load %arg16[%swap3A_846, %swap3A_847, %swap3A_848] {strides = array<i32>} : memref<2x512x16xf32, #tpu.memory_space<vmem>>, vector<1x1x16xf32>,
        %swap3A_850 = vector.shape_cast %swap3A_849 : vector<1x1x16xf32> to vector<16xf32>
        %swap3A_851 = vector.shape_cast %mul3A_844 : vector<16xf32> to vector<1x1x16xf32>
        tpu.vector_store %arg16[%swap3A_846, %swap3A_847, %swap3A_848], %swap3A_851 {strides = array<i32>} : memref<2x512x16xf32, #tpu.memory_space<vmem>>, vector<1x1x16xf32>,
        %mul3A_852 = arith.constant 16 : i32
        %mul3A_853 = arith.muli %scan3A_727, %mul3A_852 : i32
        %add3A_854 = arith.constant 5 : i32
        %add3A_855 = arith.addi %mul3A_853, %add3A_854 : i32
        %get3A_856 = arith.constant 1 : i32
        %get3A_857 = arith.index_cast %get3A_856 : i32 to index
        %get3A_858 = arith.index_cast %add3A_855 : i32 to index
        %get3A_859 = arith.constant 0 : index
        %get3A_860 = tpu.vector_load %arg16[%get3A_857, %get3A_858, %get3A_859] {strides = array<i32>} : memref<2x512x16xf32, #tpu.memory_space<vmem>>, vector<1x1x16xf32>,
        %get3A_861 = vector.shape_cast %get3A_860 : vector<1x1x16xf32> to vector<16xf32>
        %slice3A_862 = vector.extract_strided_slice %exp3A {offsets = [5], sizes = [1], strides = [1]} : vector<16xf32> to vector<1xf32>
        %squeeze3A_863 = vector.extract %slice3A_862[0] : f32 from vector<1xf32>
        %mul3A_864 = vector.broadcast %squeeze3A_863 : f32 to vector<16xf32>
        %mul3A_865 = arith.mulf %get3A_861, %mul3A_864 : vector<16xf32>
        %swap3A_866 = arith.constant 1 : i32
        %swap3A_867 = arith.index_cast %swap3A_866 : i32 to index
        %swap3A_868 = arith.index_cast %add3A_855 : i32 to index
        %swap3A_869 = arith.constant 0 : index
        %swap3A_870 = tpu.vector_load %arg16[%swap3A_867, %swap3A_868, %swap3A_869] {strides = array<i32>} : memref<2x512x16xf32, #tpu.memory_space<vmem>>, vector<1x1x16xf32>,
        %swap3A_871 = vector.shape_cast %swap3A_870 : vector<1x1x16xf32> to vector<16xf32>
        %swap3A_872 = vector.shape_cast %mul3A_865 : vector<16xf32> to vector<1x1x16xf32>
        tpu.vector_store %arg16[%swap3A_867, %swap3A_868, %swap3A_869], %swap3A_872 {strides = array<i32>} : memref<2x512x16xf32, #tpu.memory_space<vmem>>, vector<1x1x16xf32>,
        %mul3A_873 = arith.constant 16 : i32
        %mul3A_874 = arith.muli %scan3A_727, %mul3A_873 : i32
        %add3A_875 = arith.constant 6 : i32
        %add3A_876 = arith.addi %mul3A_874, %add3A_875 : i32
        %get3A_877 = arith.constant 1 : i32
        %get3A_878 = arith.index_cast %get3A_877 : i32 to index
        %get3A_879 = arith.index_cast %add3A_876 : i32 to index
        %get3A_880 = arith.constant 0 : index
        %get3A_881 = tpu.vector_load %arg16[%get3A_878, %get3A_879, %get3A_880] {strides = array<i32>} : memref<2x512x16xf32, #tpu.memory_space<vmem>>, vector<1x1x16xf32>,
        %get3A_882 = vector.shape_cast %get3A_881 : vector<1x1x16xf32> to vector<16xf32>
        %slice3A_883 = vector.extract_strided_slice %exp3A {offsets = [6], sizes = [1], strides = [1]} : vector<16xf32> to vector<1xf32>
        %squeeze3A_884 = vector.extract %slice3A_883[0] : f32 from vector<1xf32>
        %mul3A_885 = vector.broadcast %squeeze3A_884 : f32 to vector<16xf32>
        %mul3A_886 = arith.mulf %get3A_882, %mul3A_885 : vector<16xf32>
        %swap3A_887 = arith.constant 1 : i32
        %swap3A_888 = arith.index_cast %swap3A_887 : i32 to index
        %swap3A_889 = arith.index_cast %add3A_876 : i32 to index
        %swap3A_890 = arith.constant 0 : index
        %swap3A_891 = tpu.vector_load %arg16[%swap3A_888, %swap3A_889, %swap3A_890] {strides = array<i32>} : memref<2x512x16xf32, #tpu.memory_space<vmem>>, vector<1x1x16xf32>,
        %swap3A_892 = vector.shape_cast %swap3A_891 : vector<1x1x16xf32> to vector<16xf32>
        %swap3A_893 = vector.shape_cast %mul3A_886 : vector<16xf32> to vector<1x1x16xf32>
        tpu.vector_store %arg16[%swap3A_888, %swap3A_889, %swap3A_890], %swap3A_893 {strides = array<i32>} : memref<2x512x16xf32, #tpu.memory_space<vmem>>, vector<1x1x16xf32>,
        %mul3A_894 = arith.constant 16 : i32
        %mul3A_895 = arith.muli %scan3A_727, %mul3A_894 : i32
        %add3A_896 = arith.constant 7 : i32
        %add3A_897 = arith.addi %mul3A_895, %add3A_896 : i32
        %get3A_898 = arith.constant 1 : i32
        %get3A_899 = arith.index_cast %get3A_898 : i32 to index
        %get3A_900 = arith.index_cast %add3A_897 : i32 to index
        %get3A_901 = arith.constant 0 : index
        %get3A_902 = tpu.vector_load %arg16[%get3A_899, %get3A_900, %get3A_901] {strides = array<i32>} : memref<2x512x16xf32, #tpu.memory_space<vmem>>, vector<1x1x16xf32>,
        %get3A_903 = vector.shape_cast %get3A_902 : vector<1x1x16xf32> to vector<16xf32>
        %slice3A_904 = vector.extract_strided_slice %exp3A {offsets = [7], sizes = [1], strides = [1]} : vector<16xf32> to vector<1xf32>
        %squeeze3A_905 = vector.extract %slice3A_904[0] : f32 from vector<1xf32>
        %mul3A_906 = vector.broadcast %squeeze3A_905 : f32 to vector<16xf32>
        %mul3A_907 = arith.mulf %get3A_903, %mul3A_906 : vector<16xf32>
        %swap3A_908 = arith.constant 1 : i32
        %swap3A_909 = arith.index_cast %swap3A_908 : i32 to index
        %swap3A_910 = arith.index_cast %add3A_897 : i32 to index
        %swap3A_911 = arith.constant 0 : index
        %swap3A_912 = tpu.vector_load %arg16[%swap3A_909, %swap3A_910, %swap3A_911] {strides = array<i32>} : memref<2x512x16xf32, #tpu.memory_space<vmem>>, vector<1x1x16xf32>,
        %swap3A_913 = vector.shape_cast %swap3A_912 : vector<1x1x16xf32> to vector<16xf32>
        %swap3A_914 = vector.shape_cast %mul3A_907 : vector<16xf32> to vector<1x1x16xf32>
        tpu.vector_store %arg16[%swap3A_909, %swap3A_910, %swap3A_911], %swap3A_914 {strides = array<i32>} : memref<2x512x16xf32, #tpu.memory_space<vmem>>, vector<1x1x16xf32>,
        %mul3A_915 = arith.constant 16 : i32
        %mul3A_916 = arith.muli %scan3A_727, %mul3A_915 : i32
        %add3A_917 = arith.constant 8 : i32
        %add3A_918 = arith.addi %mul3A_916, %add3A_917 : i32
        %get3A_919 = arith.constant 1 : i32
        %get3A_920 = arith.index_cast %get3A_919 : i32 to index
        %get3A_921 = arith.index_cast %add3A_918 : i32 to index
        %get3A_922 = arith.constant 0 : index
        %get3A_923 = tpu.vector_load %arg16[%get3A_920, %get3A_921, %get3A_922] {strides = array<i32>} : memref<2x512x16xf32, #tpu.memory_space<vmem>>, vector<1x1x16xf32>,
        %get3A_924 = vector.shape_cast %get3A_923 : vector<1x1x16xf32> to vector<16xf32>
        %slice3A_925 = vector.extract_strided_slice %exp3A {offsets = [8], sizes = [1], strides = [1]} : vector<16xf32> to vector<1xf32>
        %squeeze3A_926 = vector.extract %slice3A_925[0] : f32 from vector<1xf32>
        %mul3A_927 = vector.broadcast %squeeze3A_926 : f32 to vector<16xf32>
        %mul3A_928 = arith.mulf %get3A_924, %mul3A_927 : vector<16xf32>
        %swap3A_929 = arith.constant 1 : i32
        %swap3A_930 = arith.index_cast %swap3A_929 : i32 to index
        %swap3A_931 = arith.index_cast %add3A_918 : i32 to index
        %swap3A_932 = arith.constant 0 : index
        %swap3A_933 = tpu.vector_load %arg16[%swap3A_930, %swap3A_931, %swap3A_932] {strides = array<i32>} : memref<2x512x16xf32, #tpu.memory_space<vmem>>, vector<1x1x16xf32>,
        %swap3A_934 = vector.shape_cast %swap3A_933 : vector<1x1x16xf32> to vector<16xf32>
        %swap3A_935 = vector.shape_cast %mul3A_928 : vector<16xf32> to vector<1x1x16xf32>
        tpu.vector_store %arg16[%swap3A_930, %swap3A_931, %swap3A_932], %swap3A_935 {strides = array<i32>} : memref<2x512x16xf32, #tpu.memory_space<vmem>>, vector<1x1x16xf32>,
        %mul3A_936 = arith.constant 16 : i32
        %mul3A_937 = arith.muli %scan3A_727, %mul3A_936 : i32
        %add3A_938 = arith.constant 9 : i32
        %add3A_939 = arith.addi %mul3A_937, %add3A_938 : i32
        %get3A_940 = arith.constant 1 : i32
        %get3A_941 = arith.index_cast %get3A_940 : i32 to index
        %get3A_942 = arith.index_cast %add3A_939 : i32 to index
        %get3A_943 = arith.constant 0 : index
        %get3A_944 = tpu.vector_load %arg16[%get3A_941, %get3A_942, %get3A_943] {strides = array<i32>} : memref<2x512x16xf32, #tpu.memory_space<vmem>>, vector<1x1x16xf32>,
        %get3A_945 = vector.shape_cast %get3A_944 : vector<1x1x16xf32> to vector<16xf32>
        %slice3A_946 = vector.extract_strided_slice %exp3A {offsets = [9], sizes = [1], strides = [1]} : vector<16xf32> to vector<1xf32>
        %squeeze3A_947 = vector.extract %slice3A_946[0] : f32 from vector<1xf32>
        %mul3A_948 = vector.broadcast %squeeze3A_947 : f32 to vector<16xf32>
        %mul3A_949 = arith.mulf %get3A_945, %mul3A_948 : vector<16xf32>
        %swap3A_950 = arith.constant 1 : i32
        %swap3A_951 = arith.index_cast %swap3A_950 : i32 to index
        %swap3A_952 = arith.index_cast %add3A_939 : i32 to index
        %swap3A_953 = arith.constant 0 : index
        %swap3A_954 = tpu.vector_load %arg16[%swap3A_951, %swap3A_952, %swap3A_953] {strides = array<i32>} : memref<2x512x16xf32, #tpu.memory_space<vmem>>, vector<1x1x16xf32>,
        %swap3A_955 = vector.shape_cast %swap3A_954 : vector<1x1x16xf32> to vector<16xf32>
        %swap3A_956 = vector.shape_cast %mul3A_949 : vector<16xf32> to vector<1x1x16xf32>
        tpu.vector_store %arg16[%swap3A_951, %swap3A_952, %swap3A_953], %swap3A_956 {strides = array<i32>} : memref<2x512x16xf32, #tpu.memory_space<vmem>>, vector<1x1x16xf32>,
        %mul3A_957 = arith.constant 16 : i32
        %mul3A_958 = arith.muli %scan3A_727, %mul3A_957 : i32
        %add3A_959 = arith.constant 10 : i32
        %add3A_960 = arith.addi %mul3A_958, %add3A_959 : i32
        %get3A_961 = arith.constant 1 : i32
        %get3A_962 = arith.index_cast %get3A_961 : i32 to index
        %get3A_963 = arith.index_cast %add3A_960 : i32 to index
        %get3A_964 = arith.constant 0 : index
        %get3A_965 = tpu.vector_load %arg16[%get3A_962, %get3A_963, %get3A_964] {strides = array<i32>} : memref<2x512x16xf32, #tpu.memory_space<vmem>>, vector<1x1x16xf32>,
        %get3A_966 = vector.shape_cast %get3A_965 : vector<1x1x16xf32> to vector<16xf32>
        %slice3A_967 = vector.extract_strided_slice %exp3A {offsets = [10], sizes = [1], strides = [1]} : vector<16xf32> to vector<1xf32>
        %squeeze3A_968 = vector.extract %slice3A_967[0] : f32 from vector<1xf32>
        %mul3A_969 = vector.broadcast %squeeze3A_968 : f32 to vector<16xf32>
        %mul3A_970 = arith.mulf %get3A_966, %mul3A_969 : vector<16xf32>
        %swap3A_971 = arith.constant 1 : i32
        %swap3A_972 = arith.index_cast %swap3A_971 : i32 to index
        %swap3A_973 = arith.index_cast %add3A_960 : i32 to index
        %swap3A_974 = arith.constant 0 : index
        %swap3A_975 = tpu.vector_load %arg16[%swap3A_972, %swap3A_973, %swap3A_974] {strides = array<i32>} : memref<2x512x16xf32, #tpu.memory_space<vmem>>, vector<1x1x16xf32>,
        %swap3A_976 = vector.shape_cast %swap3A_975 : vector<1x1x16xf32> to vector<16xf32>
        %swap3A_977 = vector.shape_cast %mul3A_970 : vector<16xf32> to vector<1x1x16xf32>
        tpu.vector_store %arg16[%swap3A_972, %swap3A_973, %swap3A_974], %swap3A_977 {strides = array<i32>} : memref<2x512x16xf32, #tpu.memory_space<vmem>>, vector<1x1x16xf32>,
        %mul3A_978 = arith.constant 16 : i32
        %mul3A_979 = arith.muli %scan3A_727, %mul3A_978 : i32
        %add3A_980 = arith.constant 11 : i32
        %add3A_981 = arith.addi %mul3A_979, %add3A_980 : i32
        %get3A_982 = arith.constant 1 : i32
        %get3A_983 = arith.index_cast %get3A_982 : i32 to index
        %get3A_984 = arith.index_cast %add3A_981 : i32 to index
        %get3A_985 = arith.constant 0 : index
        %get3A_986 = tpu.vector_load %arg16[%get3A_983, %get3A_984, %get3A_985] {strides = array<i32>} : memref<2x512x16xf32, #tpu.memory_space<vmem>>, vector<1x1x16xf32>,
        %get3A_987 = vector.shape_cast %get3A_986 : vector<1x1x16xf32> to vector<16xf32>
        %slice3A_988 = vector.extract_strided_slice %exp3A {offsets = [11], sizes = [1], strides = [1]} : vector<16xf32> to vector<1xf32>
        %squeeze3A_989 = vector.extract %slice3A_988[0] : f32 from vector<1xf32>
        %mul3A_990 = vector.broadcast %squeeze3A_989 : f32 to vector<16xf32>
        %mul3A_991 = arith.mulf %get3A_987, %mul3A_990 : vector<16xf32>
        %swap3A_992 = arith.constant 1 : i32
        %swap3A_993 = arith.index_cast %swap3A_992 : i32 to index
        %swap3A_994 = arith.index_cast %add3A_981 : i32 to index
        %swap3A_995 = arith.constant 0 : index
        %swap3A_996 = tpu.vector_load %arg16[%swap3A_993, %swap3A_994, %swap3A_995] {strides = array<i32>} : memref<2x512x16xf32, #tpu.memory_space<vmem>>, vector<1x1x16xf32>,
        %swap3A_997 = vector.shape_cast %swap3A_996 : vector<1x1x16xf32> to vector<16xf32>
        %swap3A_998 = vector.shape_cast %mul3A_991 : vector<16xf32> to vector<1x1x16xf32>
        tpu.vector_store %arg16[%swap3A_993, %swap3A_994, %swap3A_995], %swap3A_998 {strides = array<i32>} : memref<2x512x16xf32, #tpu.memory_space<vmem>>, vector<1x1x16xf32>,
        %mul3A_999 = arith.constant 16 : i32
        %mul3A_1000 = arith.muli %scan3A_727, %mul3A_999 : i32
        %add3A_1001 = arith.constant 12 : i32
        %add3A_1002 = arith.addi %mul3A_1000, %add3A_1001 : i32
        %get3A_1003 = arith.constant 1 : i32
        %get3A_1004 = arith.index_cast %get3A_1003 : i32 to index
        %get3A_1005 = arith.index_cast %add3A_1002 : i32 to index
        %get3A_1006 = arith.constant 0 : index
        %get3A_1007 = tpu.vector_load %arg16[%get3A_1004, %get3A_1005, %get3A_1006] {strides = array<i32>} : memref<2x512x16xf32, #tpu.memory_space<vmem>>, vector<1x1x16xf32>,
        %get3A_1008 = vector.shape_cast %get3A_1007 : vector<1x1x16xf32> to vector<16xf32>
        %slice3A_1009 = vector.extract_strided_slice %exp3A {offsets = [12], sizes = [1], strides = [1]} : vector<16xf32> to vector<1xf32>
        %squeeze3A_1010 = vector.extract %slice3A_1009[0] : f32 from vector<1xf32>
        %mul3A_1011 = vector.broadcast %squeeze3A_1010 : f32 to vector<16xf32>
        %mul3A_1012 = arith.mulf %get3A_1008, %mul3A_1011 : vector<16xf32>
        %swap3A_1013 = arith.constant 1 : i32
        %swap3A_1014 = arith.index_cast %swap3A_1013 : i32 to index
        %swap3A_1015 = arith.index_cast %add3A_1002 : i32 to index
        %swap3A_1016 = arith.constant 0 : index
        %swap3A_1017 = tpu.vector_load %arg16[%swap3A_1014, %swap3A_1015, %swap3A_1016] {strides = array<i32>} : memref<2x512x16xf32, #tpu.memory_space<vmem>>, vector<1x1x16xf32>,
        %swap3A_1018 = vector.shape_cast %swap3A_1017 : vector<1x1x16xf32> to vector<16xf32>
        %swap3A_1019 = vector.shape_cast %mul3A_1012 : vector<16xf32> to vector<1x1x16xf32>
        tpu.vector_store %arg16[%swap3A_1014, %swap3A_1015, %swap3A_1016], %swap3A_1019 {strides = array<i32>} : memref<2x512x16xf32, #tpu.memory_space<vmem>>, vector<1x1x16xf32>,
        %mul3A_1020 = arith.constant 16 : i32
        %mul3A_1021 = arith.muli %scan3A_727, %mul3A_1020 : i32
        %add3A_1022 = arith.constant 13 : i32
        %add3A_1023 = arith.addi %mul3A_1021, %add3A_1022 : i32
        %get3A_1024 = arith.constant 1 : i32
        %get3A_1025 = arith.index_cast %get3A_1024 : i32 to index
        %get3A_1026 = arith.index_cast %add3A_1023 : i32 to index
        %get3A_1027 = arith.constant 0 : index
        %get3A_1028 = tpu.vector_load %arg16[%get3A_1025, %get3A_1026, %get3A_1027] {strides = array<i32>} : memref<2x512x16xf32, #tpu.memory_space<vmem>>, vector<1x1x16xf32>,
        %get3A_1029 = vector.shape_cast %get3A_1028 : vector<1x1x16xf32> to vector<16xf32>
        %slice3A_1030 = vector.extract_strided_slice %exp3A {offsets = [13], sizes = [1], strides = [1]} : vector<16xf32> to vector<1xf32>
        %squeeze3A_1031 = vector.extract %slice3A_1030[0] : f32 from vector<1xf32>
        %mul3A_1032 = vector.broadcast %squeeze3A_1031 : f32 to vector<16xf32>
        %mul3A_1033 = arith.mulf %get3A_1029, %mul3A_1032 : vector<16xf32>
        %swap3A_1034 = arith.constant 1 : i32
        %swap3A_1035 = arith.index_cast %swap3A_1034 : i32 to index
        %swap3A_1036 = arith.index_cast %add3A_1023 : i32 to index
        %swap3A_1037 = arith.constant 0 : index
        %swap3A_1038 = tpu.vector_load %arg16[%swap3A_1035, %swap3A_1036, %swap3A_1037] {strides = array<i32>} : memref<2x512x16xf32, #tpu.memory_space<vmem>>, vector<1x1x16xf32>,
        %swap3A_1039 = vector.shape_cast %swap3A_1038 : vector<1x1x16xf32> to vector<16xf32>
        %swap3A_1040 = vector.shape_cast %mul3A_1033 : vector<16xf32> to vector<1x1x16xf32>
        tpu.vector_store %arg16[%swap3A_1035, %swap3A_1036, %swap3A_1037], %swap3A_1040 {strides = array<i32>} : memref<2x512x16xf32, #tpu.memory_space<vmem>>, vector<1x1x16xf32>,
        %mul3A_1041 = arith.constant 16 : i32
        %mul3A_1042 = arith.muli %scan3A_727, %mul3A_1041 : i32
        %add3A_1043 = arith.constant 14 : i32
        %add3A_1044 = arith.addi %mul3A_1042, %add3A_1043 : i32
        %get3A_1045 = arith.constant 1 : i32
        %get3A_1046 = arith.index_cast %get3A_1045 : i32 to index
        %get3A_1047 = arith.index_cast %add3A_1044 : i32 to index
        %get3A_1048 = arith.constant 0 : index
        %get3A_1049 = tpu.vector_load %arg16[%get3A_1046, %get3A_1047, %get3A_1048] {strides = array<i32>} : memref<2x512x16xf32, #tpu.memory_space<vmem>>, vector<1x1x16xf32>,
        %get3A_1050 = vector.shape_cast %get3A_1049 : vector<1x1x16xf32> to vector<16xf32>
        %slice3A_1051 = vector.extract_strided_slice %exp3A {offsets = [14], sizes = [1], strides = [1]} : vector<16xf32> to vector<1xf32>
        %squeeze3A_1052 = vector.extract %slice3A_1051[0] : f32 from vector<1xf32>
        %mul3A_1053 = vector.broadcast %squeeze3A_1052 : f32 to vector<16xf32>
        %mul3A_1054 = arith.mulf %get3A_1050, %mul3A_1053 : vector<16xf32>
        %swap3A_1055 = arith.constant 1 : i32
        %swap3A_1056 = arith.index_cast %swap3A_1055 : i32 to index
        %swap3A_1057 = arith.index_cast %add3A_1044 : i32 to index
        %swap3A_1058 = arith.constant 0 : index
        %swap3A_1059 = tpu.vector_load %arg16[%swap3A_1056, %swap3A_1057, %swap3A_1058] {strides = array<i32>} : memref<2x512x16xf32, #tpu.memory_space<vmem>>, vector<1x1x16xf32>,
        %swap3A_1060 = vector.shape_cast %swap3A_1059 : vector<1x1x16xf32> to vector<16xf32>
        %swap3A_1061 = vector.shape_cast %mul3A_1054 : vector<16xf32> to vector<1x1x16xf32>
        tpu.vector_store %arg16[%swap3A_1056, %swap3A_1057, %swap3A_1058], %swap3A_1061 {strides = array<i32>} : memref<2x512x16xf32, #tpu.memory_space<vmem>>, vector<1x1x16xf32>,
        %mul3A_1062 = arith.constant 16 : i32
        %mul3A_1063 = arith.muli %scan3A_727, %mul3A_1062 : i32
        %add3A_1064 = arith.constant 15 : i32
        %add3A_1065 = arith.addi %mul3A_1063, %add3A_1064 : i32
        %get3A_1066 = arith.constant 1 : i32
        %get3A_1067 = arith.index_cast %get3A_1066 : i32 to index
        %get3A_1068 = arith.index_cast %add3A_1065 : i32 to index
        %get3A_1069 = arith.constant 0 : index
        %get3A_1070 = tpu.vector_load %arg16[%get3A_1067, %get3A_1068, %get3A_1069] {strides = array<i32>} : memref<2x512x16xf32, #tpu.memory_space<vmem>>, vector<1x1x16xf32>,
        %get3A_1071 = vector.shape_cast %get3A_1070 : vector<1x1x16xf32> to vector<16xf32>
        %slice3A_1072 = vector.extract_strided_slice %exp3A {offsets = [15], sizes = [1], strides = [1]} : vector<16xf32> to vector<1xf32>
        %squeeze3A_1073 = vector.extract %slice3A_1072[0] : f32 from vector<1xf32>
        %mul3A_1074 = vector.broadcast %squeeze3A_1073 : f32 to vector<16xf32>
        %mul3A_1075 = arith.mulf %get3A_1071, %mul3A_1074 : vector<16xf32>
        %swap3A_1076 = arith.constant 1 : i32
        %swap3A_1077 = arith.index_cast %swap3A_1076 : i32 to index
        %swap3A_1078 = arith.index_cast %add3A_1065 : i32 to index
        %swap3A_1079 = arith.constant 0 : index
        %swap3A_1080 = tpu.vector_load %arg16[%swap3A_1077, %swap3A_1078, %swap3A_1079] {strides = array<i32>} : memref<2x512x16xf32, #tpu.memory_space<vmem>>, vector<1x1x16xf32>,
        %swap3A_1081 = vector.shape_cast %swap3A_1080 : vector<1x1x16xf32> to vector<16xf32>
        %swap3A_1082 = vector.shape_cast %mul3A_1075 : vector<16xf32> to vector<1x1x16xf32>
        tpu.vector_store %arg16[%swap3A_1077, %swap3A_1078, %swap3A_1079], %swap3A_1082 {strides = array<i32>} : memref<2x512x16xf32, #tpu.memory_space<vmem>>, vector<1x1x16xf32>,
      }
      %scan3A_527 = arith.constant 32 : i32
      %dma_start3A_528 = arith.constant 1 : i32
      %dma_start3A_529 = arith.constant 1 : i32
      %dma_start3A_530 = arith.constant 0 : i32
      %dma_start3A_531 = tpu.memref_slice %arg14[%dma_start3A_528, %dma_start3A_530] : memref<2x512xf32, #tpu.memory_space<vmem>> -> memref<1x512xf32, #tpu.memory_space<vmem>>
      %dma_start3A_532 = tpu.memref_squeeze %dma_start3A_531 : memref<1x512xf32, #tpu.memory_space<vmem>> -> memref<512xf32, #tpu.memory_space<vmem>>
      %dma_start3A_533 = arith.constant 0 : i32
      %dma_start3A_534 = tpu.memref_slice %arg12[%dma_start3A_529, %dma_start3A_533] : memref<2x512xi32, #tpu.memory_space<vmem>> -> memref<1x512xi32, #tpu.memory_space<vmem>>
      %dma_start3A_535 = tpu.memref_squeeze %dma_start3A_534 : memref<1x512xi32, #tpu.memory_space<vmem>> -> memref<512xi32, #tpu.memory_space<vmem>>
      %dma_start3A_536 = arith.constant 0 : i32
      %dma_start3A_537 = tpu.memref_slice %arg10[%dma_start3A_536] : memref<100352xf32, #tpu.memory_space<vmem_shared>> -> memref<100352xf32, #tpu.memory_space<vmem_shared>>
      tpu.enqueue_indirect_dma source(%dma_start3A_532 : memref<512xf32, #tpu.memory_space<vmem>>) target(%dma_start3A_537 : memref<100352xf32, #tpu.memory_space<vmem_shared>>) offsets(%dma_start3A_535 : memref<512xi32, #tpu.memory_space<vmem>>) semaphore(%arg25 : memref<!tpu.dma_semaphore, #tpu.memory_space<semaphore_mem>>) {add = true}
      %dma_start3A_538 = arith.constant 1 : i32
      %dma_start3A_539 = arith.constant 1 : i32
      %dma_start3A_540 = arith.constant 0 : i32
      %dma_start3A_541 = arith.constant 0 : i32
      %dma_start3A_542 = tpu.memref_slice %arg16[%dma_start3A_538, %dma_start3A_540, %dma_start3A_541] : memref<2x512x16xf32, #tpu.memory_space<vmem>> -> memref<1x512x16xf32, #tpu.memory_space<vmem>>
      %dma_start3A_543 = tpu.memref_squeeze %dma_start3A_542 : memref<1x512x16xf32, #tpu.memory_space<vmem>> -> memref<512x16xf32, #tpu.memory_space<vmem>>
      %dma_start3A_544 = arith.constant 0 : i32
      %dma_start3A_545 = tpu.memref_slice %arg12[%dma_start3A_539, %dma_start3A_544] : memref<2x512xi32, #tpu.memory_space<vmem>> -> memref<1x512xi32, #tpu.memory_space<vmem>>
      %dma_start3A_546 = tpu.memref_squeeze %dma_start3A_545 : memref<1x512xi32, #tpu.memory_space<vmem>> -> memref<512xi32, #tpu.memory_space<vmem>>
      %dma_start3A_547 = arith.constant 0 : i32
      %dma_start3A_548 = arith.constant 0 : i32
      %dma_start3A_549 = tpu.memref_slice %arg9[%dma_start3A_547, %dma_start3A_548] : memref<100352x16xf32, #tpu.memory_space<vmem_shared>> -> memref<100352x16xf32, #tpu.memory_space<vmem_shared>>
      tpu.enqueue_indirect_dma source(%dma_start3A_543 : memref<512x16xf32, #tpu.memory_space<vmem>>) target(%dma_start3A_549 : memref<100352x16xf32, #tpu.memory_space<vmem_shared>>) offsets(%dma_start3A_546 : memref<512xi32, #tpu.memory_space<vmem>>) semaphore(%arg25 : memref<!tpu.dma_semaphore, #tpu.memory_space<semaphore_mem>>) {add = true}
      %add3A_550 = arith.constant 1 : i32
      %add3A_551 = arith.addi %add3A_374, %add3A_550 : i32
      %dma_wait3A_552 = arith.constant 0 : i32
      %dma_wait3A_553 = arith.constant 0 : i32
      %dma_wait3A_554 = arith.constant 0 : i32
      %dma_wait3A_555 = tpu.memref_slice %arg14[%dma_wait3A_553, %dma_wait3A_554] : memref<2x512xf32, #tpu.memory_space<vmem>> -> memref<1x512xf32, #tpu.memory_space<vmem>>
      %dma_wait3A_556 = tpu.memref_squeeze %dma_wait3A_555 : memref<1x512xf32, #tpu.memory_space<vmem>> -> memref<512xf32, #tpu.memory_space<vmem>>
      %dma_wait3A_557 = arith.constant 0 : i32
      %dma_wait3A_558 = tpu.memref_slice %arg11[%dma_wait3A_552, %dma_wait3A_557] : memref<2x512xi32, #tpu.memory_space<vmem>> -> memref<1x512xi32, #tpu.memory_space<vmem>>
      %dma_wait3A_559 = tpu.memref_squeeze %dma_wait3A_558 : memref<1x512xi32, #tpu.memory_space<vmem>> -> memref<512xi32, #tpu.memory_space<vmem>>
      %dma_wait3A_560 = arith.constant 0 : i32
      %dma_wait3A_561 = tpu.memref_slice %arg2[%dma_wait3A_560] : memref<100352xf32, #tpu.memory_space<hbm>> -> memref<100352xf32, #tpu.memory_space<hbm>>
      tpu.wait_indirect_dma semaphore(%arg23 : memref<!tpu.dma_semaphore, #tpu.memory_space<semaphore_mem>>) src(%dma_wait3A_561 : memref<100352xf32, #tpu.memory_space<hbm>>) dst(%dma_wait3A_556 : memref<512xf32, #tpu.memory_space<vmem>>)
      %dma_wait3A_562 = arith.constant 0 : i32
      %dma_wait3A_563 = arith.constant 0 : i32
      %dma_wait3A_564 = arith.constant 0 : i32
      %dma_wait3A_565 = tpu.memref_slice %arg15[%dma_wait3A_563, %dma_wait3A_564] : memref<2x512xf32, #tpu.memory_space<vmem>> -> memref<1x512xf32, #tpu.memory_space<vmem>>
      %dma_wait3A_566 = tpu.memref_squeeze %dma_wait3A_565 : memref<1x512xf32, #tpu.memory_space<vmem>> -> memref<512xf32, #tpu.memory_space<vmem>>
      %dma_wait3A_567 = arith.constant 0 : i32
      %dma_wait3A_568 = tpu.memref_slice %arg12[%dma_wait3A_562, %dma_wait3A_567] : memref<2x512xi32, #tpu.memory_space<vmem>> -> memref<1x512xi32, #tpu.memory_space<vmem>>
      %dma_wait3A_569 = tpu.memref_squeeze %dma_wait3A_568 : memref<1x512xi32, #tpu.memory_space<vmem>> -> memref<512xi32, #tpu.memory_space<vmem>>
      %dma_wait3A_570 = arith.constant 0 : i32
      %dma_wait3A_571 = tpu.memref_slice %arg3[%dma_wait3A_570] : memref<100352xf32, #tpu.memory_space<hbm>> -> memref<100352xf32, #tpu.memory_space<hbm>>
      tpu.wait_indirect_dma semaphore(%arg23 : memref<!tpu.dma_semaphore, #tpu.memory_space<semaphore_mem>>) src(%dma_wait3A_571 : memref<100352xf32, #tpu.memory_space<hbm>>) dst(%dma_wait3A_566 : memref<512xf32, #tpu.memory_space<vmem>>)
      %dma_wait3A_572 = arith.constant 0 : i32
      %dma_wait3A_573 = arith.constant 0 : i32
      %dma_wait3A_574 = arith.constant 0 : i32
      %dma_wait3A_575 = arith.constant 0 : i32
      %dma_wait3A_576 = tpu.memref_slice %arg16[%dma_wait3A_573, %dma_wait3A_574, %dma_wait3A_575] : memref<2x512x16xf32, #tpu.memory_space<vmem>> -> memref<1x512x16xf32, #tpu.memory_space<vmem>>
      %dma_wait3A_577 = tpu.memref_squeeze %dma_wait3A_576 : memref<1x512x16xf32, #tpu.memory_space<vmem>> -> memref<512x16xf32, #tpu.memory_space<vmem>>
      %dma_wait3A_578 = arith.constant 0 : i32
      %dma_wait3A_579 = tpu.memref_slice %arg13[%dma_wait3A_572, %dma_wait3A_578] : memref<2x512xi32, #tpu.memory_space<vmem>> -> memref<1x512xi32, #tpu.memory_space<vmem>>
      %dma_wait3A_580 = tpu.memref_squeeze %dma_wait3A_579 : memref<1x512xi32, #tpu.memory_space<vmem>> -> memref<512xi32, #tpu.memory_space<vmem>>
      %dma_wait3A_581 = arith.constant 0 : i32
      %dma_wait3A_582 = arith.constant 0 : i32
      %dma_wait3A_583 = tpu.memref_slice %arg4[%dma_wait3A_581, %dma_wait3A_582] : memref<200704x16xf32, #tpu.memory_space<hbm>> -> memref<200704x16xf32, #tpu.memory_space<hbm>>
      tpu.wait_indirect_dma semaphore(%arg23 : memref<!tpu.dma_semaphore, #tpu.memory_space<semaphore_mem>>) src(%dma_wait3A_583 : memref<200704x16xf32, #tpu.memory_space<hbm>>) dst(%dma_wait3A_577 : memref<512x16xf32, #tpu.memory_space<vmem>>)
      %dma_wait3A_584 = arith.constant 1 : i32
      %dma_wait3A_585 = arith.constant 1 : i32
      %dma_wait3A_586 = arith.constant 0 : i32
      %dma_wait3A_587 = tpu.memref_slice %arg14[%dma_wait3A_584, %dma_wait3A_586] : memref<2x512xf32, #tpu.memory_space<vmem>> -> memref<1x512xf32, #tpu.memory_space<vmem>>
      %dma_wait3A_588 = tpu.memref_squeeze %dma_wait3A_587 : memref<1x512xf32, #tpu.memory_space<vmem>> -> memref<512xf32, #tpu.memory_space<vmem>>
      %dma_wait3A_589 = arith.constant 0 : i32
      %dma_wait3A_590 = tpu.memref_slice %arg12[%dma_wait3A_585, %dma_wait3A_589] : memref<2x512xi32, #tpu.memory_space<vmem>> -> memref<1x512xi32, #tpu.memory_space<vmem>>
      %dma_wait3A_591 = tpu.memref_squeeze %dma_wait3A_590 : memref<1x512xi32, #tpu.memory_space<vmem>> -> memref<512xi32, #tpu.memory_space<vmem>>
      %dma_wait3A_592 = arith.constant 0 : i32
      %dma_wait3A_593 = tpu.memref_slice %arg10[%dma_wait3A_592] : memref<100352xf32, #tpu.memory_space<vmem_shared>> -> memref<100352xf32, #tpu.memory_space<vmem_shared>>
      tpu.wait_indirect_dma semaphore(%arg25 : memref<!tpu.dma_semaphore, #tpu.memory_space<semaphore_mem>>) src(%dma_wait3A_588 : memref<512xf32, #tpu.memory_space<vmem>>) dst(%dma_wait3A_593 : memref<100352xf32, #tpu.memory_space<vmem_shared>>)
      %dma_wait3A_594 = arith.constant 1 : i32
      %dma_wait3A_595 = arith.constant 1 : i32
      %dma_wait3A_596 = arith.constant 0 : i32
      %dma_wait3A_597 = arith.constant 0 : i32
      %dma_wait3A_598 = tpu.memref_slice %arg16[%dma_wait3A_594, %dma_wait3A_596, %dma_wait3A_597] : memref<2x512x16xf32, #tpu.memory_space<vmem>> -> memref<1x512x16xf32, #tpu.memory_space<vmem>>
      %dma_wait3A_599 = tpu.memref_squeeze %dma_wait3A_598 : memref<1x512x16xf32, #tpu.memory_space<vmem>> -> memref<512x16xf32, #tpu.memory_space<vmem>>
      %dma_wait3A_600 = arith.constant 0 : i32
      %dma_wait3A_601 = tpu.memref_slice %arg12[%dma_wait3A_595, %dma_wait3A_600] : memref<2x512xi32, #tpu.memory_space<vmem>> -> memref<1x512xi32, #tpu.memory_space<vmem>>
      %dma_wait3A_602 = tpu.memref_squeeze %dma_wait3A_601 : memref<1x512xi32, #tpu.memory_space<vmem>> -> memref<512xi32, #tpu.memory_space<vmem>>
      %dma_wait3A_603 = arith.constant 0 : i32
      %dma_wait3A_604 = arith.constant 0 : i32
      %dma_wait3A_605 = tpu.memref_slice %arg9[%dma_wait3A_603, %dma_wait3A_604] : memref<100352x16xf32, #tpu.memory_space<vmem_shared>> -> memref<100352x16xf32, #tpu.memory_space<vmem_shared>>
      tpu.wait_indirect_dma semaphore(%arg25 : memref<!tpu.dma_semaphore, #tpu.memory_space<semaphore_mem>>) src(%dma_wait3A_599 : memref<512x16xf32, #tpu.memory_space<vmem>>) dst(%dma_wait3A_605 : memref<100352x16xf32, #tpu.memory_space<vmem_shared>>)
      %add3A_606 = arith.constant 1 : i32
      %add3A_607 = arith.addi %add3A_551, %add3A_606 : i32
      %add3A_608 = arith.addi %mul3A_11, %add3A_607 : i32
      %dma_start3A_609 = arith.constant 1 : i32
      %dma_start3A_610 = arith.constant 0 : i32
      %dma_start3A_611 = tpu.memref_slice %arg11[%dma_start3A_609, %dma_start3A_610] : memref<2x512xi32, #tpu.memory_space<vmem>> -> memref<1x512xi32, #tpu.memory_space<vmem>>
      %dma_start3A_612 = tpu.memref_squeeze %dma_start3A_611 : memref<1x512xi32, #tpu.memory_space<vmem>> -> memref<512xi32, #tpu.memory_space<vmem>>
      %dma_start3A_613 = arith.constant 0 : i32
      %dma_start3A_614 = tpu.memref_slice %arg5[%add3A_608, %dma_start3A_613] : memref<3136x512xi32, #tpu.memory_space<hbm>> -> memref<1x512xi32, #tpu.memory_space<hbm>>
      %dma_start3A_615 = tpu.memref_squeeze %dma_start3A_614 : memref<1x512xi32, #tpu.memory_space<hbm>> -> memref<512xi32, #tpu.memory_space<hbm>>
      %dma_start3A_616 = arith.constant 0 : i32
      %dma_start3A_617 = tpu.memref_slice %arg11[%dma_start3A_609, %dma_start3A_616] : memref<2x512xi32, #tpu.memory_space<vmem>> -> memref<1x512xi32, #tpu.memory_space<vmem>>
      %dma_start3A_618 = tpu.memref_squeeze %dma_start3A_617 : memref<1x512xi32, #tpu.memory_space<vmem>> -> memref<512xi32, #tpu.memory_space<vmem>>
      %dma_start3A_619 = arith.constant 0 : i32
      %dma_start3A_620 = tpu.memref_slice %arg5[%add3A_608, %dma_start3A_619] : memref<3136x512xi32, #tpu.memory_space<hbm>> -> memref<1x512xi32, #tpu.memory_space<hbm>>
      %dma_start3A_621 = tpu.memref_squeeze %dma_start3A_620 : memref<1x512xi32, #tpu.memory_space<hbm>> -> memref<512xi32, #tpu.memory_space<hbm>>
      tpu.enqueue_dma source(%dma_start3A_621 : memref<512xi32, #tpu.memory_space<hbm>>) target(%dma_start3A_618 : memref<512xi32, #tpu.memory_space<vmem>>) target_semaphore(%arg22 : memref<!tpu.dma_semaphore, #tpu.memory_space<semaphore_mem>>)
      %dma_start3A_622 = arith.constant 1 : i32
      %dma_start3A_623 = arith.constant 0 : i32
      %dma_start3A_624 = tpu.memref_slice %arg12[%dma_start3A_622, %dma_start3A_623] : memref<2x512xi32, #tpu.memory_space<vmem>> -> memref<1x512xi32, #tpu.memory_space<vmem>>
      %dma_start3A_625 = tpu.memref_squeeze %dma_start3A_624 : memref<1x512xi32, #tpu.memory_space<vmem>> -> memref<512xi32, #tpu.memory_space<vmem>>
      %dma_start3A_626 = arith.constant 0 : i32
      %dma_start3A_627 = tpu.memref_slice %arg6[%add3A_608, %dma_start3A_626] : memref<3136x512xi32, #tpu.memory_space<hbm>> -> memref<1x512xi32, #tpu.memory_space<hbm>>
      %dma_start3A_628 = tpu.memref_squeeze %dma_start3A_627 : memref<1x512xi32, #tpu.memory_space<hbm>> -> memref<512xi32, #tpu.memory_space<hbm>>
      %dma_start3A_629 = arith.constant 0 : i32
      %dma_start3A_630 = tpu.memref_slice %arg12[%dma_start3A_622, %dma_start3A_629] : memref<2x512xi32, #tpu.memory_space<vmem>> -> memref<1x512xi32, #tpu.memory_space<vmem>>
      %dma_start3A_631 = tpu.memref_squeeze %dma_start3A_630 : memref<1x512xi32, #tpu.memory_space<vmem>> -> memref<512xi32, #tpu.memory_space<vmem>>
      %dma_start3A_632 = arith.constant 0 : i32
      %dma_start3A_633 = tpu.memref_slice %arg6[%add3A_608, %dma_start3A_632] : memref<3136x512xi32, #tpu.memory_space<hbm>> -> memref<1x512xi32, #tpu.memory_space<hbm>>
      %dma_start3A_634 = tpu.memref_squeeze %dma_start3A_633 : memref<1x512xi32, #tpu.memory_space<hbm>> -> memref<512xi32, #tpu.memory_space<hbm>>
      tpu.enqueue_dma source(%dma_start3A_634 : memref<512xi32, #tpu.memory_space<hbm>>) target(%dma_start3A_631 : memref<512xi32, #tpu.memory_space<vmem>>) target_semaphore(%arg22 : memref<!tpu.dma_semaphore, #tpu.memory_space<semaphore_mem>>)
      %dma_wait3A_635 = arith.constant 1 : i32
      %dma_wait3A_636 = arith.constant 0 : i32
      %dma_wait3A_637 = tpu.memref_slice %arg11[%dma_wait3A_635, %dma_wait3A_636] : memref<2x512xi32, #tpu.memory_space<vmem>> -> memref<1x512xi32, #tpu.memory_space<vmem>>
      %dma_wait3A_638 = tpu.memref_squeeze %dma_wait3A_637 : memref<1x512xi32, #tpu.memory_space<vmem>> -> memref<512xi32, #tpu.memory_space<vmem>>
      %dma_wait3A_639 = arith.constant 0 : i32
      %dma_wait3A_640 = tpu.memref_slice %arg5[%add3A_608, %dma_wait3A_639] : memref<3136x512xi32, #tpu.memory_space<hbm>> -> memref<1x512xi32, #tpu.memory_space<hbm>>
      %dma_wait3A_641 = tpu.memref_squeeze %dma_wait3A_640 : memref<1x512xi32, #tpu.memory_space<hbm>> -> memref<512xi32, #tpu.memory_space<hbm>>
      %dma_wait3A_642 = arith.constant 0 : i32
      %dma_wait3A_643 = tpu.memref_slice %arg11[%dma_wait3A_635, %dma_wait3A_642] : memref<2x512xi32, #tpu.memory_space<vmem>> -> memref<1x512xi32, #tpu.memory_space<vmem>>
      %dma_wait3A_644 = tpu.memref_squeeze %dma_wait3A_643 : memref<1x512xi32, #tpu.memory_space<vmem>> -> memref<512xi32, #tpu.memory_space<vmem>>
      %dma_wait3A_645 = arith.constant 0 : i32
      %dma_wait3A_646 = tpu.memref_slice %arg5[%add3A_608, %dma_wait3A_645] : memref<3136x512xi32, #tpu.memory_space<hbm>> -> memref<1x512xi32, #tpu.memory_space<hbm>>
      %dma_wait3A_647 = tpu.memref_squeeze %dma_wait3A_646 : memref<1x512xi32, #tpu.memory_space<hbm>> -> memref<512xi32, #tpu.memory_space<hbm>>
      tpu.wait_dma2 semaphore(%arg22 : memref<!tpu.dma_semaphore, #tpu.memory_space<semaphore_mem>>) src(%dma_wait3A_647 : memref<512xi32, #tpu.memory_space<hbm>>) dst(%dma_wait3A_644 : memref<512xi32, #tpu.memory_space<vmem>>)
      %dma_wait3A_648 = arith.constant 1 : i32
      %dma_wait3A_649 = arith.constant 0 : i32
      %dma_wait3A_650 = tpu.memref_slice %arg12[%dma_wait3A_648, %dma_wait3A_649] : memref<2x512xi32, #tpu.memory_space<vmem>> -> memref<1x512xi32, #tpu.memory_space<vmem>>
      %dma_wait3A_651 = tpu.memref_squeeze %dma_wait3A_650 : memref<1x512xi32, #tpu.memory_space<vmem>> -> memref<512xi32, #tpu.memory_space<vmem>>
      %dma_wait3A_652 = arith.constant 0 : i32
      %dma_wait3A_653 = tpu.memref_slice %arg6[%add3A_608, %dma_wait3A_652] : memref<3136x512xi32, #tpu.memory_space<hbm>> -> memref<1x512xi32, #tpu.memory_space<hbm>>
      %dma_wait3A_654 = tpu.memref_squeeze %dma_wait3A_653 : memref<1x512xi32, #tpu.memory_space<hbm>> -> memref<512xi32, #tpu.memory_space<hbm>>
      %dma_wait3A_655 = arith.constant 0 : i32
      %dma_wait3A_656 = tpu.memref_slice %arg12[%dma_wait3A_648, %dma_wait3A_655] : memref<2x512xi32, #tpu.memory_space<vmem>> -> memref<1x512xi32, #tpu.memory_space<vmem>>
      %dma_wait3A_657 = tpu.memref_squeeze %dma_wait3A_656 : memref<1x512xi32, #tpu.memory_space<vmem>> -> memref<512xi32, #tpu.memory_space<vmem>>
      %dma_wait3A_658 = arith.constant 0 : i32
      %dma_wait3A_659 = tpu.memref_slice %arg6[%add3A_608, %dma_wait3A_658] : memref<3136x512xi32, #tpu.memory_space<hbm>> -> memref<1x512xi32, #tpu.memory_space<hbm>>
      %dma_wait3A_660 = tpu.memref_squeeze %dma_wait3A_659 : memref<1x512xi32, #tpu.memory_space<hbm>> -> memref<512xi32, #tpu.memory_space<hbm>>
      tpu.wait_dma2 semaphore(%arg22 : memref<!tpu.dma_semaphore, #tpu.memory_space<semaphore_mem>>) src(%dma_wait3A_660 : memref<512xi32, #tpu.memory_space<hbm>>) dst(%dma_wait3A_657 : memref<512xi32, #tpu.memory_space<vmem>>)
      %scan3A_661 = arith.constant 0 : i32
      %scan3A_662 = arith.constant 0 : i32
      %scan3A_663 = arith.constant 32 : i32
      %scan3A_664 = arith.addi %scan3A_662, %scan3A_663 : i32
      %scan3A_665 = arith.constant 1 : i32
      scf.for %scan3A_727 = %scan3A_662 to %scan3A_664 step %scan3A_665  : i32 {
        %mul3A_728 = arith.constant 16 : i32
        %mul3A_729 = arith.muli %scan3A_727, %mul3A_728 : i32
        %get3A_730 = arith.constant 1 : i32
        %get3A_731 = arith.index_cast %get3A_730 : i32 to index
        %get3A_732 = arith.index_cast %mul3A_729 : i32 to index
        %get3A_733 = tpu.vector_load %arg11[%get3A_731, %get3A_732] {strides = array<i32>} : memref<2x512xi32, #tpu.memory_space<vmem>>, vector<1x16xi32>,
        %get3A_734 = vector.shape_cast %get3A_733 : vector<1x16xi32> to vector<16xi32>
        %add3A_735 = vector.broadcast %mul3A_0 : i32 to vector<16xi32>
        %add3A_736 = arith.addi %get3A_734, %add3A_735 : vector<16xi32>
        %swap3A = arith.constant 1 : i32
        %swap3A_737 = arith.index_cast %swap3A : i32 to index
        %swap3A_738 = arith.index_cast %mul3A_729 : i32 to index
        %swap3A_739 = tpu.vector_load %arg13[%swap3A_737, %swap3A_738] {strides = array<i32>} : memref<2x512xi32, #tpu.memory_space<vmem>>, vector<1x16xi32>,
        %swap3A_740 = vector.shape_cast %swap3A_739 : vector<1x16xi32> to vector<16xi32>
        %swap3A_741 = vector.shape_cast %add3A_736 : vector<16xi32> to vector<1x16xi32>
        tpu.vector_store %arg13[%swap3A_737, %swap3A_738], %swap3A_741 {strides = array<i32>} : memref<2x512xi32, #tpu.memory_space<vmem>>, vector<1x16xi32>,
      }
      %scan3A_666 = arith.constant 32 : i32
      %dma_start3A_667 = arith.constant 1 : i32
      %dma_start3A_668 = arith.constant 1 : i32
      %dma_start3A_669 = arith.constant 0 : i32
      %dma_start3A_670 = tpu.memref_slice %arg14[%dma_start3A_668, %dma_start3A_669] : memref<2x512xf32, #tpu.memory_space<vmem>> -> memref<1x512xf32, #tpu.memory_space<vmem>>
      %dma_start3A_671 = tpu.memref_squeeze %dma_start3A_670 : memref<1x512xf32, #tpu.memory_space<vmem>> -> memref<512xf32, #tpu.memory_space<vmem>>
      %dma_start3A_672 = arith.constant 0 : i32
      %dma_start3A_673 = tpu.memref_slice %arg11[%dma_start3A_667, %dma_start3A_672] : memref<2x512xi32, #tpu.memory_space<vmem>> -> memref<1x512xi32, #tpu.memory_space<vmem>>
      %dma_start3A_674 = tpu.memref_squeeze %dma_start3A_673 : memref<1x512xi32, #tpu.memory_space<vmem>> -> memref<512xi32, #tpu.memory_space<vmem>>
      %dma_start3A_675 = arith.constant 0 : i32
      %dma_start3A_676 = tpu.memref_slice %arg2[%dma_start3A_675] : memref<100352xf32, #tpu.memory_space<hbm>> -> memref<100352xf32, #tpu.memory_space<hbm>>
      tpu.enqueue_indirect_dma source(%dma_start3A_676 : memref<100352xf32, #tpu.memory_space<hbm>>) target(%dma_start3A_671 : memref<512xf32, #tpu.memory_space<vmem>>) offsets(%dma_start3A_674 : memref<512xi32, #tpu.memory_space<vmem>>) semaphore(%arg23 : memref<!tpu.dma_semaphore, #tpu.memory_space<semaphore_mem>>)
      %dma_start3A_677 = arith.constant 1 : i32
      %dma_start3A_678 = arith.constant 1 : i32
      %dma_start3A_679 = arith.constant 0 : i32
      %dma_start3A_680 = tpu.memref_slice %arg15[%dma_start3A_678, %dma_start3A_679] : memref<2x512xf32, #tpu.memory_space<vmem>> -> memref<1x512xf32, #tpu.memory_space<vmem>>
      %dma_start3A_681 = tpu.memref_squeeze %dma_start3A_680 : memref<1x512xf32, #tpu.memory_space<vmem>> -> memref<512xf32, #tpu.memory_space<vmem>>
      %dma_start3A_682 = arith.constant 0 : i32
      %dma_start3A_683 = tpu.memref_slice %arg12[%dma_start3A_677, %dma_start3A_682] : memref<2x512xi32, #tpu.memory_space<vmem>> -> memref<1x512xi32, #tpu.memory_space<vmem>>
      %dma_start3A_684 = tpu.memref_squeeze %dma_start3A_683 : memref<1x512xi32, #tpu.memory_space<vmem>> -> memref<512xi32, #tpu.memory_space<vmem>>
      %dma_start3A_685 = arith.constant 0 : i32
      %dma_start3A_686 = tpu.memref_slice %arg3[%dma_start3A_685] : memref<100352xf32, #tpu.memory_space<hbm>> -> memref<100352xf32, #tpu.memory_space<hbm>>
      tpu.enqueue_indirect_dma source(%dma_start3A_686 : memref<100352xf32, #tpu.memory_space<hbm>>) target(%dma_start3A_681 : memref<512xf32, #tpu.memory_space<vmem>>) offsets(%dma_start3A_684 : memref<512xi32, #tpu.memory_space<vmem>>) semaphore(%arg23 : memref<!tpu.dma_semaphore, #tpu.memory_space<semaphore_mem>>)
      %dma_start3A_687 = arith.constant 1 : i32
      %dma_start3A_688 = arith.constant 1 : i32
      %dma_start3A_689 = arith.constant 0 : i32
      %dma_start3A_690 = arith.constant 0 : i32
      %dma_start3A_691 = tpu.memref_slice %arg16[%dma_start3A_688, %dma_start3A_689, %dma_start3A_690] : memref<2x512x16xf32, #tpu.memory_space<vmem>> -> memref<1x512x16xf32, #tpu.memory_space<vmem>>
      %dma_start3A_692 = tpu.memref_squeeze %dma_start3A_691 : memref<1x512x16xf32, #tpu.memory_space<vmem>> -> memref<512x16xf32, #tpu.memory_space<vmem>>
      %dma_start3A_693 = arith.constant 0 : i32
      %dma_start3A_694 = tpu.memref_slice %arg13[%dma_start3A_687, %dma_start3A_693] : memref<2x512xi32, #tpu.memory_space<vmem>> -> memref<1x512xi32, #tpu.memory_space<vmem>>
      %dma_start3A_695 = tpu.memref_squeeze %dma_start3A_694 : memref<1x512xi32, #tpu.memory_space<vmem>> -> memref<512xi32, #tpu.memory_space<vmem>>
      %dma_start3A_696 = arith.constant 0 : i32
      %dma_start3A_697 = arith.constant 0 : i32
      %dma_start3A_698 = tpu.memref_slice %arg4[%dma_start3A_696, %dma_start3A_697] : memref<200704x16xf32, #tpu.memory_space<hbm>> -> memref<200704x16xf32, #tpu.memory_space<hbm>>
      tpu.enqueue_indirect_dma source(%dma_start3A_698 : memref<200704x16xf32, #tpu.memory_space<hbm>>) target(%dma_start3A_692 : memref<512x16xf32, #tpu.memory_space<vmem>>) offsets(%dma_start3A_695 : memref<512xi32, #tpu.memory_space<vmem>>) semaphore(%arg23 : memref<!tpu.dma_semaphore, #tpu.memory_space<semaphore_mem>>)
      %scan3A_699 = arith.constant 0 : i32
      %scan3A_700 = arith.constant 0 : i32
      %scan3A_701 = arith.constant 32 : i32
      %scan3A_702 = arith.addi %scan3A_700, %scan3A_701 : i32
      %scan3A_703 = arith.constant 1 : i32
      scf.for %scan3A_727 = %scan3A_700 to %scan3A_702 step %scan3A_703  : i32 {
        %mul3A_728 = arith.constant 16 : i32
        %mul3A_729 = arith.muli %scan3A_727, %mul3A_728 : i32
        %get3A_730 = arith.constant 0 : i32
        %get3A_731 = arith.index_cast %get3A_730 : i32 to index
        %get3A_732 = arith.index_cast %mul3A_729 : i32 to index
        %get3A_733 = tpu.vector_load %arg14[%get3A_731, %get3A_732] {strides = array<i32>} : memref<2x512xf32, #tpu.memory_space<vmem>>, vector<1x16xf32>,
        %get3A_734 = vector.shape_cast %get3A_733 : vector<1x16xf32> to vector<16xf32>
        %get3A_735 = arith.constant 0 : i32
        %get3A_736 = arith.index_cast %get3A_735 : i32 to index
        %get3A_737 = arith.index_cast %mul3A_729 : i32 to index
        %get3A_738 = tpu.vector_load %arg15[%get3A_736, %get3A_737] {strides = array<i32>} : memref<2x512xf32, #tpu.memory_space<vmem>>, vector<1x16xf32>,
        %get3A_739 = vector.shape_cast %get3A_738 : vector<1x16xf32> to vector<16xf32>
        %add3A_740 = arith.addf %get3A_734, %get3A_739 : vector<16xf32>
        %mul3A_741 = arith.constant 2.000000e-01 : f32
        %mul3A_742 = vector.broadcast %mul3A_741 : f32 to vector<16xf32>
        %mul3A_743 = arith.mulf %add3A_740, %mul3A_742 : vector<16xf32>
        %max3A = arith.maximumf %add3A_740, %mul3A_743 : vector<16xf32>
        %sub3A = arith.subf %max3A, %get3A_2 : vector<16xf32>
        %exp3A = math.exp %sub3A : vector<16xf32>
        %swap3A = arith.constant 0 : i32
        %swap3A_744 = arith.index_cast %swap3A : i32 to index
        %swap3A_745 = arith.index_cast %mul3A_729 : i32 to index
        %swap3A_746 = tpu.vector_load %arg14[%swap3A_744, %swap3A_745] {strides = array<i32>} : memref<2x512xf32, #tpu.memory_space<vmem>>, vector<1x16xf32>,
        %swap3A_747 = vector.shape_cast %swap3A_746 : vector<1x16xf32> to vector<16xf32>
        %swap3A_748 = vector.shape_cast %exp3A : vector<16xf32> to vector<1x16xf32>
        tpu.vector_store %arg14[%swap3A_744, %swap3A_745], %swap3A_748 {strides = array<i32>} : memref<2x512xf32, #tpu.memory_space<vmem>>, vector<1x16xf32>,
        %mul3A_749 = arith.constant 16 : i32
        %mul3A_750 = arith.muli %scan3A_727, %mul3A_749 : i32
        %add3A_751 = arith.constant 0 : i32
        %add3A_752 = arith.addi %mul3A_750, %add3A_751 : i32
        %get3A_753 = arith.constant 0 : i32
        %get3A_754 = arith.index_cast %get3A_753 : i32 to index
        %get3A_755 = arith.index_cast %add3A_752 : i32 to index
        %get3A_756 = arith.constant 0 : index
        %get3A_757 = tpu.vector_load %arg16[%get3A_754, %get3A_755, %get3A_756] {strides = array<i32>} : memref<2x512x16xf32, #tpu.memory_space<vmem>>, vector<1x1x16xf32>,
        %get3A_758 = vector.shape_cast %get3A_757 : vector<1x1x16xf32> to vector<16xf32>
        %slice3A = vector.extract_strided_slice %exp3A {offsets = [0], sizes = [1], strides = [1]} : vector<16xf32> to vector<1xf32>
        %squeeze3A = vector.extract %slice3A[0] : f32 from vector<1xf32>
        %mul3A_759 = vector.broadcast %squeeze3A : f32 to vector<16xf32>
        %mul3A_760 = arith.mulf %get3A_758, %mul3A_759 : vector<16xf32>
        %swap3A_761 = arith.constant 0 : i32
        %swap3A_762 = arith.index_cast %swap3A_761 : i32 to index
        %swap3A_763 = arith.index_cast %add3A_752 : i32 to index
        %swap3A_764 = arith.constant 0 : index
        %swap3A_765 = tpu.vector_load %arg16[%swap3A_762, %swap3A_763, %swap3A_764] {strides = array<i32>} : memref<2x512x16xf32, #tpu.memory_space<vmem>>, vector<1x1x16xf32>,
        %swap3A_766 = vector.shape_cast %swap3A_765 : vector<1x1x16xf32> to vector<16xf32>
        %swap3A_767 = vector.shape_cast %mul3A_760 : vector<16xf32> to vector<1x1x16xf32>
        tpu.vector_store %arg16[%swap3A_762, %swap3A_763, %swap3A_764], %swap3A_767 {strides = array<i32>} : memref<2x512x16xf32, #tpu.memory_space<vmem>>, vector<1x1x16xf32>,
        %mul3A_768 = arith.constant 16 : i32
        %mul3A_769 = arith.muli %scan3A_727, %mul3A_768 : i32
        %add3A_770 = arith.constant 1 : i32
        %add3A_771 = arith.addi %mul3A_769, %add3A_770 : i32
        %get3A_772 = arith.constant 0 : i32
        %get3A_773 = arith.index_cast %get3A_772 : i32 to index
        %get3A_774 = arith.index_cast %add3A_771 : i32 to index
        %get3A_775 = arith.constant 0 : index
        %get3A_776 = tpu.vector_load %arg16[%get3A_773, %get3A_774, %get3A_775] {strides = array<i32>} : memref<2x512x16xf32, #tpu.memory_space<vmem>>, vector<1x1x16xf32>,
        %get3A_777 = vector.shape_cast %get3A_776 : vector<1x1x16xf32> to vector<16xf32>
        %slice3A_778 = vector.extract_strided_slice %exp3A {offsets = [1], sizes = [1], strides = [1]} : vector<16xf32> to vector<1xf32>
        %squeeze3A_779 = vector.extract %slice3A_778[0] : f32 from vector<1xf32>
        %mul3A_780 = vector.broadcast %squeeze3A_779 : f32 to vector<16xf32>
        %mul3A_781 = arith.mulf %get3A_777, %mul3A_780 : vector<16xf32>
        %swap3A_782 = arith.constant 0 : i32
        %swap3A_783 = arith.index_cast %swap3A_782 : i32 to index
        %swap3A_784 = arith.index_cast %add3A_771 : i32 to index
        %swap3A_785 = arith.constant 0 : index
        %swap3A_786 = tpu.vector_load %arg16[%swap3A_783, %swap3A_784, %swap3A_785] {strides = array<i32>} : memref<2x512x16xf32, #tpu.memory_space<vmem>>, vector<1x1x16xf32>,
        %swap3A_787 = vector.shape_cast %swap3A_786 : vector<1x1x16xf32> to vector<16xf32>
        %swap3A_788 = vector.shape_cast %mul3A_781 : vector<16xf32> to vector<1x1x16xf32>
        tpu.vector_store %arg16[%swap3A_783, %swap3A_784, %swap3A_785], %swap3A_788 {strides = array<i32>} : memref<2x512x16xf32, #tpu.memory_space<vmem>>, vector<1x1x16xf32>,
        %mul3A_789 = arith.constant 16 : i32
        %mul3A_790 = arith.muli %scan3A_727, %mul3A_789 : i32
        %add3A_791 = arith.constant 2 : i32
        %add3A_792 = arith.addi %mul3A_790, %add3A_791 : i32
        %get3A_793 = arith.constant 0 : i32
        %get3A_794 = arith.index_cast %get3A_793 : i32 to index
        %get3A_795 = arith.index_cast %add3A_792 : i32 to index
        %get3A_796 = arith.constant 0 : index
        %get3A_797 = tpu.vector_load %arg16[%get3A_794, %get3A_795, %get3A_796] {strides = array<i32>} : memref<2x512x16xf32, #tpu.memory_space<vmem>>, vector<1x1x16xf32>,
        %get3A_798 = vector.shape_cast %get3A_797 : vector<1x1x16xf32> to vector<16xf32>
        %slice3A_799 = vector.extract_strided_slice %exp3A {offsets = [2], sizes = [1], strides = [1]} : vector<16xf32> to vector<1xf32>
        %squeeze3A_800 = vector.extract %slice3A_799[0] : f32 from vector<1xf32>
        %mul3A_801 = vector.broadcast %squeeze3A_800 : f32 to vector<16xf32>
        %mul3A_802 = arith.mulf %get3A_798, %mul3A_801 : vector<16xf32>
        %swap3A_803 = arith.constant 0 : i32
        %swap3A_804 = arith.index_cast %swap3A_803 : i32 to index
        %swap3A_805 = arith.index_cast %add3A_792 : i32 to index
        %swap3A_806 = arith.constant 0 : index
        %swap3A_807 = tpu.vector_load %arg16[%swap3A_804, %swap3A_805, %swap3A_806] {strides = array<i32>} : memref<2x512x16xf32, #tpu.memory_space<vmem>>, vector<1x1x16xf32>,
        %swap3A_808 = vector.shape_cast %swap3A_807 : vector<1x1x16xf32> to vector<16xf32>
        %swap3A_809 = vector.shape_cast %mul3A_802 : vector<16xf32> to vector<1x1x16xf32>
        tpu.vector_store %arg16[%swap3A_804, %swap3A_805, %swap3A_806], %swap3A_809 {strides = array<i32>} : memref<2x512x16xf32, #tpu.memory_space<vmem>>, vector<1x1x16xf32>,
        %mul3A_810 = arith.constant 16 : i32
        %mul3A_811 = arith.muli %scan3A_727, %mul3A_810 : i32
        %add3A_812 = arith.constant 3 : i32
        %add3A_813 = arith.addi %mul3A_811, %add3A_812 : i32
        %get3A_814 = arith.constant 0 : i32
        %get3A_815 = arith.index_cast %get3A_814 : i32 to index
        %get3A_816 = arith.index_cast %add3A_813 : i32 to index
        %get3A_817 = arith.constant 0 : index
        %get3A_818 = tpu.vector_load %arg16[%get3A_815, %get3A_816, %get3A_817] {strides = array<i32>} : memref<2x512x16xf32, #tpu.memory_space<vmem>>, vector<1x1x16xf32>,
        %get3A_819 = vector.shape_cast %get3A_818 : vector<1x1x16xf32> to vector<16xf32>
        %slice3A_820 = vector.extract_strided_slice %exp3A {offsets = [3], sizes = [1], strides = [1]} : vector<16xf32> to vector<1xf32>
        %squeeze3A_821 = vector.extract %slice3A_820[0] : f32 from vector<1xf32>
        %mul3A_822 = vector.broadcast %squeeze3A_821 : f32 to vector<16xf32>
        %mul3A_823 = arith.mulf %get3A_819, %mul3A_822 : vector<16xf32>
        %swap3A_824 = arith.constant 0 : i32
        %swap3A_825 = arith.index_cast %swap3A_824 : i32 to index
        %swap3A_826 = arith.index_cast %add3A_813 : i32 to index
        %swap3A_827 = arith.constant 0 : index
        %swap3A_828 = tpu.vector_load %arg16[%swap3A_825, %swap3A_826, %swap3A_827] {strides = array<i32>} : memref<2x512x16xf32, #tpu.memory_space<vmem>>, vector<1x1x16xf32>,
        %swap3A_829 = vector.shape_cast %swap3A_828 : vector<1x1x16xf32> to vector<16xf32>
        %swap3A_830 = vector.shape_cast %mul3A_823 : vector<16xf32> to vector<1x1x16xf32>
        tpu.vector_store %arg16[%swap3A_825, %swap3A_826, %swap3A_827], %swap3A_830 {strides = array<i32>} : memref<2x512x16xf32, #tpu.memory_space<vmem>>, vector<1x1x16xf32>,
        %mul3A_831 = arith.constant 16 : i32
        %mul3A_832 = arith.muli %scan3A_727, %mul3A_831 : i32
        %add3A_833 = arith.constant 4 : i32
        %add3A_834 = arith.addi %mul3A_832, %add3A_833 : i32
        %get3A_835 = arith.constant 0 : i32
        %get3A_836 = arith.index_cast %get3A_835 : i32 to index
        %get3A_837 = arith.index_cast %add3A_834 : i32 to index
        %get3A_838 = arith.constant 0 : index
        %get3A_839 = tpu.vector_load %arg16[%get3A_836, %get3A_837, %get3A_838] {strides = array<i32>} : memref<2x512x16xf32, #tpu.memory_space<vmem>>, vector<1x1x16xf32>,
        %get3A_840 = vector.shape_cast %get3A_839 : vector<1x1x16xf32> to vector<16xf32>
        %slice3A_841 = vector.extract_strided_slice %exp3A {offsets = [4], sizes = [1], strides = [1]} : vector<16xf32> to vector<1xf32>
        %squeeze3A_842 = vector.extract %slice3A_841[0] : f32 from vector<1xf32>
        %mul3A_843 = vector.broadcast %squeeze3A_842 : f32 to vector<16xf32>
        %mul3A_844 = arith.mulf %get3A_840, %mul3A_843 : vector<16xf32>
        %swap3A_845 = arith.constant 0 : i32
        %swap3A_846 = arith.index_cast %swap3A_845 : i32 to index
        %swap3A_847 = arith.index_cast %add3A_834 : i32 to index
        %swap3A_848 = arith.constant 0 : index
        %swap3A_849 = tpu.vector_load %arg16[%swap3A_846, %swap3A_847, %swap3A_848] {strides = array<i32>} : memref<2x512x16xf32, #tpu.memory_space<vmem>>, vector<1x1x16xf32>,
        %swap3A_850 = vector.shape_cast %swap3A_849 : vector<1x1x16xf32> to vector<16xf32>
        %swap3A_851 = vector.shape_cast %mul3A_844 : vector<16xf32> to vector<1x1x16xf32>
        tpu.vector_store %arg16[%swap3A_846, %swap3A_847, %swap3A_848], %swap3A_851 {strides = array<i32>} : memref<2x512x16xf32, #tpu.memory_space<vmem>>, vector<1x1x16xf32>,
        %mul3A_852 = arith.constant 16 : i32
        %mul3A_853 = arith.muli %scan3A_727, %mul3A_852 : i32
        %add3A_854 = arith.constant 5 : i32
        %add3A_855 = arith.addi %mul3A_853, %add3A_854 : i32
        %get3A_856 = arith.constant 0 : i32
        %get3A_857 = arith.index_cast %get3A_856 : i32 to index
        %get3A_858 = arith.index_cast %add3A_855 : i32 to index
        %get3A_859 = arith.constant 0 : index
        %get3A_860 = tpu.vector_load %arg16[%get3A_857, %get3A_858, %get3A_859] {strides = array<i32>} : memref<2x512x16xf32, #tpu.memory_space<vmem>>, vector<1x1x16xf32>,
        %get3A_861 = vector.shape_cast %get3A_860 : vector<1x1x16xf32> to vector<16xf32>
        %slice3A_862 = vector.extract_strided_slice %exp3A {offsets = [5], sizes = [1], strides = [1]} : vector<16xf32> to vector<1xf32>
        %squeeze3A_863 = vector.extract %slice3A_862[0] : f32 from vector<1xf32>
        %mul3A_864 = vector.broadcast %squeeze3A_863 : f32 to vector<16xf32>
        %mul3A_865 = arith.mulf %get3A_861, %mul3A_864 : vector<16xf32>
        %swap3A_866 = arith.constant 0 : i32
        %swap3A_867 = arith.index_cast %swap3A_866 : i32 to index
        %swap3A_868 = arith.index_cast %add3A_855 : i32 to index
        %swap3A_869 = arith.constant 0 : index
        %swap3A_870 = tpu.vector_load %arg16[%swap3A_867, %swap3A_868, %swap3A_869] {strides = array<i32>} : memref<2x512x16xf32, #tpu.memory_space<vmem>>, vector<1x1x16xf32>,
        %swap3A_871 = vector.shape_cast %swap3A_870 : vector<1x1x16xf32> to vector<16xf32>
        %swap3A_872 = vector.shape_cast %mul3A_865 : vector<16xf32> to vector<1x1x16xf32>
        tpu.vector_store %arg16[%swap3A_867, %swap3A_868, %swap3A_869], %swap3A_872 {strides = array<i32>} : memref<2x512x16xf32, #tpu.memory_space<vmem>>, vector<1x1x16xf32>,
        %mul3A_873 = arith.constant 16 : i32
        %mul3A_874 = arith.muli %scan3A_727, %mul3A_873 : i32
        %add3A_875 = arith.constant 6 : i32
        %add3A_876 = arith.addi %mul3A_874, %add3A_875 : i32
        %get3A_877 = arith.constant 0 : i32
        %get3A_878 = arith.index_cast %get3A_877 : i32 to index
        %get3A_879 = arith.index_cast %add3A_876 : i32 to index
        %get3A_880 = arith.constant 0 : index
        %get3A_881 = tpu.vector_load %arg16[%get3A_878, %get3A_879, %get3A_880] {strides = array<i32>} : memref<2x512x16xf32, #tpu.memory_space<vmem>>, vector<1x1x16xf32>,
        %get3A_882 = vector.shape_cast %get3A_881 : vector<1x1x16xf32> to vector<16xf32>
        %slice3A_883 = vector.extract_strided_slice %exp3A {offsets = [6], sizes = [1], strides = [1]} : vector<16xf32> to vector<1xf32>
        %squeeze3A_884 = vector.extract %slice3A_883[0] : f32 from vector<1xf32>
        %mul3A_885 = vector.broadcast %squeeze3A_884 : f32 to vector<16xf32>
        %mul3A_886 = arith.mulf %get3A_882, %mul3A_885 : vector<16xf32>
        %swap3A_887 = arith.constant 0 : i32
        %swap3A_888 = arith.index_cast %swap3A_887 : i32 to index
        %swap3A_889 = arith.index_cast %add3A_876 : i32 to index
        %swap3A_890 = arith.constant 0 : index
        %swap3A_891 = tpu.vector_load %arg16[%swap3A_888, %swap3A_889, %swap3A_890] {strides = array<i32>} : memref<2x512x16xf32, #tpu.memory_space<vmem>>, vector<1x1x16xf32>,
        %swap3A_892 = vector.shape_cast %swap3A_891 : vector<1x1x16xf32> to vector<16xf32>
        %swap3A_893 = vector.shape_cast %mul3A_886 : vector<16xf32> to vector<1x1x16xf32>
        tpu.vector_store %arg16[%swap3A_888, %swap3A_889, %swap3A_890], %swap3A_893 {strides = array<i32>} : memref<2x512x16xf32, #tpu.memory_space<vmem>>, vector<1x1x16xf32>,
        %mul3A_894 = arith.constant 16 : i32
        %mul3A_895 = arith.muli %scan3A_727, %mul3A_894 : i32
        %add3A_896 = arith.constant 7 : i32
        %add3A_897 = arith.addi %mul3A_895, %add3A_896 : i32
        %get3A_898 = arith.constant 0 : i32
        %get3A_899 = arith.index_cast %get3A_898 : i32 to index
        %get3A_900 = arith.index_cast %add3A_897 : i32 to index
        %get3A_901 = arith.constant 0 : index
        %get3A_902 = tpu.vector_load %arg16[%get3A_899, %get3A_900, %get3A_901] {strides = array<i32>} : memref<2x512x16xf32, #tpu.memory_space<vmem>>, vector<1x1x16xf32>,
        %get3A_903 = vector.shape_cast %get3A_902 : vector<1x1x16xf32> to vector<16xf32>
        %slice3A_904 = vector.extract_strided_slice %exp3A {offsets = [7], sizes = [1], strides = [1]} : vector<16xf32> to vector<1xf32>
        %squeeze3A_905 = vector.extract %slice3A_904[0] : f32 from vector<1xf32>
        %mul3A_906 = vector.broadcast %squeeze3A_905 : f32 to vector<16xf32>
        %mul3A_907 = arith.mulf %get3A_903, %mul3A_906 : vector<16xf32>
        %swap3A_908 = arith.constant 0 : i32
        %swap3A_909 = arith.index_cast %swap3A_908 : i32 to index
        %swap3A_910 = arith.index_cast %add3A_897 : i32 to index
        %swap3A_911 = arith.constant 0 : index
        %swap3A_912 = tpu.vector_load %arg16[%swap3A_909, %swap3A_910, %swap3A_911] {strides = array<i32>} : memref<2x512x16xf32, #tpu.memory_space<vmem>>, vector<1x1x16xf32>,
        %swap3A_913 = vector.shape_cast %swap3A_912 : vector<1x1x16xf32> to vector<16xf32>
        %swap3A_914 = vector.shape_cast %mul3A_907 : vector<16xf32> to vector<1x1x16xf32>
        tpu.vector_store %arg16[%swap3A_909, %swap3A_910, %swap3A_911], %swap3A_914 {strides = array<i32>} : memref<2x512x16xf32, #tpu.memory_space<vmem>>, vector<1x1x16xf32>,
        %mul3A_915 = arith.constant 16 : i32
        %mul3A_916 = arith.muli %scan3A_727, %mul3A_915 : i32
        %add3A_917 = arith.constant 8 : i32
        %add3A_918 = arith.addi %mul3A_916, %add3A_917 : i32
        %get3A_919 = arith.constant 0 : i32
        %get3A_920 = arith.index_cast %get3A_919 : i32 to index
        %get3A_921 = arith.index_cast %add3A_918 : i32 to index
        %get3A_922 = arith.constant 0 : index
        %get3A_923 = tpu.vector_load %arg16[%get3A_920, %get3A_921, %get3A_922] {strides = array<i32>} : memref<2x512x16xf32, #tpu.memory_space<vmem>>, vector<1x1x16xf32>,
        %get3A_924 = vector.shape_cast %get3A_923 : vector<1x1x16xf32> to vector<16xf32>
        %slice3A_925 = vector.extract_strided_slice %exp3A {offsets = [8], sizes = [1], strides = [1]} : vector<16xf32> to vector<1xf32>
        %squeeze3A_926 = vector.extract %slice3A_925[0] : f32 from vector<1xf32>
        %mul3A_927 = vector.broadcast %squeeze3A_926 : f32 to vector<16xf32>
        %mul3A_928 = arith.mulf %get3A_924, %mul3A_927 : vector<16xf32>
        %swap3A_929 = arith.constant 0 : i32
        %swap3A_930 = arith.index_cast %swap3A_929 : i32 to index
        %swap3A_931 = arith.index_cast %add3A_918 : i32 to index
        %swap3A_932 = arith.constant 0 : index
        %swap3A_933 = tpu.vector_load %arg16[%swap3A_930, %swap3A_931, %swap3A_932] {strides = array<i32>} : memref<2x512x16xf32, #tpu.memory_space<vmem>>, vector<1x1x16xf32>,
        %swap3A_934 = vector.shape_cast %swap3A_933 : vector<1x1x16xf32> to vector<16xf32>
        %swap3A_935 = vector.shape_cast %mul3A_928 : vector<16xf32> to vector<1x1x16xf32>
        tpu.vector_store %arg16[%swap3A_930, %swap3A_931, %swap3A_932], %swap3A_935 {strides = array<i32>} : memref<2x512x16xf32, #tpu.memory_space<vmem>>, vector<1x1x16xf32>,
        %mul3A_936 = arith.constant 16 : i32
        %mul3A_937 = arith.muli %scan3A_727, %mul3A_936 : i32
        %add3A_938 = arith.constant 9 : i32
        %add3A_939 = arith.addi %mul3A_937, %add3A_938 : i32
        %get3A_940 = arith.constant 0 : i32
        %get3A_941 = arith.index_cast %get3A_940 : i32 to index
        %get3A_942 = arith.index_cast %add3A_939 : i32 to index
        %get3A_943 = arith.constant 0 : index
        %get3A_944 = tpu.vector_load %arg16[%get3A_941, %get3A_942, %get3A_943] {strides = array<i32>} : memref<2x512x16xf32, #tpu.memory_space<vmem>>, vector<1x1x16xf32>,
        %get3A_945 = vector.shape_cast %get3A_944 : vector<1x1x16xf32> to vector<16xf32>
        %slice3A_946 = vector.extract_strided_slice %exp3A {offsets = [9], sizes = [1], strides = [1]} : vector<16xf32> to vector<1xf32>
        %squeeze3A_947 = vector.extract %slice3A_946[0] : f32 from vector<1xf32>
        %mul3A_948 = vector.broadcast %squeeze3A_947 : f32 to vector<16xf32>
        %mul3A_949 = arith.mulf %get3A_945, %mul3A_948 : vector<16xf32>
        %swap3A_950 = arith.constant 0 : i32
        %swap3A_951 = arith.index_cast %swap3A_950 : i32 to index
        %swap3A_952 = arith.index_cast %add3A_939 : i32 to index
        %swap3A_953 = arith.constant 0 : index
        %swap3A_954 = tpu.vector_load %arg16[%swap3A_951, %swap3A_952, %swap3A_953] {strides = array<i32>} : memref<2x512x16xf32, #tpu.memory_space<vmem>>, vector<1x1x16xf32>,
        %swap3A_955 = vector.shape_cast %swap3A_954 : vector<1x1x16xf32> to vector<16xf32>
        %swap3A_956 = vector.shape_cast %mul3A_949 : vector<16xf32> to vector<1x1x16xf32>
        tpu.vector_store %arg16[%swap3A_951, %swap3A_952, %swap3A_953], %swap3A_956 {strides = array<i32>} : memref<2x512x16xf32, #tpu.memory_space<vmem>>, vector<1x1x16xf32>,
        %mul3A_957 = arith.constant 16 : i32
        %mul3A_958 = arith.muli %scan3A_727, %mul3A_957 : i32
        %add3A_959 = arith.constant 10 : i32
        %add3A_960 = arith.addi %mul3A_958, %add3A_959 : i32
        %get3A_961 = arith.constant 0 : i32
        %get3A_962 = arith.index_cast %get3A_961 : i32 to index
        %get3A_963 = arith.index_cast %add3A_960 : i32 to index
        %get3A_964 = arith.constant 0 : index
        %get3A_965 = tpu.vector_load %arg16[%get3A_962, %get3A_963, %get3A_964] {strides = array<i32>} : memref<2x512x16xf32, #tpu.memory_space<vmem>>, vector<1x1x16xf32>,
        %get3A_966 = vector.shape_cast %get3A_965 : vector<1x1x16xf32> to vector<16xf32>
        %slice3A_967 = vector.extract_strided_slice %exp3A {offsets = [10], sizes = [1], strides = [1]} : vector<16xf32> to vector<1xf32>
        %squeeze3A_968 = vector.extract %slice3A_967[0] : f32 from vector<1xf32>
        %mul3A_969 = vector.broadcast %squeeze3A_968 : f32 to vector<16xf32>
        %mul3A_970 = arith.mulf %get3A_966, %mul3A_969 : vector<16xf32>
        %swap3A_971 = arith.constant 0 : i32
        %swap3A_972 = arith.index_cast %swap3A_971 : i32 to index
        %swap3A_973 = arith.index_cast %add3A_960 : i32 to index
        %swap3A_974 = arith.constant 0 : index
        %swap3A_975 = tpu.vector_load %arg16[%swap3A_972, %swap3A_973, %swap3A_974] {strides = array<i32>} : memref<2x512x16xf32, #tpu.memory_space<vmem>>, vector<1x1x16xf32>,
        %swap3A_976 = vector.shape_cast %swap3A_975 : vector<1x1x16xf32> to vector<16xf32>
        %swap3A_977 = vector.shape_cast %mul3A_970 : vector<16xf32> to vector<1x1x16xf32>
        tpu.vector_store %arg16[%swap3A_972, %swap3A_973, %swap3A_974], %swap3A_977 {strides = array<i32>} : memref<2x512x16xf32, #tpu.memory_space<vmem>>, vector<1x1x16xf32>,
        %mul3A_978 = arith.constant 16 : i32
        %mul3A_979 = arith.muli %scan3A_727, %mul3A_978 : i32
        %add3A_980 = arith.constant 11 : i32
        %add3A_981 = arith.addi %mul3A_979, %add3A_980 : i32
        %get3A_982 = arith.constant 0 : i32
        %get3A_983 = arith.index_cast %get3A_982 : i32 to index
        %get3A_984 = arith.index_cast %add3A_981 : i32 to index
        %get3A_985 = arith.constant 0 : index
        %get3A_986 = tpu.vector_load %arg16[%get3A_983, %get3A_984, %get3A_985] {strides = array<i32>} : memref<2x512x16xf32, #tpu.memory_space<vmem>>, vector<1x1x16xf32>,
        %get3A_987 = vector.shape_cast %get3A_986 : vector<1x1x16xf32> to vector<16xf32>
        %slice3A_988 = vector.extract_strided_slice %exp3A {offsets = [11], sizes = [1], strides = [1]} : vector<16xf32> to vector<1xf32>
        %squeeze3A_989 = vector.extract %slice3A_988[0] : f32 from vector<1xf32>
        %mul3A_990 = vector.broadcast %squeeze3A_989 : f32 to vector<16xf32>
        %mul3A_991 = arith.mulf %get3A_987, %mul3A_990 : vector<16xf32>
        %swap3A_992 = arith.constant 0 : i32
        %swap3A_993 = arith.index_cast %swap3A_992 : i32 to index
        %swap3A_994 = arith.index_cast %add3A_981 : i32 to index
        %swap3A_995 = arith.constant 0 : index
        %swap3A_996 = tpu.vector_load %arg16[%swap3A_993, %swap3A_994, %swap3A_995] {strides = array<i32>} : memref<2x512x16xf32, #tpu.memory_space<vmem>>, vector<1x1x16xf32>,
        %swap3A_997 = vector.shape_cast %swap3A_996 : vector<1x1x16xf32> to vector<16xf32>
        %swap3A_998 = vector.shape_cast %mul3A_991 : vector<16xf32> to vector<1x1x16xf32>
        tpu.vector_store %arg16[%swap3A_993, %swap3A_994, %swap3A_995], %swap3A_998 {strides = array<i32>} : memref<2x512x16xf32, #tpu.memory_space<vmem>>, vector<1x1x16xf32>,
        %mul3A_999 = arith.constant 16 : i32
        %mul3A_1000 = arith.muli %scan3A_727, %mul3A_999 : i32
        %add3A_1001 = arith.constant 12 : i32
        %add3A_1002 = arith.addi %mul3A_1000, %add3A_1001 : i32
        %get3A_1003 = arith.constant 0 : i32
        %get3A_1004 = arith.index_cast %get3A_1003 : i32 to index
        %get3A_1005 = arith.index_cast %add3A_1002 : i32 to index
        %get3A_1006 = arith.constant 0 : index
        %get3A_1007 = tpu.vector_load %arg16[%get3A_1004, %get3A_1005, %get3A_1006] {strides = array<i32>} : memref<2x512x16xf32, #tpu.memory_space<vmem>>, vector<1x1x16xf32>,
        %get3A_1008 = vector.shape_cast %get3A_1007 : vector<1x1x16xf32> to vector<16xf32>
        %slice3A_1009 = vector.extract_strided_slice %exp3A {offsets = [12], sizes = [1], strides = [1]} : vector<16xf32> to vector<1xf32>
        %squeeze3A_1010 = vector.extract %slice3A_1009[0] : f32 from vector<1xf32>
        %mul3A_1011 = vector.broadcast %squeeze3A_1010 : f32 to vector<16xf32>
        %mul3A_1012 = arith.mulf %get3A_1008, %mul3A_1011 : vector<16xf32>
        %swap3A_1013 = arith.constant 0 : i32
        %swap3A_1014 = arith.index_cast %swap3A_1013 : i32 to index
        %swap3A_1015 = arith.index_cast %add3A_1002 : i32 to index
        %swap3A_1016 = arith.constant 0 : index
        %swap3A_1017 = tpu.vector_load %arg16[%swap3A_1014, %swap3A_1015, %swap3A_1016] {strides = array<i32>} : memref<2x512x16xf32, #tpu.memory_space<vmem>>, vector<1x1x16xf32>,
        %swap3A_1018 = vector.shape_cast %swap3A_1017 : vector<1x1x16xf32> to vector<16xf32>
        %swap3A_1019 = vector.shape_cast %mul3A_1012 : vector<16xf32> to vector<1x1x16xf32>
        tpu.vector_store %arg16[%swap3A_1014, %swap3A_1015, %swap3A_1016], %swap3A_1019 {strides = array<i32>} : memref<2x512x16xf32, #tpu.memory_space<vmem>>, vector<1x1x16xf32>,
        %mul3A_1020 = arith.constant 16 : i32
        %mul3A_1021 = arith.muli %scan3A_727, %mul3A_1020 : i32
        %add3A_1022 = arith.constant 13 : i32
        %add3A_1023 = arith.addi %mul3A_1021, %add3A_1022 : i32
        %get3A_1024 = arith.constant 0 : i32
        %get3A_1025 = arith.index_cast %get3A_1024 : i32 to index
        %get3A_1026 = arith.index_cast %add3A_1023 : i32 to index
        %get3A_1027 = arith.constant 0 : index
        %get3A_1028 = tpu.vector_load %arg16[%get3A_1025, %get3A_1026, %get3A_1027] {strides = array<i32>} : memref<2x512x16xf32, #tpu.memory_space<vmem>>, vector<1x1x16xf32>,
        %get3A_1029 = vector.shape_cast %get3A_1028 : vector<1x1x16xf32> to vector<16xf32>
        %slice3A_1030 = vector.extract_strided_slice %exp3A {offsets = [13], sizes = [1], strides = [1]} : vector<16xf32> to vector<1xf32>
        %squeeze3A_1031 = vector.extract %slice3A_1030[0] : f32 from vector<1xf32>
        %mul3A_1032 = vector.broadcast %squeeze3A_1031 : f32 to vector<16xf32>
        %mul3A_1033 = arith.mulf %get3A_1029, %mul3A_1032 : vector<16xf32>
        %swap3A_1034 = arith.constant 0 : i32
        %swap3A_1035 = arith.index_cast %swap3A_1034 : i32 to index
        %swap3A_1036 = arith.index_cast %add3A_1023 : i32 to index
        %swap3A_1037 = arith.constant 0 : index
        %swap3A_1038 = tpu.vector_load %arg16[%swap3A_1035, %swap3A_1036, %swap3A_1037] {strides = array<i32>} : memref<2x512x16xf32, #tpu.memory_space<vmem>>, vector<1x1x16xf32>,
        %swap3A_1039 = vector.shape_cast %swap3A_1038 : vector<1x1x16xf32> to vector<16xf32>
        %swap3A_1040 = vector.shape_cast %mul3A_1033 : vector<16xf32> to vector<1x1x16xf32>
        tpu.vector_store %arg16[%swap3A_1035, %swap3A_1036, %swap3A_1037], %swap3A_1040 {strides = array<i32>} : memref<2x512x16xf32, #tpu.memory_space<vmem>>, vector<1x1x16xf32>,
        %mul3A_1041 = arith.constant 16 : i32
        %mul3A_1042 = arith.muli %scan3A_727, %mul3A_1041 : i32
        %add3A_1043 = arith.constant 14 : i32
        %add3A_1044 = arith.addi %mul3A_1042, %add3A_1043 : i32
        %get3A_1045 = arith.constant 0 : i32
        %get3A_1046 = arith.index_cast %get3A_1045 : i32 to index
        %get3A_1047 = arith.index_cast %add3A_1044 : i32 to index
        %get3A_1048 = arith.constant 0 : index
        %get3A_1049 = tpu.vector_load %arg16[%get3A_1046, %get3A_1047, %get3A_1048] {strides = array<i32>} : memref<2x512x16xf32, #tpu.memory_space<vmem>>, vector<1x1x16xf32>,
        %get3A_1050 = vector.shape_cast %get3A_1049 : vector<1x1x16xf32> to vector<16xf32>
        %slice3A_1051 = vector.extract_strided_slice %exp3A {offsets = [14], sizes = [1], strides = [1]} : vector<16xf32> to vector<1xf32>
        %squeeze3A_1052 = vector.extract %slice3A_1051[0] : f32 from vector<1xf32>
        %mul3A_1053 = vector.broadcast %squeeze3A_1052 : f32 to vector<16xf32>
        %mul3A_1054 = arith.mulf %get3A_1050, %mul3A_1053 : vector<16xf32>
        %swap3A_1055 = arith.constant 0 : i32
        %swap3A_1056 = arith.index_cast %swap3A_1055 : i32 to index
        %swap3A_1057 = arith.index_cast %add3A_1044 : i32 to index
        %swap3A_1058 = arith.constant 0 : index
        %swap3A_1059 = tpu.vector_load %arg16[%swap3A_1056, %swap3A_1057, %swap3A_1058] {strides = array<i32>} : memref<2x512x16xf32, #tpu.memory_space<vmem>>, vector<1x1x16xf32>,
        %swap3A_1060 = vector.shape_cast %swap3A_1059 : vector<1x1x16xf32> to vector<16xf32>
        %swap3A_1061 = vector.shape_cast %mul3A_1054 : vector<16xf32> to vector<1x1x16xf32>
        tpu.vector_store %arg16[%swap3A_1056, %swap3A_1057, %swap3A_1058], %swap3A_1061 {strides = array<i32>} : memref<2x512x16xf32, #tpu.memory_space<vmem>>, vector<1x1x16xf32>,
        %mul3A_1062 = arith.constant 16 : i32
        %mul3A_1063 = arith.muli %scan3A_727, %mul3A_1062 : i32
        %add3A_1064 = arith.constant 15 : i32
        %add3A_1065 = arith.addi %mul3A_1063, %add3A_1064 : i32
        %get3A_1066 = arith.constant 0 : i32
        %get3A_1067 = arith.index_cast %get3A_1066 : i32 to index
        %get3A_1068 = arith.index_cast %add3A_1065 : i32 to index
        %get3A_1069 = arith.constant 0 : index
        %get3A_1070 = tpu.vector_load %arg16[%get3A_1067, %get3A_1068, %get3A_1069] {strides = array<i32>} : memref<2x512x16xf32, #tpu.memory_space<vmem>>, vector<1x1x16xf32>,
        %get3A_1071 = vector.shape_cast %get3A_1070 : vector<1x1x16xf32> to vector<16xf32>
        %slice3A_1072 = vector.extract_strided_slice %exp3A {offsets = [15], sizes = [1], strides = [1]} : vector<16xf32> to vector<1xf32>
        %squeeze3A_1073 = vector.extract %slice3A_1072[0] : f32 from vector<1xf32>
        %mul3A_1074 = vector.broadcast %squeeze3A_1073 : f32 to vector<16xf32>
        %mul3A_1075 = arith.mulf %get3A_1071, %mul3A_1074 : vector<16xf32>
        %swap3A_1076 = arith.constant 0 : i32
        %swap3A_1077 = arith.index_cast %swap3A_1076 : i32 to index
        %swap3A_1078 = arith.index_cast %add3A_1065 : i32 to index
        %swap3A_1079 = arith.constant 0 : index
        %swap3A_1080 = tpu.vector_load %arg16[%swap3A_1077, %swap3A_1078, %swap3A_1079] {strides = array<i32>} : memref<2x512x16xf32, #tpu.memory_space<vmem>>, vector<1x1x16xf32>,
        %swap3A_1081 = vector.shape_cast %swap3A_1080 : vector<1x1x16xf32> to vector<16xf32>
        %swap3A_1082 = vector.shape_cast %mul3A_1075 : vector<16xf32> to vector<1x1x16xf32>
        tpu.vector_store %arg16[%swap3A_1077, %swap3A_1078, %swap3A_1079], %swap3A_1082 {strides = array<i32>} : memref<2x512x16xf32, #tpu.memory_space<vmem>>, vector<1x1x16xf32>,
      }
      %scan3A_704 = arith.constant 32 : i32
      %dma_start3A_705 = arith.constant 0 : i32
      %dma_start3A_706 = arith.constant 0 : i32
      %dma_start3A_707 = arith.constant 0 : i32
      %dma_start3A_708 = tpu.memref_slice %arg14[%dma_start3A_705, %dma_start3A_707] : memref<2x512xf32, #tpu.memory_space<vmem>> -> memref<1x512xf32, #tpu.memory_space<vmem>>
      %dma_start3A_709 = tpu.memref_squeeze %dma_start3A_708 : memref<1x512xf32, #tpu.memory_space<vmem>> -> memref<512xf32, #tpu.memory_space<vmem>>
      %dma_start3A_710 = arith.constant 0 : i32
      %dma_start3A_711 = tpu.memref_slice %arg12[%dma_start3A_706, %dma_start3A_710] : memref<2x512xi32, #tpu.memory_space<vmem>> -> memref<1x512xi32, #tpu.memory_space<vmem>>
      %dma_start3A_712 = tpu.memref_squeeze %dma_start3A_711 : memref<1x512xi32, #tpu.memory_space<vmem>> -> memref<512xi32, #tpu.memory_space<vmem>>
      %dma_start3A_713 = arith.constant 0 : i32
      %dma_start3A_714 = tpu.memref_slice %arg10[%dma_start3A_713] : memref<100352xf32, #tpu.memory_space<vmem_shared>> -> memref<100352xf32, #tpu.memory_space<vmem_shared>>
      tpu.enqueue_indirect_dma source(%dma_start3A_709 : memref<512xf32, #tpu.memory_space<vmem>>) target(%dma_start3A_714 : memref<100352xf32, #tpu.memory_space<vmem_shared>>) offsets(%dma_start3A_712 : memref<512xi32, #tpu.memory_space<vmem>>) semaphore(%arg24 : memref<!tpu.dma_semaphore, #tpu.memory_space<semaphore_mem>>) {add = true}
      %dma_start3A_715 = arith.constant 0 : i32
      %dma_start3A_716 = arith.constant 0 : i32
      %dma_start3A_717 = arith.constant 0 : i32
      %dma_start3A_718 = arith.constant 0 : i32
      %dma_start3A_719 = tpu.memref_slice %arg16[%dma_start3A_715, %dma_start3A_717, %dma_start3A_718] : memref<2x512x16xf32, #tpu.memory_space<vmem>> -> memref<1x512x16xf32, #tpu.memory_space<vmem>>
      %dma_start3A_720 = tpu.memref_squeeze %dma_start3A_719 : memref<1x512x16xf32, #tpu.memory_space<vmem>> -> memref<512x16xf32, #tpu.memory_space<vmem>>
      %dma_start3A_721 = arith.constant 0 : i32
      %dma_start3A_722 = tpu.memref_slice %arg12[%dma_start3A_716, %dma_start3A_721] : memref<2x512xi32, #tpu.memory_space<vmem>> -> memref<1x512xi32, #tpu.memory_space<vmem>>
      %dma_start3A_723 = tpu.memref_squeeze %dma_start3A_722 : memref<1x512xi32, #tpu.memory_space<vmem>> -> memref<512xi32, #tpu.memory_space<vmem>>
      %dma_start3A_724 = arith.constant 0 : i32
      %dma_start3A_725 = arith.constant 0 : i32
      %dma_start3A_726 = tpu.memref_slice %arg9[%dma_start3A_724, %dma_start3A_725] : memref<100352x16xf32, #tpu.memory_space<vmem_shared>> -> memref<100352x16xf32, #tpu.memory_space<vmem_shared>>
      tpu.enqueue_indirect_dma source(%dma_start3A_720 : memref<512x16xf32, #tpu.memory_space<vmem>>) target(%dma_start3A_726 : memref<100352x16xf32, #tpu.memory_space<vmem_shared>>) offsets(%dma_start3A_723 : memref<512xi32, #tpu.memory_space<vmem>>) semaphore(%arg24 : memref<!tpu.dma_semaphore, #tpu.memory_space<semaphore_mem>>) {add = true}
    }
    %scan3A_258 = arith.constant 97 : i32
    %dma_wait3A_259 = arith.constant 1 : i32
    %dma_wait3A_260 = arith.constant 1 : i32
    %dma_wait3A_261 = arith.constant 0 : i32
    %dma_wait3A_262 = tpu.memref_slice %arg14[%dma_wait3A_260, %dma_wait3A_261] : memref<2x512xf32, #tpu.memory_space<vmem>> -> memref<1x512xf32, #tpu.memory_space<vmem>>
    %dma_wait3A_263 = tpu.memref_squeeze %dma_wait3A_262 : memref<1x512xf32, #tpu.memory_space<vmem>> -> memref<512xf32, #tpu.memory_space<vmem>>
    %dma_wait3A_264 = arith.constant 0 : i32
    %dma_wait3A_265 = tpu.memref_slice %arg11[%dma_wait3A_259, %dma_wait3A_264] : memref<2x512xi32, #tpu.memory_space<vmem>> -> memref<1x512xi32, #tpu.memory_space<vmem>>
    %dma_wait3A_266 = tpu.memref_squeeze %dma_wait3A_265 : memref<1x512xi32, #tpu.memory_space<vmem>> -> memref<512xi32, #tpu.memory_space<vmem>>
    %dma_wait3A_267 = arith.constant 0 : i32
    %dma_wait3A_268 = tpu.memref_slice %arg2[%dma_wait3A_267] : memref<100352xf32, #tpu.memory_space<hbm>> -> memref<100352xf32, #tpu.memory_space<hbm>>
    tpu.wait_indirect_dma semaphore(%arg23 : memref<!tpu.dma_semaphore, #tpu.memory_space<semaphore_mem>>) src(%dma_wait3A_268 : memref<100352xf32, #tpu.memory_space<hbm>>) dst(%dma_wait3A_263 : memref<512xf32, #tpu.memory_space<vmem>>)
    %dma_wait3A_269 = arith.constant 1 : i32
    %dma_wait3A_270 = arith.constant 1 : i32
    %dma_wait3A_271 = arith.constant 0 : i32
    %dma_wait3A_272 = tpu.memref_slice %arg15[%dma_wait3A_270, %dma_wait3A_271] : memref<2x512xf32, #tpu.memory_space<vmem>> -> memref<1x512xf32, #tpu.memory_space<vmem>>
    %dma_wait3A_273 = tpu.memref_squeeze %dma_wait3A_272 : memref<1x512xf32, #tpu.memory_space<vmem>> -> memref<512xf32, #tpu.memory_space<vmem>>
    %dma_wait3A_274 = arith.constant 0 : i32
    %dma_wait3A_275 = tpu.memref_slice %arg12[%dma_wait3A_269, %dma_wait3A_274] : memref<2x512xi32, #tpu.memory_space<vmem>> -> memref<1x512xi32, #tpu.memory_space<vmem>>
    %dma_wait3A_276 = tpu.memref_squeeze %dma_wait3A_275 : memref<1x512xi32, #tpu.memory_space<vmem>> -> memref<512xi32, #tpu.memory_space<vmem>>
    %dma_wait3A_277 = arith.constant 0 : i32
    %dma_wait3A_278 = tpu.memref_slice %arg3[%dma_wait3A_277] : memref<100352xf32, #tpu.memory_space<hbm>> -> memref<100352xf32, #tpu.memory_space<hbm>>
    tpu.wait_indirect_dma semaphore(%arg23 : memref<!tpu.dma_semaphore, #tpu.memory_space<semaphore_mem>>) src(%dma_wait3A_278 : memref<100352xf32, #tpu.memory_space<hbm>>) dst(%dma_wait3A_273 : memref<512xf32, #tpu.memory_space<vmem>>)
    %dma_wait3A_279 = arith.constant 1 : i32
    %dma_wait3A_280 = arith.constant 1 : i32
    %dma_wait3A_281 = arith.constant 0 : i32
    %dma_wait3A_282 = arith.constant 0 : i32
    %dma_wait3A_283 = tpu.memref_slice %arg16[%dma_wait3A_280, %dma_wait3A_281, %dma_wait3A_282] : memref<2x512x16xf32, #tpu.memory_space<vmem>> -> memref<1x512x16xf32, #tpu.memory_space<vmem>>
    %dma_wait3A_284 = tpu.memref_squeeze %dma_wait3A_283 : memref<1x512x16xf32, #tpu.memory_space<vmem>> -> memref<512x16xf32, #tpu.memory_space<vmem>>
    %dma_wait3A_285 = arith.constant 0 : i32
    %dma_wait3A_286 = tpu.memref_slice %arg13[%dma_wait3A_279, %dma_wait3A_285] : memref<2x512xi32, #tpu.memory_space<vmem>> -> memref<1x512xi32, #tpu.memory_space<vmem>>
    %dma_wait3A_287 = tpu.memref_squeeze %dma_wait3A_286 : memref<1x512xi32, #tpu.memory_space<vmem>> -> memref<512xi32, #tpu.memory_space<vmem>>
    %dma_wait3A_288 = arith.constant 0 : i32
    %dma_wait3A_289 = arith.constant 0 : i32
    %dma_wait3A_290 = tpu.memref_slice %arg4[%dma_wait3A_288, %dma_wait3A_289] : memref<200704x16xf32, #tpu.memory_space<hbm>> -> memref<200704x16xf32, #tpu.memory_space<hbm>>
    tpu.wait_indirect_dma semaphore(%arg23 : memref<!tpu.dma_semaphore, #tpu.memory_space<semaphore_mem>>) src(%dma_wait3A_290 : memref<200704x16xf32, #tpu.memory_space<hbm>>) dst(%dma_wait3A_284 : memref<512x16xf32, #tpu.memory_space<vmem>>)
    %scan3A_291 = arith.constant 0 : i32
    %scan3A_292 = arith.constant 0 : i32
    %scan3A_293 = arith.constant 32 : i32
    %scan3A_294 = arith.addi %scan3A_292, %scan3A_293 : i32
    %scan3A_295 = arith.constant 1 : i32
    scf.for %scan3A_370 = %scan3A_292 to %scan3A_294 step %scan3A_295  : i32 {
      %mul3A_371 = arith.constant 16 : i32
      %mul3A_372 = arith.muli %scan3A_370, %mul3A_371 : i32
      %get3A_373 = arith.constant 1 : i32
      %get3A_374 = arith.index_cast %get3A_373 : i32 to index
      %get3A_375 = arith.index_cast %mul3A_372 : i32 to index
      %get3A_376 = tpu.vector_load %arg14[%get3A_374, %get3A_375] {strides = array<i32>} : memref<2x512xf32, #tpu.memory_space<vmem>>, vector<1x16xf32>,
      %get3A_377 = vector.shape_cast %get3A_376 : vector<1x16xf32> to vector<16xf32>
      %get3A_378 = arith.constant 1 : i32
      %get3A_379 = arith.index_cast %get3A_378 : i32 to index
      %get3A_380 = arith.index_cast %mul3A_372 : i32 to index
      %get3A_381 = tpu.vector_load %arg15[%get3A_379, %get3A_380] {strides = array<i32>} : memref<2x512xf32, #tpu.memory_space<vmem>>, vector<1x16xf32>,
      %get3A_382 = vector.shape_cast %get3A_381 : vector<1x16xf32> to vector<16xf32>
      %add3A_383 = arith.addf %get3A_377, %get3A_382 : vector<16xf32>
      %mul3A_384 = arith.constant 2.000000e-01 : f32
      %mul3A_385 = vector.broadcast %mul3A_384 : f32 to vector<16xf32>
      %mul3A_386 = arith.mulf %add3A_383, %mul3A_385 : vector<16xf32>
      %max3A = arith.maximumf %add3A_383, %mul3A_386 : vector<16xf32>
      %sub3A = arith.subf %max3A, %get3A_2 : vector<16xf32>
      %exp3A = math.exp %sub3A : vector<16xf32>
      %swap3A = arith.constant 1 : i32
      %swap3A_387 = arith.index_cast %swap3A : i32 to index
      %swap3A_388 = arith.index_cast %mul3A_372 : i32 to index
      %swap3A_389 = tpu.vector_load %arg14[%swap3A_387, %swap3A_388] {strides = array<i32>} : memref<2x512xf32, #tpu.memory_space<vmem>>, vector<1x16xf32>,
      %swap3A_390 = vector.shape_cast %swap3A_389 : vector<1x16xf32> to vector<16xf32>
      %swap3A_391 = vector.shape_cast %exp3A : vector<16xf32> to vector<1x16xf32>
      tpu.vector_store %arg14[%swap3A_387, %swap3A_388], %swap3A_391 {strides = array<i32>} : memref<2x512xf32, #tpu.memory_space<vmem>>, vector<1x16xf32>,
      %mul3A_392 = arith.constant 16 : i32
      %mul3A_393 = arith.muli %scan3A_370, %mul3A_392 : i32
      %add3A_394 = arith.constant 0 : i32
      %add3A_395 = arith.addi %mul3A_393, %add3A_394 : i32
      %get3A_396 = arith.constant 1 : i32
      %get3A_397 = arith.index_cast %get3A_396 : i32 to index
      %get3A_398 = arith.index_cast %add3A_395 : i32 to index
      %get3A_399 = arith.constant 0 : index
      %get3A_400 = tpu.vector_load %arg16[%get3A_397, %get3A_398, %get3A_399] {strides = array<i32>} : memref<2x512x16xf32, #tpu.memory_space<vmem>>, vector<1x1x16xf32>,
      %get3A_401 = vector.shape_cast %get3A_400 : vector<1x1x16xf32> to vector<16xf32>
      %slice3A = vector.extract_strided_slice %exp3A {offsets = [0], sizes = [1], strides = [1]} : vector<16xf32> to vector<1xf32>
      %squeeze3A = vector.extract %slice3A[0] : f32 from vector<1xf32>
      %mul3A_402 = vector.broadcast %squeeze3A : f32 to vector<16xf32>
      %mul3A_403 = arith.mulf %get3A_401, %mul3A_402 : vector<16xf32>
      %swap3A_404 = arith.constant 1 : i32
      %swap3A_405 = arith.index_cast %swap3A_404 : i32 to index
      %swap3A_406 = arith.index_cast %add3A_395 : i32 to index
      %swap3A_407 = arith.constant 0 : index
      %swap3A_408 = tpu.vector_load %arg16[%swap3A_405, %swap3A_406, %swap3A_407] {strides = array<i32>} : memref<2x512x16xf32, #tpu.memory_space<vmem>>, vector<1x1x16xf32>,
      %swap3A_409 = vector.shape_cast %swap3A_408 : vector<1x1x16xf32> to vector<16xf32>
      %swap3A_410 = vector.shape_cast %mul3A_403 : vector<16xf32> to vector<1x1x16xf32>
      tpu.vector_store %arg16[%swap3A_405, %swap3A_406, %swap3A_407], %swap3A_410 {strides = array<i32>} : memref<2x512x16xf32, #tpu.memory_space<vmem>>, vector<1x1x16xf32>,
      %mul3A_411 = arith.constant 16 : i32
      %mul3A_412 = arith.muli %scan3A_370, %mul3A_411 : i32
      %add3A_413 = arith.constant 1 : i32
      %add3A_414 = arith.addi %mul3A_412, %add3A_413 : i32
      %get3A_415 = arith.constant 1 : i32
      %get3A_416 = arith.index_cast %get3A_415 : i32 to index
      %get3A_417 = arith.index_cast %add3A_414 : i32 to index
      %get3A_418 = arith.constant 0 : index
      %get3A_419 = tpu.vector_load %arg16[%get3A_416, %get3A_417, %get3A_418] {strides = array<i32>} : memref<2x512x16xf32, #tpu.memory_space<vmem>>, vector<1x1x16xf32>,
      %get3A_420 = vector.shape_cast %get3A_419 : vector<1x1x16xf32> to vector<16xf32>
      %slice3A_421 = vector.extract_strided_slice %exp3A {offsets = [1], sizes = [1], strides = [1]} : vector<16xf32> to vector<1xf32>
      %squeeze3A_422 = vector.extract %slice3A_421[0] : f32 from vector<1xf32>
      %mul3A_423 = vector.broadcast %squeeze3A_422 : f32 to vector<16xf32>
      %mul3A_424 = arith.mulf %get3A_420, %mul3A_423 : vector<16xf32>
      %swap3A_425 = arith.constant 1 : i32
      %swap3A_426 = arith.index_cast %swap3A_425 : i32 to index
      %swap3A_427 = arith.index_cast %add3A_414 : i32 to index
      %swap3A_428 = arith.constant 0 : index
      %swap3A_429 = tpu.vector_load %arg16[%swap3A_426, %swap3A_427, %swap3A_428] {strides = array<i32>} : memref<2x512x16xf32, #tpu.memory_space<vmem>>, vector<1x1x16xf32>,
      %swap3A_430 = vector.shape_cast %swap3A_429 : vector<1x1x16xf32> to vector<16xf32>
      %swap3A_431 = vector.shape_cast %mul3A_424 : vector<16xf32> to vector<1x1x16xf32>
      tpu.vector_store %arg16[%swap3A_426, %swap3A_427, %swap3A_428], %swap3A_431 {strides = array<i32>} : memref<2x512x16xf32, #tpu.memory_space<vmem>>, vector<1x1x16xf32>,
      %mul3A_432 = arith.constant 16 : i32
      %mul3A_433 = arith.muli %scan3A_370, %mul3A_432 : i32
      %add3A_434 = arith.constant 2 : i32
      %add3A_435 = arith.addi %mul3A_433, %add3A_434 : i32
      %get3A_436 = arith.constant 1 : i32
      %get3A_437 = arith.index_cast %get3A_436 : i32 to index
      %get3A_438 = arith.index_cast %add3A_435 : i32 to index
      %get3A_439 = arith.constant 0 : index
      %get3A_440 = tpu.vector_load %arg16[%get3A_437, %get3A_438, %get3A_439] {strides = array<i32>} : memref<2x512x16xf32, #tpu.memory_space<vmem>>, vector<1x1x16xf32>,
      %get3A_441 = vector.shape_cast %get3A_440 : vector<1x1x16xf32> to vector<16xf32>
      %slice3A_442 = vector.extract_strided_slice %exp3A {offsets = [2], sizes = [1], strides = [1]} : vector<16xf32> to vector<1xf32>
      %squeeze3A_443 = vector.extract %slice3A_442[0] : f32 from vector<1xf32>
      %mul3A_444 = vector.broadcast %squeeze3A_443 : f32 to vector<16xf32>
      %mul3A_445 = arith.mulf %get3A_441, %mul3A_444 : vector<16xf32>
      %swap3A_446 = arith.constant 1 : i32
      %swap3A_447 = arith.index_cast %swap3A_446 : i32 to index
      %swap3A_448 = arith.index_cast %add3A_435 : i32 to index
      %swap3A_449 = arith.constant 0 : index
      %swap3A_450 = tpu.vector_load %arg16[%swap3A_447, %swap3A_448, %swap3A_449] {strides = array<i32>} : memref<2x512x16xf32, #tpu.memory_space<vmem>>, vector<1x1x16xf32>,
      %swap3A_451 = vector.shape_cast %swap3A_450 : vector<1x1x16xf32> to vector<16xf32>
      %swap3A_452 = vector.shape_cast %mul3A_445 : vector<16xf32> to vector<1x1x16xf32>
      tpu.vector_store %arg16[%swap3A_447, %swap3A_448, %swap3A_449], %swap3A_452 {strides = array<i32>} : memref<2x512x16xf32, #tpu.memory_space<vmem>>, vector<1x1x16xf32>,
      %mul3A_453 = arith.constant 16 : i32
      %mul3A_454 = arith.muli %scan3A_370, %mul3A_453 : i32
      %add3A_455 = arith.constant 3 : i32
      %add3A_456 = arith.addi %mul3A_454, %add3A_455 : i32
      %get3A_457 = arith.constant 1 : i32
      %get3A_458 = arith.index_cast %get3A_457 : i32 to index
      %get3A_459 = arith.index_cast %add3A_456 : i32 to index
      %get3A_460 = arith.constant 0 : index
      %get3A_461 = tpu.vector_load %arg16[%get3A_458, %get3A_459, %get3A_460] {strides = array<i32>} : memref<2x512x16xf32, #tpu.memory_space<vmem>>, vector<1x1x16xf32>,
      %get3A_462 = vector.shape_cast %get3A_461 : vector<1x1x16xf32> to vector<16xf32>
      %slice3A_463 = vector.extract_strided_slice %exp3A {offsets = [3], sizes = [1], strides = [1]} : vector<16xf32> to vector<1xf32>
      %squeeze3A_464 = vector.extract %slice3A_463[0] : f32 from vector<1xf32>
      %mul3A_465 = vector.broadcast %squeeze3A_464 : f32 to vector<16xf32>
      %mul3A_466 = arith.mulf %get3A_462, %mul3A_465 : vector<16xf32>
      %swap3A_467 = arith.constant 1 : i32
      %swap3A_468 = arith.index_cast %swap3A_467 : i32 to index
      %swap3A_469 = arith.index_cast %add3A_456 : i32 to index
      %swap3A_470 = arith.constant 0 : index
      %swap3A_471 = tpu.vector_load %arg16[%swap3A_468, %swap3A_469, %swap3A_470] {strides = array<i32>} : memref<2x512x16xf32, #tpu.memory_space<vmem>>, vector<1x1x16xf32>,
      %swap3A_472 = vector.shape_cast %swap3A_471 : vector<1x1x16xf32> to vector<16xf32>
      %swap3A_473 = vector.shape_cast %mul3A_466 : vector<16xf32> to vector<1x1x16xf32>
      tpu.vector_store %arg16[%swap3A_468, %swap3A_469, %swap3A_470], %swap3A_473 {strides = array<i32>} : memref<2x512x16xf32, #tpu.memory_space<vmem>>, vector<1x1x16xf32>,
      %mul3A_474 = arith.constant 16 : i32
      %mul3A_475 = arith.muli %scan3A_370, %mul3A_474 : i32
      %add3A_476 = arith.constant 4 : i32
      %add3A_477 = arith.addi %mul3A_475, %add3A_476 : i32
      %get3A_478 = arith.constant 1 : i32
      %get3A_479 = arith.index_cast %get3A_478 : i32 to index
      %get3A_480 = arith.index_cast %add3A_477 : i32 to index
      %get3A_481 = arith.constant 0 : index
      %get3A_482 = tpu.vector_load %arg16[%get3A_479, %get3A_480, %get3A_481] {strides = array<i32>} : memref<2x512x16xf32, #tpu.memory_space<vmem>>, vector<1x1x16xf32>,
      %get3A_483 = vector.shape_cast %get3A_482 : vector<1x1x16xf32> to vector<16xf32>
      %slice3A_484 = vector.extract_strided_slice %exp3A {offsets = [4], sizes = [1], strides = [1]} : vector<16xf32> to vector<1xf32>
      %squeeze3A_485 = vector.extract %slice3A_484[0] : f32 from vector<1xf32>
      %mul3A_486 = vector.broadcast %squeeze3A_485 : f32 to vector<16xf32>
      %mul3A_487 = arith.mulf %get3A_483, %mul3A_486 : vector<16xf32>
      %swap3A_488 = arith.constant 1 : i32
      %swap3A_489 = arith.index_cast %swap3A_488 : i32 to index
      %swap3A_490 = arith.index_cast %add3A_477 : i32 to index
      %swap3A_491 = arith.constant 0 : index
      %swap3A_492 = tpu.vector_load %arg16[%swap3A_489, %swap3A_490, %swap3A_491] {strides = array<i32>} : memref<2x512x16xf32, #tpu.memory_space<vmem>>, vector<1x1x16xf32>,
      %swap3A_493 = vector.shape_cast %swap3A_492 : vector<1x1x16xf32> to vector<16xf32>
      %swap3A_494 = vector.shape_cast %mul3A_487 : vector<16xf32> to vector<1x1x16xf32>
      tpu.vector_store %arg16[%swap3A_489, %swap3A_490, %swap3A_491], %swap3A_494 {strides = array<i32>} : memref<2x512x16xf32, #tpu.memory_space<vmem>>, vector<1x1x16xf32>,
      %mul3A_495 = arith.constant 16 : i32
      %mul3A_496 = arith.muli %scan3A_370, %mul3A_495 : i32
      %add3A_497 = arith.constant 5 : i32
      %add3A_498 = arith.addi %mul3A_496, %add3A_497 : i32
      %get3A_499 = arith.constant 1 : i32
      %get3A_500 = arith.index_cast %get3A_499 : i32 to index
      %get3A_501 = arith.index_cast %add3A_498 : i32 to index
      %get3A_502 = arith.constant 0 : index
      %get3A_503 = tpu.vector_load %arg16[%get3A_500, %get3A_501, %get3A_502] {strides = array<i32>} : memref<2x512x16xf32, #tpu.memory_space<vmem>>, vector<1x1x16xf32>,
      %get3A_504 = vector.shape_cast %get3A_503 : vector<1x1x16xf32> to vector<16xf32>
      %slice3A_505 = vector.extract_strided_slice %exp3A {offsets = [5], sizes = [1], strides = [1]} : vector<16xf32> to vector<1xf32>
      %squeeze3A_506 = vector.extract %slice3A_505[0] : f32 from vector<1xf32>
      %mul3A_507 = vector.broadcast %squeeze3A_506 : f32 to vector<16xf32>
      %mul3A_508 = arith.mulf %get3A_504, %mul3A_507 : vector<16xf32>
      %swap3A_509 = arith.constant 1 : i32
      %swap3A_510 = arith.index_cast %swap3A_509 : i32 to index
      %swap3A_511 = arith.index_cast %add3A_498 : i32 to index
      %swap3A_512 = arith.constant 0 : index
      %swap3A_513 = tpu.vector_load %arg16[%swap3A_510, %swap3A_511, %swap3A_512] {strides = array<i32>} : memref<2x512x16xf32, #tpu.memory_space<vmem>>, vector<1x1x16xf32>,
      %swap3A_514 = vector.shape_cast %swap3A_513 : vector<1x1x16xf32> to vector<16xf32>
      %swap3A_515 = vector.shape_cast %mul3A_508 : vector<16xf32> to vector<1x1x16xf32>
      tpu.vector_store %arg16[%swap3A_510, %swap3A_511, %swap3A_512], %swap3A_515 {strides = array<i32>} : memref<2x512x16xf32, #tpu.memory_space<vmem>>, vector<1x1x16xf32>,
      %mul3A_516 = arith.constant 16 : i32
      %mul3A_517 = arith.muli %scan3A_370, %mul3A_516 : i32
      %add3A_518 = arith.constant 6 : i32
      %add3A_519 = arith.addi %mul3A_517, %add3A_518 : i32
      %get3A_520 = arith.constant 1 : i32
      %get3A_521 = arith.index_cast %get3A_520 : i32 to index
      %get3A_522 = arith.index_cast %add3A_519 : i32 to index
      %get3A_523 = arith.constant 0 : index
      %get3A_524 = tpu.vector_load %arg16[%get3A_521, %get3A_522, %get3A_523] {strides = array<i32>} : memref<2x512x16xf32, #tpu.memory_space<vmem>>, vector<1x1x16xf32>,
      %get3A_525 = vector.shape_cast %get3A_524 : vector<1x1x16xf32> to vector<16xf32>
      %slice3A_526 = vector.extract_strided_slice %exp3A {offsets = [6], sizes = [1], strides = [1]} : vector<16xf32> to vector<1xf32>
      %squeeze3A_527 = vector.extract %slice3A_526[0] : f32 from vector<1xf32>
      %mul3A_528 = vector.broadcast %squeeze3A_527 : f32 to vector<16xf32>
      %mul3A_529 = arith.mulf %get3A_525, %mul3A_528 : vector<16xf32>
      %swap3A_530 = arith.constant 1 : i32
      %swap3A_531 = arith.index_cast %swap3A_530 : i32 to index
      %swap3A_532 = arith.index_cast %add3A_519 : i32 to index
      %swap3A_533 = arith.constant 0 : index
      %swap3A_534 = tpu.vector_load %arg16[%swap3A_531, %swap3A_532, %swap3A_533] {strides = array<i32>} : memref<2x512x16xf32, #tpu.memory_space<vmem>>, vector<1x1x16xf32>,
      %swap3A_535 = vector.shape_cast %swap3A_534 : vector<1x1x16xf32> to vector<16xf32>
      %swap3A_536 = vector.shape_cast %mul3A_529 : vector<16xf32> to vector<1x1x16xf32>
      tpu.vector_store %arg16[%swap3A_531, %swap3A_532, %swap3A_533], %swap3A_536 {strides = array<i32>} : memref<2x512x16xf32, #tpu.memory_space<vmem>>, vector<1x1x16xf32>,
      %mul3A_537 = arith.constant 16 : i32
      %mul3A_538 = arith.muli %scan3A_370, %mul3A_537 : i32
      %add3A_539 = arith.constant 7 : i32
      %add3A_540 = arith.addi %mul3A_538, %add3A_539 : i32
      %get3A_541 = arith.constant 1 : i32
      %get3A_542 = arith.index_cast %get3A_541 : i32 to index
      %get3A_543 = arith.index_cast %add3A_540 : i32 to index
      %get3A_544 = arith.constant 0 : index
      %get3A_545 = tpu.vector_load %arg16[%get3A_542, %get3A_543, %get3A_544] {strides = array<i32>} : memref<2x512x16xf32, #tpu.memory_space<vmem>>, vector<1x1x16xf32>,
      %get3A_546 = vector.shape_cast %get3A_545 : vector<1x1x16xf32> to vector<16xf32>
      %slice3A_547 = vector.extract_strided_slice %exp3A {offsets = [7], sizes = [1], strides = [1]} : vector<16xf32> to vector<1xf32>
      %squeeze3A_548 = vector.extract %slice3A_547[0] : f32 from vector<1xf32>
      %mul3A_549 = vector.broadcast %squeeze3A_548 : f32 to vector<16xf32>
      %mul3A_550 = arith.mulf %get3A_546, %mul3A_549 : vector<16xf32>
      %swap3A_551 = arith.constant 1 : i32
      %swap3A_552 = arith.index_cast %swap3A_551 : i32 to index
      %swap3A_553 = arith.index_cast %add3A_540 : i32 to index
      %swap3A_554 = arith.constant 0 : index
      %swap3A_555 = tpu.vector_load %arg16[%swap3A_552, %swap3A_553, %swap3A_554] {strides = array<i32>} : memref<2x512x16xf32, #tpu.memory_space<vmem>>, vector<1x1x16xf32>,
      %swap3A_556 = vector.shape_cast %swap3A_555 : vector<1x1x16xf32> to vector<16xf32>
      %swap3A_557 = vector.shape_cast %mul3A_550 : vector<16xf32> to vector<1x1x16xf32>
      tpu.vector_store %arg16[%swap3A_552, %swap3A_553, %swap3A_554], %swap3A_557 {strides = array<i32>} : memref<2x512x16xf32, #tpu.memory_space<vmem>>, vector<1x1x16xf32>,
      %mul3A_558 = arith.constant 16 : i32
      %mul3A_559 = arith.muli %scan3A_370, %mul3A_558 : i32
      %add3A_560 = arith.constant 8 : i32
      %add3A_561 = arith.addi %mul3A_559, %add3A_560 : i32
      %get3A_562 = arith.constant 1 : i32
      %get3A_563 = arith.index_cast %get3A_562 : i32 to index
      %get3A_564 = arith.index_cast %add3A_561 : i32 to index
      %get3A_565 = arith.constant 0 : index
      %get3A_566 = tpu.vector_load %arg16[%get3A_563, %get3A_564, %get3A_565] {strides = array<i32>} : memref<2x512x16xf32, #tpu.memory_space<vmem>>, vector<1x1x16xf32>,
      %get3A_567 = vector.shape_cast %get3A_566 : vector<1x1x16xf32> to vector<16xf32>
      %slice3A_568 = vector.extract_strided_slice %exp3A {offsets = [8], sizes = [1], strides = [1]} : vector<16xf32> to vector<1xf32>
      %squeeze3A_569 = vector.extract %slice3A_568[0] : f32 from vector<1xf32>
      %mul3A_570 = vector.broadcast %squeeze3A_569 : f32 to vector<16xf32>
      %mul3A_571 = arith.mulf %get3A_567, %mul3A_570 : vector<16xf32>
      %swap3A_572 = arith.constant 1 : i32
      %swap3A_573 = arith.index_cast %swap3A_572 : i32 to index
      %swap3A_574 = arith.index_cast %add3A_561 : i32 to index
      %swap3A_575 = arith.constant 0 : index
      %swap3A_576 = tpu.vector_load %arg16[%swap3A_573, %swap3A_574, %swap3A_575] {strides = array<i32>} : memref<2x512x16xf32, #tpu.memory_space<vmem>>, vector<1x1x16xf32>,
      %swap3A_577 = vector.shape_cast %swap3A_576 : vector<1x1x16xf32> to vector<16xf32>
      %swap3A_578 = vector.shape_cast %mul3A_571 : vector<16xf32> to vector<1x1x16xf32>
      tpu.vector_store %arg16[%swap3A_573, %swap3A_574, %swap3A_575], %swap3A_578 {strides = array<i32>} : memref<2x512x16xf32, #tpu.memory_space<vmem>>, vector<1x1x16xf32>,
      %mul3A_579 = arith.constant 16 : i32
      %mul3A_580 = arith.muli %scan3A_370, %mul3A_579 : i32
      %add3A_581 = arith.constant 9 : i32
      %add3A_582 = arith.addi %mul3A_580, %add3A_581 : i32
      %get3A_583 = arith.constant 1 : i32
      %get3A_584 = arith.index_cast %get3A_583 : i32 to index
      %get3A_585 = arith.index_cast %add3A_582 : i32 to index
      %get3A_586 = arith.constant 0 : index
      %get3A_587 = tpu.vector_load %arg16[%get3A_584, %get3A_585, %get3A_586] {strides = array<i32>} : memref<2x512x16xf32, #tpu.memory_space<vmem>>, vector<1x1x16xf32>,
      %get3A_588 = vector.shape_cast %get3A_587 : vector<1x1x16xf32> to vector<16xf32>
      %slice3A_589 = vector.extract_strided_slice %exp3A {offsets = [9], sizes = [1], strides = [1]} : vector<16xf32> to vector<1xf32>
      %squeeze3A_590 = vector.extract %slice3A_589[0] : f32 from vector<1xf32>
      %mul3A_591 = vector.broadcast %squeeze3A_590 : f32 to vector<16xf32>
      %mul3A_592 = arith.mulf %get3A_588, %mul3A_591 : vector<16xf32>
      %swap3A_593 = arith.constant 1 : i32
      %swap3A_594 = arith.index_cast %swap3A_593 : i32 to index
      %swap3A_595 = arith.index_cast %add3A_582 : i32 to index
      %swap3A_596 = arith.constant 0 : index
      %swap3A_597 = tpu.vector_load %arg16[%swap3A_594, %swap3A_595, %swap3A_596] {strides = array<i32>} : memref<2x512x16xf32, #tpu.memory_space<vmem>>, vector<1x1x16xf32>,
      %swap3A_598 = vector.shape_cast %swap3A_597 : vector<1x1x16xf32> to vector<16xf32>
      %swap3A_599 = vector.shape_cast %mul3A_592 : vector<16xf32> to vector<1x1x16xf32>
      tpu.vector_store %arg16[%swap3A_594, %swap3A_595, %swap3A_596], %swap3A_599 {strides = array<i32>} : memref<2x512x16xf32, #tpu.memory_space<vmem>>, vector<1x1x16xf32>,
      %mul3A_600 = arith.constant 16 : i32
      %mul3A_601 = arith.muli %scan3A_370, %mul3A_600 : i32
      %add3A_602 = arith.constant 10 : i32
      %add3A_603 = arith.addi %mul3A_601, %add3A_602 : i32
      %get3A_604 = arith.constant 1 : i32
      %get3A_605 = arith.index_cast %get3A_604 : i32 to index
      %get3A_606 = arith.index_cast %add3A_603 : i32 to index
      %get3A_607 = arith.constant 0 : index
      %get3A_608 = tpu.vector_load %arg16[%get3A_605, %get3A_606, %get3A_607] {strides = array<i32>} : memref<2x512x16xf32, #tpu.memory_space<vmem>>, vector<1x1x16xf32>,
      %get3A_609 = vector.shape_cast %get3A_608 : vector<1x1x16xf32> to vector<16xf32>
      %slice3A_610 = vector.extract_strided_slice %exp3A {offsets = [10], sizes = [1], strides = [1]} : vector<16xf32> to vector<1xf32>
      %squeeze3A_611 = vector.extract %slice3A_610[0] : f32 from vector<1xf32>
      %mul3A_612 = vector.broadcast %squeeze3A_611 : f32 to vector<16xf32>
      %mul3A_613 = arith.mulf %get3A_609, %mul3A_612 : vector<16xf32>
      %swap3A_614 = arith.constant 1 : i32
      %swap3A_615 = arith.index_cast %swap3A_614 : i32 to index
      %swap3A_616 = arith.index_cast %add3A_603 : i32 to index
      %swap3A_617 = arith.constant 0 : index
      %swap3A_618 = tpu.vector_load %arg16[%swap3A_615, %swap3A_616, %swap3A_617] {strides = array<i32>} : memref<2x512x16xf32, #tpu.memory_space<vmem>>, vector<1x1x16xf32>,
      %swap3A_619 = vector.shape_cast %swap3A_618 : vector<1x1x16xf32> to vector<16xf32>
      %swap3A_620 = vector.shape_cast %mul3A_613 : vector<16xf32> to vector<1x1x16xf32>
      tpu.vector_store %arg16[%swap3A_615, %swap3A_616, %swap3A_617], %swap3A_620 {strides = array<i32>} : memref<2x512x16xf32, #tpu.memory_space<vmem>>, vector<1x1x16xf32>,
      %mul3A_621 = arith.constant 16 : i32
      %mul3A_622 = arith.muli %scan3A_370, %mul3A_621 : i32
      %add3A_623 = arith.constant 11 : i32
      %add3A_624 = arith.addi %mul3A_622, %add3A_623 : i32
      %get3A_625 = arith.constant 1 : i32
      %get3A_626 = arith.index_cast %get3A_625 : i32 to index
      %get3A_627 = arith.index_cast %add3A_624 : i32 to index
      %get3A_628 = arith.constant 0 : index
      %get3A_629 = tpu.vector_load %arg16[%get3A_626, %get3A_627, %get3A_628] {strides = array<i32>} : memref<2x512x16xf32, #tpu.memory_space<vmem>>, vector<1x1x16xf32>,
      %get3A_630 = vector.shape_cast %get3A_629 : vector<1x1x16xf32> to vector<16xf32>
      %slice3A_631 = vector.extract_strided_slice %exp3A {offsets = [11], sizes = [1], strides = [1]} : vector<16xf32> to vector<1xf32>
      %squeeze3A_632 = vector.extract %slice3A_631[0] : f32 from vector<1xf32>
      %mul3A_633 = vector.broadcast %squeeze3A_632 : f32 to vector<16xf32>
      %mul3A_634 = arith.mulf %get3A_630, %mul3A_633 : vector<16xf32>
      %swap3A_635 = arith.constant 1 : i32
      %swap3A_636 = arith.index_cast %swap3A_635 : i32 to index
      %swap3A_637 = arith.index_cast %add3A_624 : i32 to index
      %swap3A_638 = arith.constant 0 : index
      %swap3A_639 = tpu.vector_load %arg16[%swap3A_636, %swap3A_637, %swap3A_638] {strides = array<i32>} : memref<2x512x16xf32, #tpu.memory_space<vmem>>, vector<1x1x16xf32>,
      %swap3A_640 = vector.shape_cast %swap3A_639 : vector<1x1x16xf32> to vector<16xf32>
      %swap3A_641 = vector.shape_cast %mul3A_634 : vector<16xf32> to vector<1x1x16xf32>
      tpu.vector_store %arg16[%swap3A_636, %swap3A_637, %swap3A_638], %swap3A_641 {strides = array<i32>} : memref<2x512x16xf32, #tpu.memory_space<vmem>>, vector<1x1x16xf32>,
      %mul3A_642 = arith.constant 16 : i32
      %mul3A_643 = arith.muli %scan3A_370, %mul3A_642 : i32
      %add3A_644 = arith.constant 12 : i32
      %add3A_645 = arith.addi %mul3A_643, %add3A_644 : i32
      %get3A_646 = arith.constant 1 : i32
      %get3A_647 = arith.index_cast %get3A_646 : i32 to index
      %get3A_648 = arith.index_cast %add3A_645 : i32 to index
      %get3A_649 = arith.constant 0 : index
      %get3A_650 = tpu.vector_load %arg16[%get3A_647, %get3A_648, %get3A_649] {strides = array<i32>} : memref<2x512x16xf32, #tpu.memory_space<vmem>>, vector<1x1x16xf32>,
      %get3A_651 = vector.shape_cast %get3A_650 : vector<1x1x16xf32> to vector<16xf32>
      %slice3A_652 = vector.extract_strided_slice %exp3A {offsets = [12], sizes = [1], strides = [1]} : vector<16xf32> to vector<1xf32>
      %squeeze3A_653 = vector.extract %slice3A_652[0] : f32 from vector<1xf32>
      %mul3A_654 = vector.broadcast %squeeze3A_653 : f32 to vector<16xf32>
      %mul3A_655 = arith.mulf %get3A_651, %mul3A_654 : vector<16xf32>
      %swap3A_656 = arith.constant 1 : i32
      %swap3A_657 = arith.index_cast %swap3A_656 : i32 to index
      %swap3A_658 = arith.index_cast %add3A_645 : i32 to index
      %swap3A_659 = arith.constant 0 : index
      %swap3A_660 = tpu.vector_load %arg16[%swap3A_657, %swap3A_658, %swap3A_659] {strides = array<i32>} : memref<2x512x16xf32, #tpu.memory_space<vmem>>, vector<1x1x16xf32>,
      %swap3A_661 = vector.shape_cast %swap3A_660 : vector<1x1x16xf32> to vector<16xf32>
      %swap3A_662 = vector.shape_cast %mul3A_655 : vector<16xf32> to vector<1x1x16xf32>
      tpu.vector_store %arg16[%swap3A_657, %swap3A_658, %swap3A_659], %swap3A_662 {strides = array<i32>} : memref<2x512x16xf32, #tpu.memory_space<vmem>>, vector<1x1x16xf32>,
      %mul3A_663 = arith.constant 16 : i32
      %mul3A_664 = arith.muli %scan3A_370, %mul3A_663 : i32
      %add3A_665 = arith.constant 13 : i32
      %add3A_666 = arith.addi %mul3A_664, %add3A_665 : i32
      %get3A_667 = arith.constant 1 : i32
      %get3A_668 = arith.index_cast %get3A_667 : i32 to index
      %get3A_669 = arith.index_cast %add3A_666 : i32 to index
      %get3A_670 = arith.constant 0 : index
      %get3A_671 = tpu.vector_load %arg16[%get3A_668, %get3A_669, %get3A_670] {strides = array<i32>} : memref<2x512x16xf32, #tpu.memory_space<vmem>>, vector<1x1x16xf32>,
      %get3A_672 = vector.shape_cast %get3A_671 : vector<1x1x16xf32> to vector<16xf32>
      %slice3A_673 = vector.extract_strided_slice %exp3A {offsets = [13], sizes = [1], strides = [1]} : vector<16xf32> to vector<1xf32>
      %squeeze3A_674 = vector.extract %slice3A_673[0] : f32 from vector<1xf32>
      %mul3A_675 = vector.broadcast %squeeze3A_674 : f32 to vector<16xf32>
      %mul3A_676 = arith.mulf %get3A_672, %mul3A_675 : vector<16xf32>
      %swap3A_677 = arith.constant 1 : i32
      %swap3A_678 = arith.index_cast %swap3A_677 : i32 to index
      %swap3A_679 = arith.index_cast %add3A_666 : i32 to index
      %swap3A_680 = arith.constant 0 : index
      %swap3A_681 = tpu.vector_load %arg16[%swap3A_678, %swap3A_679, %swap3A_680] {strides = array<i32>} : memref<2x512x16xf32, #tpu.memory_space<vmem>>, vector<1x1x16xf32>,
      %swap3A_682 = vector.shape_cast %swap3A_681 : vector<1x1x16xf32> to vector<16xf32>
      %swap3A_683 = vector.shape_cast %mul3A_676 : vector<16xf32> to vector<1x1x16xf32>
      tpu.vector_store %arg16[%swap3A_678, %swap3A_679, %swap3A_680], %swap3A_683 {strides = array<i32>} : memref<2x512x16xf32, #tpu.memory_space<vmem>>, vector<1x1x16xf32>,
      %mul3A_684 = arith.constant 16 : i32
      %mul3A_685 = arith.muli %scan3A_370, %mul3A_684 : i32
      %add3A_686 = arith.constant 14 : i32
      %add3A_687 = arith.addi %mul3A_685, %add3A_686 : i32
      %get3A_688 = arith.constant 1 : i32
      %get3A_689 = arith.index_cast %get3A_688 : i32 to index
      %get3A_690 = arith.index_cast %add3A_687 : i32 to index
      %get3A_691 = arith.constant 0 : index
      %get3A_692 = tpu.vector_load %arg16[%get3A_689, %get3A_690, %get3A_691] {strides = array<i32>} : memref<2x512x16xf32, #tpu.memory_space<vmem>>, vector<1x1x16xf32>,
      %get3A_693 = vector.shape_cast %get3A_692 : vector<1x1x16xf32> to vector<16xf32>
      %slice3A_694 = vector.extract_strided_slice %exp3A {offsets = [14], sizes = [1], strides = [1]} : vector<16xf32> to vector<1xf32>
      %squeeze3A_695 = vector.extract %slice3A_694[0] : f32 from vector<1xf32>
      %mul3A_696 = vector.broadcast %squeeze3A_695 : f32 to vector<16xf32>
      %mul3A_697 = arith.mulf %get3A_693, %mul3A_696 : vector<16xf32>
      %swap3A_698 = arith.constant 1 : i32
      %swap3A_699 = arith.index_cast %swap3A_698 : i32 to index
      %swap3A_700 = arith.index_cast %add3A_687 : i32 to index
      %swap3A_701 = arith.constant 0 : index
      %swap3A_702 = tpu.vector_load %arg16[%swap3A_699, %swap3A_700, %swap3A_701] {strides = array<i32>} : memref<2x512x16xf32, #tpu.memory_space<vmem>>, vector<1x1x16xf32>,
      %swap3A_703 = vector.shape_cast %swap3A_702 : vector<1x1x16xf32> to vector<16xf32>
      %swap3A_704 = vector.shape_cast %mul3A_697 : vector<16xf32> to vector<1x1x16xf32>
      tpu.vector_store %arg16[%swap3A_699, %swap3A_700, %swap3A_701], %swap3A_704 {strides = array<i32>} : memref<2x512x16xf32, #tpu.memory_space<vmem>>, vector<1x1x16xf32>,
      %mul3A_705 = arith.constant 16 : i32
      %mul3A_706 = arith.muli %scan3A_370, %mul3A_705 : i32
      %add3A_707 = arith.constant 15 : i32
      %add3A_708 = arith.addi %mul3A_706, %add3A_707 : i32
      %get3A_709 = arith.constant 1 : i32
      %get3A_710 = arith.index_cast %get3A_709 : i32 to index
      %get3A_711 = arith.index_cast %add3A_708 : i32 to index
      %get3A_712 = arith.constant 0 : index
      %get3A_713 = tpu.vector_load %arg16[%get3A_710, %get3A_711, %get3A_712] {strides = array<i32>} : memref<2x512x16xf32, #tpu.memory_space<vmem>>, vector<1x1x16xf32>,
      %get3A_714 = vector.shape_cast %get3A_713 : vector<1x1x16xf32> to vector<16xf32>
      %slice3A_715 = vector.extract_strided_slice %exp3A {offsets = [15], sizes = [1], strides = [1]} : vector<16xf32> to vector<1xf32>
      %squeeze3A_716 = vector.extract %slice3A_715[0] : f32 from vector<1xf32>
      %mul3A_717 = vector.broadcast %squeeze3A_716 : f32 to vector<16xf32>
      %mul3A_718 = arith.mulf %get3A_714, %mul3A_717 : vector<16xf32>
      %swap3A_719 = arith.constant 1 : i32
      %swap3A_720 = arith.index_cast %swap3A_719 : i32 to index
      %swap3A_721 = arith.index_cast %add3A_708 : i32 to index
      %swap3A_722 = arith.constant 0 : index
      %swap3A_723 = tpu.vector_load %arg16[%swap3A_720, %swap3A_721, %swap3A_722] {strides = array<i32>} : memref<2x512x16xf32, #tpu.memory_space<vmem>>, vector<1x1x16xf32>,
      %swap3A_724 = vector.shape_cast %swap3A_723 : vector<1x1x16xf32> to vector<16xf32>
      %swap3A_725 = vector.shape_cast %mul3A_718 : vector<16xf32> to vector<1x1x16xf32>
      tpu.vector_store %arg16[%swap3A_720, %swap3A_721, %swap3A_722], %swap3A_725 {strides = array<i32>} : memref<2x512x16xf32, #tpu.memory_space<vmem>>, vector<1x1x16xf32>,
    }
    %scan3A_296 = arith.constant 32 : i32
    %dma_start3A_297 = arith.constant 1 : i32
    %dma_start3A_298 = arith.constant 1 : i32
    %dma_start3A_299 = arith.constant 0 : i32
    %dma_start3A_300 = tpu.memref_slice %arg14[%dma_start3A_297, %dma_start3A_299] : memref<2x512xf32, #tpu.memory_space<vmem>> -> memref<1x512xf32, #tpu.memory_space<vmem>>
    %dma_start3A_301 = tpu.memref_squeeze %dma_start3A_300 : memref<1x512xf32, #tpu.memory_space<vmem>> -> memref<512xf32, #tpu.memory_space<vmem>>
    %dma_start3A_302 = arith.constant 0 : i32
    %dma_start3A_303 = tpu.memref_slice %arg12[%dma_start3A_298, %dma_start3A_302] : memref<2x512xi32, #tpu.memory_space<vmem>> -> memref<1x512xi32, #tpu.memory_space<vmem>>
    %dma_start3A_304 = tpu.memref_squeeze %dma_start3A_303 : memref<1x512xi32, #tpu.memory_space<vmem>> -> memref<512xi32, #tpu.memory_space<vmem>>
    %dma_start3A_305 = arith.constant 0 : i32
    %dma_start3A_306 = tpu.memref_slice %arg10[%dma_start3A_305] : memref<100352xf32, #tpu.memory_space<vmem_shared>> -> memref<100352xf32, #tpu.memory_space<vmem_shared>>
    tpu.enqueue_indirect_dma source(%dma_start3A_301 : memref<512xf32, #tpu.memory_space<vmem>>) target(%dma_start3A_306 : memref<100352xf32, #tpu.memory_space<vmem_shared>>) offsets(%dma_start3A_304 : memref<512xi32, #tpu.memory_space<vmem>>) semaphore(%arg25 : memref<!tpu.dma_semaphore, #tpu.memory_space<semaphore_mem>>) {add = true}
    %dma_start3A_307 = arith.constant 1 : i32
    %dma_start3A_308 = arith.constant 1 : i32
    %dma_start3A_309 = arith.constant 0 : i32
    %dma_start3A_310 = arith.constant 0 : i32
    %dma_start3A_311 = tpu.memref_slice %arg16[%dma_start3A_307, %dma_start3A_309, %dma_start3A_310] : memref<2x512x16xf32, #tpu.memory_space<vmem>> -> memref<1x512x16xf32, #tpu.memory_space<vmem>>
    %dma_start3A_312 = tpu.memref_squeeze %dma_start3A_311 : memref<1x512x16xf32, #tpu.memory_space<vmem>> -> memref<512x16xf32, #tpu.memory_space<vmem>>
    %dma_start3A_313 = arith.constant 0 : i32
    %dma_start3A_314 = tpu.memref_slice %arg12[%dma_start3A_308, %dma_start3A_313] : memref<2x512xi32, #tpu.memory_space<vmem>> -> memref<1x512xi32, #tpu.memory_space<vmem>>
    %dma_start3A_315 = tpu.memref_squeeze %dma_start3A_314 : memref<1x512xi32, #tpu.memory_space<vmem>> -> memref<512xi32, #tpu.memory_space<vmem>>
    %dma_start3A_316 = arith.constant 0 : i32
    %dma_start3A_317 = arith.constant 0 : i32
    %dma_start3A_318 = tpu.memref_slice %arg9[%dma_start3A_316, %dma_start3A_317] : memref<100352x16xf32, #tpu.memory_space<vmem_shared>> -> memref<100352x16xf32, #tpu.memory_space<vmem_shared>>
    tpu.enqueue_indirect_dma source(%dma_start3A_312 : memref<512x16xf32, #tpu.memory_space<vmem>>) target(%dma_start3A_318 : memref<100352x16xf32, #tpu.memory_space<vmem_shared>>) offsets(%dma_start3A_315 : memref<512xi32, #tpu.memory_space<vmem>>) semaphore(%arg25 : memref<!tpu.dma_semaphore, #tpu.memory_space<semaphore_mem>>) {add = true}
    %dma_wait3A_319 = arith.constant 0 : i32
    %dma_wait3A_320 = arith.constant 0 : i32
    %dma_wait3A_321 = arith.constant 0 : i32
    %dma_wait3A_322 = tpu.memref_slice %arg14[%dma_wait3A_319, %dma_wait3A_321] : memref<2x512xf32, #tpu.memory_space<vmem>> -> memref<1x512xf32, #tpu.memory_space<vmem>>
    %dma_wait3A_323 = tpu.memref_squeeze %dma_wait3A_322 : memref<1x512xf32, #tpu.memory_space<vmem>> -> memref<512xf32, #tpu.memory_space<vmem>>
    %dma_wait3A_324 = arith.constant 0 : i32
    %dma_wait3A_325 = tpu.memref_slice %arg12[%dma_wait3A_320, %dma_wait3A_324] : memref<2x512xi32, #tpu.memory_space<vmem>> -> memref<1x512xi32, #tpu.memory_space<vmem>>
    %dma_wait3A_326 = tpu.memref_squeeze %dma_wait3A_325 : memref<1x512xi32, #tpu.memory_space<vmem>> -> memref<512xi32, #tpu.memory_space<vmem>>
    %dma_wait3A_327 = arith.constant 0 : i32
    %dma_wait3A_328 = tpu.memref_slice %arg10[%dma_wait3A_327] : memref<100352xf32, #tpu.memory_space<vmem_shared>> -> memref<100352xf32, #tpu.memory_space<vmem_shared>>
    tpu.wait_indirect_dma semaphore(%arg24 : memref<!tpu.dma_semaphore, #tpu.memory_space<semaphore_mem>>) src(%dma_wait3A_323 : memref<512xf32, #tpu.memory_space<vmem>>) dst(%dma_wait3A_328 : memref<100352xf32, #tpu.memory_space<vmem_shared>>)
    %dma_wait3A_329 = arith.constant 0 : i32
    %dma_wait3A_330 = arith.constant 0 : i32
    %dma_wait3A_331 = arith.constant 0 : i32
    %dma_wait3A_332 = arith.constant 0 : i32
    %dma_wait3A_333 = tpu.memref_slice %arg16[%dma_wait3A_329, %dma_wait3A_331, %dma_wait3A_332] : memref<2x512x16xf32, #tpu.memory_space<vmem>> -> memref<1x512x16xf32, #tpu.memory_space<vmem>>
    %dma_wait3A_334 = tpu.memref_squeeze %dma_wait3A_333 : memref<1x512x16xf32, #tpu.memory_space<vmem>> -> memref<512x16xf32, #tpu.memory_space<vmem>>
    %dma_wait3A_335 = arith.constant 0 : i32
    %dma_wait3A_336 = tpu.memref_slice %arg12[%dma_wait3A_330, %dma_wait3A_335] : memref<2x512xi32, #tpu.memory_space<vmem>> -> memref<1x512xi32, #tpu.memory_space<vmem>>
    %dma_wait3A_337 = tpu.memref_squeeze %dma_wait3A_336 : memref<1x512xi32, #tpu.memory_space<vmem>> -> memref<512xi32, #tpu.memory_space<vmem>>
    %dma_wait3A_338 = arith.constant 0 : i32
    %dma_wait3A_339 = arith.constant 0 : i32
    %dma_wait3A_340 = tpu.memref_slice %arg9[%dma_wait3A_338, %dma_wait3A_339] : memref<100352x16xf32, #tpu.memory_space<vmem_shared>> -> memref<100352x16xf32, #tpu.memory_space<vmem_shared>>
    tpu.wait_indirect_dma semaphore(%arg24 : memref<!tpu.dma_semaphore, #tpu.memory_space<semaphore_mem>>) src(%dma_wait3A_334 : memref<512x16xf32, #tpu.memory_space<vmem>>) dst(%dma_wait3A_340 : memref<100352x16xf32, #tpu.memory_space<vmem_shared>>)
    %dma_wait3A_341 = arith.constant 1 : i32
    %dma_wait3A_342 = arith.constant 1 : i32
    %dma_wait3A_343 = arith.constant 0 : i32
    %dma_wait3A_344 = tpu.memref_slice %arg14[%dma_wait3A_341, %dma_wait3A_343] : memref<2x512xf32, #tpu.memory_space<vmem>> -> memref<1x512xf32, #tpu.memory_space<vmem>>
    %dma_wait3A_345 = tpu.memref_squeeze %dma_wait3A_344 : memref<1x512xf32, #tpu.memory_space<vmem>> -> memref<512xf32, #tpu.memory_space<vmem>>
    %dma_wait3A_346 = arith.constant 0 : i32
    %dma_wait3A_347 = tpu.memref_slice %arg12[%dma_wait3A_342, %dma_wait3A_346] : memref<2x512xi32, #tpu.memory_space<vmem>> -> memref<1x512xi32, #tpu.memory_space<vmem>>
    %dma_wait3A_348 = tpu.memref_squeeze %dma_wait3A_347 : memref<1x512xi32, #tpu.memory_space<vmem>> -> memref<512xi32, #tpu.memory_space<vmem>>
    %dma_wait3A_349 = arith.constant 0 : i32
    %dma_wait3A_350 = tpu.memref_slice %arg10[%dma_wait3A_349] : memref<100352xf32, #tpu.memory_space<vmem_shared>> -> memref<100352xf32, #tpu.memory_space<vmem_shared>>
    tpu.wait_indirect_dma semaphore(%arg25 : memref<!tpu.dma_semaphore, #tpu.memory_space<semaphore_mem>>) src(%dma_wait3A_345 : memref<512xf32, #tpu.memory_space<vmem>>) dst(%dma_wait3A_350 : memref<100352xf32, #tpu.memory_space<vmem_shared>>)
    %dma_wait3A_351 = arith.constant 1 : i32
    %dma_wait3A_352 = arith.constant 1 : i32
    %dma_wait3A_353 = arith.constant 0 : i32
    %dma_wait3A_354 = arith.constant 0 : i32
    %dma_wait3A_355 = tpu.memref_slice %arg16[%dma_wait3A_351, %dma_wait3A_353, %dma_wait3A_354] : memref<2x512x16xf32, #tpu.memory_space<vmem>> -> memref<1x512x16xf32, #tpu.memory_space<vmem>>
    %dma_wait3A_356 = tpu.memref_squeeze %dma_wait3A_355 : memref<1x512x16xf32, #tpu.memory_space<vmem>> -> memref<512x16xf32, #tpu.memory_space<vmem>>
    %dma_wait3A_357 = arith.constant 0 : i32
    %dma_wait3A_358 = tpu.memref_slice %arg12[%dma_wait3A_352, %dma_wait3A_357] : memref<2x512xi32, #tpu.memory_space<vmem>> -> memref<1x512xi32, #tpu.memory_space<vmem>>
    %dma_wait3A_359 = tpu.memref_squeeze %dma_wait3A_358 : memref<1x512xi32, #tpu.memory_space<vmem>> -> memref<512xi32, #tpu.memory_space<vmem>>
    %dma_wait3A_360 = arith.constant 0 : i32
    %dma_wait3A_361 = arith.constant 0 : i32
    %dma_wait3A_362 = tpu.memref_slice %arg9[%dma_wait3A_360, %dma_wait3A_361] : memref<100352x16xf32, #tpu.memory_space<vmem_shared>> -> memref<100352x16xf32, #tpu.memory_space<vmem_shared>>
    tpu.wait_indirect_dma semaphore(%arg25 : memref<!tpu.dma_semaphore, #tpu.memory_space<semaphore_mem>>) src(%dma_wait3A_356 : memref<512x16xf32, #tpu.memory_space<vmem>>) dst(%dma_wait3A_362 : memref<100352x16xf32, #tpu.memory_space<vmem_shared>>)
    %barrier3A_363 = arith.constant 0 : index
    tpu.barrier barrier_id(%barrier3A_363)
    %scan3A_364 = arith.constant 0 : i32
    %scan3A_365 = arith.constant 0 : i32
    %scan3A_366 = arith.constant 49 : i32
    %scan3A_367 = arith.addi %scan3A_365, %scan3A_366 : i32
    %scan3A_368 = arith.constant 1 : i32
    scf.for %scan3A_370 = %scan3A_365 to %scan3A_367 step %scan3A_368  : i32 {
      %mul3A_371 = arith.constant 128 : i32
      %mul3A_372 = arith.muli %scan3A_370, %mul3A_371 : i32
      %add3A_373 = arith.addi %mul3A_4, %mul3A_372 : i32
      %dma_start3A_374 = tpu.memref_slice %arg10[%add3A_373] : memref<100352xf32, #tpu.memory_space<vmem_shared>> -> memref<128xf32, #tpu.memory_space<vmem_shared>>
      %dma_start3A_375 = tpu.memref_slice %arg10[%add3A_373] : memref<100352xf32, #tpu.memory_space<vmem_shared>> -> memref<128xf32, #tpu.memory_space<vmem_shared>>
      tpu.enqueue_dma source(%dma_start3A_375 : memref<128xf32, #tpu.memory_space<vmem_shared>>) target(%arg19 : memref<128xf32, #tpu.memory_space<vmem>>) target_semaphore(%arg22 : memref<!tpu.dma_semaphore, #tpu.memory_space<semaphore_mem>>)
      %dma_start3A_376 = arith.constant 0 : i32
      %dma_start3A_377 = tpu.memref_slice %arg9[%add3A_373, %dma_start3A_376] : memref<100352x16xf32, #tpu.memory_space<vmem_shared>> -> memref<128x16xf32, #tpu.memory_space<vmem_shared>>
      %dma_start3A_378 = arith.constant 0 : i32
      %dma_start3A_379 = tpu.memref_slice %arg9[%add3A_373, %dma_start3A_378] : memref<100352x16xf32, #tpu.memory_space<vmem_shared>> -> memref<128x16xf32, #tpu.memory_space<vmem_shared>>
      tpu.enqueue_dma source(%dma_start3A_379 : memref<128x16xf32, #tpu.memory_space<vmem_shared>>) target(%arg20 : memref<128x16xf32, #tpu.memory_space<vmem>>) target_semaphore(%arg22 : memref<!tpu.dma_semaphore, #tpu.memory_space<semaphore_mem>>)
      %dma_wait3A_380 = tpu.memref_slice %arg10[%add3A_373] : memref<100352xf32, #tpu.memory_space<vmem_shared>> -> memref<128xf32, #tpu.memory_space<vmem_shared>>
      %dma_wait3A_381 = tpu.memref_slice %arg10[%add3A_373] : memref<100352xf32, #tpu.memory_space<vmem_shared>> -> memref<128xf32, #tpu.memory_space<vmem_shared>>
      tpu.wait_dma2 semaphore(%arg22 : memref<!tpu.dma_semaphore, #tpu.memory_space<semaphore_mem>>) src(%dma_wait3A_381 : memref<128xf32, #tpu.memory_space<vmem_shared>>) dst(%arg19 : memref<128xf32, #tpu.memory_space<vmem>>)
      %dma_wait3A_382 = arith.constant 0 : i32
      %dma_wait3A_383 = tpu.memref_slice %arg9[%add3A_373, %dma_wait3A_382] : memref<100352x16xf32, #tpu.memory_space<vmem_shared>> -> memref<128x16xf32, #tpu.memory_space<vmem_shared>>
      %dma_wait3A_384 = arith.constant 0 : i32
      %dma_wait3A_385 = tpu.memref_slice %arg9[%add3A_373, %dma_wait3A_384] : memref<100352x16xf32, #tpu.memory_space<vmem_shared>> -> memref<128x16xf32, #tpu.memory_space<vmem_shared>>
      tpu.wait_dma2 semaphore(%arg22 : memref<!tpu.dma_semaphore, #tpu.memory_space<semaphore_mem>>) src(%dma_wait3A_385 : memref<128x16xf32, #tpu.memory_space<vmem_shared>>) dst(%arg20 : memref<128x16xf32, #tpu.memory_space<vmem>>)
      %scan3A_386 = arith.constant 0 : i32
      %scan3A_387 = arith.constant 0 : i32
      %scan3A_388 = arith.constant 8 : i32
      %scan3A_389 = arith.addi %scan3A_387, %scan3A_388 : i32
      %scan3A_390 = arith.constant 1 : i32
      scf.for %scan3A_401 = %scan3A_387 to %scan3A_389 step %scan3A_390  : i32 {
        %mul3A_402 = arith.constant 16 : i32
        %mul3A_403 = arith.muli %scan3A_401, %mul3A_402 : i32
        %get3A_404 = arith.index_cast %mul3A_403 : i32 to index
        %get3A_405 = tpu.vector_load %arg19[%get3A_404] {strides = array<i32>} : memref<128xf32, #tpu.memory_space<vmem>>, vector<16xf32>,
        %get3A_406 = vector.shape_cast %get3A_405 : vector<16xf32> to vector<16xf32>
        %mul3A_407 = arith.constant 16 : i32
        %mul3A_408 = arith.muli %scan3A_401, %mul3A_407 : i32
        %add3A_409 = arith.addi %add3A_373, %mul3A_408 : i32
        %lt3A = arith.constant 100000 : i32
        %lt3A_410 = arith.cmpi slt, %add3A_409, %lt3A : i32
        %jit3A = arith.constant 1.000000e+00 : f32
        %jit3A_411 = arith.constant 0.000000e+00 : f32
        %select_n3A = arith.select %lt3A_410, %jit3A, %jit3A_411 : f32
        %add3A_412 = arith.constant 1.000000e-16 : f32
        %add3A_413 = vector.broadcast %add3A_412 : f32 to vector<16xf32>
        %add3A_414 = arith.addf %get3A_406, %add3A_413 : vector<16xf32>
        %div3A = vector.broadcast %select_n3A : f32 to vector<16xf32>
        %div3A_415 = arith.divf %div3A, %add3A_414 : vector<16xf32>
        %mul3A_416 = arith.constant 16 : i32
        %mul3A_417 = arith.muli %scan3A_401, %mul3A_416 : i32
        %add3A_418 = arith.constant 0 : i32
        %add3A_419 = arith.addi %mul3A_417, %add3A_418 : i32
        %broadcast_in_dim3A = arith.constant 0 : i32
        %broadcast_in_dim3A_420 = vector.broadcast %broadcast_in_dim3A : i32 to vector<16x1xi32>
        %gather3A = vector.shape_cast %broadcast_in_dim3A_420 : vector<16x1xi32> to vector<16xi32>
        %gather3A_421 = tpu.dynamic_gather %div3A_415[%gather3A] in [0] : vector<16xf32>, vector<16xi32> -> vector<16xf32>
        %get3A_422 = arith.index_cast %add3A_419 : i32 to index
        %get3A_423 = arith.constant 0 : index
        %get3A_424 = tpu.vector_load %arg20[%get3A_422, %get3A_423] {strides = array<i32>} : memref<128x16xf32, #tpu.memory_space<vmem>>, vector<1x16xf32>,
        %get3A_425 = vector.shape_cast %get3A_424 : vector<1x16xf32> to vector<16xf32>
        %mul3A_426 = arith.mulf %get3A_425, %gather3A_421 : vector<16xf32>
        %swap3A = arith.index_cast %add3A_419 : i32 to index
        %swap3A_427 = arith.constant 0 : index
        %swap3A_428 = tpu.vector_load %arg20[%swap3A, %swap3A_427] {strides = array<i32>} : memref<128x16xf32, #tpu.memory_space<vmem>>, vector<1x16xf32>,
        %swap3A_429 = vector.shape_cast %swap3A_428 : vector<1x16xf32> to vector<16xf32>
        %swap3A_430 = vector.shape_cast %mul3A_426 : vector<16xf32> to vector<1x16xf32>
        tpu.vector_store %arg20[%swap3A, %swap3A_427], %swap3A_430 {strides = array<i32>} : memref<128x16xf32, #tpu.memory_space<vmem>>, vector<1x16xf32>,
        %mul3A_431 = arith.constant 16 : i32
        %mul3A_432 = arith.muli %scan3A_401, %mul3A_431 : i32
        %add3A_433 = arith.constant 1 : i32
        %add3A_434 = arith.addi %mul3A_432, %add3A_433 : i32
        %broadcast_in_dim3A_435 = arith.constant 1 : i32
        %broadcast_in_dim3A_436 = vector.broadcast %broadcast_in_dim3A_435 : i32 to vector<16x1xi32>
        %gather3A_437 = vector.shape_cast %broadcast_in_dim3A_436 : vector<16x1xi32> to vector<16xi32>
        %gather3A_438 = tpu.dynamic_gather %div3A_415[%gather3A_437] in [0] : vector<16xf32>, vector<16xi32> -> vector<16xf32>
        %get3A_439 = arith.index_cast %add3A_434 : i32 to index
        %get3A_440 = arith.constant 0 : index
        %get3A_441 = tpu.vector_load %arg20[%get3A_439, %get3A_440] {strides = array<i32>} : memref<128x16xf32, #tpu.memory_space<vmem>>, vector<1x16xf32>,
        %get3A_442 = vector.shape_cast %get3A_441 : vector<1x16xf32> to vector<16xf32>
        %mul3A_443 = arith.mulf %get3A_442, %gather3A_438 : vector<16xf32>
        %swap3A_444 = arith.index_cast %add3A_434 : i32 to index
        %swap3A_445 = arith.constant 0 : index
        %swap3A_446 = tpu.vector_load %arg20[%swap3A_444, %swap3A_445] {strides = array<i32>} : memref<128x16xf32, #tpu.memory_space<vmem>>, vector<1x16xf32>,
        %swap3A_447 = vector.shape_cast %swap3A_446 : vector<1x16xf32> to vector<16xf32>
        %swap3A_448 = vector.shape_cast %mul3A_443 : vector<16xf32> to vector<1x16xf32>
        tpu.vector_store %arg20[%swap3A_444, %swap3A_445], %swap3A_448 {strides = array<i32>} : memref<128x16xf32, #tpu.memory_space<vmem>>, vector<1x16xf32>,
        %mul3A_449 = arith.constant 16 : i32
        %mul3A_450 = arith.muli %scan3A_401, %mul3A_449 : i32
        %add3A_451 = arith.constant 2 : i32
        %add3A_452 = arith.addi %mul3A_450, %add3A_451 : i32
        %broadcast_in_dim3A_453 = arith.constant 2 : i32
        %broadcast_in_dim3A_454 = vector.broadcast %broadcast_in_dim3A_453 : i32 to vector<16x1xi32>
        %gather3A_455 = vector.shape_cast %broadcast_in_dim3A_454 : vector<16x1xi32> to vector<16xi32>
        %gather3A_456 = tpu.dynamic_gather %div3A_415[%gather3A_455] in [0] : vector<16xf32>, vector<16xi32> -> vector<16xf32>
        %get3A_457 = arith.index_cast %add3A_452 : i32 to index
        %get3A_458 = arith.constant 0 : index
        %get3A_459 = tpu.vector_load %arg20[%get3A_457, %get3A_458] {strides = array<i32>} : memref<128x16xf32, #tpu.memory_space<vmem>>, vector<1x16xf32>,
        %get3A_460 = vector.shape_cast %get3A_459 : vector<1x16xf32> to vector<16xf32>
        %mul3A_461 = arith.mulf %get3A_460, %gather3A_456 : vector<16xf32>
        %swap3A_462 = arith.index_cast %add3A_452 : i32 to index
        %swap3A_463 = arith.constant 0 : index
        %swap3A_464 = tpu.vector_load %arg20[%swap3A_462, %swap3A_463] {strides = array<i32>} : memref<128x16xf32, #tpu.memory_space<vmem>>, vector<1x16xf32>,
        %swap3A_465 = vector.shape_cast %swap3A_464 : vector<1x16xf32> to vector<16xf32>
        %swap3A_466 = vector.shape_cast %mul3A_461 : vector<16xf32> to vector<1x16xf32>
        tpu.vector_store %arg20[%swap3A_462, %swap3A_463], %swap3A_466 {strides = array<i32>} : memref<128x16xf32, #tpu.memory_space<vmem>>, vector<1x16xf32>,
        %mul3A_467 = arith.constant 16 : i32
        %mul3A_468 = arith.muli %scan3A_401, %mul3A_467 : i32
        %add3A_469 = arith.constant 3 : i32
        %add3A_470 = arith.addi %mul3A_468, %add3A_469 : i32
        %broadcast_in_dim3A_471 = arith.constant 3 : i32
        %broadcast_in_dim3A_472 = vector.broadcast %broadcast_in_dim3A_471 : i32 to vector<16x1xi32>
        %gather3A_473 = vector.shape_cast %broadcast_in_dim3A_472 : vector<16x1xi32> to vector<16xi32>
        %gather3A_474 = tpu.dynamic_gather %div3A_415[%gather3A_473] in [0] : vector<16xf32>, vector<16xi32> -> vector<16xf32>
        %get3A_475 = arith.index_cast %add3A_470 : i32 to index
        %get3A_476 = arith.constant 0 : index
        %get3A_477 = tpu.vector_load %arg20[%get3A_475, %get3A_476] {strides = array<i32>} : memref<128x16xf32, #tpu.memory_space<vmem>>, vector<1x16xf32>,
        %get3A_478 = vector.shape_cast %get3A_477 : vector<1x16xf32> to vector<16xf32>
        %mul3A_479 = arith.mulf %get3A_478, %gather3A_474 : vector<16xf32>
        %swap3A_480 = arith.index_cast %add3A_470 : i32 to index
        %swap3A_481 = arith.constant 0 : index
        %swap3A_482 = tpu.vector_load %arg20[%swap3A_480, %swap3A_481] {strides = array<i32>} : memref<128x16xf32, #tpu.memory_space<vmem>>, vector<1x16xf32>,
        %swap3A_483 = vector.shape_cast %swap3A_482 : vector<1x16xf32> to vector<16xf32>
        %swap3A_484 = vector.shape_cast %mul3A_479 : vector<16xf32> to vector<1x16xf32>
        tpu.vector_store %arg20[%swap3A_480, %swap3A_481], %swap3A_484 {strides = array<i32>} : memref<128x16xf32, #tpu.memory_space<vmem>>, vector<1x16xf32>,
        %mul3A_485 = arith.constant 16 : i32
        %mul3A_486 = arith.muli %scan3A_401, %mul3A_485 : i32
        %add3A_487 = arith.constant 4 : i32
        %add3A_488 = arith.addi %mul3A_486, %add3A_487 : i32
        %broadcast_in_dim3A_489 = arith.constant 4 : i32
        %broadcast_in_dim3A_490 = vector.broadcast %broadcast_in_dim3A_489 : i32 to vector<16x1xi32>
        %gather3A_491 = vector.shape_cast %broadcast_in_dim3A_490 : vector<16x1xi32> to vector<16xi32>
        %gather3A_492 = tpu.dynamic_gather %div3A_415[%gather3A_491] in [0] : vector<16xf32>, vector<16xi32> -> vector<16xf32>
        %get3A_493 = arith.index_cast %add3A_488 : i32 to index
        %get3A_494 = arith.constant 0 : index
        %get3A_495 = tpu.vector_load %arg20[%get3A_493, %get3A_494] {strides = array<i32>} : memref<128x16xf32, #tpu.memory_space<vmem>>, vector<1x16xf32>,
        %get3A_496 = vector.shape_cast %get3A_495 : vector<1x16xf32> to vector<16xf32>
        %mul3A_497 = arith.mulf %get3A_496, %gather3A_492 : vector<16xf32>
        %swap3A_498 = arith.index_cast %add3A_488 : i32 to index
        %swap3A_499 = arith.constant 0 : index
        %swap3A_500 = tpu.vector_load %arg20[%swap3A_498, %swap3A_499] {strides = array<i32>} : memref<128x16xf32, #tpu.memory_space<vmem>>, vector<1x16xf32>,
        %swap3A_501 = vector.shape_cast %swap3A_500 : vector<1x16xf32> to vector<16xf32>
        %swap3A_502 = vector.shape_cast %mul3A_497 : vector<16xf32> to vector<1x16xf32>
        tpu.vector_store %arg20[%swap3A_498, %swap3A_499], %swap3A_502 {strides = array<i32>} : memref<128x16xf32, #tpu.memory_space<vmem>>, vector<1x16xf32>,
        %mul3A_503 = arith.constant 16 : i32
        %mul3A_504 = arith.muli %scan3A_401, %mul3A_503 : i32
        %add3A_505 = arith.constant 5 : i32
        %add3A_506 = arith.addi %mul3A_504, %add3A_505 : i32
        %broadcast_in_dim3A_507 = arith.constant 5 : i32
        %broadcast_in_dim3A_508 = vector.broadcast %broadcast_in_dim3A_507 : i32 to vector<16x1xi32>
        %gather3A_509 = vector.shape_cast %broadcast_in_dim3A_508 : vector<16x1xi32> to vector<16xi32>
        %gather3A_510 = tpu.dynamic_gather %div3A_415[%gather3A_509] in [0] : vector<16xf32>, vector<16xi32> -> vector<16xf32>
        %get3A_511 = arith.index_cast %add3A_506 : i32 to index
        %get3A_512 = arith.constant 0 : index
        %get3A_513 = tpu.vector_load %arg20[%get3A_511, %get3A_512] {strides = array<i32>} : memref<128x16xf32, #tpu.memory_space<vmem>>, vector<1x16xf32>,
        %get3A_514 = vector.shape_cast %get3A_513 : vector<1x16xf32> to vector<16xf32>
        %mul3A_515 = arith.mulf %get3A_514, %gather3A_510 : vector<16xf32>
        %swap3A_516 = arith.index_cast %add3A_506 : i32 to index
        %swap3A_517 = arith.constant 0 : index
        %swap3A_518 = tpu.vector_load %arg20[%swap3A_516, %swap3A_517] {strides = array<i32>} : memref<128x16xf32, #tpu.memory_space<vmem>>, vector<1x16xf32>,
        %swap3A_519 = vector.shape_cast %swap3A_518 : vector<1x16xf32> to vector<16xf32>
        %swap3A_520 = vector.shape_cast %mul3A_515 : vector<16xf32> to vector<1x16xf32>
        tpu.vector_store %arg20[%swap3A_516, %swap3A_517], %swap3A_520 {strides = array<i32>} : memref<128x16xf32, #tpu.memory_space<vmem>>, vector<1x16xf32>,
        %mul3A_521 = arith.constant 16 : i32
        %mul3A_522 = arith.muli %scan3A_401, %mul3A_521 : i32
        %add3A_523 = arith.constant 6 : i32
        %add3A_524 = arith.addi %mul3A_522, %add3A_523 : i32
        %broadcast_in_dim3A_525 = arith.constant 6 : i32
        %broadcast_in_dim3A_526 = vector.broadcast %broadcast_in_dim3A_525 : i32 to vector<16x1xi32>
        %gather3A_527 = vector.shape_cast %broadcast_in_dim3A_526 : vector<16x1xi32> to vector<16xi32>
        %gather3A_528 = tpu.dynamic_gather %div3A_415[%gather3A_527] in [0] : vector<16xf32>, vector<16xi32> -> vector<16xf32>
        %get3A_529 = arith.index_cast %add3A_524 : i32 to index
        %get3A_530 = arith.constant 0 : index
        %get3A_531 = tpu.vector_load %arg20[%get3A_529, %get3A_530] {strides = array<i32>} : memref<128x16xf32, #tpu.memory_space<vmem>>, vector<1x16xf32>,
        %get3A_532 = vector.shape_cast %get3A_531 : vector<1x16xf32> to vector<16xf32>
        %mul3A_533 = arith.mulf %get3A_532, %gather3A_528 : vector<16xf32>
        %swap3A_534 = arith.index_cast %add3A_524 : i32 to index
        %swap3A_535 = arith.constant 0 : index
        %swap3A_536 = tpu.vector_load %arg20[%swap3A_534, %swap3A_535] {strides = array<i32>} : memref<128x16xf32, #tpu.memory_space<vmem>>, vector<1x16xf32>,
        %swap3A_537 = vector.shape_cast %swap3A_536 : vector<1x16xf32> to vector<16xf32>
        %swap3A_538 = vector.shape_cast %mul3A_533 : vector<16xf32> to vector<1x16xf32>
        tpu.vector_store %arg20[%swap3A_534, %swap3A_535], %swap3A_538 {strides = array<i32>} : memref<128x16xf32, #tpu.memory_space<vmem>>, vector<1x16xf32>,
        %mul3A_539 = arith.constant 16 : i32
        %mul3A_540 = arith.muli %scan3A_401, %mul3A_539 : i32
        %add3A_541 = arith.constant 7 : i32
        %add3A_542 = arith.addi %mul3A_540, %add3A_541 : i32
        %broadcast_in_dim3A_543 = arith.constant 7 : i32
        %broadcast_in_dim3A_544 = vector.broadcast %broadcast_in_dim3A_543 : i32 to vector<16x1xi32>
        %gather3A_545 = vector.shape_cast %broadcast_in_dim3A_544 : vector<16x1xi32> to vector<16xi32>
        %gather3A_546 = tpu.dynamic_gather %div3A_415[%gather3A_545] in [0] : vector<16xf32>, vector<16xi32> -> vector<16xf32>
        %get3A_547 = arith.index_cast %add3A_542 : i32 to index
        %get3A_548 = arith.constant 0 : index
        %get3A_549 = tpu.vector_load %arg20[%get3A_547, %get3A_548] {strides = array<i32>} : memref<128x16xf32, #tpu.memory_space<vmem>>, vector<1x16xf32>,
        %get3A_550 = vector.shape_cast %get3A_549 : vector<1x16xf32> to vector<16xf32>
        %mul3A_551 = arith.mulf %get3A_550, %gather3A_546 : vector<16xf32>
        %swap3A_552 = arith.index_cast %add3A_542 : i32 to index
        %swap3A_553 = arith.constant 0 : index
        %swap3A_554 = tpu.vector_load %arg20[%swap3A_552, %swap3A_553] {strides = array<i32>} : memref<128x16xf32, #tpu.memory_space<vmem>>, vector<1x16xf32>,
        %swap3A_555 = vector.shape_cast %swap3A_554 : vector<1x16xf32> to vector<16xf32>
        %swap3A_556 = vector.shape_cast %mul3A_551 : vector<16xf32> to vector<1x16xf32>
        tpu.vector_store %arg20[%swap3A_552, %swap3A_553], %swap3A_556 {strides = array<i32>} : memref<128x16xf32, #tpu.memory_space<vmem>>, vector<1x16xf32>,
        %mul3A_557 = arith.constant 16 : i32
        %mul3A_558 = arith.muli %scan3A_401, %mul3A_557 : i32
        %add3A_559 = arith.constant 8 : i32
        %add3A_560 = arith.addi %mul3A_558, %add3A_559 : i32
        %broadcast_in_dim3A_561 = arith.constant 8 : i32
        %broadcast_in_dim3A_562 = vector.broadcast %broadcast_in_dim3A_561 : i32 to vector<16x1xi32>
        %gather3A_563 = vector.shape_cast %broadcast_in_dim3A_562 : vector<16x1xi32> to vector<16xi32>
        %gather3A_564 = tpu.dynamic_gather %div3A_415[%gather3A_563] in [0] : vector<16xf32>, vector<16xi32> -> vector<16xf32>
        %get3A_565 = arith.index_cast %add3A_560 : i32 to index
        %get3A_566 = arith.constant 0 : index
        %get3A_567 = tpu.vector_load %arg20[%get3A_565, %get3A_566] {strides = array<i32>} : memref<128x16xf32, #tpu.memory_space<vmem>>, vector<1x16xf32>,
        %get3A_568 = vector.shape_cast %get3A_567 : vector<1x16xf32> to vector<16xf32>
        %mul3A_569 = arith.mulf %get3A_568, %gather3A_564 : vector<16xf32>
        %swap3A_570 = arith.index_cast %add3A_560 : i32 to index
        %swap3A_571 = arith.constant 0 : index
        %swap3A_572 = tpu.vector_load %arg20[%swap3A_570, %swap3A_571] {strides = array<i32>} : memref<128x16xf32, #tpu.memory_space<vmem>>, vector<1x16xf32>,
        %swap3A_573 = vector.shape_cast %swap3A_572 : vector<1x16xf32> to vector<16xf32>
        %swap3A_574 = vector.shape_cast %mul3A_569 : vector<16xf32> to vector<1x16xf32>
        tpu.vector_store %arg20[%swap3A_570, %swap3A_571], %swap3A_574 {strides = array<i32>} : memref<128x16xf32, #tpu.memory_space<vmem>>, vector<1x16xf32>,
        %mul3A_575 = arith.constant 16 : i32
        %mul3A_576 = arith.muli %scan3A_401, %mul3A_575 : i32
        %add3A_577 = arith.constant 9 : i32
        %add3A_578 = arith.addi %mul3A_576, %add3A_577 : i32
        %broadcast_in_dim3A_579 = arith.constant 9 : i32
        %broadcast_in_dim3A_580 = vector.broadcast %broadcast_in_dim3A_579 : i32 to vector<16x1xi32>
        %gather3A_581 = vector.shape_cast %broadcast_in_dim3A_580 : vector<16x1xi32> to vector<16xi32>
        %gather3A_582 = tpu.dynamic_gather %div3A_415[%gather3A_581] in [0] : vector<16xf32>, vector<16xi32> -> vector<16xf32>
        %get3A_583 = arith.index_cast %add3A_578 : i32 to index
        %get3A_584 = arith.constant 0 : index
        %get3A_585 = tpu.vector_load %arg20[%get3A_583, %get3A_584] {strides = array<i32>} : memref<128x16xf32, #tpu.memory_space<vmem>>, vector<1x16xf32>,
        %get3A_586 = vector.shape_cast %get3A_585 : vector<1x16xf32> to vector<16xf32>
        %mul3A_587 = arith.mulf %get3A_586, %gather3A_582 : vector<16xf32>
        %swap3A_588 = arith.index_cast %add3A_578 : i32 to index
        %swap3A_589 = arith.constant 0 : index
        %swap3A_590 = tpu.vector_load %arg20[%swap3A_588, %swap3A_589] {strides = array<i32>} : memref<128x16xf32, #tpu.memory_space<vmem>>, vector<1x16xf32>,
        %swap3A_591 = vector.shape_cast %swap3A_590 : vector<1x16xf32> to vector<16xf32>
        %swap3A_592 = vector.shape_cast %mul3A_587 : vector<16xf32> to vector<1x16xf32>
        tpu.vector_store %arg20[%swap3A_588, %swap3A_589], %swap3A_592 {strides = array<i32>} : memref<128x16xf32, #tpu.memory_space<vmem>>, vector<1x16xf32>,
        %mul3A_593 = arith.constant 16 : i32
        %mul3A_594 = arith.muli %scan3A_401, %mul3A_593 : i32
        %add3A_595 = arith.constant 10 : i32
        %add3A_596 = arith.addi %mul3A_594, %add3A_595 : i32
        %broadcast_in_dim3A_597 = arith.constant 10 : i32
        %broadcast_in_dim3A_598 = vector.broadcast %broadcast_in_dim3A_597 : i32 to vector<16x1xi32>
        %gather3A_599 = vector.shape_cast %broadcast_in_dim3A_598 : vector<16x1xi32> to vector<16xi32>
        %gather3A_600 = tpu.dynamic_gather %div3A_415[%gather3A_599] in [0] : vector<16xf32>, vector<16xi32> -> vector<16xf32>
        %get3A_601 = arith.index_cast %add3A_596 : i32 to index
        %get3A_602 = arith.constant 0 : index
        %get3A_603 = tpu.vector_load %arg20[%get3A_601, %get3A_602] {strides = array<i32>} : memref<128x16xf32, #tpu.memory_space<vmem>>, vector<1x16xf32>,
        %get3A_604 = vector.shape_cast %get3A_603 : vector<1x16xf32> to vector<16xf32>
        %mul3A_605 = arith.mulf %get3A_604, %gather3A_600 : vector<16xf32>
        %swap3A_606 = arith.index_cast %add3A_596 : i32 to index
        %swap3A_607 = arith.constant 0 : index
        %swap3A_608 = tpu.vector_load %arg20[%swap3A_606, %swap3A_607] {strides = array<i32>} : memref<128x16xf32, #tpu.memory_space<vmem>>, vector<1x16xf32>,
        %swap3A_609 = vector.shape_cast %swap3A_608 : vector<1x16xf32> to vector<16xf32>
        %swap3A_610 = vector.shape_cast %mul3A_605 : vector<16xf32> to vector<1x16xf32>
        tpu.vector_store %arg20[%swap3A_606, %swap3A_607], %swap3A_610 {strides = array<i32>} : memref<128x16xf32, #tpu.memory_space<vmem>>, vector<1x16xf32>,
        %mul3A_611 = arith.constant 16 : i32
        %mul3A_612 = arith.muli %scan3A_401, %mul3A_611 : i32
        %add3A_613 = arith.constant 11 : i32
        %add3A_614 = arith.addi %mul3A_612, %add3A_613 : i32
        %broadcast_in_dim3A_615 = arith.constant 11 : i32
        %broadcast_in_dim3A_616 = vector.broadcast %broadcast_in_dim3A_615 : i32 to vector<16x1xi32>
        %gather3A_617 = vector.shape_cast %broadcast_in_dim3A_616 : vector<16x1xi32> to vector<16xi32>
        %gather3A_618 = tpu.dynamic_gather %div3A_415[%gather3A_617] in [0] : vector<16xf32>, vector<16xi32> -> vector<16xf32>
        %get3A_619 = arith.index_cast %add3A_614 : i32 to index
        %get3A_620 = arith.constant 0 : index
        %get3A_621 = tpu.vector_load %arg20[%get3A_619, %get3A_620] {strides = array<i32>} : memref<128x16xf32, #tpu.memory_space<vmem>>, vector<1x16xf32>,
        %get3A_622 = vector.shape_cast %get3A_621 : vector<1x16xf32> to vector<16xf32>
        %mul3A_623 = arith.mulf %get3A_622, %gather3A_618 : vector<16xf32>
        %swap3A_624 = arith.index_cast %add3A_614 : i32 to index
        %swap3A_625 = arith.constant 0 : index
        %swap3A_626 = tpu.vector_load %arg20[%swap3A_624, %swap3A_625] {strides = array<i32>} : memref<128x16xf32, #tpu.memory_space<vmem>>, vector<1x16xf32>,
        %swap3A_627 = vector.shape_cast %swap3A_626 : vector<1x16xf32> to vector<16xf32>
        %swap3A_628 = vector.shape_cast %mul3A_623 : vector<16xf32> to vector<1x16xf32>
        tpu.vector_store %arg20[%swap3A_624, %swap3A_625], %swap3A_628 {strides = array<i32>} : memref<128x16xf32, #tpu.memory_space<vmem>>, vector<1x16xf32>,
        %mul3A_629 = arith.constant 16 : i32
        %mul3A_630 = arith.muli %scan3A_401, %mul3A_629 : i32
        %add3A_631 = arith.constant 12 : i32
        %add3A_632 = arith.addi %mul3A_630, %add3A_631 : i32
        %broadcast_in_dim3A_633 = arith.constant 12 : i32
        %broadcast_in_dim3A_634 = vector.broadcast %broadcast_in_dim3A_633 : i32 to vector<16x1xi32>
        %gather3A_635 = vector.shape_cast %broadcast_in_dim3A_634 : vector<16x1xi32> to vector<16xi32>
        %gather3A_636 = tpu.dynamic_gather %div3A_415[%gather3A_635] in [0] : vector<16xf32>, vector<16xi32> -> vector<16xf32>
        %get3A_637 = arith.index_cast %add3A_632 : i32 to index
        %get3A_638 = arith.constant 0 : index
        %get3A_639 = tpu.vector_load %arg20[%get3A_637, %get3A_638] {strides = array<i32>} : memref<128x16xf32, #tpu.memory_space<vmem>>, vector<1x16xf32>,
        %get3A_640 = vector.shape_cast %get3A_639 : vector<1x16xf32> to vector<16xf32>
        %mul3A_641 = arith.mulf %get3A_640, %gather3A_636 : vector<16xf32>
        %swap3A_642 = arith.index_cast %add3A_632 : i32 to index
        %swap3A_643 = arith.constant 0 : index
        %swap3A_644 = tpu.vector_load %arg20[%swap3A_642, %swap3A_643] {strides = array<i32>} : memref<128x16xf32, #tpu.memory_space<vmem>>, vector<1x16xf32>,
        %swap3A_645 = vector.shape_cast %swap3A_644 : vector<1x16xf32> to vector<16xf32>
        %swap3A_646 = vector.shape_cast %mul3A_641 : vector<16xf32> to vector<1x16xf32>
        tpu.vector_store %arg20[%swap3A_642, %swap3A_643], %swap3A_646 {strides = array<i32>} : memref<128x16xf32, #tpu.memory_space<vmem>>, vector<1x16xf32>,
        %mul3A_647 = arith.constant 16 : i32
        %mul3A_648 = arith.muli %scan3A_401, %mul3A_647 : i32
        %add3A_649 = arith.constant 13 : i32
        %add3A_650 = arith.addi %mul3A_648, %add3A_649 : i32
        %broadcast_in_dim3A_651 = arith.constant 13 : i32
        %broadcast_in_dim3A_652 = vector.broadcast %broadcast_in_dim3A_651 : i32 to vector<16x1xi32>
        %gather3A_653 = vector.shape_cast %broadcast_in_dim3A_652 : vector<16x1xi32> to vector<16xi32>
        %gather3A_654 = tpu.dynamic_gather %div3A_415[%gather3A_653] in [0] : vector<16xf32>, vector<16xi32> -> vector<16xf32>
        %get3A_655 = arith.index_cast %add3A_650 : i32 to index
        %get3A_656 = arith.constant 0 : index
        %get3A_657 = tpu.vector_load %arg20[%get3A_655, %get3A_656] {strides = array<i32>} : memref<128x16xf32, #tpu.memory_space<vmem>>, vector<1x16xf32>,
        %get3A_658 = vector.shape_cast %get3A_657 : vector<1x16xf32> to vector<16xf32>
        %mul3A_659 = arith.mulf %get3A_658, %gather3A_654 : vector<16xf32>
        %swap3A_660 = arith.index_cast %add3A_650 : i32 to index
        %swap3A_661 = arith.constant 0 : index
        %swap3A_662 = tpu.vector_load %arg20[%swap3A_660, %swap3A_661] {strides = array<i32>} : memref<128x16xf32, #tpu.memory_space<vmem>>, vector<1x16xf32>,
        %swap3A_663 = vector.shape_cast %swap3A_662 : vector<1x16xf32> to vector<16xf32>
        %swap3A_664 = vector.shape_cast %mul3A_659 : vector<16xf32> to vector<1x16xf32>
        tpu.vector_store %arg20[%swap3A_660, %swap3A_661], %swap3A_664 {strides = array<i32>} : memref<128x16xf32, #tpu.memory_space<vmem>>, vector<1x16xf32>,
        %mul3A_665 = arith.constant 16 : i32
        %mul3A_666 = arith.muli %scan3A_401, %mul3A_665 : i32
        %add3A_667 = arith.constant 14 : i32
        %add3A_668 = arith.addi %mul3A_666, %add3A_667 : i32
        %broadcast_in_dim3A_669 = arith.constant 14 : i32
        %broadcast_in_dim3A_670 = vector.broadcast %broadcast_in_dim3A_669 : i32 to vector<16x1xi32>
        %gather3A_671 = vector.shape_cast %broadcast_in_dim3A_670 : vector<16x1xi32> to vector<16xi32>
        %gather3A_672 = tpu.dynamic_gather %div3A_415[%gather3A_671] in [0] : vector<16xf32>, vector<16xi32> -> vector<16xf32>
        %get3A_673 = arith.index_cast %add3A_668 : i32 to index
        %get3A_674 = arith.constant 0 : index
        %get3A_675 = tpu.vector_load %arg20[%get3A_673, %get3A_674] {strides = array<i32>} : memref<128x16xf32, #tpu.memory_space<vmem>>, vector<1x16xf32>,
        %get3A_676 = vector.shape_cast %get3A_675 : vector<1x16xf32> to vector<16xf32>
        %mul3A_677 = arith.mulf %get3A_676, %gather3A_672 : vector<16xf32>
        %swap3A_678 = arith.index_cast %add3A_668 : i32 to index
        %swap3A_679 = arith.constant 0 : index
        %swap3A_680 = tpu.vector_load %arg20[%swap3A_678, %swap3A_679] {strides = array<i32>} : memref<128x16xf32, #tpu.memory_space<vmem>>, vector<1x16xf32>,
        %swap3A_681 = vector.shape_cast %swap3A_680 : vector<1x16xf32> to vector<16xf32>
        %swap3A_682 = vector.shape_cast %mul3A_677 : vector<16xf32> to vector<1x16xf32>
        tpu.vector_store %arg20[%swap3A_678, %swap3A_679], %swap3A_682 {strides = array<i32>} : memref<128x16xf32, #tpu.memory_space<vmem>>, vector<1x16xf32>,
        %mul3A_683 = arith.constant 16 : i32
        %mul3A_684 = arith.muli %scan3A_401, %mul3A_683 : i32
        %add3A_685 = arith.constant 15 : i32
        %add3A_686 = arith.addi %mul3A_684, %add3A_685 : i32
        %broadcast_in_dim3A_687 = arith.constant 15 : i32
        %broadcast_in_dim3A_688 = vector.broadcast %broadcast_in_dim3A_687 : i32 to vector<16x1xi32>
        %gather3A_689 = vector.shape_cast %broadcast_in_dim3A_688 : vector<16x1xi32> to vector<16xi32>
        %gather3A_690 = tpu.dynamic_gather %div3A_415[%gather3A_689] in [0] : vector<16xf32>, vector<16xi32> -> vector<16xf32>
        %get3A_691 = arith.index_cast %add3A_686 : i32 to index
        %get3A_692 = arith.constant 0 : index
        %get3A_693 = tpu.vector_load %arg20[%get3A_691, %get3A_692] {strides = array<i32>} : memref<128x16xf32, #tpu.memory_space<vmem>>, vector<1x16xf32>,
        %get3A_694 = vector.shape_cast %get3A_693 : vector<1x16xf32> to vector<16xf32>
        %mul3A_695 = arith.mulf %get3A_694, %gather3A_690 : vector<16xf32>
        %swap3A_696 = arith.index_cast %add3A_686 : i32 to index
        %swap3A_697 = arith.constant 0 : index
        %swap3A_698 = tpu.vector_load %arg20[%swap3A_696, %swap3A_697] {strides = array<i32>} : memref<128x16xf32, #tpu.memory_space<vmem>>, vector<1x16xf32>,
        %swap3A_699 = vector.shape_cast %swap3A_698 : vector<1x16xf32> to vector<16xf32>
        %swap3A_700 = vector.shape_cast %mul3A_695 : vector<16xf32> to vector<1x16xf32>
        tpu.vector_store %arg20[%swap3A_696, %swap3A_697], %swap3A_700 {strides = array<i32>} : memref<128x16xf32, #tpu.memory_space<vmem>>, vector<1x16xf32>,
      }
      %scan3A_391 = arith.constant 8 : i32
      %add3A_392 = arith.addi %mul3A_0, %add3A_373 : i32
      %dma_start3A_393 = arith.constant 0 : i32
      %dma_start3A_394 = tpu.memref_slice %arg8[%add3A_392, %dma_start3A_393] : memref<200704x16xf32, #tpu.memory_space<hbm>> -> memref<128x16xf32, #tpu.memory_space<hbm>>
      %dma_start3A_395 = arith.constant 0 : i32
      %dma_start3A_396 = tpu.memref_slice %arg8[%add3A_392, %dma_start3A_395] : memref<200704x16xf32, #tpu.memory_space<hbm>> -> memref<128x16xf32, #tpu.memory_space<hbm>>
      tpu.enqueue_dma source(%arg20 : memref<128x16xf32, #tpu.memory_space<vmem>>) target(%dma_start3A_396 : memref<128x16xf32, #tpu.memory_space<hbm>>) target_semaphore(%arg22 : memref<!tpu.dma_semaphore, #tpu.memory_space<semaphore_mem>>)
      %dma_wait3A_397 = arith.constant 0 : i32
      %dma_wait3A_398 = tpu.memref_slice %arg8[%add3A_392, %dma_wait3A_397] : memref<200704x16xf32, #tpu.memory_space<hbm>> -> memref<128x16xf32, #tpu.memory_space<hbm>>
      %dma_wait3A_399 = arith.constant 0 : i32
      %dma_wait3A_400 = tpu.memref_slice %arg8[%add3A_392, %dma_wait3A_399] : memref<200704x16xf32, #tpu.memory_space<hbm>> -> memref<128x16xf32, #tpu.memory_space<hbm>>
      tpu.wait_dma2 semaphore(%arg22 : memref<!tpu.dma_semaphore, #tpu.memory_space<semaphore_mem>>) src(%arg20 : memref<128x16xf32, #tpu.memory_space<vmem>>) dst(%dma_wait3A_400 : memref<128x16xf32, #tpu.memory_space<hbm>>)
    }
    %scan3A_369 = arith.constant 49 : i32
    return
  }
}

</mosaic_0001>

<sc_bundles>
// kernel: _sc_edge.3.cloned.1.call-start
scs
__scs_entry_jumppad:
0x0: {  	(pc) =	sbr.rel $0x88, $3  }
0x1: {  	(tag) =	ssettag $0x0;
	lr =	simm.s32 $0x1  }
0x2: {  	[smem:$0x3F9B] =	sst lr;
	_ =	strace $0xD0000000  }
0x3: {  	_ = 	snop  }
0x4: {  	_ = 	snop  }
0x5: {  	_ = 	snop  }
0x6: {  	_ = 	snop  }
0x7: {  	_ = 	snop  }
__scs_overlays_trampoline_lowered:
0x8: {  	[smem:$0x3FAA] =	sst s0  }
0x9: {  	[smem:$0x3FAB] =	sst s1  }
0xa: {  	[smem:$0x3FAC] =	sst s2  }
0xb: {  	[smem:$0x3FAD] =	sst s3  }
0xc: {  	[smem:$0x3FAE] =	sst s4  }
0xd: {  	[smem:$0x3FAF] =	sst s5  }
0xe: {  	[smem:$0x3FB0] =	sst s6  }
0xf: {  	[smem:$0x3FB1] =	sst s7  }
0x10: {  	[smem:$0x3FB2] =	sst s8  }
0x11: {  	[smem:$0x3FB3] =	sst s9;
	s0 =	simm.s32 @!p0 $0x0  }
0x12: {  	s1 =	sld [smem:$0x3F99];
	s0 =	simm.s32 @p0 $0x1  }
0x13: {  	[smem:$0x3FB4] =	sst s0;
	s0 =	simm.s32 @!p1 $0x0  }
0x14: {  	s2 =	sld [smem:$0x3F98];
	s0 =	simm.s32 @p1 $0x1  }
0x15: {  	[smem:$0x3FB5] =	sst s0;
	s0 =	simm.s32 @!p2 $0x0  }
0x16: {  	s3 =	sld [smem:$0x3FDB];
	s0 =	simm.s32 @p2 $0x1  }
0x17: {  	s4 =	simm.s32 $0x1BF5;
	[smem:$0x3FB7] =	sst s0  }
0x18: {  	s0 =	sld [smem:$0x3F9A];
	_ =	swait.ge [sflag:s4], $0x0  }
0x19: {  	s7 =	sld [smem:$0x3F9B]  }
0x1a: {  	s8 =	sadd.s32 $0xFFFFE003, lr  }
0x1b: {  	s9 =	sadd.s32 $0xFFFFFEF7, lr;
	s5 =	simm.s32 $0xFFFFFFFF;
	p2 =	slt.u32 s8, $0xFFFFF086  }
0x1c: {  	p1 =	slt.u32 s9, $0xF7A;
	s5 =	simm.s32 @!p2 $0x0  }
0x1d: {  	s5 =	simm.s32 @p1 $0x1;
	p0 =	seq.s32 s7, s2  }
0x1e: {  	s7 =	smul.u32 @!p0 $0xF7A, s2;
	p2 =	seq.s32 @!p0 s5, $0x0  }
0x1f: {  	s9 =	smul.u32 $0xF7A, s1;
	s8 =	simm.s32 @!p0 $0x1BF5;
	p2 =	por !p2, p0  }
0x20: {  	[sflag:s8] =	ssyncset.s32 @!p0 $0xFFFFF086;
	s6 =	sadd.s32 @!p0 s3, s7;
	s7 =	simm.s32 @!p0 $0x108  }
0x21: {  	s3 =	sadd.s32 s3, s9;
	s6 =	sadd.s32 @!p0 $0x88, s6;
	s7 =	simm.s32 @p2 $0x1082  }
0x22: {  	[simem:s7], [sflag:s8] =	dma.local @!p0 [hbm:s6], $0xF7A  }
0x23: {  	s9 =	sor.u32 $0xD0000000, s2;
	s6 =	simm.s32 $0x108;
	_ =	swait.ge @!p0 [sflag:s8], $0x0  }
0x24: {  	s3 =	sadd.s32 $0x88, s3;
	s6 =	simm.s32 @!p1 $0x1082;
	[sflag:s4] =	ssyncset.s32 $0xFFFFF086  }
0x25: {  	[simem:s6], [sflag:s4] =	dma.local [hbm:s3], $0xF7A  }
0x26: {  	[smem:$0x3F9B] =	sst s1;
	(tag) =	ssettag s2;
	_ =	strace s9  }
0x27: {  	s1 =	sld [smem:$0x3FAB]  }
0x28: {  	s2 =	sld [smem:$0x3FAC]  }
0x29: {  	s4 =	sld [smem:$0x3FAE]  }
0x2a: {  	p0 =	seq.s32 s5, $0x0;
	s5 =	sld [smem:$0x3FAF]  }
0x2b: {  	s6 =	sld [smem:$0x3FB0]  }
0x2c: {  	s7 =	sld [smem:$0x3FB1]  }
0x2d: {  	s3 =	simm.s32 $0x108;
	s8 =	sld [smem:$0x3FB2]  }
0x2e: {  	s3 =	simm.s32 @!p0 $0x1082;
	s9 =	sld [smem:$0x3FB3]  }
0x2f: {  	lr =	sadd.s32 s0, s3;
	s0 =	sld [smem:$0x3FAA]  }
0x30: {  	s3 =	sld [smem:$0x3FAD]  }
0x31: {  	[smem:$0x3FB6] =	sst s10  }
0x32: {  	s10 =	sld [smem:$0x3FB4];
	_ =	sdelay $0x3  }
0x33: {  	p0 =	seq.s32 s10, $0x1;
	s10 =	sld [smem:$0x3FB6];
	_ =	sdelay $0x3  }
0x34: {  	[smem:$0x3FB6] =	sst s10  }
0x35: {  	s10 =	sld [smem:$0x3FB5];
	_ =	sdelay $0x3  }
0x36: {  	p1 =	seq.s32 s10, $0x1;
	s10 =	sld [smem:$0x3FB6];
	_ =	sdelay $0x3  }
0x37: {  	[smem:$0x3FB6] =	sst s10  }
0x38: {  	s10 =	sld [smem:$0x3FB7]  }
0x39: {  	_ = 	snop;
	(pc) =	sbr.ind lr, $3  }
0x3a: {  	_ = 	snop  }
0x3b: {  	_ = 	snop  }
0x3c: {  	p2 =	seq.s32 s10, $0x1;
	s10 =	sld [smem:$0x3FB6]  }
0x3d: {  	_ =	shalt  }
0x3e: {  	_ =	shalt  }
0x3f: {  	_ =	shalt  }
0x40: {  	_ =	shalt  }
0x41: {  	_ =	shalt  }
0x42: {  	_ =	shalt  }
0x43: {  	_ =	shalt  }
0x44: {  	_ =	shalt  }
0x45: {  	_ =	shalt  }
0x46: {  	_ =	shalt  }
0x47: {  	_ =	shalt  }
0x48: {  	_ =	shalt  }
0x49: {  	_ =	shalt  }
0x4a: {  	_ =	shalt  }
0x4b: {  	_ =	shalt  }
0x4c: {  	_ =	shalt  }
0x4d: {  	_ =	shalt  }
0x4e: {  	_ =	shalt  }
0x4f: {  	_ =	shalt  }
0x50: {  	_ =	shalt  }
0x51: {  	_ =	shalt  }
0x52: {  	_ =	shalt  }
0x53: {  	_ =	shalt  }
0x54: {  	_ =	shalt  }
0x55: {  	_ =	shalt  }
0x56: {  	_ =	shalt  }
0x57: {  	_ =	shalt  }
0x58: {  	_ =	shalt  }
0x59: {  	_ =	shalt  }
0x5a: {  	_ =	shalt  }
0x5b: {  	_ =	shalt  }
0x5c: {  	_ =	shalt  }
0x5d: {  	_ =	shalt  }
0x5e: {  	_ =	shalt  }
0x5f: {  	_ =	shalt  }
0x60: {  	_ =	shalt  }
0x61: {  	_ =	shalt  }
0x62: {  	_ =	shalt  }
0x63: {  	_ =	shalt  }
0x64: {  	_ =	shalt  }
0x65: {  	_ =	shalt  }
0x66: {  	_ =	shalt  }
0x67: {  	_ =	shalt  }
0x68: {  	_ =	shalt  }
0x69: {  	_ =	shalt  }
0x6a: {  	_ =	shalt  }
0x6b: {  	_ =	shalt  }
0x6c: {  	_ =	shalt  }
0x6d: {  	_ =	shalt  }
0x6e: {  	_ =	shalt  }
0x6f: {  	_ =	shalt  }
0x70: {  	_ =	shalt  }
0x71: {  	_ =	shalt  }
0x72: {  	_ =	shalt  }
0x73: {  	_ =	shalt  }
0x74: {  	_ =	shalt  }
0x75: {  	_ =	shalt  }
0x76: {  	_ =	shalt  }
0x77: {  	_ =	shalt  }
0x78: {  	_ =	shalt  }
0x79: {  	_ =	shalt  }
0x7a: {  	_ =	shalt  }
0x7b: {  	_ =	shalt  }
0x7c: {  	_ =	shalt  }
0x7d: {  	_ =	shalt  }
0x7e: {  	_ =	shalt  }
0x7f: {  	_ =	shalt  }
0x80: {  	_ =	shalt  }
0x81: {  	_ =	shalt  }
0x82: {  	_ =	shalt  }
0x83: {  	_ =	shalt  }
0x84: {  	_ =	shalt  }
0x85: {  	_ =	shalt  }
0x86: {  	_ =	shalt  }
0x87: {  	_ =	shalt  }
.Lfunc_end0:
.L_simem_size_0:
called_computation_lowered:
.L_overlay_start_0:
0x88: {  	s2 =	sld [smem:$0x3FD9]  }
0x89: {  	s3 =	sld [smem:$0x3FFE];
	_ =	sdelay $0x1  }
0x8a: {  	s1 =	srdreg.scid  }
0x8b: {  	s0 =	sand.u32 $0x1, s1  }
0x8c: {  	s17 =	sshll.u32 s0, $0xA;
	s2 =	sadd.s32 s3, s2  }
0x8d: {  	s2 =	sadd.s32 s2, s17  }
0x8e: {  	[smem:$0x3FC2] =	sst s2  }
0x8f: {  	_ = 	snop  }
0x90: {  	s2 =	sld [smem:$0x3FC9]  }
0x91: {  	s18 =	sld [smem:$0x3FC8]  }
0x92: {  	s4 =	sld [smem:$0x3FC4]  }
0x93: {  	s5 =	sld [smem:$0x3FD0];
	(tm) =	ssettm $0x1  }
0x94: {  	s6 =	sld [smem:$0x3FFB];
	_ =	sdelay $0x3  }
0x95: {  	_ =	strace s6  }
0x96: {  	s6 =	sld [smem:$0x3FFC];
	_ =	sdelay $0x3  }
0x97: {  	_ =	strace s6  }
0x98: {  	s6 =	sld [smem:$0x3FFD];
	_ =	sdelay $0x3  }
0x99: {  	_ =	strace s6  }
0x9a: {  	_ =	strace $0x8FFFFFFF  }
0x9b: {  	s19 =	sld [smem:$0x3FDB];
	_ =	sdelay $0x1  }
0x9c: {  	s7 =	simm.s32 $_scs_section_size  }
0x9d: {  	s8 =	simm.s32 $_size__tile_overlayer_lowered;
	s9 =	simm.s32 $_tile_overlayer_lowered  }
0x9e: {  	s22 =	simm.s32 $0x1BFF;
	s21 =	sshll.u32 s9, $0x1;
	s6 =	sadd.s32 s7, s19  }
0x9f: {  	s10 =	simm.s32 $0x0;
	s20 =	sshll.u32 s8, $0x1;
	s8 =	sadd.s32 s21, s6  }
0xa0: {  	[timem:s10], [sflag:s22] =	dma.local [hbm:s8], s20  }
0xa1: {  	_ =	swait.ge [sflag:s22], s20  }
0xa2: {  	s7 =	ssub.s32 $0x0, s20;
	[sflag:s22] =	ssyncset.done $0x0  }
0xa3: {  	[sflag:s22] =	ssyncadd.s32 s7;
	_ =	sdelay $0x1  }
0xa4: {  	s23 =	simm.s32 $0x1B8B  }
0xa5: {  	_ =	swait.ge [sflag:s23], $0x1  }
0xa6: {  	[sflag:s23] =	ssyncset.done $0x0  }
0xa7: {  	s25 =	simm.s32 $0x1B8E;
	s24 =	sld [smem:$0x3FFE];
	[sflag:s23] =	ssyncadd.s32 $0xFFFFFFFF  }
0xa8: {  	s26 =	simm.s32 $execute0_lowered;
	[smem:$0x3FD2] =	sst s25  }
0xa9: {  	s8 =	sshll.u32 s26, $0x1;
	_ =	strace $0x80000046;
	[dreg:$0x1] =	wrdreg $0xFFFFFFFF  }
0xaa: {  	s28 =	simm.s32 $_size_execute0_lowered;
	s6 =	sadd.s32 s6, s8;
	[dreg:$0x0] =	wrdreg $0x0  }
0xab: {  	s8 =	sshll.u32 s28, $0x1;
	[dreg:$0x2] =	wrdreg s6  }
0xac: {  	[dreg:$0x3] =	wrdreg s8  }
0xad: {  	[dreg:$0x4] =	wrdreg $0xC0  }
0xae: {  	_ =	task [dreg:s10], $0x5FFFF  }
0xaf: {  	[dreg:$0x1] =	wrdreg $0xFFFFFFFF  }
0xb0: {  	[dreg:$0x0] =	wrdreg $0x60  }
0xb1: {  	[dreg:$0x2] =	wrdreg s2  }
0xb2: {  	[dreg:$0x3] =	wrdreg s18  }
0xb3: {  	[dreg:$0x4] =	wrdreg s5  }
0xb4: {  	[dreg:$0x5] =	wrdreg s24  }
0xb5: {  	[dreg:$0x6] =	wrdreg s4  }
0xb6: {  	[dreg:$0x7] =	wrdreg $0x188000  }
0xb7: {  	[dreg:$0x8] =	wrdreg $0x0  }
0xb8: {  	[dreg:$0x9] =	wrdreg $0x9  }
0xb9: {  	_ =	task.clear_ibuf [dreg:s10], $0xAFFFF;
	_ =	strace $0x90000046  }
0xba: {  	s29 =	simm.s32 $0x9;
	_ =	strace $0x80000048  }
0xbb: {  	_ =	swait.ge [sflag:s29], $0x1  }
0xbc: {  	[sflag:s29] =	ssyncadd.s32 $0xFFFFFFFF  }
0xbd: {  	_ =	strace $0x90000048  }
0xbe: {  	_ =	sfence  }
0xbf: {  	s30 =	sld [smem:$0x0];
	_ =	sdelay $0x2  }
0xc0: {  	s31 =	sshll.u32 s1, $0xD;
	s1 =	sshrl.u32 s1, $0x2  }
0xc1: {  	s3 =	sand.u32 $0x4000, s31;
	s1 =	sadd.s32 s1, s30  }
0xc2: {  	s0 =	sor.u32 s3, s0;
	s1 =	sshll.u32 s1, $0x11  }
0xc3: {  	s0 =	sor.u32 s1, s0  }
0xc4: {  	s0 =	sadd.s32 $0x8F2B, s0  }
0xc5: {  	[sflag:s0] =	ssyncadd.remote.s32 $0x1  }
0xc6: {  	_ =	sfence.sel $0xFFFF  }
0xc7: {  	[dreg:$0x0] =	wrdreg $0xFFFFFFFF;
	(pc) =	sbr.abs _section_cstart, $3  }
0xc8: {  	[dreg:$0x1] =	wrdreg $0xFFFFFFFF  }
0xc9: {  	_ =	task.clear_ibuf [dreg:s10], $0x2FFFF;
	_ =	strace $0x9FFFFFFF  }
0xca: {  	(tm) =	ssettm $0x7FFFFFFF  }
0xcb: {  	_ =	shalt  }
tec
execute0_lowered:
.L_overlay_start_1:
0x0: {  	(tag) =	ssettag $0x1  }
0x1: {  	s0 =	rddreg [dreg:$0x0]  }
0x2: {  	s2 =	rddreg [dreg:$0x1]  }
0x3: {  	s3 =	rddreg [dreg:$0x2]  }
0x4: {  	s1 =	rddreg [dreg:$0x3]  }
0x5: {  	s5 =	rddreg [dreg:$0x5]  }
0x6: {  	s6 =	rddreg [dreg:$0x6]  }
0x7: {  	s4 =	simm.s32 $0x0;
	s19 =	srdreg.scid;
	s12 =	stileid.u32  }
0x8: {  	s28 =	simm.s32 $0x1F580;
	s29 =	simm.s32 $0x1A080;
	s30 =	simm.s32 $0x1A480  }
0x9: {  	s31 =	simm.s32 $0x200;
	s14 =	simm.s32 $0x2;
	s15 =	simm.s32 $0x1A280  }
0xa: {  	s16 =	simm.s32 $0x1A680;
	s17 =	simm.s32 $0x1AE80;
	[smem:$0x7FF] =	sst s4  }
0xb: {  	s9 =	sadd.s32 $0x32400, s1;
	s4 =	sand.u32 $0x1, s19;
	s8 =	smul.u32 $0x3100, s12  }
0xc: {  	s11 =	sadd.s32 $0x1400, s1;
	s1 =	sadd.s32 $0x63400, s1;
	s13 =	smul.u32 $0x1880, s12  }
0xd: {  	s22 =	smul.u32 $0xC4, s12;
	_ =	strace $0x80000047;
	s7 =	ssub.s32 $0x2, s4  }
0xe: {  	s10 =	smul.u32 $0x18800, s4;
	[dreg:$0x8] =	wrdreg s1;
	s23 =	sadd.s32 s9, s8  }
0xf: {  	s24 =	sor.u32 $0x40, s8;
	s8 =	sadd.s32 s11, s8;
	[dreg:$0x9] =	wrdreg s23  }
0x10: {  	s20 =	sshrl.u32 s7, $0x1;
	s26 =	sor.u32 $0x2, s22;
	[dreg:$0xa] =	wrdreg s8  }
0x11: {  	v1 =	vimm.s32 $0x0;
	v2 =	vimm.s32 $0x1;
	s4 =	sor.u32 $0x3, s22;
	s21 =	ssub.s32 s7, s20;
	[dreg:$0xd] =	wrdreg s26  }
0x12: {  	v3 =	vimm.s32 $0x2;
	v4 =	vimm.s32 $0x3;
	v5 =	vimm.s32 $0x4;
	s25 =	sadd.s32 s9, s24;
	s7 =	sadd.s32 s11, s24;
	[dreg:$0xe] =	wrdreg s4  }
0x13: {  	v6 =	vimm.s32 $0x5;
	v7 =	vimm.s32 $0x6;
	v8 =	vimm.s32 $0x7;
	s26 =	simm.s32 $0x1;
	s23 =	simm.s32 $0x1D480;
	[dreg:$0xb] =	wrdreg s25  }
0x14: {  	v9 =	vimm.s32 $0x8;
	v10 =	vimm.s32 $0x9;
	v11 =	vimm.s32 $0xA;
	s24 =	simm.s32 $0x3;
	s8 =	simm.s32 $0x0;
	[dreg:$0xc] =	wrdreg s7  }
0x15: {  	v12 =	vimm.s32 $0xB;
	v13 =	vimm.s32 $0xC;
	v14 =	vimm.s32 $0xD;
	s1 =	smax.u32 s21, $0x1;
	s25 =	simm.s32 $0x1F600;
	s21 =	simm.s32 $0x1B480  }
0x16: {  	v15 =	vimm.s32 $0xE;
	v16 =	vimm.s32 $0xF;
	v0 =	vmov s10;
	s7 =	simm.s32 $0x4;
	[dreg:$0xf] =	wrdreg s1;
	s1 =	simm.s32 $0x1AC80  }
.LBB2_1:
0x17: {  	[dreg:$0x10] =	wrdreg s8  }
0x18: {  	s4 =	rddreg [dreg:$0x4]  }
0x19: {  	s20 =	simm.s32 $0x0;
	s12 =	simm.s32 $0x1FE00;
	s22 =	simm.s32 $0x5  }
0x1a: {  	[tilespmem:s12], [sflag:$0x5] =	stream.linear.gather [hbm4b:s4+s20], $0x10, $0x38;
	[tilespmem:$0x1FE10] =	vst v63  }
0x1b: {  	_ =	swait.ge [sflag:s22], $0x10  }
0x1c: {  	[sflag:s22] =	ssyncset.done $0x0  }
0x1d: {  	[sflag:s22] =	ssyncadd.s32 $0xFFFFFFF0  }
0x1e: {  	s4 =	simm.s32 $0x0;
	v17 =	vld [tilespmem:$0x1FE00]  }
.LBB2_2:
0x1f: {  	s8 =	sshll.u32 s4, $0x7  }
0x20: {  	s8 =	sadd.s32 s13, s8  }
0x21: {  	s12 =	sshrl.u32 s8, $0x3  }
0x22: {  	s19 =	simm.s32 $0x0;
	s20 =	simm.s32 $0x1F480;
	s18 =	sadd.s32 s0, s12  }
0x23: {  	[tilespmem:s20], [sflag:$0x1] =	stream.linear.gather [hbm4b:s18+s19], $0x80, $0x38;
	[tilespmem:$0x1FE10] =	vst v63  }
0x24: {  	s22 =	simm.s32 $0x1F500;
	s12 =	sadd.s32 s2, s12;
	s20 =	sadd.s32 s10, s8  }
0x25: {  	[tilespmem:s22], [sflag:$0x1] =	stream.linear.gather [hbm4b:s12+s19], $0x80, $0x38;
	[tilespmem:$0x1FE10] =	vst v63  }
0x26: {  	s12 =	sshll.u32 s20, $0x1  }
0x27: {  	s12 =	sadd.s32 s3, s12  }
0x28: {  	[tilespmem:s25], [sflag:$0x1] =	stream.linear.gather [hbm4b:s12+s19], $0x800, $0x38;
	[tilespmem:$0x1FE10] =	vst v63  }
0x29: {  	_ =	swait.ge [sflag:s26], $0x80  }
0x2a: {  	[sflag:s26] =	ssyncset.done $0x0  }
0x2b: {  	[sflag:s26] =	ssyncadd.s32 $0xFFFFFF80  }
0x2c: {  	_ =	swait.ge [sflag:s26], $0x80  }
0x2d: {  	[sflag:s26] =	ssyncset.done $0x0  }
0x2e: {  	[sflag:s26] =	ssyncadd.s32 $0xFFFFFF80  }
0x2f: {  	_ =	swait.ge [sflag:s26], $0x800  }
0x30: {  	[sflag:s26] =	ssyncset.done $0x0  }
0x31: {  	s22 =	simm.s32 $0x0;
	[sflag:s26] =	ssyncadd.s32 $0xFFFFF800  }
0x32: {  	v18 =	vld [tilespmem:s22+$0x1F480]  }
0x33: {  	v19 =	vld [tilespmem:s22+$0x1F500];
	_ =	sdelay $0x4  }
0x34: {  	v18 =	vadd.f32 v19, v18;
	_ =	sdelay $0x1  }
0x35: {  	v19 =	vmul.f32 $2.000000030e-01, v18;
	_ =	sdelay $0x1  }
0x36: {  	v18 =	vmax.f32 v18, v19  }
0x37: {  	v18 =	vsub.f32 v18, v17;
	_ =	sdelay $0x1  }
0x38: {  	v18 =	vmul.f32 $1.442695020e+00, v18;
	_ =	sdelay $0x1  }
0x39: {  	(erf) = vpow2.f32 v18;
	_ =	sdelay $0x8  }
0x3a: {  	v18 =	vpop (erf)  }
0x3b: {  	s20 =	simm.s32 $0x1F680;
	[tilespmem:s22+$0x1F580] =	vst v18  }
0x3c: {  	v26 =	vld [tilespmem:s20+$0xFFFFFF80]  }
0x3d: {  	v20 =	vperm.xlane v18, v6;
	v25 =	vld [tilespmem:s20+$0xFFFFFF90]  }
0x3e: {  	v19 =	vperm.xlane v18, v10;
	v24 =	vperm.xlane v18, v2;
	v23 =	vld [tilespmem:s20+$0xFFFFFFA0]  }
0x3f: {  	s12 =	simm.s32 $0x1F680;
	s22 =	simm.s32 $0x40;
	v21 =	vperm.xlane v18, v7;
	v27 =	vperm.xlane v18, v1;
	v22 =	vld [tilespmem:s20+$0xFFFFFFB0]  }
.LBB2_3:
0x40: {  	p0 =	sne.s32 s22, $0x1C0  }
0x41: {  	v28 =	vld [tilespmem:s20+$0xFFFFFFC0];
	s12 =	sadd.s32 $0x100, s12;
	s18 =	smov.u32 s22;
	s22 =	sadd.s32 $0x40, s22  }
0x42: {  	v26 =	vmul.f32 v26, v27;
	v27 =	vperm.xlane v18, v3;
	v29 =	vld [tilespmem:s20+$0xFFFFFFD0]  }
0x43: {  	v24 =	vmul.f32 v25, v24;
	v25 =	vperm.xlane v18, v4;
	v30 =	vld [tilespmem:s20+$0xFFFFFFE0]  }
0x44: {  	[tilespmem:s20+$0xFFFFFF80] =	vst v26;
	v23 =	vmul.f32 v23, v27;
	v26 =	vperm.xlane v18, v5;
	v27 =	vld [tilespmem:s20+$0xFFFFFFF0]  }
0x45: {  	[tilespmem:s20+$0xFFFFFF90] =	vst v24;
	v22 =	vmul.f32 v22, v25;
	v24 =	vld [tilespmem:s20+$0x0]  }
0x46: {  	[tilespmem:s20+$0xFFFFFFA0] =	vst v23;
	v23 =	vmul.f32 v28, v26;
	v25 =	vld [tilespmem:s20+$0x10]  }
0x47: {  	[tilespmem:s20+$0xFFFFFFB0] =	vst v22;
	v20 =	vmul.f32 v29, v20;
	v22 =	vperm.xlane v18, v8;
	v26 =	vld [tilespmem:s20+$0x20]  }
0x48: {  	[tilespmem:s20+$0xFFFFFFC0] =	vst v23;
	v21 =	vmul.f32 v30, v21;
	v23 =	vperm.xlane v18, v9;
	v28 =	vld [tilespmem:s20+$0x30]  }
0x49: {  	[tilespmem:s20+$0xFFFFFFD0] =	vst v20;
	v20 =	vmul.f32 v27, v22;
	v22 =	vld [tilespmem:s20+$0x40]  }
0x4a: {  	[tilespmem:s20+$0xFFFFFFE0] =	vst v21;
	v21 =	vmul.f32 v24, v23;
	v23 =	vperm.xlane v18, v11;
	v24 =	vld [tilespmem:s20+$0x50]  }
0x4b: {  	[tilespmem:s20+$0xFFFFFFF0] =	vst v20;
	v19 =	vmul.f32 v25, v19;
	v20 =	vperm.xlane v18, v12;
	v25 =	vld [tilespmem:s20+$0x60]  }
0x4c: {  	[tilespmem:s20+$0x0] =	vst v21;
	v21 =	vmul.f32 v26, v23;
	v23 =	vperm.xlane v18, v13;
	v26 =	vld [tilespmem:s20+$0x70]  }
0x4d: {  	[tilespmem:s20+$0x10] =	vst v19;
	v19 =	vmul.f32 v28, v20;
	v20 =	vperm.xlane v18, v14  }
0x4e: {  	[tilespmem:s20+$0x20] =	vst v21;
	v21 =	vmul.f32 v22, v23;
	v22 =	vperm.xlane v18, v15  }
0x4f: {  	v18 =	vperm.xlane v18, v16;
	[tilespmem:s20+$0x30] =	vst v19;
	v19 =	vmul.f32 v24, v20  }
0x50: {  	[tilespmem:s20+$0x40] =	vst v21;
	v20 =	vmul.f32 v25, v22  }
0x51: {  	s18 =	sshra.s32 s18, $0x2;
	[tilespmem:s20+$0x50] =	vst v19;
	v18 =	vmul.f32 v26, v18  }
0x52: {  	[tilespmem:s20+$0x60] =	vst v20  }
0x53: {  	[tilespmem:s20+$0x70] =	vst v18;
	s20 =	smov.u32 s12  }
0x54: {  	v18 =	vld [tilespmem:s18+$0x1F480]  }
0x55: {  	v19 =	vld [tilespmem:s18+$0x1F500];
	_ =	sdelay $0x4  }
0x56: {  	v18 =	vadd.f32 v19, v18;
	_ =	sdelay $0x1  }
0x57: {  	v19 =	vmul.f32 $2.000000030e-01, v18;
	_ =	sdelay $0x1  }
0x58: {  	v18 =	vmax.f32 v18, v19  }
0x59: {  	v18 =	vsub.f32 v18, v17;
	_ =	sdelay $0x1  }
0x5a: {  	v18 =	vmul.f32 $1.442695020e+00, v18;
	_ =	sdelay $0x1  }
0x5b: {  	(erf) = vpow2.f32 v18;
	_ =	sdelay $0x8  }
0x5c: {  	v18 =	vpop (erf)  }
.Ltmp0:
0x5d: {  	[tilespmem:s18+$0x1F580] =	vst v18;
	v20 =	vperm.xlane v18, v6;
	v19 =	vperm.xlane v18, v10;
	(pc) =	sbr.rel @p0 .LBB2_3-.Ltmp0, $4  }
0x5e: {  	v24 =	vperm.xlane v18, v2;
	v21 =	vperm.xlane v18, v7;
	v26 =	vld [tilespmem:s12+$0xFFFFFF80]  }
0x5f: {  	v25 =	vld [tilespmem:s12+$0xFFFFFF90]  }
0x60: {  	v23 =	vld [tilespmem:s12+$0xFFFFFFA0]  }
0x61: {  	v27 =	vperm.xlane v18, v1;
	v22 =	vld [tilespmem:s12+$0xFFFFFFB0]  }
0x62: {  	v28 =	vld [tilespmem:s20+$0xFFFFFFC0]  }
0x63: {  	v39 =	vperm.xlane v18, v3;
	v29 =	vld [tilespmem:s20+$0xFFFFFFD0];
	v26 =	vmul.f32 v26, v27  }
0x64: {  	v40 =	vperm.xlane v18, v4;
	v30 =	vld [tilespmem:s20+$0xFFFFFFE0];
	v24 =	vmul.f32 v25, v24  }
0x65: {  	v41 =	vperm.xlane v18, v5;
	v42 =	vld [tilespmem:s20+$0xFFFFFFF0];
	[tilespmem:s20+$0xFFFFFF80] =	vst v26;
	v23 =	vmul.f32 v23, v39  }
0x66: {  	v43 =	vld [tilespmem:s20+$0x0];
	[tilespmem:s20+$0xFFFFFF90] =	vst v24;
	v22 =	vmul.f32 v22, v40  }
0x67: {  	v45 =	vld [tilespmem:s20+$0x10];
	[tilespmem:s20+$0xFFFFFFA0] =	vst v23;
	v44 =	vmul.f32 v28, v41  }
0x68: {  	v46 =	vperm.xlane v18, v8;
	v47 =	vld [tilespmem:s20+$0x20];
	v20 =	vmul.f32 v29, v20;
	[tilespmem:s20+$0xFFFFFFB0] =	vst v22  }
0x69: {  	v48 =	vperm.xlane v18, v9;
	v51 =	vld [tilespmem:s20+$0x40];
	v21 =	vmul.f32 v30, v21;
	[tilespmem:s20+$0xFFFFFFC0] =	vst v44  }
0x6a: {  	v53 =	vperm.xlane v18, v11;
	v56 =	vld [tilespmem:s20+$0x60];
	v50 =	vmul.f32 v42, v46;
	[tilespmem:s20+$0xFFFFFFD0] =	vst v20  }
0x6b: {  	v49 =	vld [tilespmem:s20+$0x30];
	v55 =	vperm.xlane v18, v12;
	v52 =	vmul.f32 v43, v48;
	[tilespmem:s20+$0xFFFFFFE0] =	vst v21  }
0x6c: {  	v58 =	vperm.xlane v18, v13;
	v59 =	vld [tilespmem:s20+$0x70];
	v19 =	vmul.f32 v45, v19;
	[tilespmem:s20+$0xFFFFFFF0] =	vst v50  }
0x6d: {  	v54 =	vld [tilespmem:s20+$0x50];
	v62 =	vperm.xlane v18, v15;
	v57 =	vmul.f32 v47, v53;
	[tilespmem:s20+$0x0] =	vst v52  }
0x6e: {  	v60 =	vperm.xlane v18, v14;
	v61 =	vmul.f32 v51, v58;
	[tilespmem:s20+$0x10] =	vst v19  }
0x6f: {  	v18 =	vperm.xlane v18, v16;
	v63 =	vmul.f32 v56, v62;
	[tilespmem:s20+$0x20] =	vst v57  }
0x70: {  	v19 =	vmul.f32 v49, v55;
	[tilespmem:s20+$0x40] =	vst v61  }
0x71: {  	v18 =	vmul.f32 v59, v18;
	[tilespmem:s20+$0x60] =	vst v63  }
0x72: {  	[tilespmem:s20+$0x30] =	vst v19;
	v19 =	vmul.f32 v54, v60  }
0x73: {  	s22 =	sshll.u32 s8, $0x4;
	[tilespmem:s20+$0x70] =	vst v18  }
0x74: {  	s12 =	sadd.s32 s8, s5;
	s8 =	sand.u32 $0x3FFFFFF0, s22;
	[tilespmem:s20+$0x50] =	vst v19  }
0x75: {  	[spmem:s12] =	stream.linear.scatter [tilespmem:s28], [sflag:$0x1], $0x80, $0x38;
	[tilespmem:$0x1FE10] =	vst v63  }
0x76: {  	s4 =	sadd.s32 $0x1, s4;
	s8 =	sadd.s32 s8, s6  }
0x77: {  	[spmem:s8] =	stream.linear.scatter [tilespmem:s25], [sflag:$0x1], $0x800, $0x38;
	[tilespmem:$0x1FE10] =	vst v63  }
0x78: {  	p0 =	sne.s32 s4, $0x31;
	_ =	swait.ge [sflag:s26], $0x80  }
.Ltmp1:
0x79: {  	[sflag:s26] =	ssyncset.done $0x0;
	(pc) =	sbr.rel @p0 .LBB2_2-.Ltmp1, $4  }
0x7a: {  	[sflag:s26] =	ssyncadd.s32 $0xFFFFFF80  }
0x7b: {  	_ =	swait.ge [sflag:s26], $0x800  }
0x7c: {  	[sflag:s26] =	ssyncset.done $0x0  }
0x7d: {  	[sflag:s26] =	ssyncadd.s32 $0xFFFFF800  }
0x7e: {  	[bflag:$0x0] =	sbarrier.arrive $0xFFFF  }
0x7f: {  	s4 =	simm.s32 $0x0;
	s8 =	rddreg [dreg:$0x9]  }
0x80: {  	[tilespmem:s29], [sflag:$0x1] =	stream.linear.gather [hbm4b:s8+s4], $0x200, $0x38;
	[tilespmem:$0x1FE10] =	vst v63  }
0x81: {  	s22 =	rddreg [dreg:$0xa]  }
0x82: {  	[tilespmem:s30], [sflag:$0x1] =	stream.linear.gather [hbm4b:s22+s4], $0x200, $0x38;
	[tilespmem:$0x1FE10] =	vst v63  }
0x83: {  	_ =	swait.ge [sflag:s26], $0x200  }
0x84: {  	[sflag:s26] =	ssyncset.done $0x0  }
0x85: {  	[sflag:s26] =	ssyncadd.s32 $0xFFFFFE00  }
0x86: {  	_ =	swait.ge [sflag:s26], $0x200  }
0x87: {  	[sflag:s26] =	ssyncset.done $0x0  }
0x88: {  	s4 =	simm.s32 $0x0;
	[sflag:s26] =	ssyncadd.s32 $0xFFFFFE00  }
0x89: {  	s8 =	simm.s32 $0x40;
	v18 =	vld [tilespmem:s4+$0x1A080]  }
.LBB2_6:
0x8a: {  	p0 =	sne.s32 s8, $0x7C0  }
.Ltmp2:
0x8b: {  	_ = 	snop;
	(pc) =	sbr.rel @p0 .LBB2_6-.Ltmp2, $3  }
0x8c: {  	_ =	sdelay $0x1  }
0x8d: {  	s12 =	sshra.s32 s8, $0x2;
	s8 =	sadd.s32 $0x40, s8;
	v19 =	vadd.s32 v0, v18  }
0x8e: {  	v18 =	vld [tilespmem:s12+$0x1A080];
	[tilespmem:s4+$0x1A880] =	vst v19;
	s4 =	smov.u32 s12  }
0x8f: {  	_ =	sdelay $0x3  }
0x90: {  	v18 =	vadd.s32 v0, v18  }
0x91: {  	[tilespmem:s4+$0x1A880] =	vst v18  }
0x92: {  	[tilespmem:s1], [sflag:$0x2] =	stream.indirect.gather [hbm4b:s0+s31], $0x1, s29, s31, $0xb8;
	[tilespmem:$0x1FE10] =	vst v63  }
0x93: {  	s18 =	simm.s32 $0x1B080  }
0x94: {  	[tilespmem:s18], [sflag:$0x2] =	stream.indirect.gather [hbm4b:s2+s31], $0x1, s30, s31, $0xb8;
	[tilespmem:$0x1FE10] =	vst v63  }
0x95: {  	s19 =	simm.s32 $0x1A880  }
0x96: {  	[tilespmem:s21], [sflag:$0x2] =	stream.indirect.gather [hbm4b:s3+s31], $0x10, s19, s31, $0xb8;
	[tilespmem:$0x1FE10] =	vst v63  }
0x97: {  	_ =	swait.ge [sflag:s14], $0x200  }
0x98: {  	[sflag:s14] =	ssyncset.done $0x0  }
0x99: {  	[sflag:s14] =	ssyncadd.s32 $0xFFFFFE00  }
0x9a: {  	_ =	swait.ge [sflag:s14], $0x200  }
0x9b: {  	[sflag:s14] =	ssyncset.done $0x0  }
0x9c: {  	[sflag:s14] =	ssyncadd.s32 $0xFFFFFE00  }
0x9d: {  	_ =	swait.ge [sflag:s14], $0x2000  }
0x9e: {  	[sflag:s14] =	ssyncset.done $0x0  }
0x9f: {  	s20 =	simm.s32 $0x0;
	s8 =	rddreg [dreg:$0xb];
	[sflag:s14] =	ssyncadd.s32 $0xFFFFE000  }
0xa0: {  	[tilespmem:s15], [sflag:$0x1] =	stream.linear.gather [hbm4b:s8+s20], $0x200, $0x38;
	[tilespmem:$0x1FE10] =	vst v63  }
0xa1: {  	s22 =	rddreg [dreg:$0xc]  }
0xa2: {  	[tilespmem:s16], [sflag:$0x1] =	stream.linear.gather [hbm4b:s22+s20], $0x200, $0x38;
	[tilespmem:$0x1FE10] =	vst v63  }
0xa3: {  	_ =	swait.ge [sflag:s26], $0x200  }
0xa4: {  	[sflag:s26] =	ssyncset.done $0x0  }
0xa5: {  	[sflag:s26] =	ssyncadd.s32 $0xFFFFFE00  }
0xa6: {  	_ =	swait.ge [sflag:s26], $0x200  }
0xa7: {  	[sflag:s26] =	ssyncset.done $0x0  }
0xa8: {  	s4 =	simm.s32 $0x0;
	[sflag:s26] =	ssyncadd.s32 $0xFFFFFE00  }
0xa9: {  	s8 =	simm.s32 $0x40;
	v18 =	vld [tilespmem:s4+$0x1A280]  }
.LBB2_8:
0xaa: {  	p0 =	sne.s32 s8, $0x7C0  }
.Ltmp3:
0xab: {  	_ = 	snop;
	(pc) =	sbr.rel @p0 .LBB2_8-.Ltmp3, $3  }
0xac: {  	_ =	sdelay $0x1  }
0xad: {  	s12 =	sshra.s32 s8, $0x2;
	s8 =	sadd.s32 $0x40, s8;
	v19 =	vadd.s32 v0, v18  }
0xae: {  	v18 =	vld [tilespmem:s12+$0x1A280];
	[tilespmem:s4+$0x1AA80] =	vst v19;
	s4 =	smov.u32 s12  }
0xaf: {  	_ =	sdelay $0x3  }
0xb0: {  	v18 =	vadd.s32 v0, v18  }
0xb1: {  	[tilespmem:s4+$0x1AA80] =	vst v18  }
0xb2: {  	[tilespmem:s17], [sflag:$0x2] =	stream.indirect.gather [hbm4b:s0+s31], $0x1, s15, s31, $0xb8;
	[tilespmem:$0x1FE10] =	vst v63  }
0xb3: {  	s20 =	simm.s32 $0x1B280  }
0xb4: {  	[tilespmem:s20], [sflag:$0x2] =	stream.indirect.gather [hbm4b:s2+s31], $0x1, s16, s31, $0xb8;
	[tilespmem:$0x1FE10] =	vst v63  }
0xb5: {  	s22 =	simm.s32 $0x1AA80;
	s8 =	simm.s32 $0x0  }
0xb6: {  	[tilespmem:s23], [sflag:$0x2] =	stream.indirect.gather [hbm4b:s3+s31], $0x10, s22, s31, $0xb8;
	[tilespmem:$0x1FE10] =	vst v63  }
0xb7: {  	v18 =	vld [tilespmem:s8+$0x1AC80]  }
0xb8: {  	v19 =	vld [tilespmem:s8+$0x1B080];
	_ =	sdelay $0x4  }
0xb9: {  	v18 =	vadd.f32 v19, v18;
	_ =	sdelay $0x1  }
0xba: {  	v19 =	vmul.f32 $2.000000030e-01, v18;
	_ =	sdelay $0x1  }
0xbb: {  	v18 =	vmax.f32 v18, v19  }
0xbc: {  	v18 =	vsub.f32 v18, v17;
	_ =	sdelay $0x1  }
0xbd: {  	v18 =	vmul.f32 $1.442695020e+00, v18;
	_ =	sdelay $0x1  }
0xbe: {  	(erf) = vpow2.f32 v18;
	_ =	sdelay $0x8  }
0xbf: {  	v18 =	vpop (erf)  }
0xc0: {  	s4 =	simm.s32 $0x1B500;
	[tilespmem:s8+$0x1AC80] =	vst v18  }
0xc1: {  	v26 =	vld [tilespmem:s4+$0xFFFFFF80]  }
0xc2: {  	v21 =	vbroadcast v18, $0x5;
	v25 =	vld [tilespmem:s4+$0xFFFFFF90]  }
0xc3: {  	v19 =	vbroadcast v18, $0x9;
	v24 =	vbroadcast v18, $0x1;
	v23 =	vld [tilespmem:s4+$0xFFFFFFA0]  }
0xc4: {  	s12 =	simm.s32 $0x1B500;
	s8 =	simm.s32 $0x40;
	v20 =	vbroadcast v18, $0x8;
	v27 =	vbroadcast v18, $0x0;
	v22 =	vld [tilespmem:s4+$0xFFFFFFB0]  }
.LBB2_10:
0xc5: {  	p0 =	sne.s32 s8, $0x7C0  }
0xc6: {  	v28 =	vld [tilespmem:s4+$0xFFFFFFC0];
	s12 =	sadd.s32 $0x100, s12;
	s18 =	smov.u32 s8;
	s8 =	sadd.s32 $0x40, s8  }
0xc7: {  	v26 =	vmul.f32 v27, v26;
	v27 =	vbroadcast v18, $0x2;
	v29 =	vld [tilespmem:s4+$0xFFFFFFD0]  }
0xc8: {  	v24 =	vmul.f32 v24, v25;
	v25 =	vbroadcast v18, $0x3;
	v30 =	vld [tilespmem:s4+$0xFFFFFFE0]  }
0xc9: {  	[tilespmem:s4+$0xFFFFFF80] =	vst v26;
	v23 =	vmul.f32 v27, v23;
	v26 =	vbroadcast v18, $0x4;
	v27 =	vld [tilespmem:s4+$0xFFFFFFF0]  }
0xca: {  	[tilespmem:s4+$0xFFFFFF90] =	vst v24;
	v22 =	vmul.f32 v22, v25;
	v24 =	vld [tilespmem:s4+$0x0]  }
0xcb: {  	v25 =	vbroadcast v18, $0x6;
	[tilespmem:s4+$0xFFFFFFA0] =	vst v23;
	v23 =	vmul.f32 v28, v26;
	v26 =	vld [tilespmem:s4+$0x10]  }
0xcc: {  	[tilespmem:s4+$0xFFFFFFB0] =	vst v22;
	v21 =	vmul.f32 v29, v21;
	v22 =	vbroadcast v18, $0x7;
	v28 =	vld [tilespmem:s4+$0x20]  }
0xcd: {  	[tilespmem:s4+$0xFFFFFFC0] =	vst v23;
	v23 =	vmul.f32 v30, v25;
	v25 =	vld [tilespmem:s4+$0x30]  }
0xce: {  	[tilespmem:s4+$0xFFFFFFD0] =	vst v21;
	v21 =	vmul.f32 v27, v22;
	v22 =	vld [tilespmem:s4+$0x40]  }
0xcf: {  	[tilespmem:s4+$0xFFFFFFE0] =	vst v23;
	v20 =	vmul.f32 v24, v20;
	v23 =	vbroadcast v18, $0xA;
	v24 =	vld [tilespmem:s4+$0x50]  }
0xd0: {  	[tilespmem:s4+$0xFFFFFFF0] =	vst v21;
	v19 =	vmul.f32 v26, v19;
	v21 =	vbroadcast v18, $0xB;
	v26 =	vld [tilespmem:s4+$0x60]  }
0xd1: {  	[tilespmem:s4+$0x0] =	vst v20;
	v20 =	vmul.f32 v28, v23;
	v23 =	vbroadcast v18, $0xC;
	v27 =	vld [tilespmem:s4+$0x70]  }
0xd2: {  	[tilespmem:s4+$0x10] =	vst v19;
	v19 =	vmul.f32 v25, v21;
	v21 =	vbroadcast v18, $0xD  }
0xd3: {  	[tilespmem:s4+$0x20] =	vst v20;
	v20 =	vmul.f32 v22, v23;
	v22 =	vbroadcast v18, $0xE  }
0xd4: {  	v18 =	vbroadcast v18, $0xF;
	[tilespmem:s4+$0x30] =	vst v19;
	v19 =	vmul.f32 v24, v21  }
0xd5: {  	[tilespmem:s4+$0x40] =	vst v20;
	v20 =	vmul.f32 v26, v22  }
0xd6: {  	s18 =	sshra.s32 s18, $0x2;
	[tilespmem:s4+$0x50] =	vst v19;
	v18 =	vmul.f32 v27, v18  }
0xd7: {  	[tilespmem:s4+$0x60] =	vst v20  }
0xd8: {  	[tilespmem:s4+$0x70] =	vst v18;
	s4 =	smov.u32 s12  }
0xd9: {  	v18 =	vld [tilespmem:s18+$0x1AC80]  }
0xda: {  	v19 =	vld [tilespmem:s18+$0x1B080];
	_ =	sdelay $0x4  }
0xdb: {  	v18 =	vadd.f32 v19, v18;
	_ =	sdelay $0x1  }
0xdc: {  	v19 =	vmul.f32 $2.000000030e-01, v18;
	_ =	sdelay $0x1  }
0xdd: {  	v18 =	vmax.f32 v18, v19  }
0xde: {  	v18 =	vsub.f32 v18, v17;
	_ =	sdelay $0x1  }
0xdf: {  	v18 =	vmul.f32 $1.442695020e+00, v18;
	_ =	sdelay $0x1  }
0xe0: {  	(erf) = vpow2.f32 v18;
	_ =	sdelay $0x8  }
0xe1: {  	v18 =	vpop (erf)  }
.Ltmp4:
0xe2: {  	[tilespmem:s18+$0x1AC80] =	vst v18;
	v21 =	vbroadcast v18, $0x5;
	v19 =	vbroadcast v18, $0x9;
	(pc) =	sbr.rel @p0 .LBB2_10-.Ltmp4, $4  }
0xe3: {  	v24 =	vbroadcast v18, $0x1;
	v20 =	vbroadcast v18, $0x8;
	v26 =	vld [tilespmem:s12+$0xFFFFFF80]  }
0xe4: {  	v25 =	vld [tilespmem:s12+$0xFFFFFF90]  }
0xe5: {  	v23 =	vld [tilespmem:s12+$0xFFFFFFA0]  }
0xe6: {  	v27 =	vbroadcast v18, $0x0;
	v22 =	vld [tilespmem:s12+$0xFFFFFFB0]  }
0xe7: {  	v28 =	vld [tilespmem:s4+$0xFFFFFFC0]  }
0xe8: {  	v39 =	vbroadcast v18, $0x2;
	v29 =	vld [tilespmem:s4+$0xFFFFFFD0];
	v26 =	vmul.f32 v27, v26  }
0xe9: {  	v40 =	vbroadcast v18, $0x3;
	v30 =	vld [tilespmem:s4+$0xFFFFFFE0];
	v24 =	vmul.f32 v24, v25  }
0xea: {  	v41 =	vbroadcast v18, $0x4;
	v42 =	vld [tilespmem:s4+$0xFFFFFFF0];
	[tilespmem:s4+$0xFFFFFF80] =	vst v26;
	v23 =	vmul.f32 v39, v23  }
0xeb: {  	v43 =	vld [tilespmem:s4+$0x0];
	[tilespmem:s4+$0xFFFFFF90] =	vst v24;
	v22 =	vmul.f32 v22, v40  }
0xec: {  	v45 =	vbroadcast v18, $0x6;
	v46 =	vld [tilespmem:s4+$0x10];
	[tilespmem:s4+$0xFFFFFFA0] =	vst v23;
	v44 =	vmul.f32 v28, v41  }
0xed: {  	v47 =	vbroadcast v18, $0x7;
	v48 =	vld [tilespmem:s4+$0x20];
	v21 =	vmul.f32 v29, v21;
	[tilespmem:s4+$0xFFFFFFB0] =	vst v22  }
0xee: {  	v52 =	vld [tilespmem:s4+$0x40];
	v49 =	vmul.f32 v30, v45;
	[tilespmem:s4+$0xFFFFFFC0] =	vst v44  }
0xef: {  	v53 =	vbroadcast v18, $0xA;
	v56 =	vld [tilespmem:s4+$0x60];
	v51 =	vmul.f32 v42, v47;
	[tilespmem:s4+$0xFFFFFFD0] =	vst v21  }
0xf0: {  	v50 =	vld [tilespmem:s4+$0x30];
	v55 =	vbroadcast v18, $0xB;
	v20 =	vmul.f32 v43, v20;
	[tilespmem:s4+$0xFFFFFFE0] =	vst v49  }
0xf1: {  	v58 =	vbroadcast v18, $0xC;
	v59 =	vld [tilespmem:s4+$0x70];
	v19 =	vmul.f32 v46, v19;
	[tilespmem:s4+$0xFFFFFFF0] =	vst v51  }
0xf2: {  	v54 =	vld [tilespmem:s4+$0x50];
	v62 =	vbroadcast v18, $0xE;
	v57 =	vmul.f32 v48, v53;
	[tilespmem:s4+$0x0] =	vst v20  }
0xf3: {  	v60 =	vbroadcast v18, $0xD;
	v61 =	vmul.f32 v52, v58;
	[tilespmem:s4+$0x10] =	vst v19  }
0xf4: {  	v18 =	vbroadcast v18, $0xF;
	v63 =	vmul.f32 v56, v62;
	[tilespmem:s4+$0x20] =	vst v57  }
0xf5: {  	v19 =	vmul.f32 v50, v55;
	[tilespmem:s4+$0x40] =	vst v61  }
0xf6: {  	v18 =	vmul.f32 v59, v18;
	[tilespmem:s4+$0x60] =	vst v63  }
0xf7: {  	[tilespmem:s4+$0x30] =	vst v19;
	v19 =	vmul.f32 v54, v60  }
0xf8: {  	[tilespmem:s4+$0x70] =	vst v18  }
0xf9: {  	[tilespmem:s4+$0x50] =	vst v19  }
0xfa: {  	[spmem:s5] =	stream.indirect.scatter.add.f32 [tilespmem:s1], [sflag:$0x3], $0x1, s30, s31, $0xb8;
	[tilespmem:$0x1FE10] =	vst v63  }
0xfb: {  	s8 =	simm.s32 $0x0;
	s4 =	simm.s32 $0x0  }
0xfc: {  	[spmem:s6] =	stream.indirect.scatter.add.f32 [tilespmem:s21], [sflag:$0x3], $0x10, s30, s31, $0xb8;
	[tilespmem:$0x1FE10] =	vst v63  }
.LBB2_12:
0xfd: {  	_ =	swait.ge [sflag:s14], $0x200  }
0xfe: {  	[sflag:s14] =	ssyncset.done $0x0  }
0xff: {  	[sflag:s14] =	ssyncadd.s32 $0xFFFFFE00  }
0x100: {  	_ =	swait.ge [sflag:s14], $0x200  }
0x101: {  	[sflag:s14] =	ssyncset.done $0x0  }
0x102: {  	[sflag:s14] =	ssyncadd.s32 $0xFFFFFE00  }
0x103: {  	_ =	swait.ge [sflag:s14], $0x2000  }
0x104: {  	[sflag:s14] =	ssyncset.done $0x0  }
0x105: {  	[sflag:s14] =	ssyncadd.s32 $0xFFFFE000  }
0x106: {  	_ =	swait.ge [sflag:s24], $0x200  }
0x107: {  	[sflag:s24] =	ssyncset.done $0x0  }
0x108: {  	[sflag:s24] =	ssyncadd.s32 $0xFFFFFE00  }
0x109: {  	_ =	swait.ge [sflag:s24], $0x2000  }
0x10a: {  	s20 =	sshll.u32 s4, $0x1;
	s12 =	rddreg [dreg:$0xd]  }
0x10b: {  	s12 =	sadd.s32 s20, s12  }
0x10c: {  	[sflag:s24] =	ssyncset.done $0x0;
	s12 =	sshll.u32 s12, $0x6  }
0x10d: {  	[sflag:s24] =	ssyncadd.s32 $0xFFFFE000;
	s18 =	sadd.s32 s9, s12  }
0x10e: {  	[tilespmem:s29], [sflag:$0x1] =	stream.linear.gather [hbm4b:s18+s8], $0x200, $0x38;
	[tilespmem:$0x1FE10] =	vst v63  }
0x10f: {  	s12 =	sadd.s32 s11, s12  }
0x110: {  	[tilespmem:s30], [sflag:$0x1] =	stream.linear.gather [hbm4b:s12+s8], $0x200, $0x38;
	[tilespmem:$0x1FE10] =	vst v63  }
0x111: {  	_ =	swait.ge [sflag:s26], $0x200  }
0x112: {  	[sflag:s26] =	ssyncset.done $0x0  }
0x113: {  	[sflag:s26] =	ssyncadd.s32 $0xFFFFFE00  }
0x114: {  	_ =	swait.ge [sflag:s26], $0x200  }
0x115: {  	[sflag:s26] =	ssyncset.done $0x0  }
0x116: {  	s12 =	simm.s32 $0x0;
	[sflag:s26] =	ssyncadd.s32 $0xFFFFFE00  }
0x117: {  	s18 =	simm.s32 $0x40;
	v18 =	vld [tilespmem:s12+$0x1A080]  }
.LBB2_13:
0x118: {  	p0 =	sne.s32 s18, $0x7C0  }
.Ltmp5:
0x119: {  	_ = 	snop;
	(pc) =	sbr.rel @p0 .LBB2_13-.Ltmp5, $3  }
0x11a: {  	_ =	sdelay $0x1  }
0x11b: {  	s19 =	sshra.s32 s18, $0x2;
	s18 =	sadd.s32 $0x40, s18;
	v19 =	vadd.s32 v0, v18  }
0x11c: {  	v18 =	vld [tilespmem:s19+$0x1A080];
	[tilespmem:s12+$0x1A880] =	vst v19;
	s12 =	smov.u32 s19  }
0x11d: {  	_ =	sdelay $0x3  }
0x11e: {  	v18 =	vadd.s32 v0, v18  }
0x11f: {  	[tilespmem:s12+$0x1A880] =	vst v18  }
0x120: {  	[tilespmem:s1], [sflag:$0x2] =	stream.indirect.gather [hbm4b:s0+s31], $0x1, s29, s31, $0xb8;
	[tilespmem:$0x1FE10] =	vst v63  }
0x121: {  	s22 =	simm.s32 $0x1B080  }
0x122: {  	[tilespmem:s22], [sflag:$0x2] =	stream.indirect.gather [hbm4b:s2+s31], $0x1, s30, s31, $0xb8;
	[tilespmem:$0x1FE10] =	vst v63  }
0x123: {  	s18 =	simm.s32 $0x1A880;
	s19 =	simm.s32 $0x0  }
0x124: {  	[tilespmem:s21], [sflag:$0x2] =	stream.indirect.gather [hbm4b:s3+s31], $0x10, s18, s31, $0xb8;
	[tilespmem:$0x1FE10] =	vst v63  }
0x125: {  	v18 =	vld [tilespmem:s19+$0x1AE80]  }
0x126: {  	v19 =	vld [tilespmem:s19+$0x1B280];
	_ =	sdelay $0x4  }
0x127: {  	v18 =	vadd.f32 v19, v18;
	_ =	sdelay $0x1  }
0x128: {  	v19 =	vmul.f32 $2.000000030e-01, v18;
	_ =	sdelay $0x1  }
0x129: {  	v18 =	vmax.f32 v18, v19  }
0x12a: {  	v18 =	vsub.f32 v18, v17;
	_ =	sdelay $0x1  }
0x12b: {  	v18 =	vmul.f32 $1.442695020e+00, v18;
	_ =	sdelay $0x1  }
0x12c: {  	(erf) = vpow2.f32 v18;
	_ =	sdelay $0x8  }
0x12d: {  	v18 =	vpop (erf)  }
0x12e: {  	s22 =	simm.s32 $0x1D570;
	[tilespmem:s19+$0x1AE80] =	vst v18  }
0x12f: {  	v26 =	vld [tilespmem:s22+$0xFFFFFF10]  }
0x130: {  	v21 =	vbroadcast v18, $0x5;
	v25 =	vld [tilespmem:s22+$0xFFFFFF20]  }
0x131: {  	v19 =	vbroadcast v18, $0x9;
	v24 =	vbroadcast v18, $0x1;
	v23 =	vld [tilespmem:s22+$0xFFFFFF30]  }
0x132: {  	s12 =	simm.s32 $0x40;
	s18 =	simm.s32 $0x1D570;
	v20 =	vbroadcast v18, $0x8;
	v27 =	vbroadcast v18, $0x0;
	v22 =	vld [tilespmem:s22+$0xFFFFFF40]  }
.LBB2_15:
0x133: {  	p0 =	sne.s32 s12, $0x7C0  }
0x134: {  	v28 =	vld [tilespmem:s22+$0xFFFFFF50];
	s18 =	sadd.s32 $0x100, s18;
	s19 =	smov.u32 s12;
	s12 =	sadd.s32 $0x40, s12  }
0x135: {  	v26 =	vmul.f32 v27, v26;
	v27 =	vbroadcast v18, $0x2;
	v29 =	vld [tilespmem:s22+$0xFFFFFF60]  }
0x136: {  	v24 =	vmul.f32 v24, v25;
	v25 =	vbroadcast v18, $0x3;
	v30 =	vld [tilespmem:s22+$0xFFFFFF70]  }
0x137: {  	[tilespmem:s22+$0xFFFFFF10] =	vst v26;
	v23 =	vmul.f32 v27, v23;
	v26 =	vbroadcast v18, $0x4;
	v27 =	vld [tilespmem:s22+$0xFFFFFF80]  }
0x138: {  	[tilespmem:s22+$0xFFFFFF20] =	vst v24;
	v22 =	vmul.f32 v22, v25;
	v24 =	vld [tilespmem:s22+$0xFFFFFF90]  }
0x139: {  	v25 =	vbroadcast v18, $0x6;
	[tilespmem:s22+$0xFFFFFF30] =	vst v23;
	v23 =	vmul.f32 v28, v26;
	v26 =	vld [tilespmem:s22+$0xFFFFFFA0]  }
0x13a: {  	[tilespmem:s22+$0xFFFFFF40] =	vst v22;
	v21 =	vmul.f32 v29, v21;
	v22 =	vbroadcast v18, $0x7;
	v28 =	vld [tilespmem:s22+$0xFFFFFFB0]  }
0x13b: {  	[tilespmem:s22+$0xFFFFFF50] =	vst v23;
	v23 =	vmul.f32 v30, v25;
	v25 =	vld [tilespmem:s22+$0xFFFFFFC0]  }
0x13c: {  	[tilespmem:s22+$0xFFFFFF60] =	vst v21;
	v21 =	vmul.f32 v27, v22;
	v22 =	vld [tilespmem:s22+$0xFFFFFFD0]  }
0x13d: {  	[tilespmem:s22+$0xFFFFFF70] =	vst v23;
	v20 =	vmul.f32 v24, v20;
	v23 =	vbroadcast v18, $0xA;
	v24 =	vld [tilespmem:s22+$0xFFFFFFE0]  }
0x13e: {  	[tilespmem:s22+$0xFFFFFF80] =	vst v21;
	v19 =	vmul.f32 v26, v19;
	v21 =	vbroadcast v18, $0xB;
	v26 =	vld [tilespmem:s22+$0xFFFFFFF0]  }
0x13f: {  	[tilespmem:s22+$0xFFFFFF90] =	vst v20;
	v20 =	vmul.f32 v28, v23;
	v23 =	vbroadcast v18, $0xC;
	v27 =	vld [tilespmem:s22+$0x0]  }
0x140: {  	[tilespmem:s22+$0xFFFFFFA0] =	vst v19;
	v19 =	vmul.f32 v25, v21;
	v21 =	vbroadcast v18, $0xD  }
0x141: {  	[tilespmem:s22+$0xFFFFFFB0] =	vst v20;
	v20 =	vmul.f32 v22, v23;
	v22 =	vbroadcast v18, $0xE  }
0x142: {  	v18 =	vbroadcast v18, $0xF;
	[tilespmem:s22+$0xFFFFFFC0] =	vst v19;
	v19 =	vmul.f32 v24, v21  }
0x143: {  	[tilespmem:s22+$0xFFFFFFD0] =	vst v20;
	v20 =	vmul.f32 v26, v22  }
0x144: {  	s19 =	sshra.s32 s19, $0x2;
	[tilespmem:s22+$0xFFFFFFE0] =	vst v19;
	v18 =	vmul.f32 v27, v18  }
0x145: {  	[tilespmem:s22+$0xFFFFFFF0] =	vst v20  }
0x146: {  	[tilespmem:s22+$0x0] =	vst v18;
	s22 =	smov.u32 s18  }
0x147: {  	v18 =	vld [tilespmem:s19+$0x1AE80]  }
0x148: {  	v19 =	vld [tilespmem:s19+$0x1B280];
	_ =	sdelay $0x4  }
0x149: {  	v18 =	vadd.f32 v19, v18;
	_ =	sdelay $0x1  }
0x14a: {  	v19 =	vmul.f32 $2.000000030e-01, v18;
	_ =	sdelay $0x1  }
0x14b: {  	v18 =	vmax.f32 v18, v19  }
0x14c: {  	v18 =	vsub.f32 v18, v17;
	_ =	sdelay $0x1  }
0x14d: {  	v18 =	vmul.f32 $1.442695020e+00, v18;
	_ =	sdelay $0x1  }
0x14e: {  	(erf) = vpow2.f32 v18;
	_ =	sdelay $0x8  }
0x14f: {  	v18 =	vpop (erf)  }
.Ltmp6:
0x150: {  	[tilespmem:s19+$0x1AE80] =	vst v18;
	v21 =	vbroadcast v18, $0x5;
	v19 =	vbroadcast v18, $0x9;
	(pc) =	sbr.rel @p0 .LBB2_15-.Ltmp6, $4  }
0x151: {  	v24 =	vbroadcast v18, $0x1;
	v20 =	vbroadcast v18, $0x8;
	v26 =	vld [tilespmem:s18+$0xFFFFFF10]  }
0x152: {  	v25 =	vld [tilespmem:s18+$0xFFFFFF20]  }
0x153: {  	v23 =	vld [tilespmem:s18+$0xFFFFFF30]  }
0x154: {  	v27 =	vbroadcast v18, $0x0;
	v22 =	vld [tilespmem:s18+$0xFFFFFF40]  }
0x155: {  	v28 =	vld [tilespmem:s22+$0xFFFFFF50];
	v42 =	vbroadcast v18, $0x2;
	v43 =	vbroadcast v18, $0x3  }
0x156: {  	v29 =	vld [tilespmem:s22+$0xFFFFFF60];
	v44 =	vbroadcast v18, $0x4;
	v26 =	vmul.f32 v27, v26  }
0x157: {  	v30 =	vld [tilespmem:s22+$0xFFFFFF70];
	v48 =	vbroadcast v18, $0x6;
	v24 =	vmul.f32 v24, v25  }
0x158: {  	v45 =	vld [tilespmem:s22+$0xFFFFFF80];
	v50 =	vbroadcast v18, $0x7;
	[tilespmem:s22+$0xFFFFFF10] =	vst v26;
	v23 =	vmul.f32 v42, v23  }
0x159: {  	v46 =	vld [tilespmem:s22+$0xFFFFFF90];
	v56 =	vbroadcast v18, $0xA;
	[tilespmem:s22+$0xFFFFFF20] =	vst v24;
	v22 =	vmul.f32 v22, v43  }
0x15a: {  	v49 =	vld [tilespmem:s22+$0xFFFFFFA0];
	v58 =	vbroadcast v18, $0xB;
	[tilespmem:s22+$0xFFFFFF30] =	vst v23;
	v47 =	vmul.f32 v28, v44  }
0x15b: {  	v60 =	vbroadcast v18, $0xC;
	v61 =	vld [tilespmem:s22+$0x0];
	v21 =	vmul.f32 v29, v21;
	[tilespmem:s22+$0xFFFFFF40] =	vst v22  }
0x15c: {  	v51 =	vld [tilespmem:s22+$0xFFFFFFB0];
	v62 =	vbroadcast v18, $0xD;
	v52 =	vmul.f32 v30, v48;
	[tilespmem:s22+$0xFFFFFF50] =	vst v47  }
0x15d: {  	v53 =	vld [tilespmem:s22+$0xFFFFFFC0];
	v63 =	vbroadcast v18, $0xE;
	v54 =	vmul.f32 v45, v50;
	[tilespmem:s22+$0xFFFFFF60] =	vst v21  }
0x15e: {  	v55 =	vld [tilespmem:s22+$0xFFFFFFD0];
	v18 =	vbroadcast v18, $0xF;
	v20 =	vmul.f32 v46, v20;
	[tilespmem:s22+$0xFFFFFF70] =	vst v52  }
0x15f: {  	v57 =	vld [tilespmem:s22+$0xFFFFFFE0];
	v19 =	vmul.f32 v49, v19;
	[tilespmem:s22+$0xFFFFFF80] =	vst v54  }
0x160: {  	v59 =	vld [tilespmem:s22+$0xFFFFFFF0];
	v18 =	vmul.f32 v61, v18;
	[tilespmem:s22+$0xFFFFFF90] =	vst v20  }
0x161: {  	v20 =	vmul.f32 v51, v56;
	[tilespmem:s22+$0xFFFFFFA0] =	vst v19  }
0x162: {  	v19 =	vmul.f32 v53, v58;
	[tilespmem:s22+$0x0] =	vst v18  }
0x163: {  	[tilespmem:s22+$0xFFFFFFB0] =	vst v20;
	v20 =	vmul.f32 v55, v60  }
0x164: {  	[tilespmem:s22+$0xFFFFFFC0] =	vst v19;
	v19 =	vmul.f32 v57, v62  }
0x165: {  	[tilespmem:s22+$0xFFFFFFD0] =	vst v20;
	v20 =	vmul.f32 v59, v63  }
0x166: {  	[tilespmem:s22+$0xFFFFFFE0] =	vst v19  }
0x167: {  	[tilespmem:s22+$0xFFFFFFF0] =	vst v20  }
0x168: {  	[spmem:s5] =	stream.indirect.scatter.add.f32 [tilespmem:s17], [sflag:$0x4], $0x1, s16, s31, $0xb8;
	[tilespmem:$0x1FE10] =	vst v63  }
0x169: {  	_ = 	snop  }
0x16a: {  	[spmem:s6] =	stream.indirect.scatter.add.f32 [tilespmem:s23], [sflag:$0x4], $0x10, s16, s31, $0xb8;
	[tilespmem:$0x1FE10] =	vst v63  }
0x16b: {  	_ =	swait.ge [sflag:s14], $0x200  }
0x16c: {  	[sflag:s14] =	ssyncset.done $0x0  }
0x16d: {  	[sflag:s14] =	ssyncadd.s32 $0xFFFFFE00  }
0x16e: {  	_ =	swait.ge [sflag:s14], $0x200  }
0x16f: {  	[sflag:s14] =	ssyncset.done $0x0  }
0x170: {  	[sflag:s14] =	ssyncadd.s32 $0xFFFFFE00  }
0x171: {  	_ =	swait.ge [sflag:s14], $0x2000  }
0x172: {  	[sflag:s14] =	ssyncset.done $0x0  }
0x173: {  	[sflag:s14] =	ssyncadd.s32 $0xFFFFE000  }
0x174: {  	_ =	swait.ge [sflag:s7], $0x200  }
0x175: {  	[sflag:s7] =	ssyncset.done $0x0  }
0x176: {  	[sflag:s7] =	ssyncadd.s32 $0xFFFFFE00  }
0x177: {  	_ =	swait.ge [sflag:s7], $0x2000  }
0x178: {  	s12 =	rddreg [dreg:$0xe]  }
0x179: {  	s12 =	sadd.s32 s20, s12  }
0x17a: {  	[sflag:s7] =	ssyncset.done $0x0;
	s12 =	sshll.u32 s12, $0x6  }
0x17b: {  	s19 =	simm.s32 $0x0;
	[sflag:s7] =	ssyncadd.s32 $0xFFFFE000;
	s18 =	sadd.s32 s9, s12  }
0x17c: {  	[tilespmem:s15], [sflag:$0x1] =	stream.linear.gather [hbm4b:s18+s19], $0x200, $0x38;
	[tilespmem:$0x1FE10] =	vst v63  }
0x17d: {  	s12 =	sadd.s32 s11, s12  }
0x17e: {  	[tilespmem:s16], [sflag:$0x1] =	stream.linear.gather [hbm4b:s12+s19], $0x200, $0x38;
	[tilespmem:$0x1FE10] =	vst v63  }
0x17f: {  	_ =	swait.ge [sflag:s26], $0x200  }
0x180: {  	[sflag:s26] =	ssyncset.done $0x0  }
0x181: {  	[sflag:s26] =	ssyncadd.s32 $0xFFFFFE00  }
0x182: {  	_ =	swait.ge [sflag:s26], $0x200  }
0x183: {  	[sflag:s26] =	ssyncset.done $0x0  }
0x184: {  	s12 =	simm.s32 $0x0;
	[sflag:s26] =	ssyncadd.s32 $0xFFFFFE00  }
0x185: {  	s18 =	simm.s32 $0x40;
	v18 =	vld [tilespmem:s12+$0x1A280]  }
.LBB2_17:
0x186: {  	p0 =	sne.s32 s18, $0x7C0  }
.Ltmp7:
0x187: {  	_ = 	snop;
	(pc) =	sbr.rel @p0 .LBB2_17-.Ltmp7, $3  }
0x188: {  	_ =	sdelay $0x1  }
0x189: {  	s19 =	sshra.s32 s18, $0x2;
	s18 =	sadd.s32 $0x40, s18;
	v19 =	vadd.s32 v0, v18  }
0x18a: {  	v18 =	vld [tilespmem:s19+$0x1A280];
	[tilespmem:s12+$0x1AA80] =	vst v19;
	s12 =	smov.u32 s19  }
0x18b: {  	_ =	sdelay $0x3  }
0x18c: {  	v18 =	vadd.s32 v0, v18  }
0x18d: {  	[tilespmem:s12+$0x1AA80] =	vst v18  }
0x18e: {  	[tilespmem:s17], [sflag:$0x2] =	stream.indirect.gather [hbm4b:s0+s31], $0x1, s15, s31, $0xb8;
	[tilespmem:$0x1FE10] =	vst v63  }
0x18f: {  	s19 =	simm.s32 $0x1B280  }
0x190: {  	[tilespmem:s19], [sflag:$0x2] =	stream.indirect.gather [hbm4b:s2+s31], $0x1, s16, s31, $0xb8;
	[tilespmem:$0x1FE10] =	vst v63  }
0x191: {  	s20 =	simm.s32 $0x1AA80;
	s22 =	simm.s32 $0x0  }
0x192: {  	[tilespmem:s23], [sflag:$0x2] =	stream.indirect.gather [hbm4b:s3+s31], $0x10, s20, s31, $0xb8;
	[tilespmem:$0x1FE10] =	vst v63  }
0x193: {  	v18 =	vld [tilespmem:s22+$0x1AC80]  }
0x194: {  	v19 =	vld [tilespmem:s22+$0x1B080];
	_ =	sdelay $0x4  }
0x195: {  	v18 =	vadd.f32 v19, v18;
	_ =	sdelay $0x1  }
0x196: {  	v19 =	vmul.f32 $2.000000030e-01, v18;
	_ =	sdelay $0x1  }
0x197: {  	v18 =	vmax.f32 v18, v19  }
0x198: {  	v18 =	vsub.f32 v18, v17;
	_ =	sdelay $0x1  }
0x199: {  	v18 =	vmul.f32 $1.442695020e+00, v18;
	_ =	sdelay $0x1  }
0x19a: {  	(erf) = vpow2.f32 v18;
	_ =	sdelay $0x8  }
0x19b: {  	v18 =	vpop (erf)  }
0x19c: {  	s20 =	simm.s32 $0x1B500;
	[tilespmem:s22+$0x1AC80] =	vst v18  }
0x19d: {  	v26 =	vld [tilespmem:s20+$0xFFFFFF80]  }
0x19e: {  	v21 =	vbroadcast v18, $0x5;
	v25 =	vld [tilespmem:s20+$0xFFFFFF90]  }
0x19f: {  	v19 =	vbroadcast v18, $0x9;
	v24 =	vbroadcast v18, $0x1;
	v23 =	vld [tilespmem:s20+$0xFFFFFFA0]  }
0x1a0: {  	s18 =	simm.s32 $0x1B500;
	s12 =	simm.s32 $0x40;
	v20 =	vbroadcast v18, $0x8;
	v27 =	vbroadcast v18, $0x0;
	v22 =	vld [tilespmem:s20+$0xFFFFFFB0]  }
.LBB2_19:
0x1a1: {  	p0 =	sne.s32 s12, $0x7C0  }
0x1a2: {  	v28 =	vld [tilespmem:s20+$0xFFFFFFC0];
	s18 =	sadd.s32 $0x100, s18;
	s19 =	smov.u32 s12;
	s12 =	sadd.s32 $0x40, s12  }
0x1a3: {  	v26 =	vmul.f32 v27, v26;
	v27 =	vbroadcast v18, $0x2;
	v29 =	vld [tilespmem:s20+$0xFFFFFFD0]  }
0x1a4: {  	v24 =	vmul.f32 v24, v25;
	v25 =	vbroadcast v18, $0x3;
	v30 =	vld [tilespmem:s20+$0xFFFFFFE0]  }
0x1a5: {  	[tilespmem:s20+$0xFFFFFF80] =	vst v26;
	v23 =	vmul.f32 v27, v23;
	v26 =	vbroadcast v18, $0x4;
	v27 =	vld [tilespmem:s20+$0xFFFFFFF0]  }
0x1a6: {  	[tilespmem:s20+$0xFFFFFF90] =	vst v24;
	v22 =	vmul.f32 v22, v25;
	v24 =	vld [tilespmem:s20+$0x0]  }
0x1a7: {  	v25 =	vbroadcast v18, $0x6;
	[tilespmem:s20+$0xFFFFFFA0] =	vst v23;
	v23 =	vmul.f32 v28, v26;
	v26 =	vld [tilespmem:s20+$0x10]  }
0x1a8: {  	[tilespmem:s20+$0xFFFFFFB0] =	vst v22;
	v21 =	vmul.f32 v29, v21;
	v22 =	vbroadcast v18, $0x7;
	v28 =	vld [tilespmem:s20+$0x20]  }
0x1a9: {  	[tilespmem:s20+$0xFFFFFFC0] =	vst v23;
	v23 =	vmul.f32 v30, v25;
	v25 =	vld [tilespmem:s20+$0x30]  }
0x1aa: {  	[tilespmem:s20+$0xFFFFFFD0] =	vst v21;
	v21 =	vmul.f32 v27, v22;
	v22 =	vld [tilespmem:s20+$0x40]  }
0x1ab: {  	[tilespmem:s20+$0xFFFFFFE0] =	vst v23;
	v20 =	vmul.f32 v24, v20;
	v23 =	vbroadcast v18, $0xA;
	v24 =	vld [tilespmem:s20+$0x50]  }
0x1ac: {  	[tilespmem:s20+$0xFFFFFFF0] =	vst v21;
	v19 =	vmul.f32 v26, v19;
	v21 =	vbroadcast v18, $0xB;
	v26 =	vld [tilespmem:s20+$0x60]  }
0x1ad: {  	[tilespmem:s20+$0x0] =	vst v20;
	v20 =	vmul.f32 v28, v23;
	v23 =	vbroadcast v18, $0xC;
	v27 =	vld [tilespmem:s20+$0x70]  }
0x1ae: {  	[tilespmem:s20+$0x10] =	vst v19;
	v19 =	vmul.f32 v25, v21;
	v21 =	vbroadcast v18, $0xD  }
0x1af: {  	[tilespmem:s20+$0x20] =	vst v20;
	v20 =	vmul.f32 v22, v23;
	v22 =	vbroadcast v18, $0xE  }
0x1b0: {  	v18 =	vbroadcast v18, $0xF;
	[tilespmem:s20+$0x30] =	vst v19;
	v19 =	vmul.f32 v24, v21  }
0x1b1: {  	[tilespmem:s20+$0x40] =	vst v20;
	v20 =	vmul.f32 v26, v22  }
0x1b2: {  	s19 =	sshra.s32 s19, $0x2;
	[tilespmem:s20+$0x50] =	vst v19;
	v18 =	vmul.f32 v27, v18  }
0x1b3: {  	[tilespmem:s20+$0x60] =	vst v20  }
0x1b4: {  	[tilespmem:s20+$0x70] =	vst v18;
	s20 =	smov.u32 s18  }
0x1b5: {  	v18 =	vld [tilespmem:s19+$0x1AC80]  }
0x1b6: {  	v19 =	vld [tilespmem:s19+$0x1B080];
	_ =	sdelay $0x4  }
0x1b7: {  	v18 =	vadd.f32 v19, v18;
	_ =	sdelay $0x1  }
0x1b8: {  	v19 =	vmul.f32 $2.000000030e-01, v18;
	_ =	sdelay $0x1  }
0x1b9: {  	v18 =	vmax.f32 v18, v19  }
0x1ba: {  	v18 =	vsub.f32 v18, v17;
	_ =	sdelay $0x1  }
0x1bb: {  	v18 =	vmul.f32 $1.442695020e+00, v18;
	_ =	sdelay $0x1  }
0x1bc: {  	(erf) = vpow2.f32 v18;
	_ =	sdelay $0x8  }
0x1bd: {  	v18 =	vpop (erf)  }
.Ltmp8:
0x1be: {  	[tilespmem:s19+$0x1AC80] =	vst v18;
	v21 =	vbroadcast v18, $0x5;
	v19 =	vbroadcast v18, $0x9;
	(pc) =	sbr.rel @p0 .LBB2_19-.Ltmp8, $4  }
0x1bf: {  	v24 =	vbroadcast v18, $0x1;
	v20 =	vbroadcast v18, $0x8;
	v26 =	vld [tilespmem:s18+$0xFFFFFF80]  }
0x1c0: {  	v25 =	vld [tilespmem:s18+$0xFFFFFF90]  }
0x1c1: {  	v23 =	vld [tilespmem:s18+$0xFFFFFFA0]  }
0x1c2: {  	v27 =	vbroadcast v18, $0x0;
	v22 =	vld [tilespmem:s18+$0xFFFFFFB0]  }
0x1c3: {  	v28 =	vld [tilespmem:s20+$0xFFFFFFC0]  }
0x1c4: {  	v39 =	vbroadcast v18, $0x2;
	v29 =	vld [tilespmem:s20+$0xFFFFFFD0];
	v26 =	vmul.f32 v27, v26  }
0x1c5: {  	v40 =	vbroadcast v18, $0x3;
	v30 =	vld [tilespmem:s20+$0xFFFFFFE0];
	v24 =	vmul.f32 v24, v25  }
0x1c6: {  	v41 =	vbroadcast v18, $0x4;
	v42 =	vld [tilespmem:s20+$0xFFFFFFF0];
	[tilespmem:s20+$0xFFFFFF80] =	vst v26;
	v23 =	vmul.f32 v39, v23  }
0x1c7: {  	v43 =	vld [tilespmem:s20+$0x0];
	[tilespmem:s20+$0xFFFFFF90] =	vst v24;
	v22 =	vmul.f32 v22, v40  }
0x1c8: {  	v45 =	vbroadcast v18, $0x6;
	v46 =	vld [tilespmem:s20+$0x10];
	[tilespmem:s20+$0xFFFFFFA0] =	vst v23;
	v44 =	vmul.f32 v28, v41  }
0x1c9: {  	v47 =	vbroadcast v18, $0x7;
	v48 =	vld [tilespmem:s20+$0x20];
	v21 =	vmul.f32 v29, v21;
	[tilespmem:s20+$0xFFFFFFB0] =	vst v22  }
0x1ca: {  	v52 =	vld [tilespmem:s20+$0x40];
	v49 =	vmul.f32 v30, v45;
	[tilespmem:s20+$0xFFFFFFC0] =	vst v44  }
0x1cb: {  	v53 =	vbroadcast v18, $0xA;
	v56 =	vld [tilespmem:s20+$0x60];
	v51 =	vmul.f32 v42, v47;
	[tilespmem:s20+$0xFFFFFFD0] =	vst v21  }
0x1cc: {  	v50 =	vld [tilespmem:s20+$0x30];
	v55 =	vbroadcast v18, $0xB;
	v20 =	vmul.f32 v43, v20;
	[tilespmem:s20+$0xFFFFFFE0] =	vst v49  }
0x1cd: {  	v58 =	vbroadcast v18, $0xC;
	v59 =	vld [tilespmem:s20+$0x70];
	v19 =	vmul.f32 v46, v19;
	[tilespmem:s20+$0xFFFFFFF0] =	vst v51  }
0x1ce: {  	v54 =	vld [tilespmem:s20+$0x50];
	v62 =	vbroadcast v18, $0xE;
	v57 =	vmul.f32 v48, v53;
	[tilespmem:s20+$0x0] =	vst v20  }
0x1cf: {  	v60 =	vbroadcast v18, $0xD;
	v61 =	vmul.f32 v52, v58;
	[tilespmem:s20+$0x10] =	vst v19  }
0x1d0: {  	v18 =	vbroadcast v18, $0xF;
	v63 =	vmul.f32 v56, v62;
	[tilespmem:s20+$0x20] =	vst v57  }
0x1d1: {  	v19 =	vmul.f32 v50, v55;
	[tilespmem:s20+$0x40] =	vst v61  }
0x1d2: {  	s4 =	sadd.s32 $0x1, s4;
	v18 =	vmul.f32 v59, v18;
	[tilespmem:s20+$0x60] =	vst v63  }
0x1d3: {  	p0 =	sne.s32 s4, $0x61;
	[tilespmem:s20+$0x30] =	vst v19;
	v19 =	vmul.f32 v54, v60  }
.Ltmp9:
0x1d4: {  	[tilespmem:s20+$0x70] =	vst v18;
	(pc) =	sbr.rel @p0 .LBB2_12-.Ltmp9, $4  }
0x1d5: {  	[tilespmem:s20+$0x50] =	vst v19  }
0x1d6: {  	[spmem:s5] =	stream.indirect.scatter.add.f32 [tilespmem:s1], [sflag:$0x3], $0x1, s30, s31, $0xb8;
	[tilespmem:$0x1FE10] =	vst v63  }
0x1d7: {  	_ = 	snop  }
0x1d8: {  	[spmem:s6] =	stream.indirect.scatter.add.f32 [tilespmem:s21], [sflag:$0x3], $0x10, s30, s31, $0xb8;
	[tilespmem:$0x1FE10] =	vst v63  }
0x1d9: {  	_ =	swait.ge [sflag:s14], $0x200  }
0x1da: {  	[sflag:s14] =	ssyncset.done $0x0  }
0x1db: {  	[sflag:s14] =	ssyncadd.s32 $0xFFFFFE00  }
0x1dc: {  	_ =	swait.ge [sflag:s14], $0x200  }
0x1dd: {  	[sflag:s14] =	ssyncset.done $0x0  }
0x1de: {  	[sflag:s14] =	ssyncadd.s32 $0xFFFFFE00  }
0x1df: {  	_ =	swait.ge [sflag:s14], $0x2000  }
0x1e0: {  	[sflag:s14] =	ssyncset.done $0x0  }
0x1e1: {  	s8 =	simm.s32 $0x0;
	[sflag:s14] =	ssyncadd.s32 $0xFFFFE000  }
0x1e2: {  	v18 =	vld [tilespmem:s8+$0x1AE80]  }
0x1e3: {  	v19 =	vld [tilespmem:s8+$0x1B280];
	_ =	sdelay $0x4  }
0x1e4: {  	v18 =	vadd.f32 v19, v18;
	_ =	sdelay $0x1  }
0x1e5: {  	v19 =	vmul.f32 $2.000000030e-01, v18;
	_ =	sdelay $0x1  }
0x1e6: {  	v18 =	vmax.f32 v18, v19  }
0x1e7: {  	v18 =	vsub.f32 v18, v17;
	_ =	sdelay $0x1  }
0x1e8: {  	v18 =	vmul.f32 $1.442695020e+00, v18;
	_ =	sdelay $0x1  }
0x1e9: {  	(erf) = vpow2.f32 v18;
	_ =	sdelay $0x8  }
0x1ea: {  	v18 =	vpop (erf)  }
0x1eb: {  	s4 =	simm.s32 $0x1D570;
	[tilespmem:s8+$0x1AE80] =	vst v18  }
0x1ec: {  	v26 =	vld [tilespmem:s4+$0xFFFFFF10]  }
0x1ed: {  	v21 =	vbroadcast v18, $0x5;
	v25 =	vld [tilespmem:s4+$0xFFFFFF20]  }
0x1ee: {  	v19 =	vbroadcast v18, $0x9;
	v24 =	vbroadcast v18, $0x1;
	v23 =	vld [tilespmem:s4+$0xFFFFFF30]  }
0x1ef: {  	s12 =	simm.s32 $0x1D570;
	s8 =	simm.s32 $0x40;
	v20 =	vbroadcast v18, $0x8;
	v27 =	vbroadcast v18, $0x0;
	v22 =	vld [tilespmem:s4+$0xFFFFFF40]  }
.LBB2_22:
0x1f0: {  	p0 =	sne.s32 s8, $0x7C0  }
0x1f1: {  	v28 =	vld [tilespmem:s4+$0xFFFFFF50];
	s12 =	sadd.s32 $0x100, s12;
	s18 =	smov.u32 s8;
	s8 =	sadd.s32 $0x40, s8  }
0x1f2: {  	v26 =	vmul.f32 v27, v26;
	v27 =	vbroadcast v18, $0x2;
	v29 =	vld [tilespmem:s4+$0xFFFFFF60]  }
0x1f3: {  	v24 =	vmul.f32 v24, v25;
	v25 =	vbroadcast v18, $0x3;
	v30 =	vld [tilespmem:s4+$0xFFFFFF70]  }
0x1f4: {  	[tilespmem:s4+$0xFFFFFF10] =	vst v26;
	v23 =	vmul.f32 v27, v23;
	v26 =	vbroadcast v18, $0x4;
	v27 =	vld [tilespmem:s4+$0xFFFFFF80]  }
0x1f5: {  	[tilespmem:s4+$0xFFFFFF20] =	vst v24;
	v22 =	vmul.f32 v22, v25;
	v24 =	vld [tilespmem:s4+$0xFFFFFF90]  }
0x1f6: {  	v25 =	vbroadcast v18, $0x6;
	[tilespmem:s4+$0xFFFFFF30] =	vst v23;
	v23 =	vmul.f32 v28, v26;
	v26 =	vld [tilespmem:s4+$0xFFFFFFA0]  }
0x1f7: {  	[tilespmem:s4+$0xFFFFFF40] =	vst v22;
	v21 =	vmul.f32 v29, v21;
	v22 =	vbroadcast v18, $0x7;
	v28 =	vld [tilespmem:s4+$0xFFFFFFB0]  }
0x1f8: {  	[tilespmem:s4+$0xFFFFFF50] =	vst v23;
	v23 =	vmul.f32 v30, v25;
	v25 =	vld [tilespmem:s4+$0xFFFFFFC0]  }
0x1f9: {  	[tilespmem:s4+$0xFFFFFF60] =	vst v21;
	v21 =	vmul.f32 v27, v22;
	v22 =	vld [tilespmem:s4+$0xFFFFFFD0]  }
0x1fa: {  	[tilespmem:s4+$0xFFFFFF70] =	vst v23;
	v20 =	vmul.f32 v24, v20;
	v23 =	vbroadcast v18, $0xA;
	v24 =	vld [tilespmem:s4+$0xFFFFFFE0]  }
0x1fb: {  	[tilespmem:s4+$0xFFFFFF80] =	vst v21;
	v19 =	vmul.f32 v26, v19;
	v21 =	vbroadcast v18, $0xB;
	v26 =	vld [tilespmem:s4+$0xFFFFFFF0]  }
0x1fc: {  	[tilespmem:s4+$0xFFFFFF90] =	vst v20;
	v20 =	vmul.f32 v28, v23;
	v23 =	vbroadcast v18, $0xC;
	v27 =	vld [tilespmem:s4+$0x0]  }
0x1fd: {  	[tilespmem:s4+$0xFFFFFFA0] =	vst v19;
	v19 =	vmul.f32 v25, v21;
	v21 =	vbroadcast v18, $0xD  }
0x1fe: {  	[tilespmem:s4+$0xFFFFFFB0] =	vst v20;
	v20 =	vmul.f32 v22, v23;
	v22 =	vbroadcast v18, $0xE  }
0x1ff: {  	v18 =	vbroadcast v18, $0xF;
	[tilespmem:s4+$0xFFFFFFC0] =	vst v19;
	v19 =	vmul.f32 v24, v21  }
0x200: {  	[tilespmem:s4+$0xFFFFFFD0] =	vst v20;
	v20 =	vmul.f32 v26, v22  }
0x201: {  	s18 =	sshra.s32 s18, $0x2;
	[tilespmem:s4+$0xFFFFFFE0] =	vst v19;
	v18 =	vmul.f32 v27, v18  }
0x202: {  	[tilespmem:s4+$0xFFFFFFF0] =	vst v20  }
0x203: {  	[tilespmem:s4+$0x0] =	vst v18;
	s4 =	smov.u32 s12  }
0x204: {  	v18 =	vld [tilespmem:s18+$0x1AE80]  }
0x205: {  	v19 =	vld [tilespmem:s18+$0x1B280];
	_ =	sdelay $0x4  }
0x206: {  	v18 =	vadd.f32 v19, v18;
	_ =	sdelay $0x1  }
0x207: {  	v19 =	vmul.f32 $2.000000030e-01, v18;
	_ =	sdelay $0x1  }
0x208: {  	v18 =	vmax.f32 v18, v19  }
0x209: {  	v18 =	vsub.f32 v18, v17;
	_ =	sdelay $0x1  }
0x20a: {  	v18 =	vmul.f32 $1.442695020e+00, v18;
	_ =	sdelay $0x1  }
0x20b: {  	(erf) = vpow2.f32 v18;
	_ =	sdelay $0x8  }
0x20c: {  	v18 =	vpop (erf)  }
.Ltmp10:
0x20d: {  	[tilespmem:s18+$0x1AE80] =	vst v18;
	v21 =	vbroadcast v18, $0x5;
	v19 =	vbroadcast v18, $0x9;
	(pc) =	sbr.rel @p0 .LBB2_22-.Ltmp10, $4  }
0x20e: {  	v24 =	vbroadcast v18, $0x1;
	v20 =	vbroadcast v18, $0x8;
	v26 =	vld [tilespmem:s12+$0xFFFFFF10]  }
0x20f: {  	v25 =	vld [tilespmem:s12+$0xFFFFFF20]  }
0x210: {  	v23 =	vld [tilespmem:s12+$0xFFFFFF30]  }
0x211: {  	v27 =	vbroadcast v18, $0x0;
	v22 =	vld [tilespmem:s12+$0xFFFFFF40]  }
0x212: {  	v17 =	vld [tilespmem:s4+$0xFFFFFF50];
	v44 =	vbroadcast v18, $0x2;
	v45 =	vbroadcast v18, $0x3  }
0x213: {  	v28 =	vld [tilespmem:s4+$0xFFFFFF60];
	v46 =	vbroadcast v18, $0x4;
	v26 =	vmul.f32 v27, v26  }
0x214: {  	v47 =	vld [tilespmem:s4+$0xFFFFFF80];
	v49 =	vbroadcast v18, $0x6;
	v24 =	vmul.f32 v24, v25  }
0x215: {  	v29 =	vld [tilespmem:s4+$0xFFFFFF70];
	v51 =	vbroadcast v18, $0x7;
	[tilespmem:s4+$0xFFFFFF10] =	vst v26;
	v23 =	vmul.f32 v44, v23  }
0x216: {  	v50 =	vld [tilespmem:s4+$0xFFFFFFA0];
	v56 =	vbroadcast v18, $0xA;
	[tilespmem:s4+$0xFFFFFF20] =	vst v24;
	v22 =	vmul.f32 v22, v45  }
0x217: {  	v48 =	vld [tilespmem:s4+$0xFFFFFF90];
	v58 =	vbroadcast v18, $0xB;
	[tilespmem:s4+$0xFFFFFF30] =	vst v23;
	v17 =	vmul.f32 v17, v46  }
0x218: {  	v60 =	vbroadcast v18, $0xC;
	v61 =	vld [tilespmem:s4+$0x0];
	v21 =	vmul.f32 v28, v21;
	[tilespmem:s4+$0xFFFFFF40] =	vst v22  }
0x219: {  	v52 =	vld [tilespmem:s4+$0xFFFFFFB0];
	v62 =	vbroadcast v18, $0xD;
	v54 =	vmul.f32 v47, v51;
	[tilespmem:s4+$0xFFFFFF50] =	vst v17  }
0x21a: {  	v53 =	vld [tilespmem:s4+$0xFFFFFFC0];
	v63 =	vbroadcast v18, $0xE;
	v17 =	vmul.f32 v29, v49;
	[tilespmem:s4+$0xFFFFFF60] =	vst v21  }
0x21b: {  	v55 =	vld [tilespmem:s4+$0xFFFFFFD0];
	v18 =	vbroadcast v18, $0xF;
	v19 =	vmul.f32 v50, v19;
	[tilespmem:s4+$0xFFFFFF80] =	vst v54  }
0x21c: {  	v57 =	vld [tilespmem:s4+$0xFFFFFFE0];
	[tilespmem:s4+$0xFFFFFF70] =	vst v17;
	v17 =	vmul.f32 v48, v20  }
0x21d: {  	v59 =	vld [tilespmem:s4+$0xFFFFFFF0];
	v18 =	vmul.f32 v61, v18;
	[tilespmem:s4+$0xFFFFFFA0] =	vst v19  }
0x21e: {  	[tilespmem:s4+$0xFFFFFF90] =	vst v17;
	v17 =	vmul.f32 v52, v56  }
0x21f: {  	v19 =	vmul.f32 v53, v58;
	[tilespmem:s4+$0x0] =	vst v18  }
0x220: {  	[tilespmem:s4+$0xFFFFFFB0] =	vst v17;
	v17 =	vmul.f32 v55, v60  }
0x221: {  	[tilespmem:s4+$0xFFFFFFC0] =	vst v19;
	v19 =	vmul.f32 v57, v62  }
0x222: {  	[tilespmem:s4+$0xFFFFFFD0] =	vst v17;
	v17 =	vmul.f32 v59, v63  }
0x223: {  	[tilespmem:s4+$0xFFFFFFE0] =	vst v19  }
0x224: {  	[tilespmem:s4+$0xFFFFFFF0] =	vst v17  }
0x225: {  	[spmem:s5] =	stream.indirect.scatter.add.f32 [tilespmem:s17], [sflag:$0x4], $0x1, s16, s31, $0xb8;
	[tilespmem:$0x1FE10] =	vst v63  }
0x226: {  	_ = 	snop  }
0x227: {  	[spmem:s6] =	stream.indirect.scatter.add.f32 [tilespmem:s23], [sflag:$0x4], $0x10, s16, s31, $0xb8;
	[tilespmem:$0x1FE10] =	vst v63  }
0x228: {  	_ =	swait.ge [sflag:s24], $0x200  }
0x229: {  	[sflag:s24] =	ssyncset.done $0x0  }
0x22a: {  	[sflag:s24] =	ssyncadd.s32 $0xFFFFFE00  }
0x22b: {  	_ =	swait.ge [sflag:s24], $0x2000  }
0x22c: {  	[sflag:s24] =	ssyncset.done $0x0  }
0x22d: {  	[sflag:s24] =	ssyncadd.s32 $0xFFFFE000  }
0x22e: {  	_ =	swait.ge [sflag:s7], $0x200  }
0x22f: {  	[sflag:s7] =	ssyncset.done $0x0  }
0x230: {  	[sflag:s7] =	ssyncadd.s32 $0xFFFFFE00  }
0x231: {  	_ =	swait.ge [sflag:s7], $0x2000  }
0x232: {  	[sflag:s7] =	ssyncset.done $0x0  }
0x233: {  	[sflag:s7] =	ssyncadd.s32 $0xFFFFE000  }
0x234: {  	s8 =	smov.u32 s13;
	s4 =	simm.s32 $0x0;
	[bflag:$0x0] =	sbarrier.arrive $0xFFFF  }
.LBB2_24:
0x235: {  	s12 =	sshll.u32 s4, $0x7  }
0x236: {  	s20 =	sadd.s32 s13, s12  }
0x237: {  	s12 =	sadd.s32 s20, s5;
	s19 =	sshll.u32 s20, $0x4  }
0x238: {  	[tilespmem:s28], [sflag:$0x1] =	stream.linear.gather [spmem:s12], $0x80, $0x38;
	[tilespmem:$0x1FE10] =	vst v63  }
0x239: {  	s12 =	sand.u32 $0x3FFFFFF0, s19  }
0x23a: {  	s12 =	sadd.s32 s12, s6  }
0x23b: {  	[tilespmem:s25], [sflag:$0x1] =	stream.linear.gather [spmem:s12], $0x800, $0x38;
	[tilespmem:$0x1FE10] =	vst v63  }
0x23c: {  	_ =	swait.ge [sflag:s26], $0x80  }
0x23d: {  	[sflag:s26] =	ssyncset.done $0x0  }
0x23e: {  	[sflag:s26] =	ssyncadd.s32 $0xFFFFFF80  }
0x23f: {  	_ =	swait.ge [sflag:s26], $0x800  }
0x240: {  	[sflag:s26] =	ssyncset.done $0x0  }
0x241: {  	s22 =	simm.s32 $0x0;
	[sflag:s26] =	ssyncadd.s32 $0xFFFFF800  }
0x242: {  	v17 =	vld [tilespmem:s22+$0x1F580];
	_ =	sdelay $0x4  }
0x243: {  	v17 =	vadd.f32 $1.000000020e-16, v17;
	_ =	sdelay $0x1  }
0x244: {  	(erf) = vrcp.f32 v17;
	_ =	sdelay $0x7  }
0x245: {  	p0 =	slt.u32 s8, $0x186A0;
	s12 =	simm.f32 $1.000000000e+00;
	s22 =	simm.s32 $0x1F680  }
0x246: {  	s12 =	simm.s32 @!p0 $0x0;
	v17 =	vld [tilespmem:s22+$0xFFFFFF80];
	v18 =	vpop (erf)  }
0x247: {  	v19 =	vld [tilespmem:s22+$0xFFFFFF90];
	v18 =	vmul.f32 s12, v18  }
0x248: {  	v20 =	vld [tilespmem:s22+$0xFFFFFFA0]  }
0x249: {  	v21 =	vld [tilespmem:s22+$0xFFFFFFB0];
	v22 =	vperm.xlane v18, v1  }
0x24a: {  	v25 =	vld [tilespmem:s22+$0xFFFFFFD0];
	v23 =	vperm.xlane v18, v2  }
0x24b: {  	v24 =	vld [tilespmem:s22+$0xFFFFFFC0];
	v26 =	vperm.xlane v18, v3;
	v17 =	vmul.f32 v17, v22  }
0x24c: {  	v49 =	vld [tilespmem:s22+$0xFFFFFFE0];
	v48 =	vperm.xlane v18, v4;
	v19 =	vmul.f32 v19, v23  }
0x24d: {  	v51 =	vld [tilespmem:s22+$0x10];
	v50 =	vperm.xlane v18, v6;
	v20 =	vmul.f32 v20, v26;
	[tilespmem:s22+$0xFFFFFF80] =	vst v17  }
0x24e: {  	v27 =	vld [tilespmem:s22+$0xFFFFFFF0];
	v21 =	vmul.f32 v21, v48;
	v17 =	vperm.xlane v18, v5;
	[tilespmem:s22+$0xFFFFFF90] =	vst v19  }
0x24f: {  	v28 =	vperm.xlane v18, v7;
	v22 =	vmul.f32 v25, v50;
	v19 =	vld [tilespmem:s22+$0x0];
	[tilespmem:s22+$0xFFFFFFA0] =	vst v20  }
0x250: {  	v57 =	vld [tilespmem:s22+$0x50];
	v55 =	vperm.xlane v18, v10;
	[tilespmem:s22+$0xFFFFFFB0] =	vst v21;
	v17 =	vmul.f32 v24, v17  }
0x251: {  	v53 =	vld [tilespmem:s22+$0x20];
	v52 =	vperm.xlane v18, v8;
	v23 =	vmul.f32 v49, v28;
	[tilespmem:s22+$0xFFFFFFD0] =	vst v22  }
0x252: {  	v54 =	vld [tilespmem:s22+$0x30];
	v59 =	vmul.f32 v51, v55;
	[tilespmem:s22+$0xFFFFFFC0] =	vst v17;
	v17 =	vperm.xlane v18, v9  }
0x253: {  	v56 =	vld [tilespmem:s22+$0x40];
	v62 =	vperm.xlane v18, v14;
	v20 =	vmul.f32 v27, v52;
	[tilespmem:s22+$0xFFFFFFE0] =	vst v23  }
0x254: {  	v60 =	vld [tilespmem:s22+$0x60];
	v58 =	vperm.xlane v18, v11;
	[tilespmem:s22+$0x10] =	vst v59;
	v17 =	vmul.f32 v19, v17  }
0x255: {  	v61 =	vld [tilespmem:s22+$0x70];
	v21 =	vmul.f32 v57, v62;
	[tilespmem:s22+$0xFFFFFFF0] =	vst v20;
	v19 =	vperm.xlane v18, v12  }
0x256: {  	v24 =	vmul.f32 v53, v58;
	[tilespmem:s22+$0x0] =	vst v17;
	v17 =	vperm.xlane v18, v13  }
0x257: {  	v63 =	vperm.xlane v18, v15;
	[tilespmem:s22+$0x50] =	vst v21;
	v19 =	vmul.f32 v54, v19  }
0x258: {  	[tilespmem:s22+$0x20] =	vst v24;
	v18 =	vperm.xlane v18, v16;
	v17 =	vmul.f32 v56, v17  }
0x259: {  	[tilespmem:s22+$0x30] =	vst v19;
	v19 =	vmul.f32 v60, v63  }
0x25a: {  	[tilespmem:s22+$0x40] =	vst v17;
	v17 =	vmul.f32 v61, v18  }
0x25b: {  	[tilespmem:s22+$0x60] =	vst v19  }
0x25c: {  	s18 =	simm.s32 $0x80;
	s19 =	simm.s32 $0x10;
	s12 =	smov.u32 s8;
	[tilespmem:s22+$0x70] =	vst v17  }
.LBB2_25:
0x25d: {  	p0 =	sne.s32 s18, $0x1C0;
	v17 =	vld [tilespmem:s19+$0x1F580];
	_ =	sdelay $0x4  }
0x25e: {  	v17 =	vadd.f32 $1.000000020e-16, v17;
	_ =	sdelay $0x1  }
0x25f: {  	(erf) = vrcp.f32 v17;
	_ =	sdelay $0x5  }
0x260: {  	s22 =	sadd.s32 $0x100, s22  }
0x261: {  	s12 =	sadd.s32 $0x10, s12;
	v17 =	vld [tilespmem:s22+$0xFFFFFFB0]  }
0x262: {  	s19 =	simm.f32 $1.000000000e+00;
	p1 =	slt.u32 s12, $0x186A0;
	v18 =	vld [tilespmem:s22+$0xFFFFFF90]  }
0x263: {  	s19 =	simm.s32 @!p1 $0x0;
	v19 =	vld [tilespmem:s22+$0xFFFFFF80];
	v20 =	vpop (erf)  }
0x264: {  	v20 =	vmul.f32 s19, v20;
	v21 =	vld [tilespmem:s22+$0xFFFFFFA0]  }
0x265: {  	v22 =	vld [tilespmem:s22+$0xFFFFFFF0]  }
0x266: {  	v23 =	vperm.xlane v20, v1;
	v24 =	vperm.xlane v20, v2;
	v25 =	vld [tilespmem:s22+$0xFFFFFFD0]  }
0x267: {  	v26 =	vperm.xlane v20, v3;
	v27 =	vperm.xlane v20, v4;
	v28 =	vld [tilespmem:s22+$0xFFFFFFC0]  }
0x268: {  	v19 =	vmul.f32 v19, v23;
	v18 =	vmul.f32 v18, v24;
	v23 =	vld [tilespmem:s22+$0xFFFFFFE0]  }
0x269: {  	v17 =	vmul.f32 v17, v27;
	v21 =	vmul.f32 v21, v26;
	v24 =	vld [tilespmem:s22+$0x30]  }
0x26a: {  	v26 =	vperm.xlane v20, v6;
	[tilespmem:s22+$0xFFFFFF80] =	vst v19;
	v19 =	vperm.xlane v20, v5;
	v27 =	vld [tilespmem:s22+$0x10]  }
0x26b: {  	v29 =	vperm.xlane v20, v8;
	[tilespmem:s22+$0xFFFFFF90] =	vst v18;
	v18 =	vperm.xlane v20, v7;
	v30 =	vld [tilespmem:s22+$0x0]  }
0x26c: {  	[tilespmem:s22+$0xFFFFFFA0] =	vst v21;
	v19 =	vmul.f32 v28, v19;
	v21 =	vmul.f32 v25, v26;
	v25 =	vld [tilespmem:s22+$0x20]  }
0x26d: {  	[tilespmem:s22+$0xFFFFFFB0] =	vst v17;
	v17 =	vmul.f32 v23, v18;
	v18 =	vmul.f32 v22, v29;
	v22 =	vld [tilespmem:s22+$0x70]  }
0x26e: {  	v23 =	vperm.xlane v20, v10;
	[tilespmem:s22+$0xFFFFFFC0] =	vst v19;
	v19 =	vperm.xlane v20, v9;
	v26 =	vld [tilespmem:s22+$0x50]  }
0x26f: {  	v28 =	vperm.xlane v20, v12;
	[tilespmem:s22+$0xFFFFFFD0] =	vst v21;
	v21 =	vperm.xlane v20, v11;
	v29 =	vld [tilespmem:s22+$0x40]  }
0x270: {  	[tilespmem:s22+$0xFFFFFFE0] =	vst v17;
	v17 =	vmul.f32 v30, v19;
	v19 =	vmul.f32 v27, v23;
	v23 =	vld [tilespmem:s22+$0x60]  }
0x271: {  	[tilespmem:s22+$0xFFFFFFF0] =	vst v18;
	v18 =	vmul.f32 v25, v21;
	v21 =	vmul.f32 v24, v28  }
0x272: {  	v24 =	vperm.xlane v20, v14;
	[tilespmem:s22+$0x0] =	vst v17;
	v17 =	vperm.xlane v20, v13  }
0x273: {  	[tilespmem:s22+$0x10] =	vst v19;
	v19 =	vperm.xlane v20, v15;
	v20 =	vperm.xlane v20, v16  }
0x274: {  	[tilespmem:s22+$0x20] =	vst v18;
	v17 =	vmul.f32 v29, v17;
	v18 =	vmul.f32 v26, v24  }
.Ltmp11:
0x275: {  	[tilespmem:s22+$0x30] =	vst v21;
	v19 =	vmul.f32 v23, v19;
	v20 =	vmul.f32 v22, v20;
	(pc) =	sbr.rel @p0 .LBB2_25-.Ltmp11, $4  }
0x276: {  	[tilespmem:s22+$0x40] =	vst v17  }
0x277: {  	[tilespmem:s22+$0x50] =	vst v18  }
0x278: {  	[tilespmem:s22+$0x60] =	vst v19  }
0x279: {  	s19 =	sshra.s32 s18, $0x2;
	s18 =	sadd.s32 $0x40, s18;
	[tilespmem:s22+$0x70] =	vst v20  }
0x27a: {  	v17 =	vld [tilespmem:s19+$0x1F580];
	_ =	sdelay $0x4  }
0x27b: {  	v17 =	vadd.f32 $1.000000020e-16, v17;
	_ =	sdelay $0x1  }
0x27c: {  	(erf) = vrcp.f32 v17;
	_ =	sdelay $0x6  }
0x27d: {  	s18 =	sadd.s32 $0x10, s12  }
0x27e: {  	s22 =	sadd.s32 $0x100, s22;
	p0 =	slt.u32 s18, $0x186A0;
	s18 =	simm.f32 $1.000000000e+00  }
0x27f: {  	s18 =	simm.s32 @!p0 $0x0;
	v17 =	vld [tilespmem:s22+$0xFFFFFF80];
	v18 =	vpop (erf)  }
0x280: {  	v19 =	vld [tilespmem:s22+$0xFFFFFF90];
	v18 =	vmul.f32 s18, v18  }
0x281: {  	v20 =	vld [tilespmem:s22+$0xFFFFFFA0]  }
0x282: {  	v21 =	vld [tilespmem:s22+$0xFFFFFFB0];
	v22 =	vperm.xlane v18, v1  }
0x283: {  	v25 =	vld [tilespmem:s22+$0xFFFFFFD0];
	v23 =	vperm.xlane v18, v2  }
0x284: {  	v24 =	vld [tilespmem:s22+$0xFFFFFFC0];
	v26 =	vperm.xlane v18, v3;
	v17 =	vmul.f32 v17, v22  }
0x285: {  	v49 =	vld [tilespmem:s22+$0xFFFFFFE0];
	v48 =	vperm.xlane v18, v4;
	v19 =	vmul.f32 v19, v23  }
0x286: {  	v51 =	vld [tilespmem:s22+$0x10];
	v50 =	vperm.xlane v18, v6;
	v20 =	vmul.f32 v20, v26;
	[tilespmem:s22+$0xFFFFFF80] =	vst v17  }
0x287: {  	v27 =	vld [tilespmem:s22+$0xFFFFFFF0];
	v21 =	vmul.f32 v21, v48;
	v17 =	vperm.xlane v18, v5;
	[tilespmem:s22+$0xFFFFFF90] =	vst v19  }
0x288: {  	v28 =	vperm.xlane v18, v7;
	v22 =	vmul.f32 v25, v50;
	v19 =	vld [tilespmem:s22+$0x0];
	[tilespmem:s22+$0xFFFFFFA0] =	vst v20  }
0x289: {  	v57 =	vld [tilespmem:s22+$0x50];
	v55 =	vperm.xlane v18, v10;
	[tilespmem:s22+$0xFFFFFFB0] =	vst v21;
	v17 =	vmul.f32 v24, v17  }
0x28a: {  	v53 =	vld [tilespmem:s22+$0x20];
	v52 =	vperm.xlane v18, v8;
	v23 =	vmul.f32 v49, v28;
	[tilespmem:s22+$0xFFFFFFD0] =	vst v22  }
0x28b: {  	v54 =	vld [tilespmem:s22+$0x30];
	v59 =	vmul.f32 v51, v55;
	[tilespmem:s22+$0xFFFFFFC0] =	vst v17;
	v17 =	vperm.xlane v18, v9  }
0x28c: {  	v56 =	vld [tilespmem:s22+$0x40];
	v62 =	vperm.xlane v18, v14;
	v20 =	vmul.f32 v27, v52;
	[tilespmem:s22+$0xFFFFFFE0] =	vst v23  }
0x28d: {  	v60 =	vld [tilespmem:s22+$0x60];
	v58 =	vperm.xlane v18, v11;
	[tilespmem:s22+$0x10] =	vst v59;
	v17 =	vmul.f32 v19, v17  }
0x28e: {  	v61 =	vld [tilespmem:s22+$0x70];
	v21 =	vmul.f32 v57, v62;
	[tilespmem:s22+$0xFFFFFFF0] =	vst v20;
	v19 =	vperm.xlane v18, v12  }
0x28f: {  	v24 =	vmul.f32 v53, v58;
	[tilespmem:s22+$0x0] =	vst v17;
	v17 =	vperm.xlane v18, v13  }
0x290: {  	v63 =	vperm.xlane v18, v15;
	[tilespmem:s22+$0x50] =	vst v21;
	v19 =	vmul.f32 v54, v19  }
0x291: {  	[tilespmem:s22+$0x20] =	vst v24;
	v18 =	vperm.xlane v18, v16;
	v17 =	vmul.f32 v56, v17  }
0x292: {  	[tilespmem:s22+$0x30] =	vst v19;
	v19 =	vmul.f32 v60, v63  }
0x293: {  	s19 =	sadd.s32 s10, s20;
	s4 =	sadd.s32 $0x1, s4;
	[tilespmem:s22+$0x40] =	vst v17;
	v17 =	vmul.f32 v61, v18  }
0x294: {  	s20 =	rddreg [dreg:$0x8];
	p0 =	sne.s32 s4, $0x31;
	s18 =	sshll.u32 s19, $0x1;
	[tilespmem:s22+$0x60] =	vst v19  }
.Ltmp12:
0x295: {  	s12 =	sadd.s32 s20, s18;
	[tilespmem:s22+$0x70] =	vst v17;
	s22 =	simm.s32 $0x0;
	(pc) =	sbr.rel @p0 .LBB2_24-.Ltmp12, $4  }
0x296: {  	[hbm4b:s12+s22] =	stream.linear.scatter [tilespmem:s25], [sflag:$0x1], $0x800, $0x38;
	[tilespmem:$0x1FE10] =	vst v63  }
0x297: {  	_ =	swait.ge [sflag:s26], $0x800  }
0x298: {  	[sflag:s26] =	ssyncset.done $0x0  }
0x299: {  	s8 =	sadd.s32 $0x80, s8;
	[sflag:s26] =	ssyncadd.s32 $0xFFFFF800  }
0x29a: {  	s8 =	rddreg [dreg:$0x10]  }
0x29b: {  	s4 =	rddreg [dreg:$0xf];
	s8 =	sadd.s32 $0x1, s8  }
0x29c: {  	p0 =	sne.s32 s8, s4  }
.Ltmp13:
0x29d: {  	_ = 	snop;
	(pc) =	sbr.rel @p0 .LBB2_1-.Ltmp13, $1  }
0x29e: {  	_ =	sdelay $0x3  }
0x29f: {  	_ =	sfence.sel $0x180000  }
0x2a0: {  	[bflag:$0x0] =	sbarrier.arrive $0xFFFF  }
0x2a1: {  	_ =	strace $0x90000047  }
0x2a2: {  	s0 =	stileid.u32;
	[bflag:$0x2] =	sbarrier.arrive $0xFFFF  }
0x2a3: {  	p0 =	sne.s32 s0, $0x0;
	s0 =	rddreg [dreg:$0x7]  }
0x2a4: {  	s0 =	sadd.s32 @!p0 $0x100000, s0  }
0x2a5: {  	[sflag:s0] =	ssyncadd.tile.s32 @!p0 $0x1;
	_ =	shalt  }
.Lfunc_end2:
_tile_overlayer_lowered:
.L_overlay_start_2:
0x2a6: {  	(tag) =	ssettag $0x2  }
0x2a7: {  	s0 =	rddreg [dreg:$0x0];
	s2 =	stileid.u32  }
0x2a8: {  	s1 =	rddreg [dreg:$0x1];
	p0 =	sne.s32 s2, $0x0  }
0x2a9: {  	s3 =	rddreg [dreg:$0x2];
	[bflag:$0x3] =	sbarrier.arrive $0xFFFF;
	s2 =	simm.s32 @!p0 $0x1C05  }
0x2aa: {  	[timem:s3], [sflag:s2] =	dma.local @!p0 [hbm:s0], s1  }
0x2ab: {  	s0 =	simm.s32 @!p0 $0x5  }
0x2ac: {  	_ =	swait.ge @!p0 [sflag:s0], s1  }
0x2ad: {  	s1 =	ssub.s32 @!p0 $0x0, s1;
	[sflag:s0] =	ssyncset.done @!p0 $0x0  }
0x2ae: {  	[sflag:s0] =	ssyncadd.s32 @!p0 s1  }
0x2af: {  	[bflag:$0x3] =	sbarrier.arrive $0xFFFF  }
0x2b0: {  	_ =	shalt  }

</sc_bundles>
